<compile_context>
chip_gen: v7x
topology: tpu7x:2x2x1
jax: 0.10.2.dev20260603
libtpu: 0.0.44.dev20260713+nightly
codegen_flags: <defaults>
</compile_context>

<pallas_src>
import functools

import jax
import jax.numpy as jnp
from jax import lax
from jax.experimental import pallas as pl
from jax.experimental.pallas import tpu as pltpu
from jax.experimental.pallas import tpu_sc as plsc

_NC = 2
_NS = 16
_NW = _NC * _NS


def _sc_mesh():
    return plsc.VectorSubcoreMesh(
        core_axis_name="c", subcore_axis_name="s", num_cores=_NC,
        num_subcores=_NS)


def _worker_id():
    return lax.axis_index("s") * _NC + lax.axis_index("c")


def _sc_gather(weight, set_indices):
    B = set_indices.shape[0]
    D = weight.shape[1]
    CH = 512
    K = 16
    NCH = pl.cdiv(B, CH)
    SLOTS = pl.cdiv(NCH, _NW)

    @functools.partial(
        pl.kernel,
        out_type=jax.ShapeDtypeStruct((B, D), jnp.float32),
        mesh=_sc_mesh(),
        compiler_params=pltpu.CompilerParams(use_tc_tiling_on_sc=True),
        scratch_types=[
            pltpu.VMEM((CH,), jnp.int32),
            pltpu.VMEM((CH, D), jnp.float32),
            pltpu.SemaphoreType.DMA,
        ],
    )
    def gather_k(w_hbm, idx_hbm, out_hbm, idx_v, rows_v, gsem):
        wid = _worker_id()
        for slot in range(SLOTS):
            c = wid + slot * _NW

            @pl.when(c < NCH)
            def _():
                start = jnp.minimum(c * CH, B - CH)
                start = pl.multiple_of(start, 8)
                pltpu.sync_copy(idx_hbm.at[pl.ds(start, CH)], idx_v)

                def drain_one():
                    pltpu.make_async_copy(
                        w_hbm.at[pl.ds(0, K)], rows_v.at[pl.ds(0, K)],
                        gsem).wait()

                def burst(i, _):
                    vec = idx_v[pl.ds(i * K, K)]
                    for j in range(K):
                        row = vec[j]
                        pltpu.async_copy(
                            w_hbm.at[pl.ds(row, 1)],
                            rows_v.at[pl.ds(i * K + j, 1)],
                            gsem)

                    @pl.when(i > 3)
                    def _():
                        drain_one()

                    return _

                lax.fori_loop(0, CH // K, burst, None)
                for _ in range(4):
                    drain_one()
                pltpu.sync_copy(rows_v, out_hbm.at[pl.ds(start, CH)])

    return gather_k(weight, set_indices)


def _tc_argmax(queries, keys, BK):
    NQ, D = queries.shape
    B = keys.shape[0]
    G = pl.cdiv(B, BK)

    def body(q_ref, k_ref, o_ref, bval, bidx):
        i = pl.program_id(0)
        q = q_ref[...]
        k = k_ref[...]
        qn = q / jnp.maximum(
            jnp.sqrt(jnp.sum(q * q, axis=1, keepdims=True)), 1e-12)
        kt = k.T
        kn = kt / jnp.maximum(
            jnp.sqrt(jnp.sum(kt * kt, axis=0, keepdims=True)), 1e-12)
        dn = (((1,), (0,)), ((), ()))
        s = lax.dot_general(qn.astype(jnp.bfloat16), kn.astype(jnp.bfloat16),
                            dn, preferred_element_type=jnp.float32)
        gid = i * BK + lax.broadcasted_iota(jnp.int32, (NQ, BK), 1)
        s = jnp.where(gid < B, s, -jnp.inf)
        m = jnp.max(s, axis=1, keepdims=True)
        cidx = jnp.min(jnp.where(s == m, gid, jnp.int32(B)), axis=1,
                       keepdims=True)

        @pl.when(i == 0)
        def _():
            bval[...] = jnp.full((NQ, 1), -jnp.inf, jnp.float32)
            bidx[...] = jnp.zeros((NQ, 1), jnp.int32)

        upd = m > bval[...]
        bval[...] = jnp.where(upd, m, bval[...])
        bidx[...] = jnp.where(upd, cidx, bidx[...])

        @pl.when(i == G - 1)
        def _():
            o_ref[...] = bidx[...]

    return pl.pallas_call(
        body,
        grid=(G,),
        in_specs=[
            pl.BlockSpec((NQ, D), lambda i: (0, 0)),
            pl.BlockSpec((BK, D), lambda i: (i, 0)),
        ],
        out_specs=pl.BlockSpec((NQ, 1), lambda i: (0, 0)),
        out_shape=jax.ShapeDtypeStruct((NQ, 1), jnp.int32),
        scratch_shapes=[pltpu.VMEM((NQ, 1), jnp.float32),
                        pltpu.VMEM((NQ, 1), jnp.int32)],
    )(queries, keys)


def kernel(embedded_inputs, embedding_weight, set_indices, topk):
    bsz, seq_len, emb_dim = embedded_inputs.shape
    queries = embedded_inputs.reshape(-1, emb_dim)
    keys = _sc_gather(embedding_weight, set_indices)
    argidx = _tc_argmax(queries, keys, 8192).reshape(-1)
    full = jnp.take(set_indices, argidx)
    emb = jnp.take(embedding_weight, full, axis=0)
    return emb.reshape(bsz, seq_len, emb_dim), full.reshape(bsz, seq_len)

# --- scband reference (transcript-rebuilt; emitter-appended) ---
"""Pipeline reference for scband-simple-zalgo-constraint-50259707298124 (READ-ONLY COPY).

The authoritative reference and input builder live on the scoring server;
editing this copy changes nothing except your own understanding.
"""

import jax, jax.numpy as jnp
import numpy as np


def _normalize(x):
    n = jnp.linalg.norm(x, axis=1, keepdims=True)
    return x / jnp.maximum(n, 1e-12)


def setup_inputs(seed: int = 0) -> dict:
    key = jax.random.key(seed)
    k1, k2, k3 = jax.random.split(key, 3)
    embedded_inputs = jax.random.normal(k1, (4, 8, 64), dtype=jnp.float32)
    embedding_weight = jax.random.normal(k2, (1000000, 64), dtype=jnp.float32)
    set_indices = jax.random.randint(k3, (100000,), 0, 1000000, dtype=jnp.int32)
    return {
        "embedded_inputs": embedded_inputs,
        "embedding_weight": embedding_weight,
        "set_indices": set_indices,
        "topk": 1,
    }


def reference(embedded_inputs, embedding_weight, set_indices, topk=1):
    # _GenericConstraint.normalized_project (topk == 1 path):
    # keys = normalize(embedding.weight[self.set]).T; queries = normalize(flattened inputs);
    # indices = argmax(queries @ keys); map back through self.set; gather output embeddings.
    keys = jnp.take(embedding_weight, set_indices, axis=0)
    transposed_normalized_keys = _normalize(keys).T
    bsz, seq_len, emb_dim = embedded_inputs.shape
    normalized_queries = _normalize(embedded_inputs.reshape(-1, emb_dim))
    scores = jnp.matmul(normalized_queries, transposed_normalized_keys)
    indices = jnp.argmax(scores, axis=-1)
    full_indices = jnp.take(set_indices, indices.reshape(bsz, seq_len), axis=0)
    out_embeddings = jnp.take(embedding_weight, full_indices, axis=0)
    return (out_embeddings, full_indices)

if __name__ == "__main__":
    import jax
    _d = setup_inputs()
    print(jax.jit(kernel)(*tuple(_d.values())))

</pallas_src>

<mosaic_0001>
#map = affine_map<(d0, d1) -> (0, 0)>
#map1 = affine_map<(d0, d1) -> (0)>
module attributes {stable_mosaic.version = 14 : i64} {
  func.func @gather_k(%arg0: i32, %arg1: i32, %arg2: memref<1000000x64xf32, #tpu.memory_space<hbm>>, %arg3: memref<100000xi32, #tpu.memory_space<hbm>>, %arg4: memref<100000x64xf32, #tpu.memory_space<hbm>>, %arg5: memref<512xi32, #tpu.memory_space<vmem>>, %arg6: memref<512x64xf32, #tpu.memory_space<vmem>>, %arg7: memref<!tpu.dma_semaphore, #tpu.memory_space<semaphore_mem>>) attributes {dimension_semantics = [#tpu.dimension_semantics<core_parallel>, #tpu.dimension_semantics<subcore_parallel>], iteration_bounds = array<i64: 2, 16>, scalar_prefetch = 0 : i64, scratch_operands = 3 : i64, tpu.core_type = #tpu.core_type<sc_vector_subcore>, window_params = [{transform_indices = #map}, {transform_indices = #map1}, {transform_indices = #map}]} {
    %mul3A = arith.constant 2 : i32
    %mul3A_0 = arith.muli %arg1, %mul3A : i32
    %add3A = arith.addi %mul3A_0, %arg0 : i32
    %add3A_1 = arith.constant 0 : i32
    %add3A_2 = arith.addi %add3A, %add3A_1 : i32
    %lt3A = arith.constant 196 : i32
    %lt3A_3 = arith.cmpi slt, %add3A_2, %lt3A : i32
    %convert_element_type3A = arith.extui %lt3A_3 : i1 to i32
    %cond3A = arith.constant 0 : i32
    %cond3A_4 = arith.cmpi ne, %convert_element_type3A, %cond3A : i32
    scf.if %cond3A_4 {
      %mul3A_47 = arith.constant 512 : i32
      %mul3A_48 = arith.muli %add3A_2, %mul3A_47 : i32
      %min3A = arith.constant 99488 : i32
      %min3A_49 = arith.minsi %mul3A_48, %min3A : i32
      %multiple_of3A = tpu.assume_multiple %min3A_49, 8 : i32
      "tpu.region"() ({
        %run_scoped3A = tpu.sem_alloc : memref<!tpu.dma_semaphore, #tpu.memory_space<semaphore_mem>>
        %dma_start3A = tpu.memref_slice %arg3[%multiple_of3A] : memref<100000xi32, #tpu.memory_space<hbm>> -> memref<512xi32, #tpu.memory_space<hbm>>
        %dma_start3A_101 = tpu.memref_slice %arg3[%multiple_of3A] : memref<100000xi32, #tpu.memory_space<hbm>> -> memref<512xi32, #tpu.memory_space<hbm>>
        tpu.enqueue_dma source(%dma_start3A_101 : memref<512xi32, #tpu.memory_space<hbm>>) target(%arg5 : memref<512xi32, #tpu.memory_space<vmem>>) target_semaphore(%run_scoped3A : memref<!tpu.dma_semaphore, #tpu.memory_space<semaphore_mem>>)
        %dma_wait3A_102 = tpu.memref_slice %arg3[%multiple_of3A] : memref<100000xi32, #tpu.memory_space<hbm>> -> memref<512xi32, #tpu.memory_space<hbm>>
        %dma_wait3A_103 = tpu.memref_slice %arg3[%multiple_of3A] : memref<100000xi32, #tpu.memory_space<hbm>> -> memref<512xi32, #tpu.memory_space<hbm>>
        tpu.wait_dma2 semaphore(%run_scoped3A : memref<!tpu.dma_semaphore, #tpu.memory_space<semaphore_mem>>) src(%dma_wait3A_103 : memref<512xi32, #tpu.memory_space<hbm>>) dst(%arg5 : memref<512xi32, #tpu.memory_space<vmem>>)
        tpu.yield
      }) : () -> ()
      %scan3A = arith.constant 0 : i32
      %scan3A_50 = arith.constant 32 : i32
      %scan3A_51 = arith.addi %scan3A, %scan3A_50 : i32
      %scan3A_52 = arith.constant 1 : i32
      scf.for %scan3A_101 = %scan3A to %scan3A_51 step %scan3A_52  : i32 {
        %mul3A_102 = arith.constant 16 : i32
        %mul3A_103 = arith.muli %scan3A_101, %mul3A_102 : i32
        %get3A = arith.index_cast %mul3A_103 : i32 to index
        %get3A_104 = tpu.vector_load %arg5[%get3A] {strides = array<i32>} : memref<512xi32, #tpu.memory_space<vmem>>, vector<16xi32>,
        %get3A_105 = vector.shape_cast %get3A_104 : vector<16xi32> to vector<16xi32>
        %slice3A = vector.extract_strided_slice %get3A_105 {offsets = [0], sizes = [1], strides = [1]} : vector<16xi32> to vector<1xi32>
        %squeeze3A = vector.extract %slice3A[0] : i32 from vector<1xi32>
        %mul3A_106 = arith.constant 16 : i32
        %mul3A_107 = arith.muli %scan3A_101, %mul3A_106 : i32
        %add3A_108 = arith.constant 0 : i32
        %add3A_109 = arith.addi %mul3A_107, %add3A_108 : i32
        %dma_start3A = arith.constant 0 : i32
        %dma_start3A_110 = tpu.memref_slice %arg6[%add3A_109, %dma_start3A] : memref<512x64xf32, #tpu.memory_space<vmem>> -> memref<1x64xf32, #tpu.memory_space<vmem>>
        %dma_start3A_111 = arith.constant 0 : i32
        %dma_start3A_112 = tpu.memref_slice %arg2[%squeeze3A, %dma_start3A_111] : memref<1000000x64xf32, #tpu.memory_space<hbm>> -> memref<1x64xf32, #tpu.memory_space<hbm>>
        %dma_start3A_113 = arith.constant 0 : i32
        %dma_start3A_114 = tpu.memref_slice %arg6[%add3A_109, %dma_start3A_113] : memref<512x64xf32, #tpu.memory_space<vmem>> -> memref<1x64xf32, #tpu.memory_space<vmem>>
        %dma_start3A_115 = arith.constant 0 : i32
        %dma_start3A_116 = tpu.memref_slice %arg2[%squeeze3A, %dma_start3A_115] : memref<1000000x64xf32, #tpu.memory_space<hbm>> -> memref<1x64xf32, #tpu.memory_space<hbm>>
        tpu.enqueue_dma source(%dma_start3A_116 : memref<1x64xf32, #tpu.memory_space<hbm>>) target(%dma_start3A_114 : memref<1x64xf32, #tpu.memory_space<vmem>>) target_semaphore(%arg7 : memref<!tpu.dma_semaphore, #tpu.memory_space<semaphore_mem>>)
        %slice3A_117 = vector.extract_strided_slice %get3A_105 {offsets = [1], sizes = [1], strides = [1]} : vector<16xi32> to vector<1xi32>
        %squeeze3A_118 = vector.extract %slice3A_117[0] : i32 from vector<1xi32>
        %mul3A_119 = arith.constant 16 : i32
        %mul3A_120 = arith.muli %scan3A_101, %mul3A_119 : i32
        %add3A_121 = arith.constant 1 : i32
        %add3A_122 = arith.addi %mul3A_120, %add3A_121 : i32
        %dma_start3A_123 = arith.constant 0 : i32
        %dma_start3A_124 = tpu.memref_slice %arg6[%add3A_122, %dma_start3A_123] : memref<512x64xf32, #tpu.memory_space<vmem>> -> memref<1x64xf32, #tpu.memory_space<vmem>>
        %dma_start3A_125 = arith.constant 0 : i32
        %dma_start3A_126 = tpu.memref_slice %arg2[%squeeze3A_118, %dma_start3A_125] : memref<1000000x64xf32, #tpu.memory_space<hbm>> -> memref<1x64xf32, #tpu.memory_space<hbm>>
        %dma_start3A_127 = arith.constant 0 : i32
        %dma_start3A_128 = tpu.memref_slice %arg6[%add3A_122, %dma_start3A_127] : memref<512x64xf32, #tpu.memory_space<vmem>> -> memref<1x64xf32, #tpu.memory_space<vmem>>
        %dma_start3A_129 = arith.constant 0 : i32
        %dma_start3A_130 = tpu.memref_slice %arg2[%squeeze3A_118, %dma_start3A_129] : memref<1000000x64xf32, #tpu.memory_space<hbm>> -> memref<1x64xf32, #tpu.memory_space<hbm>>
        tpu.enqueue_dma source(%dma_start3A_130 : memref<1x64xf32, #tpu.memory_space<hbm>>) target(%dma_start3A_128 : memref<1x64xf32, #tpu.memory_space<vmem>>) target_semaphore(%arg7 : memref<!tpu.dma_semaphore, #tpu.memory_space<semaphore_mem>>)
        %slice3A_131 = vector.extract_strided_slice %get3A_105 {offsets = [2], sizes = [1], strides = [1]} : vector<16xi32> to vector<1xi32>
        %squeeze3A_132 = vector.extract %slice3A_131[0] : i32 from vector<1xi32>
        %mul3A_133 = arith.constant 16 : i32
        %mul3A_134 = arith.muli %scan3A_101, %mul3A_133 : i32
        %add3A_135 = arith.constant 2 : i32
        %add3A_136 = arith.addi %mul3A_134, %add3A_135 : i32
        %dma_start3A_137 = arith.constant 0 : i32
        %dma_start3A_138 = tpu.memref_slice %arg6[%add3A_136, %dma_start3A_137] : memref<512x64xf32, #tpu.memory_space<vmem>> -> memref<1x64xf32, #tpu.memory_space<vmem>>
        %dma_start3A_139 = arith.constant 0 : i32
        %dma_start3A_140 = tpu.memref_slice %arg2[%squeeze3A_132, %dma_start3A_139] : memref<1000000x64xf32, #tpu.memory_space<hbm>> -> memref<1x64xf32, #tpu.memory_space<hbm>>
        %dma_start3A_141 = arith.constant 0 : i32
        %dma_start3A_142 = tpu.memref_slice %arg6[%add3A_136, %dma_start3A_141] : memref<512x64xf32, #tpu.memory_space<vmem>> -> memref<1x64xf32, #tpu.memory_space<vmem>>
        %dma_start3A_143 = arith.constant 0 : i32
        %dma_start3A_144 = tpu.memref_slice %arg2[%squeeze3A_132, %dma_start3A_143] : memref<1000000x64xf32, #tpu.memory_space<hbm>> -> memref<1x64xf32, #tpu.memory_space<hbm>>
        tpu.enqueue_dma source(%dma_start3A_144 : memref<1x64xf32, #tpu.memory_space<hbm>>) target(%dma_start3A_142 : memref<1x64xf32, #tpu.memory_space<vmem>>) target_semaphore(%arg7 : memref<!tpu.dma_semaphore, #tpu.memory_space<semaphore_mem>>)
        %slice3A_145 = vector.extract_strided_slice %get3A_105 {offsets = [3], sizes = [1], strides = [1]} : vector<16xi32> to vector<1xi32>
        %squeeze3A_146 = vector.extract %slice3A_145[0] : i32 from vector<1xi32>
        %mul3A_147 = arith.constant 16 : i32
        %mul3A_148 = arith.muli %scan3A_101, %mul3A_147 : i32
        %add3A_149 = arith.constant 3 : i32
        %add3A_150 = arith.addi %mul3A_148, %add3A_149 : i32
        %dma_start3A_151 = arith.constant 0 : i32
        %dma_start3A_152 = tpu.memref_slice %arg6[%add3A_150, %dma_start3A_151] : memref<512x64xf32, #tpu.memory_space<vmem>> -> memref<1x64xf32, #tpu.memory_space<vmem>>
        %dma_start3A_153 = arith.constant 0 : i32
        %dma_start3A_154 = tpu.memref_slice %arg2[%squeeze3A_146, %dma_start3A_153] : memref<1000000x64xf32, #tpu.memory_space<hbm>> -> memref<1x64xf32, #tpu.memory_space<hbm>>
        %dma_start3A_155 = arith.constant 0 : i32
        %dma_start3A_156 = tpu.memref_slice %arg6[%add3A_150, %dma_start3A_155] : memref<512x64xf32, #tpu.memory_space<vmem>> -> memref<1x64xf32, #tpu.memory_space<vmem>>
        %dma_start3A_157 = arith.constant 0 : i32
        %dma_start3A_158 = tpu.memref_slice %arg2[%squeeze3A_146, %dma_start3A_157] : memref<1000000x64xf32, #tpu.memory_space<hbm>> -> memref<1x64xf32, #tpu.memory_space<hbm>>
        tpu.enqueue_dma source(%dma_start3A_158 : memref<1x64xf32, #tpu.memory_space<hbm>>) target(%dma_start3A_156 : memref<1x64xf32, #tpu.memory_space<vmem>>) target_semaphore(%arg7 : memref<!tpu.dma_semaphore, #tpu.memory_space<semaphore_mem>>)
        %slice3A_159 = vector.extract_strided_slice %get3A_105 {offsets = [4], sizes = [1], strides = [1]} : vector<16xi32> to vector<1xi32>
        %squeeze3A_160 = vector.extract %slice3A_159[0] : i32 from vector<1xi32>
        %mul3A_161 = arith.constant 16 : i32
        %mul3A_162 = arith.muli %scan3A_101, %mul3A_161 : i32
        %add3A_163 = arith.constant 4 : i32
        %add3A_164 = arith.addi %mul3A_162, %add3A_163 : i32
        %dma_start3A_165 = arith.constant 0 : i32
        %dma_start3A_166 = tpu.memref_slice %arg6[%add3A_164, %dma_start3A_165] : memref<512x64xf32, #tpu.memory_space<vmem>> -> memref<1x64xf32, #tpu.memory_space<vmem>>
        %dma_start3A_167 = arith.constant 0 : i32
        %dma_start3A_168 = tpu.memref_slice %arg2[%squeeze3A_160, %dma_start3A_167] : memref<1000000x64xf32, #tpu.memory_space<hbm>> -> memref<1x64xf32, #tpu.memory_space<hbm>>
        %dma_start3A_169 = arith.constant 0 : i32
        %dma_start3A_170 = tpu.memref_slice %arg6[%add3A_164, %dma_start3A_169] : memref<512x64xf32, #tpu.memory_space<vmem>> -> memref<1x64xf32, #tpu.memory_space<vmem>>
        %dma_start3A_171 = arith.constant 0 : i32
        %dma_start3A_172 = tpu.memref_slice %arg2[%squeeze3A_160, %dma_start3A_171] : memref<1000000x64xf32, #tpu.memory_space<hbm>> -> memref<1x64xf32, #tpu.memory_space<hbm>>
        tpu.enqueue_dma source(%dma_start3A_172 : memref<1x64xf32, #tpu.memory_space<hbm>>) target(%dma_start3A_170 : memref<1x64xf32, #tpu.memory_space<vmem>>) target_semaphore(%arg7 : memref<!tpu.dma_semaphore, #tpu.memory_space<semaphore_mem>>)
        %slice3A_173 = vector.extract_strided_slice %get3A_105 {offsets = [5], sizes = [1], strides = [1]} : vector<16xi32> to vector<1xi32>
        %squeeze3A_174 = vector.extract %slice3A_173[0] : i32 from vector<1xi32>
        %mul3A_175 = arith.constant 16 : i32
        %mul3A_176 = arith.muli %scan3A_101, %mul3A_175 : i32
        %add3A_177 = arith.constant 5 : i32
        %add3A_178 = arith.addi %mul3A_176, %add3A_177 : i32
        %dma_start3A_179 = arith.constant 0 : i32
        %dma_start3A_180 = tpu.memref_slice %arg6[%add3A_178, %dma_start3A_179] : memref<512x64xf32, #tpu.memory_space<vmem>> -> memref<1x64xf32, #tpu.memory_space<vmem>>
        %dma_start3A_181 = arith.constant 0 : i32
        %dma_start3A_182 = tpu.memref_slice %arg2[%squeeze3A_174, %dma_start3A_181] : memref<1000000x64xf32, #tpu.memory_space<hbm>> -> memref<1x64xf32, #tpu.memory_space<hbm>>
        %dma_start3A_183 = arith.constant 0 : i32
        %dma_start3A_184 = tpu.memref_slice %arg6[%add3A_178, %dma_start3A_183] : memref<512x64xf32, #tpu.memory_space<vmem>> -> memref<1x64xf32, #tpu.memory_space<vmem>>
        %dma_start3A_185 = arith.constant 0 : i32
        %dma_start3A_186 = tpu.memref_slice %arg2[%squeeze3A_174, %dma_start3A_185] : memref<1000000x64xf32, #tpu.memory_space<hbm>> -> memref<1x64xf32, #tpu.memory_space<hbm>>
        tpu.enqueue_dma source(%dma_start3A_186 : memref<1x64xf32, #tpu.memory_space<hbm>>) target(%dma_start3A_184 : memref<1x64xf32, #tpu.memory_space<vmem>>) target_semaphore(%arg7 : memref<!tpu.dma_semaphore, #tpu.memory_space<semaphore_mem>>)
        %slice3A_187 = vector.extract_strided_slice %get3A_105 {offsets = [6], sizes = [1], strides = [1]} : vector<16xi32> to vector<1xi32>
        %squeeze3A_188 = vector.extract %slice3A_187[0] : i32 from vector<1xi32>
        %mul3A_189 = arith.constant 16 : i32
        %mul3A_190 = arith.muli %scan3A_101, %mul3A_189 : i32
        %add3A_191 = arith.constant 6 : i32
        %add3A_192 = arith.addi %mul3A_190, %add3A_191 : i32
        %dma_start3A_193 = arith.constant 0 : i32
        %dma_start3A_194 = tpu.memref_slice %arg6[%add3A_192, %dma_start3A_193] : memref<512x64xf32, #tpu.memory_space<vmem>> -> memref<1x64xf32, #tpu.memory_space<vmem>>
        %dma_start3A_195 = arith.constant 0 : i32
        %dma_start3A_196 = tpu.memref_slice %arg2[%squeeze3A_188, %dma_start3A_195] : memref<1000000x64xf32, #tpu.memory_space<hbm>> -> memref<1x64xf32, #tpu.memory_space<hbm>>
        %dma_start3A_197 = arith.constant 0 : i32
        %dma_start3A_198 = tpu.memref_slice %arg6[%add3A_192, %dma_start3A_197] : memref<512x64xf32, #tpu.memory_space<vmem>> -> memref<1x64xf32, #tpu.memory_space<vmem>>
        %dma_start3A_199 = arith.constant 0 : i32
        %dma_start3A_200 = tpu.memref_slice %arg2[%squeeze3A_188, %dma_start3A_199] : memref<1000000x64xf32, #tpu.memory_space<hbm>> -> memref<1x64xf32, #tpu.memory_space<hbm>>
        tpu.enqueue_dma source(%dma_start3A_200 : memref<1x64xf32, #tpu.memory_space<hbm>>) target(%dma_start3A_198 : memref<1x64xf32, #tpu.memory_space<vmem>>) target_semaphore(%arg7 : memref<!tpu.dma_semaphore, #tpu.memory_space<semaphore_mem>>)
        %slice3A_201 = vector.extract_strided_slice %get3A_105 {offsets = [7], sizes = [1], strides = [1]} : vector<16xi32> to vector<1xi32>
        %squeeze3A_202 = vector.extract %slice3A_201[0] : i32 from vector<1xi32>
        %mul3A_203 = arith.constant 16 : i32
        %mul3A_204 = arith.muli %scan3A_101, %mul3A_203 : i32
        %add3A_205 = arith.constant 7 : i32
        %add3A_206 = arith.addi %mul3A_204, %add3A_205 : i32
        %dma_start3A_207 = arith.constant 0 : i32
        %dma_start3A_208 = tpu.memref_slice %arg6[%add3A_206, %dma_start3A_207] : memref<512x64xf32, #tpu.memory_space<vmem>> -> memref<1x64xf32, #tpu.memory_space<vmem>>
        %dma_start3A_209 = arith.constant 0 : i32
        %dma_start3A_210 = tpu.memref_slice %arg2[%squeeze3A_202, %dma_start3A_209] : memref<1000000x64xf32, #tpu.memory_space<hbm>> -> memref<1x64xf32, #tpu.memory_space<hbm>>
        %dma_start3A_211 = arith.constant 0 : i32
        %dma_start3A_212 = tpu.memref_slice %arg6[%add3A_206, %dma_start3A_211] : memref<512x64xf32, #tpu.memory_space<vmem>> -> memref<1x64xf32, #tpu.memory_space<vmem>>
        %dma_start3A_213 = arith.constant 0 : i32
        %dma_start3A_214 = tpu.memref_slice %arg2[%squeeze3A_202, %dma_start3A_213] : memref<1000000x64xf32, #tpu.memory_space<hbm>> -> memref<1x64xf32, #tpu.memory_space<hbm>>
        tpu.enqueue_dma source(%dma_start3A_214 : memref<1x64xf32, #tpu.memory_space<hbm>>) target(%dma_start3A_212 : memref<1x64xf32, #tpu.memory_space<vmem>>) target_semaphore(%arg7 : memref<!tpu.dma_semaphore, #tpu.memory_space<semaphore_mem>>)
        %slice3A_215 = vector.extract_strided_slice %get3A_105 {offsets = [8], sizes = [1], strides = [1]} : vector<16xi32> to vector<1xi32>
        %squeeze3A_216 = vector.extract %slice3A_215[0] : i32 from vector<1xi32>
        %mul3A_217 = arith.constant 16 : i32
        %mul3A_218 = arith.muli %scan3A_101, %mul3A_217 : i32
        %add3A_219 = arith.constant 8 : i32
        %add3A_220 = arith.addi %mul3A_218, %add3A_219 : i32
        %dma_start3A_221 = arith.constant 0 : i32
        %dma_start3A_222 = tpu.memref_slice %arg6[%add3A_220, %dma_start3A_221] : memref<512x64xf32, #tpu.memory_space<vmem>> -> memref<1x64xf32, #tpu.memory_space<vmem>>
        %dma_start3A_223 = arith.constant 0 : i32
        %dma_start3A_224 = tpu.memref_slice %arg2[%squeeze3A_216, %dma_start3A_223] : memref<1000000x64xf32, #tpu.memory_space<hbm>> -> memref<1x64xf32, #tpu.memory_space<hbm>>
        %dma_start3A_225 = arith.constant 0 : i32
        %dma_start3A_226 = tpu.memref_slice %arg6[%add3A_220, %dma_start3A_225] : memref<512x64xf32, #tpu.memory_space<vmem>> -> memref<1x64xf32, #tpu.memory_space<vmem>>
        %dma_start3A_227 = arith.constant 0 : i32
        %dma_start3A_228 = tpu.memref_slice %arg2[%squeeze3A_216, %dma_start3A_227] : memref<1000000x64xf32, #tpu.memory_space<hbm>> -> memref<1x64xf32, #tpu.memory_space<hbm>>
        tpu.enqueue_dma source(%dma_start3A_228 : memref<1x64xf32, #tpu.memory_space<hbm>>) target(%dma_start3A_226 : memref<1x64xf32, #tpu.memory_space<vmem>>) target_semaphore(%arg7 : memref<!tpu.dma_semaphore, #tpu.memory_space<semaphore_mem>>)
        %slice3A_229 = vector.extract_strided_slice %get3A_105 {offsets = [9], sizes = [1], strides = [1]} : vector<16xi32> to vector<1xi32>
        %squeeze3A_230 = vector.extract %slice3A_229[0] : i32 from vector<1xi32>
        %mul3A_231 = arith.constant 16 : i32
        %mul3A_232 = arith.muli %scan3A_101, %mul3A_231 : i32
        %add3A_233 = arith.constant 9 : i32
        %add3A_234 = arith.addi %mul3A_232, %add3A_233 : i32
        %dma_start3A_235 = arith.constant 0 : i32
        %dma_start3A_236 = tpu.memref_slice %arg6[%add3A_234, %dma_start3A_235] : memref<512x64xf32, #tpu.memory_space<vmem>> -> memref<1x64xf32, #tpu.memory_space<vmem>>
        %dma_start3A_237 = arith.constant 0 : i32
        %dma_start3A_238 = tpu.memref_slice %arg2[%squeeze3A_230, %dma_start3A_237] : memref<1000000x64xf32, #tpu.memory_space<hbm>> -> memref<1x64xf32, #tpu.memory_space<hbm>>
        %dma_start3A_239 = arith.constant 0 : i32
        %dma_start3A_240 = tpu.memref_slice %arg6[%add3A_234, %dma_start3A_239] : memref<512x64xf32, #tpu.memory_space<vmem>> -> memref<1x64xf32, #tpu.memory_space<vmem>>
        %dma_start3A_241 = arith.constant 0 : i32
        %dma_start3A_242 = tpu.memref_slice %arg2[%squeeze3A_230, %dma_start3A_241] : memref<1000000x64xf32, #tpu.memory_space<hbm>> -> memref<1x64xf32, #tpu.memory_space<hbm>>
        tpu.enqueue_dma source(%dma_start3A_242 : memref<1x64xf32, #tpu.memory_space<hbm>>) target(%dma_start3A_240 : memref<1x64xf32, #tpu.memory_space<vmem>>) target_semaphore(%arg7 : memref<!tpu.dma_semaphore, #tpu.memory_space<semaphore_mem>>)
        %slice3A_243 = vector.extract_strided_slice %get3A_105 {offsets = [10], sizes = [1], strides = [1]} : vector<16xi32> to vector<1xi32>
        %squeeze3A_244 = vector.extract %slice3A_243[0] : i32 from vector<1xi32>
        %mul3A_245 = arith.constant 16 : i32
        %mul3A_246 = arith.muli %scan3A_101, %mul3A_245 : i32
        %add3A_247 = arith.constant 10 : i32
        %add3A_248 = arith.addi %mul3A_246, %add3A_247 : i32
        %dma_start3A_249 = arith.constant 0 : i32
        %dma_start3A_250 = tpu.memref_slice %arg6[%add3A_248, %dma_start3A_249] : memref<512x64xf32, #tpu.memory_space<vmem>> -> memref<1x64xf32, #tpu.memory_space<vmem>>
        %dma_start3A_251 = arith.constant 0 : i32
        %dma_start3A_252 = tpu.memref_slice %arg2[%squeeze3A_244, %dma_start3A_251] : memref<1000000x64xf32, #tpu.memory_space<hbm>> -> memref<1x64xf32, #tpu.memory_space<hbm>>
        %dma_start3A_253 = arith.constant 0 : i32
        %dma_start3A_254 = tpu.memref_slice %arg6[%add3A_248, %dma_start3A_253] : memref<512x64xf32, #tpu.memory_space<vmem>> -> memref<1x64xf32, #tpu.memory_space<vmem>>
        %dma_start3A_255 = arith.constant 0 : i32
        %dma_start3A_256 = tpu.memref_slice %arg2[%squeeze3A_244, %dma_start3A_255] : memref<1000000x64xf32, #tpu.memory_space<hbm>> -> memref<1x64xf32, #tpu.memory_space<hbm>>
        tpu.enqueue_dma source(%dma_start3A_256 : memref<1x64xf32, #tpu.memory_space<hbm>>) target(%dma_start3A_254 : memref<1x64xf32, #tpu.memory_space<vmem>>) target_semaphore(%arg7 : memref<!tpu.dma_semaphore, #tpu.memory_space<semaphore_mem>>)
        %slice3A_257 = vector.extract_strided_slice %get3A_105 {offsets = [11], sizes = [1], strides = [1]} : vector<16xi32> to vector<1xi32>
        %squeeze3A_258 = vector.extract %slice3A_257[0] : i32 from vector<1xi32>
        %mul3A_259 = arith.constant 16 : i32
        %mul3A_260 = arith.muli %scan3A_101, %mul3A_259 : i32
        %add3A_261 = arith.constant 11 : i32
        %add3A_262 = arith.addi %mul3A_260, %add3A_261 : i32
        %dma_start3A_263 = arith.constant 0 : i32
        %dma_start3A_264 = tpu.memref_slice %arg6[%add3A_262, %dma_start3A_263] : memref<512x64xf32, #tpu.memory_space<vmem>> -> memref<1x64xf32, #tpu.memory_space<vmem>>
        %dma_start3A_265 = arith.constant 0 : i32
        %dma_start3A_266 = tpu.memref_slice %arg2[%squeeze3A_258, %dma_start3A_265] : memref<1000000x64xf32, #tpu.memory_space<hbm>> -> memref<1x64xf32, #tpu.memory_space<hbm>>
        %dma_start3A_267 = arith.constant 0 : i32
        %dma_start3A_268 = tpu.memref_slice %arg6[%add3A_262, %dma_start3A_267] : memref<512x64xf32, #tpu.memory_space<vmem>> -> memref<1x64xf32, #tpu.memory_space<vmem>>
        %dma_start3A_269 = arith.constant 0 : i32
        %dma_start3A_270 = tpu.memref_slice %arg2[%squeeze3A_258, %dma_start3A_269] : memref<1000000x64xf32, #tpu.memory_space<hbm>> -> memref<1x64xf32, #tpu.memory_space<hbm>>
        tpu.enqueue_dma source(%dma_start3A_270 : memref<1x64xf32, #tpu.memory_space<hbm>>) target(%dma_start3A_268 : memref<1x64xf32, #tpu.memory_space<vmem>>) target_semaphore(%arg7 : memref<!tpu.dma_semaphore, #tpu.memory_space<semaphore_mem>>)
        %slice3A_271 = vector.extract_strided_slice %get3A_105 {offsets = [12], sizes = [1], strides = [1]} : vector<16xi32> to vector<1xi32>
        %squeeze3A_272 = vector.extract %slice3A_271[0] : i32 from vector<1xi32>
        %mul3A_273 = arith.constant 16 : i32
        %mul3A_274 = arith.muli %scan3A_101, %mul3A_273 : i32
        %add3A_275 = arith.constant 12 : i32
        %add3A_276 = arith.addi %mul3A_274, %add3A_275 : i32
        %dma_start3A_277 = arith.constant 0 : i32
        %dma_start3A_278 = tpu.memref_slice %arg6[%add3A_276, %dma_start3A_277] : memref<512x64xf32, #tpu.memory_space<vmem>> -> memref<1x64xf32, #tpu.memory_space<vmem>>
        %dma_start3A_279 = arith.constant 0 : i32
        %dma_start3A_280 = tpu.memref_slice %arg2[%squeeze3A_272, %dma_start3A_279] : memref<1000000x64xf32, #tpu.memory_space<hbm>> -> memref<1x64xf32, #tpu.memory_space<hbm>>
        %dma_start3A_281 = arith.constant 0 : i32
        %dma_start3A_282 = tpu.memref_slice %arg6[%add3A_276, %dma_start3A_281] : memref<512x64xf32, #tpu.memory_space<vmem>> -> memref<1x64xf32, #tpu.memory_space<vmem>>
        %dma_start3A_283 = arith.constant 0 : i32
        %dma_start3A_284 = tpu.memref_slice %arg2[%squeeze3A_272, %dma_start3A_283] : memref<1000000x64xf32, #tpu.memory_space<hbm>> -> memref<1x64xf32, #tpu.memory_space<hbm>>
        tpu.enqueue_dma source(%dma_start3A_284 : memref<1x64xf32, #tpu.memory_space<hbm>>) target(%dma_start3A_282 : memref<1x64xf32, #tpu.memory_space<vmem>>) target_semaphore(%arg7 : memref<!tpu.dma_semaphore, #tpu.memory_space<semaphore_mem>>)
        %slice3A_285 = vector.extract_strided_slice %get3A_105 {offsets = [13], sizes = [1], strides = [1]} : vector<16xi32> to vector<1xi32>
        %squeeze3A_286 = vector.extract %slice3A_285[0] : i32 from vector<1xi32>
        %mul3A_287 = arith.constant 16 : i32
        %mul3A_288 = arith.muli %scan3A_101, %mul3A_287 : i32
        %add3A_289 = arith.constant 13 : i32
        %add3A_290 = arith.addi %mul3A_288, %add3A_289 : i32
        %dma_start3A_291 = arith.constant 0 : i32
        %dma_start3A_292 = tpu.memref_slice %arg6[%add3A_290, %dma_start3A_291] : memref<512x64xf32, #tpu.memory_space<vmem>> -> memref<1x64xf32, #tpu.memory_space<vmem>>
        %dma_start3A_293 = arith.constant 0 : i32
        %dma_start3A_294 = tpu.memref_slice %arg2[%squeeze3A_286, %dma_start3A_293] : memref<1000000x64xf32, #tpu.memory_space<hbm>> -> memref<1x64xf32, #tpu.memory_space<hbm>>
        %dma_start3A_295 = arith.constant 0 : i32
        %dma_start3A_296 = tpu.memref_slice %arg6[%add3A_290, %dma_start3A_295] : memref<512x64xf32, #tpu.memory_space<vmem>> -> memref<1x64xf32, #tpu.memory_space<vmem>>
        %dma_start3A_297 = arith.constant 0 : i32
        %dma_start3A_298 = tpu.memref_slice %arg2[%squeeze3A_286, %dma_start3A_297] : memref<1000000x64xf32, #tpu.memory_space<hbm>> -> memref<1x64xf32, #tpu.memory_space<hbm>>
        tpu.enqueue_dma source(%dma_start3A_298 : memref<1x64xf32, #tpu.memory_space<hbm>>) target(%dma_start3A_296 : memref<1x64xf32, #tpu.memory_space<vmem>>) target_semaphore(%arg7 : memref<!tpu.dma_semaphore, #tpu.memory_space<semaphore_mem>>)
        %slice3A_299 = vector.extract_strided_slice %get3A_105 {offsets = [14], sizes = [1], strides = [1]} : vector<16xi32> to vector<1xi32>
        %squeeze3A_300 = vector.extract %slice3A_299[0] : i32 from vector<1xi32>
        %mul3A_301 = arith.constant 16 : i32
        %mul3A_302 = arith.muli %scan3A_101, %mul3A_301 : i32
        %add3A_303 = arith.constant 14 : i32
        %add3A_304 = arith.addi %mul3A_302, %add3A_303 : i32
        %dma_start3A_305 = arith.constant 0 : i32
        %dma_start3A_306 = tpu.memref_slice %arg6[%add3A_304, %dma_start3A_305] : memref<512x64xf32, #tpu.memory_space<vmem>> -> memref<1x64xf32, #tpu.memory_space<vmem>>
        %dma_start3A_307 = arith.constant 0 : i32
        %dma_start3A_308 = tpu.memref_slice %arg2[%squeeze3A_300, %dma_start3A_307] : memref<1000000x64xf32, #tpu.memory_space<hbm>> -> memref<1x64xf32, #tpu.memory_space<hbm>>
        %dma_start3A_309 = arith.constant 0 : i32
        %dma_start3A_310 = tpu.memref_slice %arg6[%add3A_304, %dma_start3A_309] : memref<512x64xf32, #tpu.memory_space<vmem>> -> memref<1x64xf32, #tpu.memory_space<vmem>>
        %dma_start3A_311 = arith.constant 0 : i32
        %dma_start3A_312 = tpu.memref_slice %arg2[%squeeze3A_300, %dma_start3A_311] : memref<1000000x64xf32, #tpu.memory_space<hbm>> -> memref<1x64xf32, #tpu.memory_space<hbm>>
        tpu.enqueue_dma source(%dma_start3A_312 : memref<1x64xf32, #tpu.memory_space<hbm>>) target(%dma_start3A_310 : memref<1x64xf32, #tpu.memory_space<vmem>>) target_semaphore(%arg7 : memref<!tpu.dma_semaphore, #tpu.memory_space<semaphore_mem>>)
        %slice3A_313 = vector.extract_strided_slice %get3A_105 {offsets = [15], sizes = [1], strides = [1]} : vector<16xi32> to vector<1xi32>
        %squeeze3A_314 = vector.extract %slice3A_313[0] : i32 from vector<1xi32>
        %mul3A_315 = arith.constant 16 : i32
        %mul3A_316 = arith.muli %scan3A_101, %mul3A_315 : i32
        %add3A_317 = arith.constant 15 : i32
        %add3A_318 = arith.addi %mul3A_316, %add3A_317 : i32
        %dma_start3A_319 = arith.constant 0 : i32
        %dma_start3A_320 = tpu.memref_slice %arg6[%add3A_318, %dma_start3A_319] : memref<512x64xf32, #tpu.memory_space<vmem>> -> memref<1x64xf32, #tpu.memory_space<vmem>>
        %dma_start3A_321 = arith.constant 0 : i32
        %dma_start3A_322 = tpu.memref_slice %arg2[%squeeze3A_314, %dma_start3A_321] : memref<1000000x64xf32, #tpu.memory_space<hbm>> -> memref<1x64xf32, #tpu.memory_space<hbm>>
        %dma_start3A_323 = arith.constant 0 : i32
        %dma_start3A_324 = tpu.memref_slice %arg6[%add3A_318, %dma_start3A_323] : memref<512x64xf32, #tpu.memory_space<vmem>> -> memref<1x64xf32, #tpu.memory_space<vmem>>
        %dma_start3A_325 = arith.constant 0 : i32
        %dma_start3A_326 = tpu.memref_slice %arg2[%squeeze3A_314, %dma_start3A_325] : memref<1000000x64xf32, #tpu.memory_space<hbm>> -> memref<1x64xf32, #tpu.memory_space<hbm>>
        tpu.enqueue_dma source(%dma_start3A_326 : memref<1x64xf32, #tpu.memory_space<hbm>>) target(%dma_start3A_324 : memref<1x64xf32, #tpu.memory_space<vmem>>) target_semaphore(%arg7 : memref<!tpu.dma_semaphore, #tpu.memory_space<semaphore_mem>>)
        %gt3A = arith.constant 3 : i32
        %gt3A_327 = arith.cmpi sgt, %scan3A_101, %gt3A : i32
        %convert_element_type3A_328 = arith.extui %gt3A_327 : i1 to i32
        %cond3A_329 = arith.constant 0 : i32
        %cond3A_330 = arith.cmpi ne, %convert_element_type3A_328, %cond3A_329 : i32
        scf.if %cond3A_330 {
          %dma_wait3A_331 = arith.constant 0 : i32
          %dma_wait3A_332 = arith.constant 0 : i32
          %dma_wait3A_333 = tpu.memref_slice %arg6[%dma_wait3A_331, %dma_wait3A_332] : memref<512x64xf32, #tpu.memory_space<vmem>> -> memref<16x64xf32, #tpu.memory_space<vmem>>
          %dma_wait3A_334 = arith.constant 0 : i32
          %dma_wait3A_335 = arith.constant 0 : i32
          %dma_wait3A_336 = tpu.memref_slice %arg2[%dma_wait3A_334, %dma_wait3A_335] : memref<1000000x64xf32, #tpu.memory_space<hbm>> -> memref<16x64xf32, #tpu.memory_space<hbm>>
          %dma_wait3A_337 = arith.constant 0 : i32
          %dma_wait3A_338 = arith.constant 0 : i32
          %dma_wait3A_339 = tpu.memref_slice %arg6[%dma_wait3A_337, %dma_wait3A_338] : memref<512x64xf32, #tpu.memory_space<vmem>> -> memref<16x64xf32, #tpu.memory_space<vmem>>
          %dma_wait3A_340 = arith.constant 0 : i32
          %dma_wait3A_341 = arith.constant 0 : i32
          %dma_wait3A_342 = tpu.memref_slice %arg2[%dma_wait3A_340, %dma_wait3A_341] : memref<1000000x64xf32, #tpu.memory_space<hbm>> -> memref<16x64xf32, #tpu.memory_space<hbm>>
          tpu.wait_dma2 semaphore(%arg7 : memref<!tpu.dma_semaphore, #tpu.memory_space<semaphore_mem>>) src(%dma_wait3A_342 : memref<16x64xf32, #tpu.memory_space<hbm>>) dst(%dma_wait3A_339 : memref<16x64xf32, #tpu.memory_space<vmem>>)
        } else {
        }
      }
      %scan3A_53 = arith.constant 32 : i32
      %dma_wait3A = arith.constant 0 : i32
      %dma_wait3A_54 = arith.constant 0 : i32
      %dma_wait3A_55 = tpu.memref_slice %arg6[%dma_wait3A, %dma_wait3A_54] : memref<512x64xf32, #tpu.memory_space<vmem>> -> memref<16x64xf32, #tpu.memory_space<vmem>>
      %dma_wait3A_56 = arith.constant 0 : i32
      %dma_wait3A_57 = arith.constant 0 : i32
      %dma_wait3A_58 = tpu.memref_slice %arg2[%dma_wait3A_56, %dma_wait3A_57] : memref<1000000x64xf32, #tpu.memory_space<hbm>> -> memref<16x64xf32, #tpu.memory_space<hbm>>
      %dma_wait3A_59 = arith.constant 0 : i32
      %dma_wait3A_60 = arith.constant 0 : i32
      %dma_wait3A_61 = tpu.memref_slice %arg6[%dma_wait3A_59, %dma_wait3A_60] : memref<512x64xf32, #tpu.memory_space<vmem>> -> memref<16x64xf32, #tpu.memory_space<vmem>>
      %dma_wait3A_62 = arith.constant 0 : i32
      %dma_wait3A_63 = arith.constant 0 : i32
      %dma_wait3A_64 = tpu.memref_slice %arg2[%dma_wait3A_62, %dma_wait3A_63] : memref<1000000x64xf32, #tpu.memory_space<hbm>> -> memref<16x64xf32, #tpu.memory_space<hbm>>
      tpu.wait_dma2 semaphore(%arg7 : memref<!tpu.dma_semaphore, #tpu.memory_space<semaphore_mem>>) src(%dma_wait3A_64 : memref<16x64xf32, #tpu.memory_space<hbm>>) dst(%dma_wait3A_61 : memref<16x64xf32, #tpu.memory_space<vmem>>)
      %dma_wait3A_65 = arith.constant 0 : i32
      %dma_wait3A_66 = arith.constant 0 : i32
      %dma_wait3A_67 = tpu.memref_slice %arg6[%dma_wait3A_65, %dma_wait3A_66] : memref<512x64xf32, #tpu.memory_space<vmem>> -> memref<16x64xf32, #tpu.memory_space<vmem>>
      %dma_wait3A_68 = arith.constant 0 : i32
      %dma_wait3A_69 = arith.constant 0 : i32
      %dma_wait3A_70 = tpu.memref_slice %arg2[%dma_wait3A_68, %dma_wait3A_69] : memref<1000000x64xf32, #tpu.memory_space<hbm>> -> memref<16x64xf32, #tpu.memory_space<hbm>>
      %dma_wait3A_71 = arith.constant 0 : i32
      %dma_wait3A_72 = arith.constant 0 : i32
      %dma_wait3A_73 = tpu.memref_slice %arg6[%dma_wait3A_71, %dma_wait3A_72] : memref<512x64xf32, #tpu.memory_space<vmem>> -> memref<16x64xf32, #tpu.memory_space<vmem>>
      %dma_wait3A_74 = arith.constant 0 : i32
      %dma_wait3A_75 = arith.constant 0 : i32
      %dma_wait3A_76 = tpu.memref_slice %arg2[%dma_wait3A_74, %dma_wait3A_75] : memref<1000000x64xf32, #tpu.memory_space<hbm>> -> memref<16x64xf32, #tpu.memory_space<hbm>>
      tpu.wait_dma2 semaphore(%arg7 : memref<!tpu.dma_semaphore, #tpu.memory_space<semaphore_mem>>) src(%dma_wait3A_76 : memref<16x64xf32, #tpu.memory_space<hbm>>) dst(%dma_wait3A_73 : memref<16x64xf32, #tpu.memory_space<vmem>>)
      %dma_wait3A_77 = arith.constant 0 : i32
      %dma_wait3A_78 = arith.constant 0 : i32
      %dma_wait3A_79 = tpu.memref_slice %arg6[%dma_wait3A_77, %dma_wait3A_78] : memref<512x64xf32, #tpu.memory_space<vmem>> -> memref<16x64xf32, #tpu.memory_space<vmem>>
      %dma_wait3A_80 = arith.constant 0 : i32
      %dma_wait3A_81 = arith.constant 0 : i32
      %dma_wait3A_82 = tpu.memref_slice %arg2[%dma_wait3A_80, %dma_wait3A_81] : memref<1000000x64xf32, #tpu.memory_space<hbm>> -> memref<16x64xf32, #tpu.memory_space<hbm>>
      %dma_wait3A_83 = arith.constant 0 : i32
      %dma_wait3A_84 = arith.constant 0 : i32
      %dma_wait3A_85 = tpu.memref_slice %arg6[%dma_wait3A_83, %dma_wait3A_84] : memref<512x64xf32, #tpu.memory_space<vmem>> -> memref<16x64xf32, #tpu.memory_space<vmem>>
      %dma_wait3A_86 = arith.constant 0 : i32
      %dma_wait3A_87 = arith.constant 0 : i32
      %dma_wait3A_88 = tpu.memref_slice %arg2[%dma_wait3A_86, %dma_wait3A_87] : memref<1000000x64xf32, #tpu.memory_space<hbm>> -> memref<16x64xf32, #tpu.memory_space<hbm>>
      tpu.wait_dma2 semaphore(%arg7 : memref<!tpu.dma_semaphore, #tpu.memory_space<semaphore_mem>>) src(%dma_wait3A_88 : memref<16x64xf32, #tpu.memory_space<hbm>>) dst(%dma_wait3A_85 : memref<16x64xf32, #tpu.memory_space<vmem>>)
      %dma_wait3A_89 = arith.constant 0 : i32
      %dma_wait3A_90 = arith.constant 0 : i32
      %dma_wait3A_91 = tpu.memref_slice %arg6[%dma_wait3A_89, %dma_wait3A_90] : memref<512x64xf32, #tpu.memory_space<vmem>> -> memref<16x64xf32, #tpu.memory_space<vmem>>
      %dma_wait3A_92 = arith.constant 0 : i32
      %dma_wait3A_93 = arith.constant 0 : i32
      %dma_wait3A_94 = tpu.memref_slice %arg2[%dma_wait3A_92, %dma_wait3A_93] : memref<1000000x64xf32, #tpu.memory_space<hbm>> -> memref<16x64xf32, #tpu.memory_space<hbm>>
      %dma_wait3A_95 = arith.constant 0 : i32
      %dma_wait3A_96 = arith.constant 0 : i32
      %dma_wait3A_97 = tpu.memref_slice %arg6[%dma_wait3A_95, %dma_wait3A_96] : memref<512x64xf32, #tpu.memory_space<vmem>> -> memref<16x64xf32, #tpu.memory_space<vmem>>
      %dma_wait3A_98 = arith.constant 0 : i32
      %dma_wait3A_99 = arith.constant 0 : i32
      %dma_wait3A_100 = tpu.memref_slice %arg2[%dma_wait3A_98, %dma_wait3A_99] : memref<1000000x64xf32, #tpu.memory_space<hbm>> -> memref<16x64xf32, #tpu.memory_space<hbm>>
      tpu.wait_dma2 semaphore(%arg7 : memref<!tpu.dma_semaphore, #tpu.memory_space<semaphore_mem>>) src(%dma_wait3A_100 : memref<16x64xf32, #tpu.memory_space<hbm>>) dst(%dma_wait3A_97 : memref<16x64xf32, #tpu.memory_space<vmem>>)
      "tpu.region"() ({
        %run_scoped3A = tpu.sem_alloc : memref<!tpu.dma_semaphore, #tpu.memory_space<semaphore_mem>>
        %dma_start3A = arith.constant 0 : i32
        %dma_start3A_101 = tpu.memref_slice %arg4[%multiple_of3A, %dma_start3A] : memref<100000x64xf32, #tpu.memory_space<hbm>> -> memref<512x64xf32, #tpu.memory_space<hbm>>
        %dma_start3A_102 = arith.constant 0 : i32
        %dma_start3A_103 = tpu.memref_slice %arg4[%multiple_of3A, %dma_start3A_102] : memref<100000x64xf32, #tpu.memory_space<hbm>> -> memref<512x64xf32, #tpu.memory_space<hbm>>
        tpu.enqueue_dma source(%arg6 : memref<512x64xf32, #tpu.memory_space<vmem>>) target(%dma_start3A_103 : memref<512x64xf32, #tpu.memory_space<hbm>>) target_semaphore(%run_scoped3A : memref<!tpu.dma_semaphore, #tpu.memory_space<semaphore_mem>>)
        %dma_wait3A_104 = arith.constant 0 : i32
        %dma_wait3A_105 = tpu.memref_slice %arg4[%multiple_of3A, %dma_wait3A_104] : memref<100000x64xf32, #tpu.memory_space<hbm>> -> memref<512x64xf32, #tpu.memory_space<hbm>>
        %dma_wait3A_106 = arith.constant 0 : i32
        %dma_wait3A_107 = tpu.memref_slice %arg4[%multiple_of3A, %dma_wait3A_106] : memref<100000x64xf32, #tpu.memory_space<hbm>> -> memref<512x64xf32, #tpu.memory_space<hbm>>
        tpu.wait_dma2 semaphore(%run_scoped3A : memref<!tpu.dma_semaphore, #tpu.memory_space<semaphore_mem>>) src(%arg6 : memref<512x64xf32, #tpu.memory_space<vmem>>) dst(%dma_wait3A_107 : memref<512x64xf32, #tpu.memory_space<hbm>>)
        tpu.yield
      }) : () -> ()
    } else {
    }
    %add3A_5 = arith.constant 32 : i32
    %add3A_6 = arith.addi %add3A, %add3A_5 : i32
    %lt3A_7 = arith.constant 196 : i32
    %lt3A_8 = arith.cmpi slt, %add3A_6, %lt3A_7 : i32
    %convert_element_type3A_9 = arith.extui %lt3A_8 : i1 to i32
    %cond3A_10 = arith.constant 0 : i32
    %cond3A_11 = arith.cmpi ne, %convert_element_type3A_9, %cond3A_10 : i32
    scf.if %cond3A_11 {
      %mul3A_47 = arith.constant 512 : i32
      %mul3A_48 = arith.muli %add3A_6, %mul3A_47 : i32
      %min3A = arith.constant 99488 : i32
      %min3A_49 = arith.minsi %mul3A_48, %min3A : i32
      %multiple_of3A = tpu.assume_multiple %min3A_49, 8 : i32
      "tpu.region"() ({
        %run_scoped3A = tpu.sem_alloc : memref<!tpu.dma_semaphore, #tpu.memory_space<semaphore_mem>>
        %dma_start3A = tpu.memref_slice %arg3[%multiple_of3A] : memref<100000xi32, #tpu.memory_space<hbm>> -> memref<512xi32, #tpu.memory_space<hbm>>
        %dma_start3A_101 = tpu.memref_slice %arg3[%multiple_of3A] : memref<100000xi32, #tpu.memory_space<hbm>> -> memref<512xi32, #tpu.memory_space<hbm>>
        tpu.enqueue_dma source(%dma_start3A_101 : memref<512xi32, #tpu.memory_space<hbm>>) target(%arg5 : memref<512xi32, #tpu.memory_space<vmem>>) target_semaphore(%run_scoped3A : memref<!tpu.dma_semaphore, #tpu.memory_space<semaphore_mem>>)
        %dma_wait3A_102 = tpu.memref_slice %arg3[%multiple_of3A] : memref<100000xi32, #tpu.memory_space<hbm>> -> memref<512xi32, #tpu.memory_space<hbm>>
        %dma_wait3A_103 = tpu.memref_slice %arg3[%multiple_of3A] : memref<100000xi32, #tpu.memory_space<hbm>> -> memref<512xi32, #tpu.memory_space<hbm>>
        tpu.wait_dma2 semaphore(%run_scoped3A : memref<!tpu.dma_semaphore, #tpu.memory_space<semaphore_mem>>) src(%dma_wait3A_103 : memref<512xi32, #tpu.memory_space<hbm>>) dst(%arg5 : memref<512xi32, #tpu.memory_space<vmem>>)
        tpu.yield
      }) : () -> ()
      %scan3A = arith.constant 0 : i32
      %scan3A_50 = arith.constant 32 : i32
      %scan3A_51 = arith.addi %scan3A, %scan3A_50 : i32
      %scan3A_52 = arith.constant 1 : i32
      scf.for %scan3A_101 = %scan3A to %scan3A_51 step %scan3A_52  : i32 {
        %mul3A_102 = arith.constant 16 : i32
        %mul3A_103 = arith.muli %scan3A_101, %mul3A_102 : i32
        %get3A = arith.index_cast %mul3A_103 : i32 to index
        %get3A_104 = tpu.vector_load %arg5[%get3A] {strides = array<i32>} : memref<512xi32, #tpu.memory_space<vmem>>, vector<16xi32>,
        %get3A_105 = vector.shape_cast %get3A_104 : vector<16xi32> to vector<16xi32>
        %slice3A = vector.extract_strided_slice %get3A_105 {offsets = [0], sizes = [1], strides = [1]} : vector<16xi32> to vector<1xi32>
        %squeeze3A = vector.extract %slice3A[0] : i32 from vector<1xi32>
        %mul3A_106 = arith.constant 16 : i32
        %mul3A_107 = arith.muli %scan3A_101, %mul3A_106 : i32
        %add3A_108 = arith.constant 0 : i32
        %add3A_109 = arith.addi %mul3A_107, %add3A_108 : i32
        %dma_start3A = arith.constant 0 : i32
        %dma_start3A_110 = tpu.memref_slice %arg6[%add3A_109, %dma_start3A] : memref<512x64xf32, #tpu.memory_space<vmem>> -> memref<1x64xf32, #tpu.memory_space<vmem>>
        %dma_start3A_111 = arith.constant 0 : i32
        %dma_start3A_112 = tpu.memref_slice %arg2[%squeeze3A, %dma_start3A_111] : memref<1000000x64xf32, #tpu.memory_space<hbm>> -> memref<1x64xf32, #tpu.memory_space<hbm>>
        %dma_start3A_113 = arith.constant 0 : i32
        %dma_start3A_114 = tpu.memref_slice %arg6[%add3A_109, %dma_start3A_113] : memref<512x64xf32, #tpu.memory_space<vmem>> -> memref<1x64xf32, #tpu.memory_space<vmem>>
        %dma_start3A_115 = arith.constant 0 : i32
        %dma_start3A_116 = tpu.memref_slice %arg2[%squeeze3A, %dma_start3A_115] : memref<1000000x64xf32, #tpu.memory_space<hbm>> -> memref<1x64xf32, #tpu.memory_space<hbm>>
        tpu.enqueue_dma source(%dma_start3A_116 : memref<1x64xf32, #tpu.memory_space<hbm>>) target(%dma_start3A_114 : memref<1x64xf32, #tpu.memory_space<vmem>>) target_semaphore(%arg7 : memref<!tpu.dma_semaphore, #tpu.memory_space<semaphore_mem>>)
        %slice3A_117 = vector.extract_strided_slice %get3A_105 {offsets = [1], sizes = [1], strides = [1]} : vector<16xi32> to vector<1xi32>
        %squeeze3A_118 = vector.extract %slice3A_117[0] : i32 from vector<1xi32>
        %mul3A_119 = arith.constant 16 : i32
        %mul3A_120 = arith.muli %scan3A_101, %mul3A_119 : i32
        %add3A_121 = arith.constant 1 : i32
        %add3A_122 = arith.addi %mul3A_120, %add3A_121 : i32
        %dma_start3A_123 = arith.constant 0 : i32
        %dma_start3A_124 = tpu.memref_slice %arg6[%add3A_122, %dma_start3A_123] : memref<512x64xf32, #tpu.memory_space<vmem>> -> memref<1x64xf32, #tpu.memory_space<vmem>>
        %dma_start3A_125 = arith.constant 0 : i32
        %dma_start3A_126 = tpu.memref_slice %arg2[%squeeze3A_118, %dma_start3A_125] : memref<1000000x64xf32, #tpu.memory_space<hbm>> -> memref<1x64xf32, #tpu.memory_space<hbm>>
        %dma_start3A_127 = arith.constant 0 : i32
        %dma_start3A_128 = tpu.memref_slice %arg6[%add3A_122, %dma_start3A_127] : memref<512x64xf32, #tpu.memory_space<vmem>> -> memref<1x64xf32, #tpu.memory_space<vmem>>
        %dma_start3A_129 = arith.constant 0 : i32
        %dma_start3A_130 = tpu.memref_slice %arg2[%squeeze3A_118, %dma_start3A_129] : memref<1000000x64xf32, #tpu.memory_space<hbm>> -> memref<1x64xf32, #tpu.memory_space<hbm>>
        tpu.enqueue_dma source(%dma_start3A_130 : memref<1x64xf32, #tpu.memory_space<hbm>>) target(%dma_start3A_128 : memref<1x64xf32, #tpu.memory_space<vmem>>) target_semaphore(%arg7 : memref<!tpu.dma_semaphore, #tpu.memory_space<semaphore_mem>>)
        %slice3A_131 = vector.extract_strided_slice %get3A_105 {offsets = [2], sizes = [1], strides = [1]} : vector<16xi32> to vector<1xi32>
        %squeeze3A_132 = vector.extract %slice3A_131[0] : i32 from vector<1xi32>
        %mul3A_133 = arith.constant 16 : i32
        %mul3A_134 = arith.muli %scan3A_101, %mul3A_133 : i32
        %add3A_135 = arith.constant 2 : i32
        %add3A_136 = arith.addi %mul3A_134, %add3A_135 : i32
        %dma_start3A_137 = arith.constant 0 : i32
        %dma_start3A_138 = tpu.memref_slice %arg6[%add3A_136, %dma_start3A_137] : memref<512x64xf32, #tpu.memory_space<vmem>> -> memref<1x64xf32, #tpu.memory_space<vmem>>
        %dma_start3A_139 = arith.constant 0 : i32
        %dma_start3A_140 = tpu.memref_slice %arg2[%squeeze3A_132, %dma_start3A_139] : memref<1000000x64xf32, #tpu.memory_space<hbm>> -> memref<1x64xf32, #tpu.memory_space<hbm>>
        %dma_start3A_141 = arith.constant 0 : i32
        %dma_start3A_142 = tpu.memref_slice %arg6[%add3A_136, %dma_start3A_141] : memref<512x64xf32, #tpu.memory_space<vmem>> -> memref<1x64xf32, #tpu.memory_space<vmem>>
        %dma_start3A_143 = arith.constant 0 : i32
        %dma_start3A_144 = tpu.memref_slice %arg2[%squeeze3A_132, %dma_start3A_143] : memref<1000000x64xf32, #tpu.memory_space<hbm>> -> memref<1x64xf32, #tpu.memory_space<hbm>>
        tpu.enqueue_dma source(%dma_start3A_144 : memref<1x64xf32, #tpu.memory_space<hbm>>) target(%dma_start3A_142 : memref<1x64xf32, #tpu.memory_space<vmem>>) target_semaphore(%arg7 : memref<!tpu.dma_semaphore, #tpu.memory_space<semaphore_mem>>)
        %slice3A_145 = vector.extract_strided_slice %get3A_105 {offsets = [3], sizes = [1], strides = [1]} : vector<16xi32> to vector<1xi32>
        %squeeze3A_146 = vector.extract %slice3A_145[0] : i32 from vector<1xi32>
        %mul3A_147 = arith.constant 16 : i32
        %mul3A_148 = arith.muli %scan3A_101, %mul3A_147 : i32
        %add3A_149 = arith.constant 3 : i32
        %add3A_150 = arith.addi %mul3A_148, %add3A_149 : i32
        %dma_start3A_151 = arith.constant 0 : i32
        %dma_start3A_152 = tpu.memref_slice %arg6[%add3A_150, %dma_start3A_151] : memref<512x64xf32, #tpu.memory_space<vmem>> -> memref<1x64xf32, #tpu.memory_space<vmem>>
        %dma_start3A_153 = arith.constant 0 : i32
        %dma_start3A_154 = tpu.memref_slice %arg2[%squeeze3A_146, %dma_start3A_153] : memref<1000000x64xf32, #tpu.memory_space<hbm>> -> memref<1x64xf32, #tpu.memory_space<hbm>>
        %dma_start3A_155 = arith.constant 0 : i32
        %dma_start3A_156 = tpu.memref_slice %arg6[%add3A_150, %dma_start3A_155] : memref<512x64xf32, #tpu.memory_space<vmem>> -> memref<1x64xf32, #tpu.memory_space<vmem>>
        %dma_start3A_157 = arith.constant 0 : i32
        %dma_start3A_158 = tpu.memref_slice %arg2[%squeeze3A_146, %dma_start3A_157] : memref<1000000x64xf32, #tpu.memory_space<hbm>> -> memref<1x64xf32, #tpu.memory_space<hbm>>
        tpu.enqueue_dma source(%dma_start3A_158 : memref<1x64xf32, #tpu.memory_space<hbm>>) target(%dma_start3A_156 : memref<1x64xf32, #tpu.memory_space<vmem>>) target_semaphore(%arg7 : memref<!tpu.dma_semaphore, #tpu.memory_space<semaphore_mem>>)
        %slice3A_159 = vector.extract_strided_slice %get3A_105 {offsets = [4], sizes = [1], strides = [1]} : vector<16xi32> to vector<1xi32>
        %squeeze3A_160 = vector.extract %slice3A_159[0] : i32 from vector<1xi32>
        %mul3A_161 = arith.constant 16 : i32
        %mul3A_162 = arith.muli %scan3A_101, %mul3A_161 : i32
        %add3A_163 = arith.constant 4 : i32
        %add3A_164 = arith.addi %mul3A_162, %add3A_163 : i32
        %dma_start3A_165 = arith.constant 0 : i32
        %dma_start3A_166 = tpu.memref_slice %arg6[%add3A_164, %dma_start3A_165] : memref<512x64xf32, #tpu.memory_space<vmem>> -> memref<1x64xf32, #tpu.memory_space<vmem>>
        %dma_start3A_167 = arith.constant 0 : i32
        %dma_start3A_168 = tpu.memref_slice %arg2[%squeeze3A_160, %dma_start3A_167] : memref<1000000x64xf32, #tpu.memory_space<hbm>> -> memref<1x64xf32, #tpu.memory_space<hbm>>
        %dma_start3A_169 = arith.constant 0 : i32
        %dma_start3A_170 = tpu.memref_slice %arg6[%add3A_164, %dma_start3A_169] : memref<512x64xf32, #tpu.memory_space<vmem>> -> memref<1x64xf32, #tpu.memory_space<vmem>>
        %dma_start3A_171 = arith.constant 0 : i32
        %dma_start3A_172 = tpu.memref_slice %arg2[%squeeze3A_160, %dma_start3A_171] : memref<1000000x64xf32, #tpu.memory_space<hbm>> -> memref<1x64xf32, #tpu.memory_space<hbm>>
        tpu.enqueue_dma source(%dma_start3A_172 : memref<1x64xf32, #tpu.memory_space<hbm>>) target(%dma_start3A_170 : memref<1x64xf32, #tpu.memory_space<vmem>>) target_semaphore(%arg7 : memref<!tpu.dma_semaphore, #tpu.memory_space<semaphore_mem>>)
        %slice3A_173 = vector.extract_strided_slice %get3A_105 {offsets = [5], sizes = [1], strides = [1]} : vector<16xi32> to vector<1xi32>
        %squeeze3A_174 = vector.extract %slice3A_173[0] : i32 from vector<1xi32>
        %mul3A_175 = arith.constant 16 : i32
        %mul3A_176 = arith.muli %scan3A_101, %mul3A_175 : i32
        %add3A_177 = arith.constant 5 : i32
        %add3A_178 = arith.addi %mul3A_176, %add3A_177 : i32
        %dma_start3A_179 = arith.constant 0 : i32
        %dma_start3A_180 = tpu.memref_slice %arg6[%add3A_178, %dma_start3A_179] : memref<512x64xf32, #tpu.memory_space<vmem>> -> memref<1x64xf32, #tpu.memory_space<vmem>>
        %dma_start3A_181 = arith.constant 0 : i32
        %dma_start3A_182 = tpu.memref_slice %arg2[%squeeze3A_174, %dma_start3A_181] : memref<1000000x64xf32, #tpu.memory_space<hbm>> -> memref<1x64xf32, #tpu.memory_space<hbm>>
        %dma_start3A_183 = arith.constant 0 : i32
        %dma_start3A_184 = tpu.memref_slice %arg6[%add3A_178, %dma_start3A_183] : memref<512x64xf32, #tpu.memory_space<vmem>> -> memref<1x64xf32, #tpu.memory_space<vmem>>
        %dma_start3A_185 = arith.constant 0 : i32
        %dma_start3A_186 = tpu.memref_slice %arg2[%squeeze3A_174, %dma_start3A_185] : memref<1000000x64xf32, #tpu.memory_space<hbm>> -> memref<1x64xf32, #tpu.memory_space<hbm>>
        tpu.enqueue_dma source(%dma_start3A_186 : memref<1x64xf32, #tpu.memory_space<hbm>>) target(%dma_start3A_184 : memref<1x64xf32, #tpu.memory_space<vmem>>) target_semaphore(%arg7 : memref<!tpu.dma_semaphore, #tpu.memory_space<semaphore_mem>>)
        %slice3A_187 = vector.extract_strided_slice %get3A_105 {offsets = [6], sizes = [1], strides = [1]} : vector<16xi32> to vector<1xi32>
        %squeeze3A_188 = vector.extract %slice3A_187[0] : i32 from vector<1xi32>
        %mul3A_189 = arith.constant 16 : i32
        %mul3A_190 = arith.muli %scan3A_101, %mul3A_189 : i32
        %add3A_191 = arith.constant 6 : i32
        %add3A_192 = arith.addi %mul3A_190, %add3A_191 : i32
        %dma_start3A_193 = arith.constant 0 : i32
        %dma_start3A_194 = tpu.memref_slice %arg6[%add3A_192, %dma_start3A_193] : memref<512x64xf32, #tpu.memory_space<vmem>> -> memref<1x64xf32, #tpu.memory_space<vmem>>
        %dma_start3A_195 = arith.constant 0 : i32
        %dma_start3A_196 = tpu.memref_slice %arg2[%squeeze3A_188, %dma_start3A_195] : memref<1000000x64xf32, #tpu.memory_space<hbm>> -> memref<1x64xf32, #tpu.memory_space<hbm>>
        %dma_start3A_197 = arith.constant 0 : i32
        %dma_start3A_198 = tpu.memref_slice %arg6[%add3A_192, %dma_start3A_197] : memref<512x64xf32, #tpu.memory_space<vmem>> -> memref<1x64xf32, #tpu.memory_space<vmem>>
        %dma_start3A_199 = arith.constant 0 : i32
        %dma_start3A_200 = tpu.memref_slice %arg2[%squeeze3A_188, %dma_start3A_199] : memref<1000000x64xf32, #tpu.memory_space<hbm>> -> memref<1x64xf32, #tpu.memory_space<hbm>>
        tpu.enqueue_dma source(%dma_start3A_200 : memref<1x64xf32, #tpu.memory_space<hbm>>) target(%dma_start3A_198 : memref<1x64xf32, #tpu.memory_space<vmem>>) target_semaphore(%arg7 : memref<!tpu.dma_semaphore, #tpu.memory_space<semaphore_mem>>)
        %slice3A_201 = vector.extract_strided_slice %get3A_105 {offsets = [7], sizes = [1], strides = [1]} : vector<16xi32> to vector<1xi32>
        %squeeze3A_202 = vector.extract %slice3A_201[0] : i32 from vector<1xi32>
        %mul3A_203 = arith.constant 16 : i32
        %mul3A_204 = arith.muli %scan3A_101, %mul3A_203 : i32
        %add3A_205 = arith.constant 7 : i32
        %add3A_206 = arith.addi %mul3A_204, %add3A_205 : i32
        %dma_start3A_207 = arith.constant 0 : i32
        %dma_start3A_208 = tpu.memref_slice %arg6[%add3A_206, %dma_start3A_207] : memref<512x64xf32, #tpu.memory_space<vmem>> -> memref<1x64xf32, #tpu.memory_space<vmem>>
        %dma_start3A_209 = arith.constant 0 : i32
        %dma_start3A_210 = tpu.memref_slice %arg2[%squeeze3A_202, %dma_start3A_209] : memref<1000000x64xf32, #tpu.memory_space<hbm>> -> memref<1x64xf32, #tpu.memory_space<hbm>>
        %dma_start3A_211 = arith.constant 0 : i32
        %dma_start3A_212 = tpu.memref_slice %arg6[%add3A_206, %dma_start3A_211] : memref<512x64xf32, #tpu.memory_space<vmem>> -> memref<1x64xf32, #tpu.memory_space<vmem>>
        %dma_start3A_213 = arith.constant 0 : i32
        %dma_start3A_214 = tpu.memref_slice %arg2[%squeeze3A_202, %dma_start3A_213] : memref<1000000x64xf32, #tpu.memory_space<hbm>> -> memref<1x64xf32, #tpu.memory_space<hbm>>
        tpu.enqueue_dma source(%dma_start3A_214 : memref<1x64xf32, #tpu.memory_space<hbm>>) target(%dma_start3A_212 : memref<1x64xf32, #tpu.memory_space<vmem>>) target_semaphore(%arg7 : memref<!tpu.dma_semaphore, #tpu.memory_space<semaphore_mem>>)
        %slice3A_215 = vector.extract_strided_slice %get3A_105 {offsets = [8], sizes = [1], strides = [1]} : vector<16xi32> to vector<1xi32>
        %squeeze3A_216 = vector.extract %slice3A_215[0] : i32 from vector<1xi32>
        %mul3A_217 = arith.constant 16 : i32
        %mul3A_218 = arith.muli %scan3A_101, %mul3A_217 : i32
        %add3A_219 = arith.constant 8 : i32
        %add3A_220 = arith.addi %mul3A_218, %add3A_219 : i32
        %dma_start3A_221 = arith.constant 0 : i32
        %dma_start3A_222 = tpu.memref_slice %arg6[%add3A_220, %dma_start3A_221] : memref<512x64xf32, #tpu.memory_space<vmem>> -> memref<1x64xf32, #tpu.memory_space<vmem>>
        %dma_start3A_223 = arith.constant 0 : i32
        %dma_start3A_224 = tpu.memref_slice %arg2[%squeeze3A_216, %dma_start3A_223] : memref<1000000x64xf32, #tpu.memory_space<hbm>> -> memref<1x64xf32, #tpu.memory_space<hbm>>
        %dma_start3A_225 = arith.constant 0 : i32
        %dma_start3A_226 = tpu.memref_slice %arg6[%add3A_220, %dma_start3A_225] : memref<512x64xf32, #tpu.memory_space<vmem>> -> memref<1x64xf32, #tpu.memory_space<vmem>>
        %dma_start3A_227 = arith.constant 0 : i32
        %dma_start3A_228 = tpu.memref_slice %arg2[%squeeze3A_216, %dma_start3A_227] : memref<1000000x64xf32, #tpu.memory_space<hbm>> -> memref<1x64xf32, #tpu.memory_space<hbm>>
        tpu.enqueue_dma source(%dma_start3A_228 : memref<1x64xf32, #tpu.memory_space<hbm>>) target(%dma_start3A_226 : memref<1x64xf32, #tpu.memory_space<vmem>>) target_semaphore(%arg7 : memref<!tpu.dma_semaphore, #tpu.memory_space<semaphore_mem>>)
        %slice3A_229 = vector.extract_strided_slice %get3A_105 {offsets = [9], sizes = [1], strides = [1]} : vector<16xi32> to vector<1xi32>
        %squeeze3A_230 = vector.extract %slice3A_229[0] : i32 from vector<1xi32>
        %mul3A_231 = arith.constant 16 : i32
        %mul3A_232 = arith.muli %scan3A_101, %mul3A_231 : i32
        %add3A_233 = arith.constant 9 : i32
        %add3A_234 = arith.addi %mul3A_232, %add3A_233 : i32
        %dma_start3A_235 = arith.constant 0 : i32
        %dma_start3A_236 = tpu.memref_slice %arg6[%add3A_234, %dma_start3A_235] : memref<512x64xf32, #tpu.memory_space<vmem>> -> memref<1x64xf32, #tpu.memory_space<vmem>>
        %dma_start3A_237 = arith.constant 0 : i32
        %dma_start3A_238 = tpu.memref_slice %arg2[%squeeze3A_230, %dma_start3A_237] : memref<1000000x64xf32, #tpu.memory_space<hbm>> -> memref<1x64xf32, #tpu.memory_space<hbm>>
        %dma_start3A_239 = arith.constant 0 : i32
        %dma_start3A_240 = tpu.memref_slice %arg6[%add3A_234, %dma_start3A_239] : memref<512x64xf32, #tpu.memory_space<vmem>> -> memref<1x64xf32, #tpu.memory_space<vmem>>
        %dma_start3A_241 = arith.constant 0 : i32
        %dma_start3A_242 = tpu.memref_slice %arg2[%squeeze3A_230, %dma_start3A_241] : memref<1000000x64xf32, #tpu.memory_space<hbm>> -> memref<1x64xf32, #tpu.memory_space<hbm>>
        tpu.enqueue_dma source(%dma_start3A_242 : memref<1x64xf32, #tpu.memory_space<hbm>>) target(%dma_start3A_240 : memref<1x64xf32, #tpu.memory_space<vmem>>) target_semaphore(%arg7 : memref<!tpu.dma_semaphore, #tpu.memory_space<semaphore_mem>>)
        %slice3A_243 = vector.extract_strided_slice %get3A_105 {offsets = [10], sizes = [1], strides = [1]} : vector<16xi32> to vector<1xi32>
        %squeeze3A_244 = vector.extract %slice3A_243[0] : i32 from vector<1xi32>
        %mul3A_245 = arith.constant 16 : i32
        %mul3A_246 = arith.muli %scan3A_101, %mul3A_245 : i32
        %add3A_247 = arith.constant 10 : i32
        %add3A_248 = arith.addi %mul3A_246, %add3A_247 : i32
        %dma_start3A_249 = arith.constant 0 : i32
        %dma_start3A_250 = tpu.memref_slice %arg6[%add3A_248, %dma_start3A_249] : memref<512x64xf32, #tpu.memory_space<vmem>> -> memref<1x64xf32, #tpu.memory_space<vmem>>
        %dma_start3A_251 = arith.constant 0 : i32
        %dma_start3A_252 = tpu.memref_slice %arg2[%squeeze3A_244, %dma_start3A_251] : memref<1000000x64xf32, #tpu.memory_space<hbm>> -> memref<1x64xf32, #tpu.memory_space<hbm>>
        %dma_start3A_253 = arith.constant 0 : i32
        %dma_start3A_254 = tpu.memref_slice %arg6[%add3A_248, %dma_start3A_253] : memref<512x64xf32, #tpu.memory_space<vmem>> -> memref<1x64xf32, #tpu.memory_space<vmem>>
        %dma_start3A_255 = arith.constant 0 : i32
        %dma_start3A_256 = tpu.memref_slice %arg2[%squeeze3A_244, %dma_start3A_255] : memref<1000000x64xf32, #tpu.memory_space<hbm>> -> memref<1x64xf32, #tpu.memory_space<hbm>>
        tpu.enqueue_dma source(%dma_start3A_256 : memref<1x64xf32, #tpu.memory_space<hbm>>) target(%dma_start3A_254 : memref<1x64xf32, #tpu.memory_space<vmem>>) target_semaphore(%arg7 : memref<!tpu.dma_semaphore, #tpu.memory_space<semaphore_mem>>)
        %slice3A_257 = vector.extract_strided_slice %get3A_105 {offsets = [11], sizes = [1], strides = [1]} : vector<16xi32> to vector<1xi32>
        %squeeze3A_258 = vector.extract %slice3A_257[0] : i32 from vector<1xi32>
        %mul3A_259 = arith.constant 16 : i32
        %mul3A_260 = arith.muli %scan3A_101, %mul3A_259 : i32
        %add3A_261 = arith.constant 11 : i32
        %add3A_262 = arith.addi %mul3A_260, %add3A_261 : i32
        %dma_start3A_263 = arith.constant 0 : i32
        %dma_start3A_264 = tpu.memref_slice %arg6[%add3A_262, %dma_start3A_263] : memref<512x64xf32, #tpu.memory_space<vmem>> -> memref<1x64xf32, #tpu.memory_space<vmem>>
        %dma_start3A_265 = arith.constant 0 : i32
        %dma_start3A_266 = tpu.memref_slice %arg2[%squeeze3A_258, %dma_start3A_265] : memref<1000000x64xf32, #tpu.memory_space<hbm>> -> memref<1x64xf32, #tpu.memory_space<hbm>>
        %dma_start3A_267 = arith.constant 0 : i32
        %dma_start3A_268 = tpu.memref_slice %arg6[%add3A_262, %dma_start3A_267] : memref<512x64xf32, #tpu.memory_space<vmem>> -> memref<1x64xf32, #tpu.memory_space<vmem>>
        %dma_start3A_269 = arith.constant 0 : i32
        %dma_start3A_270 = tpu.memref_slice %arg2[%squeeze3A_258, %dma_start3A_269] : memref<1000000x64xf32, #tpu.memory_space<hbm>> -> memref<1x64xf32, #tpu.memory_space<hbm>>
        tpu.enqueue_dma source(%dma_start3A_270 : memref<1x64xf32, #tpu.memory_space<hbm>>) target(%dma_start3A_268 : memref<1x64xf32, #tpu.memory_space<vmem>>) target_semaphore(%arg7 : memref<!tpu.dma_semaphore, #tpu.memory_space<semaphore_mem>>)
        %slice3A_271 = vector.extract_strided_slice %get3A_105 {offsets = [12], sizes = [1], strides = [1]} : vector<16xi32> to vector<1xi32>
        %squeeze3A_272 = vector.extract %slice3A_271[0] : i32 from vector<1xi32>
        %mul3A_273 = arith.constant 16 : i32
        %mul3A_274 = arith.muli %scan3A_101, %mul3A_273 : i32
        %add3A_275 = arith.constant 12 : i32
        %add3A_276 = arith.addi %mul3A_274, %add3A_275 : i32
        %dma_start3A_277 = arith.constant 0 : i32
        %dma_start3A_278 = tpu.memref_slice %arg6[%add3A_276, %dma_start3A_277] : memref<512x64xf32, #tpu.memory_space<vmem>> -> memref<1x64xf32, #tpu.memory_space<vmem>>
        %dma_start3A_279 = arith.constant 0 : i32
        %dma_start3A_280 = tpu.memref_slice %arg2[%squeeze3A_272, %dma_start3A_279] : memref<1000000x64xf32, #tpu.memory_space<hbm>> -> memref<1x64xf32, #tpu.memory_space<hbm>>
        %dma_start3A_281 = arith.constant 0 : i32
        %dma_start3A_282 = tpu.memref_slice %arg6[%add3A_276, %dma_start3A_281] : memref<512x64xf32, #tpu.memory_space<vmem>> -> memref<1x64xf32, #tpu.memory_space<vmem>>
        %dma_start3A_283 = arith.constant 0 : i32
        %dma_start3A_284 = tpu.memref_slice %arg2[%squeeze3A_272, %dma_start3A_283] : memref<1000000x64xf32, #tpu.memory_space<hbm>> -> memref<1x64xf32, #tpu.memory_space<hbm>>
        tpu.enqueue_dma source(%dma_start3A_284 : memref<1x64xf32, #tpu.memory_space<hbm>>) target(%dma_start3A_282 : memref<1x64xf32, #tpu.memory_space<vmem>>) target_semaphore(%arg7 : memref<!tpu.dma_semaphore, #tpu.memory_space<semaphore_mem>>)
        %slice3A_285 = vector.extract_strided_slice %get3A_105 {offsets = [13], sizes = [1], strides = [1]} : vector<16xi32> to vector<1xi32>
        %squeeze3A_286 = vector.extract %slice3A_285[0] : i32 from vector<1xi32>
        %mul3A_287 = arith.constant 16 : i32
        %mul3A_288 = arith.muli %scan3A_101, %mul3A_287 : i32
        %add3A_289 = arith.constant 13 : i32
        %add3A_290 = arith.addi %mul3A_288, %add3A_289 : i32
        %dma_start3A_291 = arith.constant 0 : i32
        %dma_start3A_292 = tpu.memref_slice %arg6[%add3A_290, %dma_start3A_291] : memref<512x64xf32, #tpu.memory_space<vmem>> -> memref<1x64xf32, #tpu.memory_space<vmem>>
        %dma_start3A_293 = arith.constant 0 : i32
        %dma_start3A_294 = tpu.memref_slice %arg2[%squeeze3A_286, %dma_start3A_293] : memref<1000000x64xf32, #tpu.memory_space<hbm>> -> memref<1x64xf32, #tpu.memory_space<hbm>>
        %dma_start3A_295 = arith.constant 0 : i32
        %dma_start3A_296 = tpu.memref_slice %arg6[%add3A_290, %dma_start3A_295] : memref<512x64xf32, #tpu.memory_space<vmem>> -> memref<1x64xf32, #tpu.memory_space<vmem>>
        %dma_start3A_297 = arith.constant 0 : i32
        %dma_start3A_298 = tpu.memref_slice %arg2[%squeeze3A_286, %dma_start3A_297] : memref<1000000x64xf32, #tpu.memory_space<hbm>> -> memref<1x64xf32, #tpu.memory_space<hbm>>
        tpu.enqueue_dma source(%dma_start3A_298 : memref<1x64xf32, #tpu.memory_space<hbm>>) target(%dma_start3A_296 : memref<1x64xf32, #tpu.memory_space<vmem>>) target_semaphore(%arg7 : memref<!tpu.dma_semaphore, #tpu.memory_space<semaphore_mem>>)
        %slice3A_299 = vector.extract_strided_slice %get3A_105 {offsets = [14], sizes = [1], strides = [1]} : vector<16xi32> to vector<1xi32>
        %squeeze3A_300 = vector.extract %slice3A_299[0] : i32 from vector<1xi32>
        %mul3A_301 = arith.constant 16 : i32
        %mul3A_302 = arith.muli %scan3A_101, %mul3A_301 : i32
        %add3A_303 = arith.constant 14 : i32
        %add3A_304 = arith.addi %mul3A_302, %add3A_303 : i32
        %dma_start3A_305 = arith.constant 0 : i32
        %dma_start3A_306 = tpu.memref_slice %arg6[%add3A_304, %dma_start3A_305] : memref<512x64xf32, #tpu.memory_space<vmem>> -> memref<1x64xf32, #tpu.memory_space<vmem>>
        %dma_start3A_307 = arith.constant 0 : i32
        %dma_start3A_308 = tpu.memref_slice %arg2[%squeeze3A_300, %dma_start3A_307] : memref<1000000x64xf32, #tpu.memory_space<hbm>> -> memref<1x64xf32, #tpu.memory_space<hbm>>
        %dma_start3A_309 = arith.constant 0 : i32
        %dma_start3A_310 = tpu.memref_slice %arg6[%add3A_304, %dma_start3A_309] : memref<512x64xf32, #tpu.memory_space<vmem>> -> memref<1x64xf32, #tpu.memory_space<vmem>>
        %dma_start3A_311 = arith.constant 0 : i32
        %dma_start3A_312 = tpu.memref_slice %arg2[%squeeze3A_300, %dma_start3A_311] : memref<1000000x64xf32, #tpu.memory_space<hbm>> -> memref<1x64xf32, #tpu.memory_space<hbm>>
        tpu.enqueue_dma source(%dma_start3A_312 : memref<1x64xf32, #tpu.memory_space<hbm>>) target(%dma_start3A_310 : memref<1x64xf32, #tpu.memory_space<vmem>>) target_semaphore(%arg7 : memref<!tpu.dma_semaphore, #tpu.memory_space<semaphore_mem>>)
        %slice3A_313 = vector.extract_strided_slice %get3A_105 {offsets = [15], sizes = [1], strides = [1]} : vector<16xi32> to vector<1xi32>
        %squeeze3A_314 = vector.extract %slice3A_313[0] : i32 from vector<1xi32>
        %mul3A_315 = arith.constant 16 : i32
        %mul3A_316 = arith.muli %scan3A_101, %mul3A_315 : i32
        %add3A_317 = arith.constant 15 : i32
        %add3A_318 = arith.addi %mul3A_316, %add3A_317 : i32
        %dma_start3A_319 = arith.constant 0 : i32
        %dma_start3A_320 = tpu.memref_slice %arg6[%add3A_318, %dma_start3A_319] : memref<512x64xf32, #tpu.memory_space<vmem>> -> memref<1x64xf32, #tpu.memory_space<vmem>>
        %dma_start3A_321 = arith.constant 0 : i32
        %dma_start3A_322 = tpu.memref_slice %arg2[%squeeze3A_314, %dma_start3A_321] : memref<1000000x64xf32, #tpu.memory_space<hbm>> -> memref<1x64xf32, #tpu.memory_space<hbm>>
        %dma_start3A_323 = arith.constant 0 : i32
        %dma_start3A_324 = tpu.memref_slice %arg6[%add3A_318, %dma_start3A_323] : memref<512x64xf32, #tpu.memory_space<vmem>> -> memref<1x64xf32, #tpu.memory_space<vmem>>
        %dma_start3A_325 = arith.constant 0 : i32
        %dma_start3A_326 = tpu.memref_slice %arg2[%squeeze3A_314, %dma_start3A_325] : memref<1000000x64xf32, #tpu.memory_space<hbm>> -> memref<1x64xf32, #tpu.memory_space<hbm>>
        tpu.enqueue_dma source(%dma_start3A_326 : memref<1x64xf32, #tpu.memory_space<hbm>>) target(%dma_start3A_324 : memref<1x64xf32, #tpu.memory_space<vmem>>) target_semaphore(%arg7 : memref<!tpu.dma_semaphore, #tpu.memory_space<semaphore_mem>>)
        %gt3A = arith.constant 3 : i32
        %gt3A_327 = arith.cmpi sgt, %scan3A_101, %gt3A : i32
        %convert_element_type3A_328 = arith.extui %gt3A_327 : i1 to i32
        %cond3A_329 = arith.constant 0 : i32
        %cond3A_330 = arith.cmpi ne, %convert_element_type3A_328, %cond3A_329 : i32
        scf.if %cond3A_330 {
          %dma_wait3A_331 = arith.constant 0 : i32
          %dma_wait3A_332 = arith.constant 0 : i32
          %dma_wait3A_333 = tpu.memref_slice %arg6[%dma_wait3A_331, %dma_wait3A_332] : memref<512x64xf32, #tpu.memory_space<vmem>> -> memref<16x64xf32, #tpu.memory_space<vmem>>
          %dma_wait3A_334 = arith.constant 0 : i32
          %dma_wait3A_335 = arith.constant 0 : i32
          %dma_wait3A_336 = tpu.memref_slice %arg2[%dma_wait3A_334, %dma_wait3A_335] : memref<1000000x64xf32, #tpu.memory_space<hbm>> -> memref<16x64xf32, #tpu.memory_space<hbm>>
          %dma_wait3A_337 = arith.constant 0 : i32
          %dma_wait3A_338 = arith.constant 0 : i32
          %dma_wait3A_339 = tpu.memref_slice %arg6[%dma_wait3A_337, %dma_wait3A_338] : memref<512x64xf32, #tpu.memory_space<vmem>> -> memref<16x64xf32, #tpu.memory_space<vmem>>
          %dma_wait3A_340 = arith.constant 0 : i32
          %dma_wait3A_341 = arith.constant 0 : i32
          %dma_wait3A_342 = tpu.memref_slice %arg2[%dma_wait3A_340, %dma_wait3A_341] : memref<1000000x64xf32, #tpu.memory_space<hbm>> -> memref<16x64xf32, #tpu.memory_space<hbm>>
          tpu.wait_dma2 semaphore(%arg7 : memref<!tpu.dma_semaphore, #tpu.memory_space<semaphore_mem>>) src(%dma_wait3A_342 : memref<16x64xf32, #tpu.memory_space<hbm>>) dst(%dma_wait3A_339 : memref<16x64xf32, #tpu.memory_space<vmem>>)
        } else {
        }
      }
      %scan3A_53 = arith.constant 32 : i32
      %dma_wait3A = arith.constant 0 : i32
      %dma_wait3A_54 = arith.constant 0 : i32
      %dma_wait3A_55 = tpu.memref_slice %arg6[%dma_wait3A, %dma_wait3A_54] : memref<512x64xf32, #tpu.memory_space<vmem>> -> memref<16x64xf32, #tpu.memory_space<vmem>>
      %dma_wait3A_56 = arith.constant 0 : i32
      %dma_wait3A_57 = arith.constant 0 : i32
      %dma_wait3A_58 = tpu.memref_slice %arg2[%dma_wait3A_56, %dma_wait3A_57] : memref<1000000x64xf32, #tpu.memory_space<hbm>> -> memref<16x64xf32, #tpu.memory_space<hbm>>
      %dma_wait3A_59 = arith.constant 0 : i32
      %dma_wait3A_60 = arith.constant 0 : i32
      %dma_wait3A_61 = tpu.memref_slice %arg6[%dma_wait3A_59, %dma_wait3A_60] : memref<512x64xf32, #tpu.memory_space<vmem>> -> memref<16x64xf32, #tpu.memory_space<vmem>>
      %dma_wait3A_62 = arith.constant 0 : i32
      %dma_wait3A_63 = arith.constant 0 : i32
      %dma_wait3A_64 = tpu.memref_slice %arg2[%dma_wait3A_62, %dma_wait3A_63] : memref<1000000x64xf32, #tpu.memory_space<hbm>> -> memref<16x64xf32, #tpu.memory_space<hbm>>
      tpu.wait_dma2 semaphore(%arg7 : memref<!tpu.dma_semaphore, #tpu.memory_space<semaphore_mem>>) src(%dma_wait3A_64 : memref<16x64xf32, #tpu.memory_space<hbm>>) dst(%dma_wait3A_61 : memref<16x64xf32, #tpu.memory_space<vmem>>)
      %dma_wait3A_65 = arith.constant 0 : i32
      %dma_wait3A_66 = arith.constant 0 : i32
      %dma_wait3A_67 = tpu.memref_slice %arg6[%dma_wait3A_65, %dma_wait3A_66] : memref<512x64xf32, #tpu.memory_space<vmem>> -> memref<16x64xf32, #tpu.memory_space<vmem>>
      %dma_wait3A_68 = arith.constant 0 : i32
      %dma_wait3A_69 = arith.constant 0 : i32
      %dma_wait3A_70 = tpu.memref_slice %arg2[%dma_wait3A_68, %dma_wait3A_69] : memref<1000000x64xf32, #tpu.memory_space<hbm>> -> memref<16x64xf32, #tpu.memory_space<hbm>>
      %dma_wait3A_71 = arith.constant 0 : i32
      %dma_wait3A_72 = arith.constant 0 : i32
      %dma_wait3A_73 = tpu.memref_slice %arg6[%dma_wait3A_71, %dma_wait3A_72] : memref<512x64xf32, #tpu.memory_space<vmem>> -> memref<16x64xf32, #tpu.memory_space<vmem>>
      %dma_wait3A_74 = arith.constant 0 : i32
      %dma_wait3A_75 = arith.constant 0 : i32
      %dma_wait3A_76 = tpu.memref_slice %arg2[%dma_wait3A_74, %dma_wait3A_75] : memref<1000000x64xf32, #tpu.memory_space<hbm>> -> memref<16x64xf32, #tpu.memory_space<hbm>>
      tpu.wait_dma2 semaphore(%arg7 : memref<!tpu.dma_semaphore, #tpu.memory_space<semaphore_mem>>) src(%dma_wait3A_76 : memref<16x64xf32, #tpu.memory_space<hbm>>) dst(%dma_wait3A_73 : memref<16x64xf32, #tpu.memory_space<vmem>>)
      %dma_wait3A_77 = arith.constant 0 : i32
      %dma_wait3A_78 = arith.constant 0 : i32
      %dma_wait3A_79 = tpu.memref_slice %arg6[%dma_wait3A_77, %dma_wait3A_78] : memref<512x64xf32, #tpu.memory_space<vmem>> -> memref<16x64xf32, #tpu.memory_space<vmem>>
      %dma_wait3A_80 = arith.constant 0 : i32
      %dma_wait3A_81 = arith.constant 0 : i32
      %dma_wait3A_82 = tpu.memref_slice %arg2[%dma_wait3A_80, %dma_wait3A_81] : memref<1000000x64xf32, #tpu.memory_space<hbm>> -> memref<16x64xf32, #tpu.memory_space<hbm>>
      %dma_wait3A_83 = arith.constant 0 : i32
      %dma_wait3A_84 = arith.constant 0 : i32
      %dma_wait3A_85 = tpu.memref_slice %arg6[%dma_wait3A_83, %dma_wait3A_84] : memref<512x64xf32, #tpu.memory_space<vmem>> -> memref<16x64xf32, #tpu.memory_space<vmem>>
      %dma_wait3A_86 = arith.constant 0 : i32
      %dma_wait3A_87 = arith.constant 0 : i32
      %dma_wait3A_88 = tpu.memref_slice %arg2[%dma_wait3A_86, %dma_wait3A_87] : memref<1000000x64xf32, #tpu.memory_space<hbm>> -> memref<16x64xf32, #tpu.memory_space<hbm>>
      tpu.wait_dma2 semaphore(%arg7 : memref<!tpu.dma_semaphore, #tpu.memory_space<semaphore_mem>>) src(%dma_wait3A_88 : memref<16x64xf32, #tpu.memory_space<hbm>>) dst(%dma_wait3A_85 : memref<16x64xf32, #tpu.memory_space<vmem>>)
      %dma_wait3A_89 = arith.constant 0 : i32
      %dma_wait3A_90 = arith.constant 0 : i32
      %dma_wait3A_91 = tpu.memref_slice %arg6[%dma_wait3A_89, %dma_wait3A_90] : memref<512x64xf32, #tpu.memory_space<vmem>> -> memref<16x64xf32, #tpu.memory_space<vmem>>
      %dma_wait3A_92 = arith.constant 0 : i32
      %dma_wait3A_93 = arith.constant 0 : i32
      %dma_wait3A_94 = tpu.memref_slice %arg2[%dma_wait3A_92, %dma_wait3A_93] : memref<1000000x64xf32, #tpu.memory_space<hbm>> -> memref<16x64xf32, #tpu.memory_space<hbm>>
      %dma_wait3A_95 = arith.constant 0 : i32
      %dma_wait3A_96 = arith.constant 0 : i32
      %dma_wait3A_97 = tpu.memref_slice %arg6[%dma_wait3A_95, %dma_wait3A_96] : memref<512x64xf32, #tpu.memory_space<vmem>> -> memref<16x64xf32, #tpu.memory_space<vmem>>
      %dma_wait3A_98 = arith.constant 0 : i32
      %dma_wait3A_99 = arith.constant 0 : i32
      %dma_wait3A_100 = tpu.memref_slice %arg2[%dma_wait3A_98, %dma_wait3A_99] : memref<1000000x64xf32, #tpu.memory_space<hbm>> -> memref<16x64xf32, #tpu.memory_space<hbm>>
      tpu.wait_dma2 semaphore(%arg7 : memref<!tpu.dma_semaphore, #tpu.memory_space<semaphore_mem>>) src(%dma_wait3A_100 : memref<16x64xf32, #tpu.memory_space<hbm>>) dst(%dma_wait3A_97 : memref<16x64xf32, #tpu.memory_space<vmem>>)
      "tpu.region"() ({
        %run_scoped3A = tpu.sem_alloc : memref<!tpu.dma_semaphore, #tpu.memory_space<semaphore_mem>>
        %dma_start3A = arith.constant 0 : i32
        %dma_start3A_101 = tpu.memref_slice %arg4[%multiple_of3A, %dma_start3A] : memref<100000x64xf32, #tpu.memory_space<hbm>> -> memref<512x64xf32, #tpu.memory_space<hbm>>
        %dma_start3A_102 = arith.constant 0 : i32
        %dma_start3A_103 = tpu.memref_slice %arg4[%multiple_of3A, %dma_start3A_102] : memref<100000x64xf32, #tpu.memory_space<hbm>> -> memref<512x64xf32, #tpu.memory_space<hbm>>
        tpu.enqueue_dma source(%arg6 : memref<512x64xf32, #tpu.memory_space<vmem>>) target(%dma_start3A_103 : memref<512x64xf32, #tpu.memory_space<hbm>>) target_semaphore(%run_scoped3A : memref<!tpu.dma_semaphore, #tpu.memory_space<semaphore_mem>>)
        %dma_wait3A_104 = arith.constant 0 : i32
        %dma_wait3A_105 = tpu.memref_slice %arg4[%multiple_of3A, %dma_wait3A_104] : memref<100000x64xf32, #tpu.memory_space<hbm>> -> memref<512x64xf32, #tpu.memory_space<hbm>>
        %dma_wait3A_106 = arith.constant 0 : i32
        %dma_wait3A_107 = tpu.memref_slice %arg4[%multiple_of3A, %dma_wait3A_106] : memref<100000x64xf32, #tpu.memory_space<hbm>> -> memref<512x64xf32, #tpu.memory_space<hbm>>
        tpu.wait_dma2 semaphore(%run_scoped3A : memref<!tpu.dma_semaphore, #tpu.memory_space<semaphore_mem>>) src(%arg6 : memref<512x64xf32, #tpu.memory_space<vmem>>) dst(%dma_wait3A_107 : memref<512x64xf32, #tpu.memory_space<hbm>>)
        tpu.yield
      }) : () -> ()
    } else {
    }
    %add3A_12 = arith.constant 64 : i32
    %add3A_13 = arith.addi %add3A, %add3A_12 : i32
    %lt3A_14 = arith.constant 196 : i32
    %lt3A_15 = arith.cmpi slt, %add3A_13, %lt3A_14 : i32
    %convert_element_type3A_16 = arith.extui %lt3A_15 : i1 to i32
    %cond3A_17 = arith.constant 0 : i32
    %cond3A_18 = arith.cmpi ne, %convert_element_type3A_16, %cond3A_17 : i32
    scf.if %cond3A_18 {
      %mul3A_47 = arith.constant 512 : i32
      %mul3A_48 = arith.muli %add3A_13, %mul3A_47 : i32
      %min3A = arith.constant 99488 : i32
      %min3A_49 = arith.minsi %mul3A_48, %min3A : i32
      %multiple_of3A = tpu.assume_multiple %min3A_49, 8 : i32
      "tpu.region"() ({
        %run_scoped3A = tpu.sem_alloc : memref<!tpu.dma_semaphore, #tpu.memory_space<semaphore_mem>>
        %dma_start3A = tpu.memref_slice %arg3[%multiple_of3A] : memref<100000xi32, #tpu.memory_space<hbm>> -> memref<512xi32, #tpu.memory_space<hbm>>
        %dma_start3A_101 = tpu.memref_slice %arg3[%multiple_of3A] : memref<100000xi32, #tpu.memory_space<hbm>> -> memref<512xi32, #tpu.memory_space<hbm>>
        tpu.enqueue_dma source(%dma_start3A_101 : memref<512xi32, #tpu.memory_space<hbm>>) target(%arg5 : memref<512xi32, #tpu.memory_space<vmem>>) target_semaphore(%run_scoped3A : memref<!tpu.dma_semaphore, #tpu.memory_space<semaphore_mem>>)
        %dma_wait3A_102 = tpu.memref_slice %arg3[%multiple_of3A] : memref<100000xi32, #tpu.memory_space<hbm>> -> memref<512xi32, #tpu.memory_space<hbm>>
        %dma_wait3A_103 = tpu.memref_slice %arg3[%multiple_of3A] : memref<100000xi32, #tpu.memory_space<hbm>> -> memref<512xi32, #tpu.memory_space<hbm>>
        tpu.wait_dma2 semaphore(%run_scoped3A : memref<!tpu.dma_semaphore, #tpu.memory_space<semaphore_mem>>) src(%dma_wait3A_103 : memref<512xi32, #tpu.memory_space<hbm>>) dst(%arg5 : memref<512xi32, #tpu.memory_space<vmem>>)
        tpu.yield
      }) : () -> ()
      %scan3A = arith.constant 0 : i32
      %scan3A_50 = arith.constant 32 : i32
      %scan3A_51 = arith.addi %scan3A, %scan3A_50 : i32
      %scan3A_52 = arith.constant 1 : i32
      scf.for %scan3A_101 = %scan3A to %scan3A_51 step %scan3A_52  : i32 {
        %mul3A_102 = arith.constant 16 : i32
        %mul3A_103 = arith.muli %scan3A_101, %mul3A_102 : i32
        %get3A = arith.index_cast %mul3A_103 : i32 to index
        %get3A_104 = tpu.vector_load %arg5[%get3A] {strides = array<i32>} : memref<512xi32, #tpu.memory_space<vmem>>, vector<16xi32>,
        %get3A_105 = vector.shape_cast %get3A_104 : vector<16xi32> to vector<16xi32>
        %slice3A = vector.extract_strided_slice %get3A_105 {offsets = [0], sizes = [1], strides = [1]} : vector<16xi32> to vector<1xi32>
        %squeeze3A = vector.extract %slice3A[0] : i32 from vector<1xi32>
        %mul3A_106 = arith.constant 16 : i32
        %mul3A_107 = arith.muli %scan3A_101, %mul3A_106 : i32
        %add3A_108 = arith.constant 0 : i32
        %add3A_109 = arith.addi %mul3A_107, %add3A_108 : i32
        %dma_start3A = arith.constant 0 : i32
        %dma_start3A_110 = tpu.memref_slice %arg6[%add3A_109, %dma_start3A] : memref<512x64xf32, #tpu.memory_space<vmem>> -> memref<1x64xf32, #tpu.memory_space<vmem>>
        %dma_start3A_111 = arith.constant 0 : i32
        %dma_start3A_112 = tpu.memref_slice %arg2[%squeeze3A, %dma_start3A_111] : memref<1000000x64xf32, #tpu.memory_space<hbm>> -> memref<1x64xf32, #tpu.memory_space<hbm>>
        %dma_start3A_113 = arith.constant 0 : i32
        %dma_start3A_114 = tpu.memref_slice %arg6[%add3A_109, %dma_start3A_113] : memref<512x64xf32, #tpu.memory_space<vmem>> -> memref<1x64xf32, #tpu.memory_space<vmem>>
        %dma_start3A_115 = arith.constant 0 : i32
        %dma_start3A_116 = tpu.memref_slice %arg2[%squeeze3A, %dma_start3A_115] : memref<1000000x64xf32, #tpu.memory_space<hbm>> -> memref<1x64xf32, #tpu.memory_space<hbm>>
        tpu.enqueue_dma source(%dma_start3A_116 : memref<1x64xf32, #tpu.memory_space<hbm>>) target(%dma_start3A_114 : memref<1x64xf32, #tpu.memory_space<vmem>>) target_semaphore(%arg7 : memref<!tpu.dma_semaphore, #tpu.memory_space<semaphore_mem>>)
        %slice3A_117 = vector.extract_strided_slice %get3A_105 {offsets = [1], sizes = [1], strides = [1]} : vector<16xi32> to vector<1xi32>
        %squeeze3A_118 = vector.extract %slice3A_117[0] : i32 from vector<1xi32>
        %mul3A_119 = arith.constant 16 : i32
        %mul3A_120 = arith.muli %scan3A_101, %mul3A_119 : i32
        %add3A_121 = arith.constant 1 : i32
        %add3A_122 = arith.addi %mul3A_120, %add3A_121 : i32
        %dma_start3A_123 = arith.constant 0 : i32
        %dma_start3A_124 = tpu.memref_slice %arg6[%add3A_122, %dma_start3A_123] : memref<512x64xf32, #tpu.memory_space<vmem>> -> memref<1x64xf32, #tpu.memory_space<vmem>>
        %dma_start3A_125 = arith.constant 0 : i32
        %dma_start3A_126 = tpu.memref_slice %arg2[%squeeze3A_118, %dma_start3A_125] : memref<1000000x64xf32, #tpu.memory_space<hbm>> -> memref<1x64xf32, #tpu.memory_space<hbm>>
        %dma_start3A_127 = arith.constant 0 : i32
        %dma_start3A_128 = tpu.memref_slice %arg6[%add3A_122, %dma_start3A_127] : memref<512x64xf32, #tpu.memory_space<vmem>> -> memref<1x64xf32, #tpu.memory_space<vmem>>
        %dma_start3A_129 = arith.constant 0 : i32
        %dma_start3A_130 = tpu.memref_slice %arg2[%squeeze3A_118, %dma_start3A_129] : memref<1000000x64xf32, #tpu.memory_space<hbm>> -> memref<1x64xf32, #tpu.memory_space<hbm>>
        tpu.enqueue_dma source(%dma_start3A_130 : memref<1x64xf32, #tpu.memory_space<hbm>>) target(%dma_start3A_128 : memref<1x64xf32, #tpu.memory_space<vmem>>) target_semaphore(%arg7 : memref<!tpu.dma_semaphore, #tpu.memory_space<semaphore_mem>>)
        %slice3A_131 = vector.extract_strided_slice %get3A_105 {offsets = [2], sizes = [1], strides = [1]} : vector<16xi32> to vector<1xi32>
        %squeeze3A_132 = vector.extract %slice3A_131[0] : i32 from vector<1xi32>
        %mul3A_133 = arith.constant 16 : i32
        %mul3A_134 = arith.muli %scan3A_101, %mul3A_133 : i32
        %add3A_135 = arith.constant 2 : i32
        %add3A_136 = arith.addi %mul3A_134, %add3A_135 : i32
        %dma_start3A_137 = arith.constant 0 : i32
        %dma_start3A_138 = tpu.memref_slice %arg6[%add3A_136, %dma_start3A_137] : memref<512x64xf32, #tpu.memory_space<vmem>> -> memref<1x64xf32, #tpu.memory_space<vmem>>
        %dma_start3A_139 = arith.constant 0 : i32
        %dma_start3A_140 = tpu.memref_slice %arg2[%squeeze3A_132, %dma_start3A_139] : memref<1000000x64xf32, #tpu.memory_space<hbm>> -> memref<1x64xf32, #tpu.memory_space<hbm>>
        %dma_start3A_141 = arith.constant 0 : i32
        %dma_start3A_142 = tpu.memref_slice %arg6[%add3A_136, %dma_start3A_141] : memref<512x64xf32, #tpu.memory_space<vmem>> -> memref<1x64xf32, #tpu.memory_space<vmem>>
        %dma_start3A_143 = arith.constant 0 : i32
        %dma_start3A_144 = tpu.memref_slice %arg2[%squeeze3A_132, %dma_start3A_143] : memref<1000000x64xf32, #tpu.memory_space<hbm>> -> memref<1x64xf32, #tpu.memory_space<hbm>>
        tpu.enqueue_dma source(%dma_start3A_144 : memref<1x64xf32, #tpu.memory_space<hbm>>) target(%dma_start3A_142 : memref<1x64xf32, #tpu.memory_space<vmem>>) target_semaphore(%arg7 : memref<!tpu.dma_semaphore, #tpu.memory_space<semaphore_mem>>)
        %slice3A_145 = vector.extract_strided_slice %get3A_105 {offsets = [3], sizes = [1], strides = [1]} : vector<16xi32> to vector<1xi32>
        %squeeze3A_146 = vector.extract %slice3A_145[0] : i32 from vector<1xi32>
        %mul3A_147 = arith.constant 16 : i32
        %mul3A_148 = arith.muli %scan3A_101, %mul3A_147 : i32
        %add3A_149 = arith.constant 3 : i32
        %add3A_150 = arith.addi %mul3A_148, %add3A_149 : i32
        %dma_start3A_151 = arith.constant 0 : i32
        %dma_start3A_152 = tpu.memref_slice %arg6[%add3A_150, %dma_start3A_151] : memref<512x64xf32, #tpu.memory_space<vmem>> -> memref<1x64xf32, #tpu.memory_space<vmem>>
        %dma_start3A_153 = arith.constant 0 : i32
        %dma_start3A_154 = tpu.memref_slice %arg2[%squeeze3A_146, %dma_start3A_153] : memref<1000000x64xf32, #tpu.memory_space<hbm>> -> memref<1x64xf32, #tpu.memory_space<hbm>>
        %dma_start3A_155 = arith.constant 0 : i32
        %dma_start3A_156 = tpu.memref_slice %arg6[%add3A_150, %dma_start3A_155] : memref<512x64xf32, #tpu.memory_space<vmem>> -> memref<1x64xf32, #tpu.memory_space<vmem>>
        %dma_start3A_157 = arith.constant 0 : i32
        %dma_start3A_158 = tpu.memref_slice %arg2[%squeeze3A_146, %dma_start3A_157] : memref<1000000x64xf32, #tpu.memory_space<hbm>> -> memref<1x64xf32, #tpu.memory_space<hbm>>
        tpu.enqueue_dma source(%dma_start3A_158 : memref<1x64xf32, #tpu.memory_space<hbm>>) target(%dma_start3A_156 : memref<1x64xf32, #tpu.memory_space<vmem>>) target_semaphore(%arg7 : memref<!tpu.dma_semaphore, #tpu.memory_space<semaphore_mem>>)
        %slice3A_159 = vector.extract_strided_slice %get3A_105 {offsets = [4], sizes = [1], strides = [1]} : vector<16xi32> to vector<1xi32>
        %squeeze3A_160 = vector.extract %slice3A_159[0] : i32 from vector<1xi32>
        %mul3A_161 = arith.constant 16 : i32
        %mul3A_162 = arith.muli %scan3A_101, %mul3A_161 : i32
        %add3A_163 = arith.constant 4 : i32
        %add3A_164 = arith.addi %mul3A_162, %add3A_163 : i32
        %dma_start3A_165 = arith.constant 0 : i32
        %dma_start3A_166 = tpu.memref_slice %arg6[%add3A_164, %dma_start3A_165] : memref<512x64xf32, #tpu.memory_space<vmem>> -> memref<1x64xf32, #tpu.memory_space<vmem>>
        %dma_start3A_167 = arith.constant 0 : i32
        %dma_start3A_168 = tpu.memref_slice %arg2[%squeeze3A_160, %dma_start3A_167] : memref<1000000x64xf32, #tpu.memory_space<hbm>> -> memref<1x64xf32, #tpu.memory_space<hbm>>
        %dma_start3A_169 = arith.constant 0 : i32
        %dma_start3A_170 = tpu.memref_slice %arg6[%add3A_164, %dma_start3A_169] : memref<512x64xf32, #tpu.memory_space<vmem>> -> memref<1x64xf32, #tpu.memory_space<vmem>>
        %dma_start3A_171 = arith.constant 0 : i32
        %dma_start3A_172 = tpu.memref_slice %arg2[%squeeze3A_160, %dma_start3A_171] : memref<1000000x64xf32, #tpu.memory_space<hbm>> -> memref<1x64xf32, #tpu.memory_space<hbm>>
        tpu.enqueue_dma source(%dma_start3A_172 : memref<1x64xf32, #tpu.memory_space<hbm>>) target(%dma_start3A_170 : memref<1x64xf32, #tpu.memory_space<vmem>>) target_semaphore(%arg7 : memref<!tpu.dma_semaphore, #tpu.memory_space<semaphore_mem>>)
        %slice3A_173 = vector.extract_strided_slice %get3A_105 {offsets = [5], sizes = [1], strides = [1]} : vector<16xi32> to vector<1xi32>
        %squeeze3A_174 = vector.extract %slice3A_173[0] : i32 from vector<1xi32>
        %mul3A_175 = arith.constant 16 : i32
        %mul3A_176 = arith.muli %scan3A_101, %mul3A_175 : i32
        %add3A_177 = arith.constant 5 : i32
        %add3A_178 = arith.addi %mul3A_176, %add3A_177 : i32
        %dma_start3A_179 = arith.constant 0 : i32
        %dma_start3A_180 = tpu.memref_slice %arg6[%add3A_178, %dma_start3A_179] : memref<512x64xf32, #tpu.memory_space<vmem>> -> memref<1x64xf32, #tpu.memory_space<vmem>>
        %dma_start3A_181 = arith.constant 0 : i32
        %dma_start3A_182 = tpu.memref_slice %arg2[%squeeze3A_174, %dma_start3A_181] : memref<1000000x64xf32, #tpu.memory_space<hbm>> -> memref<1x64xf32, #tpu.memory_space<hbm>>
        %dma_start3A_183 = arith.constant 0 : i32
        %dma_start3A_184 = tpu.memref_slice %arg6[%add3A_178, %dma_start3A_183] : memref<512x64xf32, #tpu.memory_space<vmem>> -> memref<1x64xf32, #tpu.memory_space<vmem>>
        %dma_start3A_185 = arith.constant 0 : i32
        %dma_start3A_186 = tpu.memref_slice %arg2[%squeeze3A_174, %dma_start3A_185] : memref<1000000x64xf32, #tpu.memory_space<hbm>> -> memref<1x64xf32, #tpu.memory_space<hbm>>
        tpu.enqueue_dma source(%dma_start3A_186 : memref<1x64xf32, #tpu.memory_space<hbm>>) target(%dma_start3A_184 : memref<1x64xf32, #tpu.memory_space<vmem>>) target_semaphore(%arg7 : memref<!tpu.dma_semaphore, #tpu.memory_space<semaphore_mem>>)
        %slice3A_187 = vector.extract_strided_slice %get3A_105 {offsets = [6], sizes = [1], strides = [1]} : vector<16xi32> to vector<1xi32>
        %squeeze3A_188 = vector.extract %slice3A_187[0] : i32 from vector<1xi32>
        %mul3A_189 = arith.constant 16 : i32
        %mul3A_190 = arith.muli %scan3A_101, %mul3A_189 : i32
        %add3A_191 = arith.constant 6 : i32
        %add3A_192 = arith.addi %mul3A_190, %add3A_191 : i32
        %dma_start3A_193 = arith.constant 0 : i32
        %dma_start3A_194 = tpu.memref_slice %arg6[%add3A_192, %dma_start3A_193] : memref<512x64xf32, #tpu.memory_space<vmem>> -> memref<1x64xf32, #tpu.memory_space<vmem>>
        %dma_start3A_195 = arith.constant 0 : i32
        %dma_start3A_196 = tpu.memref_slice %arg2[%squeeze3A_188, %dma_start3A_195] : memref<1000000x64xf32, #tpu.memory_space<hbm>> -> memref<1x64xf32, #tpu.memory_space<hbm>>
        %dma_start3A_197 = arith.constant 0 : i32
        %dma_start3A_198 = tpu.memref_slice %arg6[%add3A_192, %dma_start3A_197] : memref<512x64xf32, #tpu.memory_space<vmem>> -> memref<1x64xf32, #tpu.memory_space<vmem>>
        %dma_start3A_199 = arith.constant 0 : i32
        %dma_start3A_200 = tpu.memref_slice %arg2[%squeeze3A_188, %dma_start3A_199] : memref<1000000x64xf32, #tpu.memory_space<hbm>> -> memref<1x64xf32, #tpu.memory_space<hbm>>
        tpu.enqueue_dma source(%dma_start3A_200 : memref<1x64xf32, #tpu.memory_space<hbm>>) target(%dma_start3A_198 : memref<1x64xf32, #tpu.memory_space<vmem>>) target_semaphore(%arg7 : memref<!tpu.dma_semaphore, #tpu.memory_space<semaphore_mem>>)
        %slice3A_201 = vector.extract_strided_slice %get3A_105 {offsets = [7], sizes = [1], strides = [1]} : vector<16xi32> to vector<1xi32>
        %squeeze3A_202 = vector.extract %slice3A_201[0] : i32 from vector<1xi32>
        %mul3A_203 = arith.constant 16 : i32
        %mul3A_204 = arith.muli %scan3A_101, %mul3A_203 : i32
        %add3A_205 = arith.constant 7 : i32
        %add3A_206 = arith.addi %mul3A_204, %add3A_205 : i32
        %dma_start3A_207 = arith.constant 0 : i32
        %dma_start3A_208 = tpu.memref_slice %arg6[%add3A_206, %dma_start3A_207] : memref<512x64xf32, #tpu.memory_space<vmem>> -> memref<1x64xf32, #tpu.memory_space<vmem>>
        %dma_start3A_209 = arith.constant 0 : i32
        %dma_start3A_210 = tpu.memref_slice %arg2[%squeeze3A_202, %dma_start3A_209] : memref<1000000x64xf32, #tpu.memory_space<hbm>> -> memref<1x64xf32, #tpu.memory_space<hbm>>
        %dma_start3A_211 = arith.constant 0 : i32
        %dma_start3A_212 = tpu.memref_slice %arg6[%add3A_206, %dma_start3A_211] : memref<512x64xf32, #tpu.memory_space<vmem>> -> memref<1x64xf32, #tpu.memory_space<vmem>>
        %dma_start3A_213 = arith.constant 0 : i32
        %dma_start3A_214 = tpu.memref_slice %arg2[%squeeze3A_202, %dma_start3A_213] : memref<1000000x64xf32, #tpu.memory_space<hbm>> -> memref<1x64xf32, #tpu.memory_space<hbm>>
        tpu.enqueue_dma source(%dma_start3A_214 : memref<1x64xf32, #tpu.memory_space<hbm>>) target(%dma_start3A_212 : memref<1x64xf32, #tpu.memory_space<vmem>>) target_semaphore(%arg7 : memref<!tpu.dma_semaphore, #tpu.memory_space<semaphore_mem>>)
        %slice3A_215 = vector.extract_strided_slice %get3A_105 {offsets = [8], sizes = [1], strides = [1]} : vector<16xi32> to vector<1xi32>
        %squeeze3A_216 = vector.extract %slice3A_215[0] : i32 from vector<1xi32>
        %mul3A_217 = arith.constant 16 : i32
        %mul3A_218 = arith.muli %scan3A_101, %mul3A_217 : i32
        %add3A_219 = arith.constant 8 : i32
        %add3A_220 = arith.addi %mul3A_218, %add3A_219 : i32
        %dma_start3A_221 = arith.constant 0 : i32
        %dma_start3A_222 = tpu.memref_slice %arg6[%add3A_220, %dma_start3A_221] : memref<512x64xf32, #tpu.memory_space<vmem>> -> memref<1x64xf32, #tpu.memory_space<vmem>>
        %dma_start3A_223 = arith.constant 0 : i32
        %dma_start3A_224 = tpu.memref_slice %arg2[%squeeze3A_216, %dma_start3A_223] : memref<1000000x64xf32, #tpu.memory_space<hbm>> -> memref<1x64xf32, #tpu.memory_space<hbm>>
        %dma_start3A_225 = arith.constant 0 : i32
        %dma_start3A_226 = tpu.memref_slice %arg6[%add3A_220, %dma_start3A_225] : memref<512x64xf32, #tpu.memory_space<vmem>> -> memref<1x64xf32, #tpu.memory_space<vmem>>
        %dma_start3A_227 = arith.constant 0 : i32
        %dma_start3A_228 = tpu.memref_slice %arg2[%squeeze3A_216, %dma_start3A_227] : memref<1000000x64xf32, #tpu.memory_space<hbm>> -> memref<1x64xf32, #tpu.memory_space<hbm>>
        tpu.enqueue_dma source(%dma_start3A_228 : memref<1x64xf32, #tpu.memory_space<hbm>>) target(%dma_start3A_226 : memref<1x64xf32, #tpu.memory_space<vmem>>) target_semaphore(%arg7 : memref<!tpu.dma_semaphore, #tpu.memory_space<semaphore_mem>>)
        %slice3A_229 = vector.extract_strided_slice %get3A_105 {offsets = [9], sizes = [1], strides = [1]} : vector<16xi32> to vector<1xi32>
        %squeeze3A_230 = vector.extract %slice3A_229[0] : i32 from vector<1xi32>
        %mul3A_231 = arith.constant 16 : i32
        %mul3A_232 = arith.muli %scan3A_101, %mul3A_231 : i32
        %add3A_233 = arith.constant 9 : i32
        %add3A_234 = arith.addi %mul3A_232, %add3A_233 : i32
        %dma_start3A_235 = arith.constant 0 : i32
        %dma_start3A_236 = tpu.memref_slice %arg6[%add3A_234, %dma_start3A_235] : memref<512x64xf32, #tpu.memory_space<vmem>> -> memref<1x64xf32, #tpu.memory_space<vmem>>
        %dma_start3A_237 = arith.constant 0 : i32
        %dma_start3A_238 = tpu.memref_slice %arg2[%squeeze3A_230, %dma_start3A_237] : memref<1000000x64xf32, #tpu.memory_space<hbm>> -> memref<1x64xf32, #tpu.memory_space<hbm>>
        %dma_start3A_239 = arith.constant 0 : i32
        %dma_start3A_240 = tpu.memref_slice %arg6[%add3A_234, %dma_start3A_239] : memref<512x64xf32, #tpu.memory_space<vmem>> -> memref<1x64xf32, #tpu.memory_space<vmem>>
        %dma_start3A_241 = arith.constant 0 : i32
        %dma_start3A_242 = tpu.memref_slice %arg2[%squeeze3A_230, %dma_start3A_241] : memref<1000000x64xf32, #tpu.memory_space<hbm>> -> memref<1x64xf32, #tpu.memory_space<hbm>>
        tpu.enqueue_dma source(%dma_start3A_242 : memref<1x64xf32, #tpu.memory_space<hbm>>) target(%dma_start3A_240 : memref<1x64xf32, #tpu.memory_space<vmem>>) target_semaphore(%arg7 : memref<!tpu.dma_semaphore, #tpu.memory_space<semaphore_mem>>)
        %slice3A_243 = vector.extract_strided_slice %get3A_105 {offsets = [10], sizes = [1], strides = [1]} : vector<16xi32> to vector<1xi32>
        %squeeze3A_244 = vector.extract %slice3A_243[0] : i32 from vector<1xi32>
        %mul3A_245 = arith.constant 16 : i32
        %mul3A_246 = arith.muli %scan3A_101, %mul3A_245 : i32
        %add3A_247 = arith.constant 10 : i32
        %add3A_248 = arith.addi %mul3A_246, %add3A_247 : i32
        %dma_start3A_249 = arith.constant 0 : i32
        %dma_start3A_250 = tpu.memref_slice %arg6[%add3A_248, %dma_start3A_249] : memref<512x64xf32, #tpu.memory_space<vmem>> -> memref<1x64xf32, #tpu.memory_space<vmem>>
        %dma_start3A_251 = arith.constant 0 : i32
        %dma_start3A_252 = tpu.memref_slice %arg2[%squeeze3A_244, %dma_start3A_251] : memref<1000000x64xf32, #tpu.memory_space<hbm>> -> memref<1x64xf32, #tpu.memory_space<hbm>>
        %dma_start3A_253 = arith.constant 0 : i32
        %dma_start3A_254 = tpu.memref_slice %arg6[%add3A_248, %dma_start3A_253] : memref<512x64xf32, #tpu.memory_space<vmem>> -> memref<1x64xf32, #tpu.memory_space<vmem>>
        %dma_start3A_255 = arith.constant 0 : i32
        %dma_start3A_256 = tpu.memref_slice %arg2[%squeeze3A_244, %dma_start3A_255] : memref<1000000x64xf32, #tpu.memory_space<hbm>> -> memref<1x64xf32, #tpu.memory_space<hbm>>
        tpu.enqueue_dma source(%dma_start3A_256 : memref<1x64xf32, #tpu.memory_space<hbm>>) target(%dma_start3A_254 : memref<1x64xf32, #tpu.memory_space<vmem>>) target_semaphore(%arg7 : memref<!tpu.dma_semaphore, #tpu.memory_space<semaphore_mem>>)
        %slice3A_257 = vector.extract_strided_slice %get3A_105 {offsets = [11], sizes = [1], strides = [1]} : vector<16xi32> to vector<1xi32>
        %squeeze3A_258 = vector.extract %slice3A_257[0] : i32 from vector<1xi32>
        %mul3A_259 = arith.constant 16 : i32
        %mul3A_260 = arith.muli %scan3A_101, %mul3A_259 : i32
        %add3A_261 = arith.constant 11 : i32
        %add3A_262 = arith.addi %mul3A_260, %add3A_261 : i32
        %dma_start3A_263 = arith.constant 0 : i32
        %dma_start3A_264 = tpu.memref_slice %arg6[%add3A_262, %dma_start3A_263] : memref<512x64xf32, #tpu.memory_space<vmem>> -> memref<1x64xf32, #tpu.memory_space<vmem>>
        %dma_start3A_265 = arith.constant 0 : i32
        %dma_start3A_266 = tpu.memref_slice %arg2[%squeeze3A_258, %dma_start3A_265] : memref<1000000x64xf32, #tpu.memory_space<hbm>> -> memref<1x64xf32, #tpu.memory_space<hbm>>
        %dma_start3A_267 = arith.constant 0 : i32
        %dma_start3A_268 = tpu.memref_slice %arg6[%add3A_262, %dma_start3A_267] : memref<512x64xf32, #tpu.memory_space<vmem>> -> memref<1x64xf32, #tpu.memory_space<vmem>>
        %dma_start3A_269 = arith.constant 0 : i32
        %dma_start3A_270 = tpu.memref_slice %arg2[%squeeze3A_258, %dma_start3A_269] : memref<1000000x64xf32, #tpu.memory_space<hbm>> -> memref<1x64xf32, #tpu.memory_space<hbm>>
        tpu.enqueue_dma source(%dma_start3A_270 : memref<1x64xf32, #tpu.memory_space<hbm>>) target(%dma_start3A_268 : memref<1x64xf32, #tpu.memory_space<vmem>>) target_semaphore(%arg7 : memref<!tpu.dma_semaphore, #tpu.memory_space<semaphore_mem>>)
        %slice3A_271 = vector.extract_strided_slice %get3A_105 {offsets = [12], sizes = [1], strides = [1]} : vector<16xi32> to vector<1xi32>
        %squeeze3A_272 = vector.extract %slice3A_271[0] : i32 from vector<1xi32>
        %mul3A_273 = arith.constant 16 : i32
        %mul3A_274 = arith.muli %scan3A_101, %mul3A_273 : i32
        %add3A_275 = arith.constant 12 : i32
        %add3A_276 = arith.addi %mul3A_274, %add3A_275 : i32
        %dma_start3A_277 = arith.constant 0 : i32
        %dma_start3A_278 = tpu.memref_slice %arg6[%add3A_276, %dma_start3A_277] : memref<512x64xf32, #tpu.memory_space<vmem>> -> memref<1x64xf32, #tpu.memory_space<vmem>>
        %dma_start3A_279 = arith.constant 0 : i32
        %dma_start3A_280 = tpu.memref_slice %arg2[%squeeze3A_272, %dma_start3A_279] : memref<1000000x64xf32, #tpu.memory_space<hbm>> -> memref<1x64xf32, #tpu.memory_space<hbm>>
        %dma_start3A_281 = arith.constant 0 : i32
        %dma_start3A_282 = tpu.memref_slice %arg6[%add3A_276, %dma_start3A_281] : memref<512x64xf32, #tpu.memory_space<vmem>> -> memref<1x64xf32, #tpu.memory_space<vmem>>
        %dma_start3A_283 = arith.constant 0 : i32
        %dma_start3A_284 = tpu.memref_slice %arg2[%squeeze3A_272, %dma_start3A_283] : memref<1000000x64xf32, #tpu.memory_space<hbm>> -> memref<1x64xf32, #tpu.memory_space<hbm>>
        tpu.enqueue_dma source(%dma_start3A_284 : memref<1x64xf32, #tpu.memory_space<hbm>>) target(%dma_start3A_282 : memref<1x64xf32, #tpu.memory_space<vmem>>) target_semaphore(%arg7 : memref<!tpu.dma_semaphore, #tpu.memory_space<semaphore_mem>>)
        %slice3A_285 = vector.extract_strided_slice %get3A_105 {offsets = [13], sizes = [1], strides = [1]} : vector<16xi32> to vector<1xi32>
        %squeeze3A_286 = vector.extract %slice3A_285[0] : i32 from vector<1xi32>
        %mul3A_287 = arith.constant 16 : i32
        %mul3A_288 = arith.muli %scan3A_101, %mul3A_287 : i32
        %add3A_289 = arith.constant 13 : i32
        %add3A_290 = arith.addi %mul3A_288, %add3A_289 : i32
        %dma_start3A_291 = arith.constant 0 : i32
        %dma_start3A_292 = tpu.memref_slice %arg6[%add3A_290, %dma_start3A_291] : memref<512x64xf32, #tpu.memory_space<vmem>> -> memref<1x64xf32, #tpu.memory_space<vmem>>
        %dma_start3A_293 = arith.constant 0 : i32
        %dma_start3A_294 = tpu.memref_slice %arg2[%squeeze3A_286, %dma_start3A_293] : memref<1000000x64xf32, #tpu.memory_space<hbm>> -> memref<1x64xf32, #tpu.memory_space<hbm>>
        %dma_start3A_295 = arith.constant 0 : i32
        %dma_start3A_296 = tpu.memref_slice %arg6[%add3A_290, %dma_start3A_295] : memref<512x64xf32, #tpu.memory_space<vmem>> -> memref<1x64xf32, #tpu.memory_space<vmem>>
        %dma_start3A_297 = arith.constant 0 : i32
        %dma_start3A_298 = tpu.memref_slice %arg2[%squeeze3A_286, %dma_start3A_297] : memref<1000000x64xf32, #tpu.memory_space<hbm>> -> memref<1x64xf32, #tpu.memory_space<hbm>>
        tpu.enqueue_dma source(%dma_start3A_298 : memref<1x64xf32, #tpu.memory_space<hbm>>) target(%dma_start3A_296 : memref<1x64xf32, #tpu.memory_space<vmem>>) target_semaphore(%arg7 : memref<!tpu.dma_semaphore, #tpu.memory_space<semaphore_mem>>)
        %slice3A_299 = vector.extract_strided_slice %get3A_105 {offsets = [14], sizes = [1], strides = [1]} : vector<16xi32> to vector<1xi32>
        %squeeze3A_300 = vector.extract %slice3A_299[0] : i32 from vector<1xi32>
        %mul3A_301 = arith.constant 16 : i32
        %mul3A_302 = arith.muli %scan3A_101, %mul3A_301 : i32
        %add3A_303 = arith.constant 14 : i32
        %add3A_304 = arith.addi %mul3A_302, %add3A_303 : i32
        %dma_start3A_305 = arith.constant 0 : i32
        %dma_start3A_306 = tpu.memref_slice %arg6[%add3A_304, %dma_start3A_305] : memref<512x64xf32, #tpu.memory_space<vmem>> -> memref<1x64xf32, #tpu.memory_space<vmem>>
        %dma_start3A_307 = arith.constant 0 : i32
        %dma_start3A_308 = tpu.memref_slice %arg2[%squeeze3A_300, %dma_start3A_307] : memref<1000000x64xf32, #tpu.memory_space<hbm>> -> memref<1x64xf32, #tpu.memory_space<hbm>>
        %dma_start3A_309 = arith.constant 0 : i32
        %dma_start3A_310 = tpu.memref_slice %arg6[%add3A_304, %dma_start3A_309] : memref<512x64xf32, #tpu.memory_space<vmem>> -> memref<1x64xf32, #tpu.memory_space<vmem>>
        %dma_start3A_311 = arith.constant 0 : i32
        %dma_start3A_312 = tpu.memref_slice %arg2[%squeeze3A_300, %dma_start3A_311] : memref<1000000x64xf32, #tpu.memory_space<hbm>> -> memref<1x64xf32, #tpu.memory_space<hbm>>
        tpu.enqueue_dma source(%dma_start3A_312 : memref<1x64xf32, #tpu.memory_space<hbm>>) target(%dma_start3A_310 : memref<1x64xf32, #tpu.memory_space<vmem>>) target_semaphore(%arg7 : memref<!tpu.dma_semaphore, #tpu.memory_space<semaphore_mem>>)
        %slice3A_313 = vector.extract_strided_slice %get3A_105 {offsets = [15], sizes = [1], strides = [1]} : vector<16xi32> to vector<1xi32>
        %squeeze3A_314 = vector.extract %slice3A_313[0] : i32 from vector<1xi32>
        %mul3A_315 = arith.constant 16 : i32
        %mul3A_316 = arith.muli %scan3A_101, %mul3A_315 : i32
        %add3A_317 = arith.constant 15 : i32
        %add3A_318 = arith.addi %mul3A_316, %add3A_317 : i32
        %dma_start3A_319 = arith.constant 0 : i32
        %dma_start3A_320 = tpu.memref_slice %arg6[%add3A_318, %dma_start3A_319] : memref<512x64xf32, #tpu.memory_space<vmem>> -> memref<1x64xf32, #tpu.memory_space<vmem>>
        %dma_start3A_321 = arith.constant 0 : i32
        %dma_start3A_322 = tpu.memref_slice %arg2[%squeeze3A_314, %dma_start3A_321] : memref<1000000x64xf32, #tpu.memory_space<hbm>> -> memref<1x64xf32, #tpu.memory_space<hbm>>
        %dma_start3A_323 = arith.constant 0 : i32
        %dma_start3A_324 = tpu.memref_slice %arg6[%add3A_318, %dma_start3A_323] : memref<512x64xf32, #tpu.memory_space<vmem>> -> memref<1x64xf32, #tpu.memory_space<vmem>>
        %dma_start3A_325 = arith.constant 0 : i32
        %dma_start3A_326 = tpu.memref_slice %arg2[%squeeze3A_314, %dma_start3A_325] : memref<1000000x64xf32, #tpu.memory_space<hbm>> -> memref<1x64xf32, #tpu.memory_space<hbm>>
        tpu.enqueue_dma source(%dma_start3A_326 : memref<1x64xf32, #tpu.memory_space<hbm>>) target(%dma_start3A_324 : memref<1x64xf32, #tpu.memory_space<vmem>>) target_semaphore(%arg7 : memref<!tpu.dma_semaphore, #tpu.memory_space<semaphore_mem>>)
        %gt3A = arith.constant 3 : i32
        %gt3A_327 = arith.cmpi sgt, %scan3A_101, %gt3A : i32
        %convert_element_type3A_328 = arith.extui %gt3A_327 : i1 to i32
        %cond3A_329 = arith.constant 0 : i32
        %cond3A_330 = arith.cmpi ne, %convert_element_type3A_328, %cond3A_329 : i32
        scf.if %cond3A_330 {
          %dma_wait3A_331 = arith.constant 0 : i32
          %dma_wait3A_332 = arith.constant 0 : i32
          %dma_wait3A_333 = tpu.memref_slice %arg6[%dma_wait3A_331, %dma_wait3A_332] : memref<512x64xf32, #tpu.memory_space<vmem>> -> memref<16x64xf32, #tpu.memory_space<vmem>>
          %dma_wait3A_334 = arith.constant 0 : i32
          %dma_wait3A_335 = arith.constant 0 : i32
          %dma_wait3A_336 = tpu.memref_slice %arg2[%dma_wait3A_334, %dma_wait3A_335] : memref<1000000x64xf32, #tpu.memory_space<hbm>> -> memref<16x64xf32, #tpu.memory_space<hbm>>
          %dma_wait3A_337 = arith.constant 0 : i32
          %dma_wait3A_338 = arith.constant 0 : i32
          %dma_wait3A_339 = tpu.memref_slice %arg6[%dma_wait3A_337, %dma_wait3A_338] : memref<512x64xf32, #tpu.memory_space<vmem>> -> memref<16x64xf32, #tpu.memory_space<vmem>>
          %dma_wait3A_340 = arith.constant 0 : i32
          %dma_wait3A_341 = arith.constant 0 : i32
          %dma_wait3A_342 = tpu.memref_slice %arg2[%dma_wait3A_340, %dma_wait3A_341] : memref<1000000x64xf32, #tpu.memory_space<hbm>> -> memref<16x64xf32, #tpu.memory_space<hbm>>
          tpu.wait_dma2 semaphore(%arg7 : memref<!tpu.dma_semaphore, #tpu.memory_space<semaphore_mem>>) src(%dma_wait3A_342 : memref<16x64xf32, #tpu.memory_space<hbm>>) dst(%dma_wait3A_339 : memref<16x64xf32, #tpu.memory_space<vmem>>)
        } else {
        }
      }
      %scan3A_53 = arith.constant 32 : i32
      %dma_wait3A = arith.constant 0 : i32
      %dma_wait3A_54 = arith.constant 0 : i32
      %dma_wait3A_55 = tpu.memref_slice %arg6[%dma_wait3A, %dma_wait3A_54] : memref<512x64xf32, #tpu.memory_space<vmem>> -> memref<16x64xf32, #tpu.memory_space<vmem>>
      %dma_wait3A_56 = arith.constant 0 : i32
      %dma_wait3A_57 = arith.constant 0 : i32
      %dma_wait3A_58 = tpu.memref_slice %arg2[%dma_wait3A_56, %dma_wait3A_57] : memref<1000000x64xf32, #tpu.memory_space<hbm>> -> memref<16x64xf32, #tpu.memory_space<hbm>>
      %dma_wait3A_59 = arith.constant 0 : i32
      %dma_wait3A_60 = arith.constant 0 : i32
      %dma_wait3A_61 = tpu.memref_slice %arg6[%dma_wait3A_59, %dma_wait3A_60] : memref<512x64xf32, #tpu.memory_space<vmem>> -> memref<16x64xf32, #tpu.memory_space<vmem>>
      %dma_wait3A_62 = arith.constant 0 : i32
      %dma_wait3A_63 = arith.constant 0 : i32
      %dma_wait3A_64 = tpu.memref_slice %arg2[%dma_wait3A_62, %dma_wait3A_63] : memref<1000000x64xf32, #tpu.memory_space<hbm>> -> memref<16x64xf32, #tpu.memory_space<hbm>>
      tpu.wait_dma2 semaphore(%arg7 : memref<!tpu.dma_semaphore, #tpu.memory_space<semaphore_mem>>) src(%dma_wait3A_64 : memref<16x64xf32, #tpu.memory_space<hbm>>) dst(%dma_wait3A_61 : memref<16x64xf32, #tpu.memory_space<vmem>>)
      %dma_wait3A_65 = arith.constant 0 : i32
      %dma_wait3A_66 = arith.constant 0 : i32
      %dma_wait3A_67 = tpu.memref_slice %arg6[%dma_wait3A_65, %dma_wait3A_66] : memref<512x64xf32, #tpu.memory_space<vmem>> -> memref<16x64xf32, #tpu.memory_space<vmem>>
      %dma_wait3A_68 = arith.constant 0 : i32
      %dma_wait3A_69 = arith.constant 0 : i32
      %dma_wait3A_70 = tpu.memref_slice %arg2[%dma_wait3A_68, %dma_wait3A_69] : memref<1000000x64xf32, #tpu.memory_space<hbm>> -> memref<16x64xf32, #tpu.memory_space<hbm>>
      %dma_wait3A_71 = arith.constant 0 : i32
      %dma_wait3A_72 = arith.constant 0 : i32
      %dma_wait3A_73 = tpu.memref_slice %arg6[%dma_wait3A_71, %dma_wait3A_72] : memref<512x64xf32, #tpu.memory_space<vmem>> -> memref<16x64xf32, #tpu.memory_space<vmem>>
      %dma_wait3A_74 = arith.constant 0 : i32
      %dma_wait3A_75 = arith.constant 0 : i32
      %dma_wait3A_76 = tpu.memref_slice %arg2[%dma_wait3A_74, %dma_wait3A_75] : memref<1000000x64xf32, #tpu.memory_space<hbm>> -> memref<16x64xf32, #tpu.memory_space<hbm>>
      tpu.wait_dma2 semaphore(%arg7 : memref<!tpu.dma_semaphore, #tpu.memory_space<semaphore_mem>>) src(%dma_wait3A_76 : memref<16x64xf32, #tpu.memory_space<hbm>>) dst(%dma_wait3A_73 : memref<16x64xf32, #tpu.memory_space<vmem>>)
      %dma_wait3A_77 = arith.constant 0 : i32
      %dma_wait3A_78 = arith.constant 0 : i32
      %dma_wait3A_79 = tpu.memref_slice %arg6[%dma_wait3A_77, %dma_wait3A_78] : memref<512x64xf32, #tpu.memory_space<vmem>> -> memref<16x64xf32, #tpu.memory_space<vmem>>
      %dma_wait3A_80 = arith.constant 0 : i32
      %dma_wait3A_81 = arith.constant 0 : i32
      %dma_wait3A_82 = tpu.memref_slice %arg2[%dma_wait3A_80, %dma_wait3A_81] : memref<1000000x64xf32, #tpu.memory_space<hbm>> -> memref<16x64xf32, #tpu.memory_space<hbm>>
      %dma_wait3A_83 = arith.constant 0 : i32
      %dma_wait3A_84 = arith.constant 0 : i32
      %dma_wait3A_85 = tpu.memref_slice %arg6[%dma_wait3A_83, %dma_wait3A_84] : memref<512x64xf32, #tpu.memory_space<vmem>> -> memref<16x64xf32, #tpu.memory_space<vmem>>
      %dma_wait3A_86 = arith.constant 0 : i32
      %dma_wait3A_87 = arith.constant 0 : i32
      %dma_wait3A_88 = tpu.memref_slice %arg2[%dma_wait3A_86, %dma_wait3A_87] : memref<1000000x64xf32, #tpu.memory_space<hbm>> -> memref<16x64xf32, #tpu.memory_space<hbm>>
      tpu.wait_dma2 semaphore(%arg7 : memref<!tpu.dma_semaphore, #tpu.memory_space<semaphore_mem>>) src(%dma_wait3A_88 : memref<16x64xf32, #tpu.memory_space<hbm>>) dst(%dma_wait3A_85 : memref<16x64xf32, #tpu.memory_space<vmem>>)
      %dma_wait3A_89 = arith.constant 0 : i32
      %dma_wait3A_90 = arith.constant 0 : i32
      %dma_wait3A_91 = tpu.memref_slice %arg6[%dma_wait3A_89, %dma_wait3A_90] : memref<512x64xf32, #tpu.memory_space<vmem>> -> memref<16x64xf32, #tpu.memory_space<vmem>>
      %dma_wait3A_92 = arith.constant 0 : i32
      %dma_wait3A_93 = arith.constant 0 : i32
      %dma_wait3A_94 = tpu.memref_slice %arg2[%dma_wait3A_92, %dma_wait3A_93] : memref<1000000x64xf32, #tpu.memory_space<hbm>> -> memref<16x64xf32, #tpu.memory_space<hbm>>
      %dma_wait3A_95 = arith.constant 0 : i32
      %dma_wait3A_96 = arith.constant 0 : i32
      %dma_wait3A_97 = tpu.memref_slice %arg6[%dma_wait3A_95, %dma_wait3A_96] : memref<512x64xf32, #tpu.memory_space<vmem>> -> memref<16x64xf32, #tpu.memory_space<vmem>>
      %dma_wait3A_98 = arith.constant 0 : i32
      %dma_wait3A_99 = arith.constant 0 : i32
      %dma_wait3A_100 = tpu.memref_slice %arg2[%dma_wait3A_98, %dma_wait3A_99] : memref<1000000x64xf32, #tpu.memory_space<hbm>> -> memref<16x64xf32, #tpu.memory_space<hbm>>
      tpu.wait_dma2 semaphore(%arg7 : memref<!tpu.dma_semaphore, #tpu.memory_space<semaphore_mem>>) src(%dma_wait3A_100 : memref<16x64xf32, #tpu.memory_space<hbm>>) dst(%dma_wait3A_97 : memref<16x64xf32, #tpu.memory_space<vmem>>)
      "tpu.region"() ({
        %run_scoped3A = tpu.sem_alloc : memref<!tpu.dma_semaphore, #tpu.memory_space<semaphore_mem>>
        %dma_start3A = arith.constant 0 : i32
        %dma_start3A_101 = tpu.memref_slice %arg4[%multiple_of3A, %dma_start3A] : memref<100000x64xf32, #tpu.memory_space<hbm>> -> memref<512x64xf32, #tpu.memory_space<hbm>>
        %dma_start3A_102 = arith.constant 0 : i32
        %dma_start3A_103 = tpu.memref_slice %arg4[%multiple_of3A, %dma_start3A_102] : memref<100000x64xf32, #tpu.memory_space<hbm>> -> memref<512x64xf32, #tpu.memory_space<hbm>>
        tpu.enqueue_dma source(%arg6 : memref<512x64xf32, #tpu.memory_space<vmem>>) target(%dma_start3A_103 : memref<512x64xf32, #tpu.memory_space<hbm>>) target_semaphore(%run_scoped3A : memref<!tpu.dma_semaphore, #tpu.memory_space<semaphore_mem>>)
        %dma_wait3A_104 = arith.constant 0 : i32
        %dma_wait3A_105 = tpu.memref_slice %arg4[%multiple_of3A, %dma_wait3A_104] : memref<100000x64xf32, #tpu.memory_space<hbm>> -> memref<512x64xf32, #tpu.memory_space<hbm>>
        %dma_wait3A_106 = arith.constant 0 : i32
        %dma_wait3A_107 = tpu.memref_slice %arg4[%multiple_of3A, %dma_wait3A_106] : memref<100000x64xf32, #tpu.memory_space<hbm>> -> memref<512x64xf32, #tpu.memory_space<hbm>>
        tpu.wait_dma2 semaphore(%run_scoped3A : memref<!tpu.dma_semaphore, #tpu.memory_space<semaphore_mem>>) src(%arg6 : memref<512x64xf32, #tpu.memory_space<vmem>>) dst(%dma_wait3A_107 : memref<512x64xf32, #tpu.memory_space<hbm>>)
        tpu.yield
      }) : () -> ()
    } else {
    }
    %add3A_19 = arith.constant 96 : i32
    %add3A_20 = arith.addi %add3A, %add3A_19 : i32
    %lt3A_21 = arith.constant 196 : i32
    %lt3A_22 = arith.cmpi slt, %add3A_20, %lt3A_21 : i32
    %convert_element_type3A_23 = arith.extui %lt3A_22 : i1 to i32
    %cond3A_24 = arith.constant 0 : i32
    %cond3A_25 = arith.cmpi ne, %convert_element_type3A_23, %cond3A_24 : i32
    scf.if %cond3A_25 {
      %mul3A_47 = arith.constant 512 : i32
      %mul3A_48 = arith.muli %add3A_20, %mul3A_47 : i32
      %min3A = arith.constant 99488 : i32
      %min3A_49 = arith.minsi %mul3A_48, %min3A : i32
      %multiple_of3A = tpu.assume_multiple %min3A_49, 8 : i32
      "tpu.region"() ({
        %run_scoped3A = tpu.sem_alloc : memref<!tpu.dma_semaphore, #tpu.memory_space<semaphore_mem>>
        %dma_start3A = tpu.memref_slice %arg3[%multiple_of3A] : memref<100000xi32, #tpu.memory_space<hbm>> -> memref<512xi32, #tpu.memory_space<hbm>>
        %dma_start3A_101 = tpu.memref_slice %arg3[%multiple_of3A] : memref<100000xi32, #tpu.memory_space<hbm>> -> memref<512xi32, #tpu.memory_space<hbm>>
        tpu.enqueue_dma source(%dma_start3A_101 : memref<512xi32, #tpu.memory_space<hbm>>) target(%arg5 : memref<512xi32, #tpu.memory_space<vmem>>) target_semaphore(%run_scoped3A : memref<!tpu.dma_semaphore, #tpu.memory_space<semaphore_mem>>)
        %dma_wait3A_102 = tpu.memref_slice %arg3[%multiple_of3A] : memref<100000xi32, #tpu.memory_space<hbm>> -> memref<512xi32, #tpu.memory_space<hbm>>
        %dma_wait3A_103 = tpu.memref_slice %arg3[%multiple_of3A] : memref<100000xi32, #tpu.memory_space<hbm>> -> memref<512xi32, #tpu.memory_space<hbm>>
        tpu.wait_dma2 semaphore(%run_scoped3A : memref<!tpu.dma_semaphore, #tpu.memory_space<semaphore_mem>>) src(%dma_wait3A_103 : memref<512xi32, #tpu.memory_space<hbm>>) dst(%arg5 : memref<512xi32, #tpu.memory_space<vmem>>)
        tpu.yield
      }) : () -> ()
      %scan3A = arith.constant 0 : i32
      %scan3A_50 = arith.constant 32 : i32
      %scan3A_51 = arith.addi %scan3A, %scan3A_50 : i32
      %scan3A_52 = arith.constant 1 : i32
      scf.for %scan3A_101 = %scan3A to %scan3A_51 step %scan3A_52  : i32 {
        %mul3A_102 = arith.constant 16 : i32
        %mul3A_103 = arith.muli %scan3A_101, %mul3A_102 : i32
        %get3A = arith.index_cast %mul3A_103 : i32 to index
        %get3A_104 = tpu.vector_load %arg5[%get3A] {strides = array<i32>} : memref<512xi32, #tpu.memory_space<vmem>>, vector<16xi32>,
        %get3A_105 = vector.shape_cast %get3A_104 : vector<16xi32> to vector<16xi32>
        %slice3A = vector.extract_strided_slice %get3A_105 {offsets = [0], sizes = [1], strides = [1]} : vector<16xi32> to vector<1xi32>
        %squeeze3A = vector.extract %slice3A[0] : i32 from vector<1xi32>
        %mul3A_106 = arith.constant 16 : i32
        %mul3A_107 = arith.muli %scan3A_101, %mul3A_106 : i32
        %add3A_108 = arith.constant 0 : i32
        %add3A_109 = arith.addi %mul3A_107, %add3A_108 : i32
        %dma_start3A = arith.constant 0 : i32
        %dma_start3A_110 = tpu.memref_slice %arg6[%add3A_109, %dma_start3A] : memref<512x64xf32, #tpu.memory_space<vmem>> -> memref<1x64xf32, #tpu.memory_space<vmem>>
        %dma_start3A_111 = arith.constant 0 : i32
        %dma_start3A_112 = tpu.memref_slice %arg2[%squeeze3A, %dma_start3A_111] : memref<1000000x64xf32, #tpu.memory_space<hbm>> -> memref<1x64xf32, #tpu.memory_space<hbm>>
        %dma_start3A_113 = arith.constant 0 : i32
        %dma_start3A_114 = tpu.memref_slice %arg6[%add3A_109, %dma_start3A_113] : memref<512x64xf32, #tpu.memory_space<vmem>> -> memref<1x64xf32, #tpu.memory_space<vmem>>
        %dma_start3A_115 = arith.constant 0 : i32
        %dma_start3A_116 = tpu.memref_slice %arg2[%squeeze3A, %dma_start3A_115] : memref<1000000x64xf32, #tpu.memory_space<hbm>> -> memref<1x64xf32, #tpu.memory_space<hbm>>
        tpu.enqueue_dma source(%dma_start3A_116 : memref<1x64xf32, #tpu.memory_space<hbm>>) target(%dma_start3A_114 : memref<1x64xf32, #tpu.memory_space<vmem>>) target_semaphore(%arg7 : memref<!tpu.dma_semaphore, #tpu.memory_space<semaphore_mem>>)
        %slice3A_117 = vector.extract_strided_slice %get3A_105 {offsets = [1], sizes = [1], strides = [1]} : vector<16xi32> to vector<1xi32>
        %squeeze3A_118 = vector.extract %slice3A_117[0] : i32 from vector<1xi32>
        %mul3A_119 = arith.constant 16 : i32
        %mul3A_120 = arith.muli %scan3A_101, %mul3A_119 : i32
        %add3A_121 = arith.constant 1 : i32
        %add3A_122 = arith.addi %mul3A_120, %add3A_121 : i32
        %dma_start3A_123 = arith.constant 0 : i32
        %dma_start3A_124 = tpu.memref_slice %arg6[%add3A_122, %dma_start3A_123] : memref<512x64xf32, #tpu.memory_space<vmem>> -> memref<1x64xf32, #tpu.memory_space<vmem>>
        %dma_start3A_125 = arith.constant 0 : i32
        %dma_start3A_126 = tpu.memref_slice %arg2[%squeeze3A_118, %dma_start3A_125] : memref<1000000x64xf32, #tpu.memory_space<hbm>> -> memref<1x64xf32, #tpu.memory_space<hbm>>
        %dma_start3A_127 = arith.constant 0 : i32
        %dma_start3A_128 = tpu.memref_slice %arg6[%add3A_122, %dma_start3A_127] : memref<512x64xf32, #tpu.memory_space<vmem>> -> memref<1x64xf32, #tpu.memory_space<vmem>>
        %dma_start3A_129 = arith.constant 0 : i32
        %dma_start3A_130 = tpu.memref_slice %arg2[%squeeze3A_118, %dma_start3A_129] : memref<1000000x64xf32, #tpu.memory_space<hbm>> -> memref<1x64xf32, #tpu.memory_space<hbm>>
        tpu.enqueue_dma source(%dma_start3A_130 : memref<1x64xf32, #tpu.memory_space<hbm>>) target(%dma_start3A_128 : memref<1x64xf32, #tpu.memory_space<vmem>>) target_semaphore(%arg7 : memref<!tpu.dma_semaphore, #tpu.memory_space<semaphore_mem>>)
        %slice3A_131 = vector.extract_strided_slice %get3A_105 {offsets = [2], sizes = [1], strides = [1]} : vector<16xi32> to vector<1xi32>
        %squeeze3A_132 = vector.extract %slice3A_131[0] : i32 from vector<1xi32>
        %mul3A_133 = arith.constant 16 : i32
        %mul3A_134 = arith.muli %scan3A_101, %mul3A_133 : i32
        %add3A_135 = arith.constant 2 : i32
        %add3A_136 = arith.addi %mul3A_134, %add3A_135 : i32
        %dma_start3A_137 = arith.constant 0 : i32
        %dma_start3A_138 = tpu.memref_slice %arg6[%add3A_136, %dma_start3A_137] : memref<512x64xf32, #tpu.memory_space<vmem>> -> memref<1x64xf32, #tpu.memory_space<vmem>>
        %dma_start3A_139 = arith.constant 0 : i32
        %dma_start3A_140 = tpu.memref_slice %arg2[%squeeze3A_132, %dma_start3A_139] : memref<1000000x64xf32, #tpu.memory_space<hbm>> -> memref<1x64xf32, #tpu.memory_space<hbm>>
        %dma_start3A_141 = arith.constant 0 : i32
        %dma_start3A_142 = tpu.memref_slice %arg6[%add3A_136, %dma_start3A_141] : memref<512x64xf32, #tpu.memory_space<vmem>> -> memref<1x64xf32, #tpu.memory_space<vmem>>
        %dma_start3A_143 = arith.constant 0 : i32
        %dma_start3A_144 = tpu.memref_slice %arg2[%squeeze3A_132, %dma_start3A_143] : memref<1000000x64xf32, #tpu.memory_space<hbm>> -> memref<1x64xf32, #tpu.memory_space<hbm>>
        tpu.enqueue_dma source(%dma_start3A_144 : memref<1x64xf32, #tpu.memory_space<hbm>>) target(%dma_start3A_142 : memref<1x64xf32, #tpu.memory_space<vmem>>) target_semaphore(%arg7 : memref<!tpu.dma_semaphore, #tpu.memory_space<semaphore_mem>>)
        %slice3A_145 = vector.extract_strided_slice %get3A_105 {offsets = [3], sizes = [1], strides = [1]} : vector<16xi32> to vector<1xi32>
        %squeeze3A_146 = vector.extract %slice3A_145[0] : i32 from vector<1xi32>
        %mul3A_147 = arith.constant 16 : i32
        %mul3A_148 = arith.muli %scan3A_101, %mul3A_147 : i32
        %add3A_149 = arith.constant 3 : i32
        %add3A_150 = arith.addi %mul3A_148, %add3A_149 : i32
        %dma_start3A_151 = arith.constant 0 : i32
        %dma_start3A_152 = tpu.memref_slice %arg6[%add3A_150, %dma_start3A_151] : memref<512x64xf32, #tpu.memory_space<vmem>> -> memref<1x64xf32, #tpu.memory_space<vmem>>
        %dma_start3A_153 = arith.constant 0 : i32
        %dma_start3A_154 = tpu.memref_slice %arg2[%squeeze3A_146, %dma_start3A_153] : memref<1000000x64xf32, #tpu.memory_space<hbm>> -> memref<1x64xf32, #tpu.memory_space<hbm>>
        %dma_start3A_155 = arith.constant 0 : i32
        %dma_start3A_156 = tpu.memref_slice %arg6[%add3A_150, %dma_start3A_155] : memref<512x64xf32, #tpu.memory_space<vmem>> -> memref<1x64xf32, #tpu.memory_space<vmem>>
        %dma_start3A_157 = arith.constant 0 : i32
        %dma_start3A_158 = tpu.memref_slice %arg2[%squeeze3A_146, %dma_start3A_157] : memref<1000000x64xf32, #tpu.memory_space<hbm>> -> memref<1x64xf32, #tpu.memory_space<hbm>>
        tpu.enqueue_dma source(%dma_start3A_158 : memref<1x64xf32, #tpu.memory_space<hbm>>) target(%dma_start3A_156 : memref<1x64xf32, #tpu.memory_space<vmem>>) target_semaphore(%arg7 : memref<!tpu.dma_semaphore, #tpu.memory_space<semaphore_mem>>)
        %slice3A_159 = vector.extract_strided_slice %get3A_105 {offsets = [4], sizes = [1], strides = [1]} : vector<16xi32> to vector<1xi32>
        %squeeze3A_160 = vector.extract %slice3A_159[0] : i32 from vector<1xi32>
        %mul3A_161 = arith.constant 16 : i32
        %mul3A_162 = arith.muli %scan3A_101, %mul3A_161 : i32
        %add3A_163 = arith.constant 4 : i32
        %add3A_164 = arith.addi %mul3A_162, %add3A_163 : i32
        %dma_start3A_165 = arith.constant 0 : i32
        %dma_start3A_166 = tpu.memref_slice %arg6[%add3A_164, %dma_start3A_165] : memref<512x64xf32, #tpu.memory_space<vmem>> -> memref<1x64xf32, #tpu.memory_space<vmem>>
        %dma_start3A_167 = arith.constant 0 : i32
        %dma_start3A_168 = tpu.memref_slice %arg2[%squeeze3A_160, %dma_start3A_167] : memref<1000000x64xf32, #tpu.memory_space<hbm>> -> memref<1x64xf32, #tpu.memory_space<hbm>>
        %dma_start3A_169 = arith.constant 0 : i32
        %dma_start3A_170 = tpu.memref_slice %arg6[%add3A_164, %dma_start3A_169] : memref<512x64xf32, #tpu.memory_space<vmem>> -> memref<1x64xf32, #tpu.memory_space<vmem>>
        %dma_start3A_171 = arith.constant 0 : i32
        %dma_start3A_172 = tpu.memref_slice %arg2[%squeeze3A_160, %dma_start3A_171] : memref<1000000x64xf32, #tpu.memory_space<hbm>> -> memref<1x64xf32, #tpu.memory_space<hbm>>
        tpu.enqueue_dma source(%dma_start3A_172 : memref<1x64xf32, #tpu.memory_space<hbm>>) target(%dma_start3A_170 : memref<1x64xf32, #tpu.memory_space<vmem>>) target_semaphore(%arg7 : memref<!tpu.dma_semaphore, #tpu.memory_space<semaphore_mem>>)
        %slice3A_173 = vector.extract_strided_slice %get3A_105 {offsets = [5], sizes = [1], strides = [1]} : vector<16xi32> to vector<1xi32>
        %squeeze3A_174 = vector.extract %slice3A_173[0] : i32 from vector<1xi32>
        %mul3A_175 = arith.constant 16 : i32
        %mul3A_176 = arith.muli %scan3A_101, %mul3A_175 : i32
        %add3A_177 = arith.constant 5 : i32
        %add3A_178 = arith.addi %mul3A_176, %add3A_177 : i32
        %dma_start3A_179 = arith.constant 0 : i32
        %dma_start3A_180 = tpu.memref_slice %arg6[%add3A_178, %dma_start3A_179] : memref<512x64xf32, #tpu.memory_space<vmem>> -> memref<1x64xf32, #tpu.memory_space<vmem>>
        %dma_start3A_181 = arith.constant 0 : i32
        %dma_start3A_182 = tpu.memref_slice %arg2[%squeeze3A_174, %dma_start3A_181] : memref<1000000x64xf32, #tpu.memory_space<hbm>> -> memref<1x64xf32, #tpu.memory_space<hbm>>
        %dma_start3A_183 = arith.constant 0 : i32
        %dma_start3A_184 = tpu.memref_slice %arg6[%add3A_178, %dma_start3A_183] : memref<512x64xf32, #tpu.memory_space<vmem>> -> memref<1x64xf32, #tpu.memory_space<vmem>>
        %dma_start3A_185 = arith.constant 0 : i32
        %dma_start3A_186 = tpu.memref_slice %arg2[%squeeze3A_174, %dma_start3A_185] : memref<1000000x64xf32, #tpu.memory_space<hbm>> -> memref<1x64xf32, #tpu.memory_space<hbm>>
        tpu.enqueue_dma source(%dma_start3A_186 : memref<1x64xf32, #tpu.memory_space<hbm>>) target(%dma_start3A_184 : memref<1x64xf32, #tpu.memory_space<vmem>>) target_semaphore(%arg7 : memref<!tpu.dma_semaphore, #tpu.memory_space<semaphore_mem>>)
        %slice3A_187 = vector.extract_strided_slice %get3A_105 {offsets = [6], sizes = [1], strides = [1]} : vector<16xi32> to vector<1xi32>
        %squeeze3A_188 = vector.extract %slice3A_187[0] : i32 from vector<1xi32>
        %mul3A_189 = arith.constant 16 : i32
        %mul3A_190 = arith.muli %scan3A_101, %mul3A_189 : i32
        %add3A_191 = arith.constant 6 : i32
        %add3A_192 = arith.addi %mul3A_190, %add3A_191 : i32
        %dma_start3A_193 = arith.constant 0 : i32
        %dma_start3A_194 = tpu.memref_slice %arg6[%add3A_192, %dma_start3A_193] : memref<512x64xf32, #tpu.memory_space<vmem>> -> memref<1x64xf32, #tpu.memory_space<vmem>>
        %dma_start3A_195 = arith.constant 0 : i32
        %dma_start3A_196 = tpu.memref_slice %arg2[%squeeze3A_188, %dma_start3A_195] : memref<1000000x64xf32, #tpu.memory_space<hbm>> -> memref<1x64xf32, #tpu.memory_space<hbm>>
        %dma_start3A_197 = arith.constant 0 : i32
        %dma_start3A_198 = tpu.memref_slice %arg6[%add3A_192, %dma_start3A_197] : memref<512x64xf32, #tpu.memory_space<vmem>> -> memref<1x64xf32, #tpu.memory_space<vmem>>
        %dma_start3A_199 = arith.constant 0 : i32
        %dma_start3A_200 = tpu.memref_slice %arg2[%squeeze3A_188, %dma_start3A_199] : memref<1000000x64xf32, #tpu.memory_space<hbm>> -> memref<1x64xf32, #tpu.memory_space<hbm>>
        tpu.enqueue_dma source(%dma_start3A_200 : memref<1x64xf32, #tpu.memory_space<hbm>>) target(%dma_start3A_198 : memref<1x64xf32, #tpu.memory_space<vmem>>) target_semaphore(%arg7 : memref<!tpu.dma_semaphore, #tpu.memory_space<semaphore_mem>>)
        %slice3A_201 = vector.extract_strided_slice %get3A_105 {offsets = [7], sizes = [1], strides = [1]} : vector<16xi32> to vector<1xi32>
        %squeeze3A_202 = vector.extract %slice3A_201[0] : i32 from vector<1xi32>
        %mul3A_203 = arith.constant 16 : i32
        %mul3A_204 = arith.muli %scan3A_101, %mul3A_203 : i32
        %add3A_205 = arith.constant 7 : i32
        %add3A_206 = arith.addi %mul3A_204, %add3A_205 : i32
        %dma_start3A_207 = arith.constant 0 : i32
        %dma_start3A_208 = tpu.memref_slice %arg6[%add3A_206, %dma_start3A_207] : memref<512x64xf32, #tpu.memory_space<vmem>> -> memref<1x64xf32, #tpu.memory_space<vmem>>
        %dma_start3A_209 = arith.constant 0 : i32
        %dma_start3A_210 = tpu.memref_slice %arg2[%squeeze3A_202, %dma_start3A_209] : memref<1000000x64xf32, #tpu.memory_space<hbm>> -> memref<1x64xf32, #tpu.memory_space<hbm>>
        %dma_start3A_211 = arith.constant 0 : i32
        %dma_start3A_212 = tpu.memref_slice %arg6[%add3A_206, %dma_start3A_211] : memref<512x64xf32, #tpu.memory_space<vmem>> -> memref<1x64xf32, #tpu.memory_space<vmem>>
        %dma_start3A_213 = arith.constant 0 : i32
        %dma_start3A_214 = tpu.memref_slice %arg2[%squeeze3A_202, %dma_start3A_213] : memref<1000000x64xf32, #tpu.memory_space<hbm>> -> memref<1x64xf32, #tpu.memory_space<hbm>>
        tpu.enqueue_dma source(%dma_start3A_214 : memref<1x64xf32, #tpu.memory_space<hbm>>) target(%dma_start3A_212 : memref<1x64xf32, #tpu.memory_space<vmem>>) target_semaphore(%arg7 : memref<!tpu.dma_semaphore, #tpu.memory_space<semaphore_mem>>)
        %slice3A_215 = vector.extract_strided_slice %get3A_105 {offsets = [8], sizes = [1], strides = [1]} : vector<16xi32> to vector<1xi32>
        %squeeze3A_216 = vector.extract %slice3A_215[0] : i32 from vector<1xi32>
        %mul3A_217 = arith.constant 16 : i32
        %mul3A_218 = arith.muli %scan3A_101, %mul3A_217 : i32
        %add3A_219 = arith.constant 8 : i32
        %add3A_220 = arith.addi %mul3A_218, %add3A_219 : i32
        %dma_start3A_221 = arith.constant 0 : i32
        %dma_start3A_222 = tpu.memref_slice %arg6[%add3A_220, %dma_start3A_221] : memref<512x64xf32, #tpu.memory_space<vmem>> -> memref<1x64xf32, #tpu.memory_space<vmem>>
        %dma_start3A_223 = arith.constant 0 : i32
        %dma_start3A_224 = tpu.memref_slice %arg2[%squeeze3A_216, %dma_start3A_223] : memref<1000000x64xf32, #tpu.memory_space<hbm>> -> memref<1x64xf32, #tpu.memory_space<hbm>>
        %dma_start3A_225 = arith.constant 0 : i32
        %dma_start3A_226 = tpu.memref_slice %arg6[%add3A_220, %dma_start3A_225] : memref<512x64xf32, #tpu.memory_space<vmem>> -> memref<1x64xf32, #tpu.memory_space<vmem>>
        %dma_start3A_227 = arith.constant 0 : i32
        %dma_start3A_228 = tpu.memref_slice %arg2[%squeeze3A_216, %dma_start3A_227] : memref<1000000x64xf32, #tpu.memory_space<hbm>> -> memref<1x64xf32, #tpu.memory_space<hbm>>
        tpu.enqueue_dma source(%dma_start3A_228 : memref<1x64xf32, #tpu.memory_space<hbm>>) target(%dma_start3A_226 : memref<1x64xf32, #tpu.memory_space<vmem>>) target_semaphore(%arg7 : memref<!tpu.dma_semaphore, #tpu.memory_space<semaphore_mem>>)
        %slice3A_229 = vector.extract_strided_slice %get3A_105 {offsets = [9], sizes = [1], strides = [1]} : vector<16xi32> to vector<1xi32>
        %squeeze3A_230 = vector.extract %slice3A_229[0] : i32 from vector<1xi32>
        %mul3A_231 = arith.constant 16 : i32
        %mul3A_232 = arith.muli %scan3A_101, %mul3A_231 : i32
        %add3A_233 = arith.constant 9 : i32
        %add3A_234 = arith.addi %mul3A_232, %add3A_233 : i32
        %dma_start3A_235 = arith.constant 0 : i32
        %dma_start3A_236 = tpu.memref_slice %arg6[%add3A_234, %dma_start3A_235] : memref<512x64xf32, #tpu.memory_space<vmem>> -> memref<1x64xf32, #tpu.memory_space<vmem>>
        %dma_start3A_237 = arith.constant 0 : i32
        %dma_start3A_238 = tpu.memref_slice %arg2[%squeeze3A_230, %dma_start3A_237] : memref<1000000x64xf32, #tpu.memory_space<hbm>> -> memref<1x64xf32, #tpu.memory_space<hbm>>
        %dma_start3A_239 = arith.constant 0 : i32
        %dma_start3A_240 = tpu.memref_slice %arg6[%add3A_234, %dma_start3A_239] : memref<512x64xf32, #tpu.memory_space<vmem>> -> memref<1x64xf32, #tpu.memory_space<vmem>>
        %dma_start3A_241 = arith.constant 0 : i32
        %dma_start3A_242 = tpu.memref_slice %arg2[%squeeze3A_230, %dma_start3A_241] : memref<1000000x64xf32, #tpu.memory_space<hbm>> -> memref<1x64xf32, #tpu.memory_space<hbm>>
        tpu.enqueue_dma source(%dma_start3A_242 : memref<1x64xf32, #tpu.memory_space<hbm>>) target(%dma_start3A_240 : memref<1x64xf32, #tpu.memory_space<vmem>>) target_semaphore(%arg7 : memref<!tpu.dma_semaphore, #tpu.memory_space<semaphore_mem>>)
        %slice3A_243 = vector.extract_strided_slice %get3A_105 {offsets = [10], sizes = [1], strides = [1]} : vector<16xi32> to vector<1xi32>
        %squeeze3A_244 = vector.extract %slice3A_243[0] : i32 from vector<1xi32>
        %mul3A_245 = arith.constant 16 : i32
        %mul3A_246 = arith.muli %scan3A_101, %mul3A_245 : i32
        %add3A_247 = arith.constant 10 : i32
        %add3A_248 = arith.addi %mul3A_246, %add3A_247 : i32
        %dma_start3A_249 = arith.constant 0 : i32
        %dma_start3A_250 = tpu.memref_slice %arg6[%add3A_248, %dma_start3A_249] : memref<512x64xf32, #tpu.memory_space<vmem>> -> memref<1x64xf32, #tpu.memory_space<vmem>>
        %dma_start3A_251 = arith.constant 0 : i32
        %dma_start3A_252 = tpu.memref_slice %arg2[%squeeze3A_244, %dma_start3A_251] : memref<1000000x64xf32, #tpu.memory_space<hbm>> -> memref<1x64xf32, #tpu.memory_space<hbm>>
        %dma_start3A_253 = arith.constant 0 : i32
        %dma_start3A_254 = tpu.memref_slice %arg6[%add3A_248, %dma_start3A_253] : memref<512x64xf32, #tpu.memory_space<vmem>> -> memref<1x64xf32, #tpu.memory_space<vmem>>
        %dma_start3A_255 = arith.constant 0 : i32
        %dma_start3A_256 = tpu.memref_slice %arg2[%squeeze3A_244, %dma_start3A_255] : memref<1000000x64xf32, #tpu.memory_space<hbm>> -> memref<1x64xf32, #tpu.memory_space<hbm>>
        tpu.enqueue_dma source(%dma_start3A_256 : memref<1x64xf32, #tpu.memory_space<hbm>>) target(%dma_start3A_254 : memref<1x64xf32, #tpu.memory_space<vmem>>) target_semaphore(%arg7 : memref<!tpu.dma_semaphore, #tpu.memory_space<semaphore_mem>>)
        %slice3A_257 = vector.extract_strided_slice %get3A_105 {offsets = [11], sizes = [1], strides = [1]} : vector<16xi32> to vector<1xi32>
        %squeeze3A_258 = vector.extract %slice3A_257[0] : i32 from vector<1xi32>
        %mul3A_259 = arith.constant 16 : i32
        %mul3A_260 = arith.muli %scan3A_101, %mul3A_259 : i32
        %add3A_261 = arith.constant 11 : i32
        %add3A_262 = arith.addi %mul3A_260, %add3A_261 : i32
        %dma_start3A_263 = arith.constant 0 : i32
        %dma_start3A_264 = tpu.memref_slice %arg6[%add3A_262, %dma_start3A_263] : memref<512x64xf32, #tpu.memory_space<vmem>> -> memref<1x64xf32, #tpu.memory_space<vmem>>
        %dma_start3A_265 = arith.constant 0 : i32
        %dma_start3A_266 = tpu.memref_slice %arg2[%squeeze3A_258, %dma_start3A_265] : memref<1000000x64xf32, #tpu.memory_space<hbm>> -> memref<1x64xf32, #tpu.memory_space<hbm>>
        %dma_start3A_267 = arith.constant 0 : i32
        %dma_start3A_268 = tpu.memref_slice %arg6[%add3A_262, %dma_start3A_267] : memref<512x64xf32, #tpu.memory_space<vmem>> -> memref<1x64xf32, #tpu.memory_space<vmem>>
        %dma_start3A_269 = arith.constant 0 : i32
        %dma_start3A_270 = tpu.memref_slice %arg2[%squeeze3A_258, %dma_start3A_269] : memref<1000000x64xf32, #tpu.memory_space<hbm>> -> memref<1x64xf32, #tpu.memory_space<hbm>>
        tpu.enqueue_dma source(%dma_start3A_270 : memref<1x64xf32, #tpu.memory_space<hbm>>) target(%dma_start3A_268 : memref<1x64xf32, #tpu.memory_space<vmem>>) target_semaphore(%arg7 : memref<!tpu.dma_semaphore, #tpu.memory_space<semaphore_mem>>)
        %slice3A_271 = vector.extract_strided_slice %get3A_105 {offsets = [12], sizes = [1], strides = [1]} : vector<16xi32> to vector<1xi32>
        %squeeze3A_272 = vector.extract %slice3A_271[0] : i32 from vector<1xi32>
        %mul3A_273 = arith.constant 16 : i32
        %mul3A_274 = arith.muli %scan3A_101, %mul3A_273 : i32
        %add3A_275 = arith.constant 12 : i32
        %add3A_276 = arith.addi %mul3A_274, %add3A_275 : i32
        %dma_start3A_277 = arith.constant 0 : i32
        %dma_start3A_278 = tpu.memref_slice %arg6[%add3A_276, %dma_start3A_277] : memref<512x64xf32, #tpu.memory_space<vmem>> -> memref<1x64xf32, #tpu.memory_space<vmem>>
        %dma_start3A_279 = arith.constant 0 : i32
        %dma_start3A_280 = tpu.memref_slice %arg2[%squeeze3A_272, %dma_start3A_279] : memref<1000000x64xf32, #tpu.memory_space<hbm>> -> memref<1x64xf32, #tpu.memory_space<hbm>>
        %dma_start3A_281 = arith.constant 0 : i32
        %dma_start3A_282 = tpu.memref_slice %arg6[%add3A_276, %dma_start3A_281] : memref<512x64xf32, #tpu.memory_space<vmem>> -> memref<1x64xf32, #tpu.memory_space<vmem>>
        %dma_start3A_283 = arith.constant 0 : i32
        %dma_start3A_284 = tpu.memref_slice %arg2[%squeeze3A_272, %dma_start3A_283] : memref<1000000x64xf32, #tpu.memory_space<hbm>> -> memref<1x64xf32, #tpu.memory_space<hbm>>
        tpu.enqueue_dma source(%dma_start3A_284 : memref<1x64xf32, #tpu.memory_space<hbm>>) target(%dma_start3A_282 : memref<1x64xf32, #tpu.memory_space<vmem>>) target_semaphore(%arg7 : memref<!tpu.dma_semaphore, #tpu.memory_space<semaphore_mem>>)
        %slice3A_285 = vector.extract_strided_slice %get3A_105 {offsets = [13], sizes = [1], strides = [1]} : vector<16xi32> to vector<1xi32>
        %squeeze3A_286 = vector.extract %slice3A_285[0] : i32 from vector<1xi32>
        %mul3A_287 = arith.constant 16 : i32
        %mul3A_288 = arith.muli %scan3A_101, %mul3A_287 : i32
        %add3A_289 = arith.constant 13 : i32
        %add3A_290 = arith.addi %mul3A_288, %add3A_289 : i32
        %dma_start3A_291 = arith.constant 0 : i32
        %dma_start3A_292 = tpu.memref_slice %arg6[%add3A_290, %dma_start3A_291] : memref<512x64xf32, #tpu.memory_space<vmem>> -> memref<1x64xf32, #tpu.memory_space<vmem>>
        %dma_start3A_293 = arith.constant 0 : i32
        %dma_start3A_294 = tpu.memref_slice %arg2[%squeeze3A_286, %dma_start3A_293] : memref<1000000x64xf32, #tpu.memory_space<hbm>> -> memref<1x64xf32, #tpu.memory_space<hbm>>
        %dma_start3A_295 = arith.constant 0 : i32
        %dma_start3A_296 = tpu.memref_slice %arg6[%add3A_290, %dma_start3A_295] : memref<512x64xf32, #tpu.memory_space<vmem>> -> memref<1x64xf32, #tpu.memory_space<vmem>>
        %dma_start3A_297 = arith.constant 0 : i32
        %dma_start3A_298 = tpu.memref_slice %arg2[%squeeze3A_286, %dma_start3A_297] : memref<1000000x64xf32, #tpu.memory_space<hbm>> -> memref<1x64xf32, #tpu.memory_space<hbm>>
        tpu.enqueue_dma source(%dma_start3A_298 : memref<1x64xf32, #tpu.memory_space<hbm>>) target(%dma_start3A_296 : memref<1x64xf32, #tpu.memory_space<vmem>>) target_semaphore(%arg7 : memref<!tpu.dma_semaphore, #tpu.memory_space<semaphore_mem>>)
        %slice3A_299 = vector.extract_strided_slice %get3A_105 {offsets = [14], sizes = [1], strides = [1]} : vector<16xi32> to vector<1xi32>
        %squeeze3A_300 = vector.extract %slice3A_299[0] : i32 from vector<1xi32>
        %mul3A_301 = arith.constant 16 : i32
        %mul3A_302 = arith.muli %scan3A_101, %mul3A_301 : i32
        %add3A_303 = arith.constant 14 : i32
        %add3A_304 = arith.addi %mul3A_302, %add3A_303 : i32
        %dma_start3A_305 = arith.constant 0 : i32
        %dma_start3A_306 = tpu.memref_slice %arg6[%add3A_304, %dma_start3A_305] : memref<512x64xf32, #tpu.memory_space<vmem>> -> memref<1x64xf32, #tpu.memory_space<vmem>>
        %dma_start3A_307 = arith.constant 0 : i32
        %dma_start3A_308 = tpu.memref_slice %arg2[%squeeze3A_300, %dma_start3A_307] : memref<1000000x64xf32, #tpu.memory_space<hbm>> -> memref<1x64xf32, #tpu.memory_space<hbm>>
        %dma_start3A_309 = arith.constant 0 : i32
        %dma_start3A_310 = tpu.memref_slice %arg6[%add3A_304, %dma_start3A_309] : memref<512x64xf32, #tpu.memory_space<vmem>> -> memref<1x64xf32, #tpu.memory_space<vmem>>
        %dma_start3A_311 = arith.constant 0 : i32
        %dma_start3A_312 = tpu.memref_slice %arg2[%squeeze3A_300, %dma_start3A_311] : memref<1000000x64xf32, #tpu.memory_space<hbm>> -> memref<1x64xf32, #tpu.memory_space<hbm>>
        tpu.enqueue_dma source(%dma_start3A_312 : memref<1x64xf32, #tpu.memory_space<hbm>>) target(%dma_start3A_310 : memref<1x64xf32, #tpu.memory_space<vmem>>) target_semaphore(%arg7 : memref<!tpu.dma_semaphore, #tpu.memory_space<semaphore_mem>>)
        %slice3A_313 = vector.extract_strided_slice %get3A_105 {offsets = [15], sizes = [1], strides = [1]} : vector<16xi32> to vector<1xi32>
        %squeeze3A_314 = vector.extract %slice3A_313[0] : i32 from vector<1xi32>
        %mul3A_315 = arith.constant 16 : i32
        %mul3A_316 = arith.muli %scan3A_101, %mul3A_315 : i32
        %add3A_317 = arith.constant 15 : i32
        %add3A_318 = arith.addi %mul3A_316, %add3A_317 : i32
        %dma_start3A_319 = arith.constant 0 : i32
        %dma_start3A_320 = tpu.memref_slice %arg6[%add3A_318, %dma_start3A_319] : memref<512x64xf32, #tpu.memory_space<vmem>> -> memref<1x64xf32, #tpu.memory_space<vmem>>
        %dma_start3A_321 = arith.constant 0 : i32
        %dma_start3A_322 = tpu.memref_slice %arg2[%squeeze3A_314, %dma_start3A_321] : memref<1000000x64xf32, #tpu.memory_space<hbm>> -> memref<1x64xf32, #tpu.memory_space<hbm>>
        %dma_start3A_323 = arith.constant 0 : i32
        %dma_start3A_324 = tpu.memref_slice %arg6[%add3A_318, %dma_start3A_323] : memref<512x64xf32, #tpu.memory_space<vmem>> -> memref<1x64xf32, #tpu.memory_space<vmem>>
        %dma_start3A_325 = arith.constant 0 : i32
        %dma_start3A_326 = tpu.memref_slice %arg2[%squeeze3A_314, %dma_start3A_325] : memref<1000000x64xf32, #tpu.memory_space<hbm>> -> memref<1x64xf32, #tpu.memory_space<hbm>>
        tpu.enqueue_dma source(%dma_start3A_326 : memref<1x64xf32, #tpu.memory_space<hbm>>) target(%dma_start3A_324 : memref<1x64xf32, #tpu.memory_space<vmem>>) target_semaphore(%arg7 : memref<!tpu.dma_semaphore, #tpu.memory_space<semaphore_mem>>)
        %gt3A = arith.constant 3 : i32
        %gt3A_327 = arith.cmpi sgt, %scan3A_101, %gt3A : i32
        %convert_element_type3A_328 = arith.extui %gt3A_327 : i1 to i32
        %cond3A_329 = arith.constant 0 : i32
        %cond3A_330 = arith.cmpi ne, %convert_element_type3A_328, %cond3A_329 : i32
        scf.if %cond3A_330 {
          %dma_wait3A_331 = arith.constant 0 : i32
          %dma_wait3A_332 = arith.constant 0 : i32
          %dma_wait3A_333 = tpu.memref_slice %arg6[%dma_wait3A_331, %dma_wait3A_332] : memref<512x64xf32, #tpu.memory_space<vmem>> -> memref<16x64xf32, #tpu.memory_space<vmem>>
          %dma_wait3A_334 = arith.constant 0 : i32
          %dma_wait3A_335 = arith.constant 0 : i32
          %dma_wait3A_336 = tpu.memref_slice %arg2[%dma_wait3A_334, %dma_wait3A_335] : memref<1000000x64xf32, #tpu.memory_space<hbm>> -> memref<16x64xf32, #tpu.memory_space<hbm>>
          %dma_wait3A_337 = arith.constant 0 : i32
          %dma_wait3A_338 = arith.constant 0 : i32
          %dma_wait3A_339 = tpu.memref_slice %arg6[%dma_wait3A_337, %dma_wait3A_338] : memref<512x64xf32, #tpu.memory_space<vmem>> -> memref<16x64xf32, #tpu.memory_space<vmem>>
          %dma_wait3A_340 = arith.constant 0 : i32
          %dma_wait3A_341 = arith.constant 0 : i32
          %dma_wait3A_342 = tpu.memref_slice %arg2[%dma_wait3A_340, %dma_wait3A_341] : memref<1000000x64xf32, #tpu.memory_space<hbm>> -> memref<16x64xf32, #tpu.memory_space<hbm>>
          tpu.wait_dma2 semaphore(%arg7 : memref<!tpu.dma_semaphore, #tpu.memory_space<semaphore_mem>>) src(%dma_wait3A_342 : memref<16x64xf32, #tpu.memory_space<hbm>>) dst(%dma_wait3A_339 : memref<16x64xf32, #tpu.memory_space<vmem>>)
        } else {
        }
      }
      %scan3A_53 = arith.constant 32 : i32
      %dma_wait3A = arith.constant 0 : i32
      %dma_wait3A_54 = arith.constant 0 : i32
      %dma_wait3A_55 = tpu.memref_slice %arg6[%dma_wait3A, %dma_wait3A_54] : memref<512x64xf32, #tpu.memory_space<vmem>> -> memref<16x64xf32, #tpu.memory_space<vmem>>
      %dma_wait3A_56 = arith.constant 0 : i32
      %dma_wait3A_57 = arith.constant 0 : i32
      %dma_wait3A_58 = tpu.memref_slice %arg2[%dma_wait3A_56, %dma_wait3A_57] : memref<1000000x64xf32, #tpu.memory_space<hbm>> -> memref<16x64xf32, #tpu.memory_space<hbm>>
      %dma_wait3A_59 = arith.constant 0 : i32
      %dma_wait3A_60 = arith.constant 0 : i32
      %dma_wait3A_61 = tpu.memref_slice %arg6[%dma_wait3A_59, %dma_wait3A_60] : memref<512x64xf32, #tpu.memory_space<vmem>> -> memref<16x64xf32, #tpu.memory_space<vmem>>
      %dma_wait3A_62 = arith.constant 0 : i32
      %dma_wait3A_63 = arith.constant 0 : i32
      %dma_wait3A_64 = tpu.memref_slice %arg2[%dma_wait3A_62, %dma_wait3A_63] : memref<1000000x64xf32, #tpu.memory_space<hbm>> -> memref<16x64xf32, #tpu.memory_space<hbm>>
      tpu.wait_dma2 semaphore(%arg7 : memref<!tpu.dma_semaphore, #tpu.memory_space<semaphore_mem>>) src(%dma_wait3A_64 : memref<16x64xf32, #tpu.memory_space<hbm>>) dst(%dma_wait3A_61 : memref<16x64xf32, #tpu.memory_space<vmem>>)
      %dma_wait3A_65 = arith.constant 0 : i32
      %dma_wait3A_66 = arith.constant 0 : i32
      %dma_wait3A_67 = tpu.memref_slice %arg6[%dma_wait3A_65, %dma_wait3A_66] : memref<512x64xf32, #tpu.memory_space<vmem>> -> memref<16x64xf32, #tpu.memory_space<vmem>>
      %dma_wait3A_68 = arith.constant 0 : i32
      %dma_wait3A_69 = arith.constant 0 : i32
      %dma_wait3A_70 = tpu.memref_slice %arg2[%dma_wait3A_68, %dma_wait3A_69] : memref<1000000x64xf32, #tpu.memory_space<hbm>> -> memref<16x64xf32, #tpu.memory_space<hbm>>
      %dma_wait3A_71 = arith.constant 0 : i32
      %dma_wait3A_72 = arith.constant 0 : i32
      %dma_wait3A_73 = tpu.memref_slice %arg6[%dma_wait3A_71, %dma_wait3A_72] : memref<512x64xf32, #tpu.memory_space<vmem>> -> memref<16x64xf32, #tpu.memory_space<vmem>>
      %dma_wait3A_74 = arith.constant 0 : i32
      %dma_wait3A_75 = arith.constant 0 : i32
      %dma_wait3A_76 = tpu.memref_slice %arg2[%dma_wait3A_74, %dma_wait3A_75] : memref<1000000x64xf32, #tpu.memory_space<hbm>> -> memref<16x64xf32, #tpu.memory_space<hbm>>
      tpu.wait_dma2 semaphore(%arg7 : memref<!tpu.dma_semaphore, #tpu.memory_space<semaphore_mem>>) src(%dma_wait3A_76 : memref<16x64xf32, #tpu.memory_space<hbm>>) dst(%dma_wait3A_73 : memref<16x64xf32, #tpu.memory_space<vmem>>)
      %dma_wait3A_77 = arith.constant 0 : i32
      %dma_wait3A_78 = arith.constant 0 : i32
      %dma_wait3A_79 = tpu.memref_slice %arg6[%dma_wait3A_77, %dma_wait3A_78] : memref<512x64xf32, #tpu.memory_space<vmem>> -> memref<16x64xf32, #tpu.memory_space<vmem>>
      %dma_wait3A_80 = arith.constant 0 : i32
      %dma_wait3A_81 = arith.constant 0 : i32
      %dma_wait3A_82 = tpu.memref_slice %arg2[%dma_wait3A_80, %dma_wait3A_81] : memref<1000000x64xf32, #tpu.memory_space<hbm>> -> memref<16x64xf32, #tpu.memory_space<hbm>>
      %dma_wait3A_83 = arith.constant 0 : i32
      %dma_wait3A_84 = arith.constant 0 : i32
      %dma_wait3A_85 = tpu.memref_slice %arg6[%dma_wait3A_83, %dma_wait3A_84] : memref<512x64xf32, #tpu.memory_space<vmem>> -> memref<16x64xf32, #tpu.memory_space<vmem>>
      %dma_wait3A_86 = arith.constant 0 : i32
      %dma_wait3A_87 = arith.constant 0 : i32
      %dma_wait3A_88 = tpu.memref_slice %arg2[%dma_wait3A_86, %dma_wait3A_87] : memref<1000000x64xf32, #tpu.memory_space<hbm>> -> memref<16x64xf32, #tpu.memory_space<hbm>>
      tpu.wait_dma2 semaphore(%arg7 : memref<!tpu.dma_semaphore, #tpu.memory_space<semaphore_mem>>) src(%dma_wait3A_88 : memref<16x64xf32, #tpu.memory_space<hbm>>) dst(%dma_wait3A_85 : memref<16x64xf32, #tpu.memory_space<vmem>>)
      %dma_wait3A_89 = arith.constant 0 : i32
      %dma_wait3A_90 = arith.constant 0 : i32
      %dma_wait3A_91 = tpu.memref_slice %arg6[%dma_wait3A_89, %dma_wait3A_90] : memref<512x64xf32, #tpu.memory_space<vmem>> -> memref<16x64xf32, #tpu.memory_space<vmem>>
      %dma_wait3A_92 = arith.constant 0 : i32
      %dma_wait3A_93 = arith.constant 0 : i32
      %dma_wait3A_94 = tpu.memref_slice %arg2[%dma_wait3A_92, %dma_wait3A_93] : memref<1000000x64xf32, #tpu.memory_space<hbm>> -> memref<16x64xf32, #tpu.memory_space<hbm>>
      %dma_wait3A_95 = arith.constant 0 : i32
      %dma_wait3A_96 = arith.constant 0 : i32
      %dma_wait3A_97 = tpu.memref_slice %arg6[%dma_wait3A_95, %dma_wait3A_96] : memref<512x64xf32, #tpu.memory_space<vmem>> -> memref<16x64xf32, #tpu.memory_space<vmem>>
      %dma_wait3A_98 = arith.constant 0 : i32
      %dma_wait3A_99 = arith.constant 0 : i32
      %dma_wait3A_100 = tpu.memref_slice %arg2[%dma_wait3A_98, %dma_wait3A_99] : memref<1000000x64xf32, #tpu.memory_space<hbm>> -> memref<16x64xf32, #tpu.memory_space<hbm>>
      tpu.wait_dma2 semaphore(%arg7 : memref<!tpu.dma_semaphore, #tpu.memory_space<semaphore_mem>>) src(%dma_wait3A_100 : memref<16x64xf32, #tpu.memory_space<hbm>>) dst(%dma_wait3A_97 : memref<16x64xf32, #tpu.memory_space<vmem>>)
      "tpu.region"() ({
        %run_scoped3A = tpu.sem_alloc : memref<!tpu.dma_semaphore, #tpu.memory_space<semaphore_mem>>
        %dma_start3A = arith.constant 0 : i32
        %dma_start3A_101 = tpu.memref_slice %arg4[%multiple_of3A, %dma_start3A] : memref<100000x64xf32, #tpu.memory_space<hbm>> -> memref<512x64xf32, #tpu.memory_space<hbm>>
        %dma_start3A_102 = arith.constant 0 : i32
        %dma_start3A_103 = tpu.memref_slice %arg4[%multiple_of3A, %dma_start3A_102] : memref<100000x64xf32, #tpu.memory_space<hbm>> -> memref<512x64xf32, #tpu.memory_space<hbm>>
        tpu.enqueue_dma source(%arg6 : memref<512x64xf32, #tpu.memory_space<vmem>>) target(%dma_start3A_103 : memref<512x64xf32, #tpu.memory_space<hbm>>) target_semaphore(%run_scoped3A : memref<!tpu.dma_semaphore, #tpu.memory_space<semaphore_mem>>)
        %dma_wait3A_104 = arith.constant 0 : i32
        %dma_wait3A_105 = tpu.memref_slice %arg4[%multiple_of3A, %dma_wait3A_104] : memref<100000x64xf32, #tpu.memory_space<hbm>> -> memref<512x64xf32, #tpu.memory_space<hbm>>
        %dma_wait3A_106 = arith.constant 0 : i32
        %dma_wait3A_107 = tpu.memref_slice %arg4[%multiple_of3A, %dma_wait3A_106] : memref<100000x64xf32, #tpu.memory_space<hbm>> -> memref<512x64xf32, #tpu.memory_space<hbm>>
        tpu.wait_dma2 semaphore(%run_scoped3A : memref<!tpu.dma_semaphore, #tpu.memory_space<semaphore_mem>>) src(%arg6 : memref<512x64xf32, #tpu.memory_space<vmem>>) dst(%dma_wait3A_107 : memref<512x64xf32, #tpu.memory_space<hbm>>)
        tpu.yield
      }) : () -> ()
    } else {
    }
    %add3A_26 = arith.constant 128 : i32
    %add3A_27 = arith.addi %add3A, %add3A_26 : i32
    %lt3A_28 = arith.constant 196 : i32
    %lt3A_29 = arith.cmpi slt, %add3A_27, %lt3A_28 : i32
    %convert_element_type3A_30 = arith.extui %lt3A_29 : i1 to i32
    %cond3A_31 = arith.constant 0 : i32
    %cond3A_32 = arith.cmpi ne, %convert_element_type3A_30, %cond3A_31 : i32
    scf.if %cond3A_32 {
      %mul3A_47 = arith.constant 512 : i32
      %mul3A_48 = arith.muli %add3A_27, %mul3A_47 : i32
      %min3A = arith.constant 99488 : i32
      %min3A_49 = arith.minsi %mul3A_48, %min3A : i32
      %multiple_of3A = tpu.assume_multiple %min3A_49, 8 : i32
      "tpu.region"() ({
        %run_scoped3A = tpu.sem_alloc : memref<!tpu.dma_semaphore, #tpu.memory_space<semaphore_mem>>
        %dma_start3A = tpu.memref_slice %arg3[%multiple_of3A] : memref<100000xi32, #tpu.memory_space<hbm>> -> memref<512xi32, #tpu.memory_space<hbm>>
        %dma_start3A_101 = tpu.memref_slice %arg3[%multiple_of3A] : memref<100000xi32, #tpu.memory_space<hbm>> -> memref<512xi32, #tpu.memory_space<hbm>>
        tpu.enqueue_dma source(%dma_start3A_101 : memref<512xi32, #tpu.memory_space<hbm>>) target(%arg5 : memref<512xi32, #tpu.memory_space<vmem>>) target_semaphore(%run_scoped3A : memref<!tpu.dma_semaphore, #tpu.memory_space<semaphore_mem>>)
        %dma_wait3A_102 = tpu.memref_slice %arg3[%multiple_of3A] : memref<100000xi32, #tpu.memory_space<hbm>> -> memref<512xi32, #tpu.memory_space<hbm>>
        %dma_wait3A_103 = tpu.memref_slice %arg3[%multiple_of3A] : memref<100000xi32, #tpu.memory_space<hbm>> -> memref<512xi32, #tpu.memory_space<hbm>>
        tpu.wait_dma2 semaphore(%run_scoped3A : memref<!tpu.dma_semaphore, #tpu.memory_space<semaphore_mem>>) src(%dma_wait3A_103 : memref<512xi32, #tpu.memory_space<hbm>>) dst(%arg5 : memref<512xi32, #tpu.memory_space<vmem>>)
        tpu.yield
      }) : () -> ()
      %scan3A = arith.constant 0 : i32
      %scan3A_50 = arith.constant 32 : i32
      %scan3A_51 = arith.addi %scan3A, %scan3A_50 : i32
      %scan3A_52 = arith.constant 1 : i32
      scf.for %scan3A_101 = %scan3A to %scan3A_51 step %scan3A_52  : i32 {
        %mul3A_102 = arith.constant 16 : i32
        %mul3A_103 = arith.muli %scan3A_101, %mul3A_102 : i32
        %get3A = arith.index_cast %mul3A_103 : i32 to index
        %get3A_104 = tpu.vector_load %arg5[%get3A] {strides = array<i32>} : memref<512xi32, #tpu.memory_space<vmem>>, vector<16xi32>,
        %get3A_105 = vector.shape_cast %get3A_104 : vector<16xi32> to vector<16xi32>
        %slice3A = vector.extract_strided_slice %get3A_105 {offsets = [0], sizes = [1], strides = [1]} : vector<16xi32> to vector<1xi32>
        %squeeze3A = vector.extract %slice3A[0] : i32 from vector<1xi32>
        %mul3A_106 = arith.constant 16 : i32
        %mul3A_107 = arith.muli %scan3A_101, %mul3A_106 : i32
        %add3A_108 = arith.constant 0 : i32
        %add3A_109 = arith.addi %mul3A_107, %add3A_108 : i32
        %dma_start3A = arith.constant 0 : i32
        %dma_start3A_110 = tpu.memref_slice %arg6[%add3A_109, %dma_start3A] : memref<512x64xf32, #tpu.memory_space<vmem>> -> memref<1x64xf32, #tpu.memory_space<vmem>>
        %dma_start3A_111 = arith.constant 0 : i32
        %dma_start3A_112 = tpu.memref_slice %arg2[%squeeze3A, %dma_start3A_111] : memref<1000000x64xf32, #tpu.memory_space<hbm>> -> memref<1x64xf32, #tpu.memory_space<hbm>>
        %dma_start3A_113 = arith.constant 0 : i32
        %dma_start3A_114 = tpu.memref_slice %arg6[%add3A_109, %dma_start3A_113] : memref<512x64xf32, #tpu.memory_space<vmem>> -> memref<1x64xf32, #tpu.memory_space<vmem>>
        %dma_start3A_115 = arith.constant 0 : i32
        %dma_start3A_116 = tpu.memref_slice %arg2[%squeeze3A, %dma_start3A_115] : memref<1000000x64xf32, #tpu.memory_space<hbm>> -> memref<1x64xf32, #tpu.memory_space<hbm>>
        tpu.enqueue_dma source(%dma_start3A_116 : memref<1x64xf32, #tpu.memory_space<hbm>>) target(%dma_start3A_114 : memref<1x64xf32, #tpu.memory_space<vmem>>) target_semaphore(%arg7 : memref<!tpu.dma_semaphore, #tpu.memory_space<semaphore_mem>>)
        %slice3A_117 = vector.extract_strided_slice %get3A_105 {offsets = [1], sizes = [1], strides = [1]} : vector<16xi32> to vector<1xi32>
        %squeeze3A_118 = vector.extract %slice3A_117[0] : i32 from vector<1xi32>
        %mul3A_119 = arith.constant 16 : i32
        %mul3A_120 = arith.muli %scan3A_101, %mul3A_119 : i32
        %add3A_121 = arith.constant 1 : i32
        %add3A_122 = arith.addi %mul3A_120, %add3A_121 : i32
        %dma_start3A_123 = arith.constant 0 : i32
        %dma_start3A_124 = tpu.memref_slice %arg6[%add3A_122, %dma_start3A_123] : memref<512x64xf32, #tpu.memory_space<vmem>> -> memref<1x64xf32, #tpu.memory_space<vmem>>
        %dma_start3A_125 = arith.constant 0 : i32
        %dma_start3A_126 = tpu.memref_slice %arg2[%squeeze3A_118, %dma_start3A_125] : memref<1000000x64xf32, #tpu.memory_space<hbm>> -> memref<1x64xf32, #tpu.memory_space<hbm>>
        %dma_start3A_127 = arith.constant 0 : i32
        %dma_start3A_128 = tpu.memref_slice %arg6[%add3A_122, %dma_start3A_127] : memref<512x64xf32, #tpu.memory_space<vmem>> -> memref<1x64xf32, #tpu.memory_space<vmem>>
        %dma_start3A_129 = arith.constant 0 : i32
        %dma_start3A_130 = tpu.memref_slice %arg2[%squeeze3A_118, %dma_start3A_129] : memref<1000000x64xf32, #tpu.memory_space<hbm>> -> memref<1x64xf32, #tpu.memory_space<hbm>>
        tpu.enqueue_dma source(%dma_start3A_130 : memref<1x64xf32, #tpu.memory_space<hbm>>) target(%dma_start3A_128 : memref<1x64xf32, #tpu.memory_space<vmem>>) target_semaphore(%arg7 : memref<!tpu.dma_semaphore, #tpu.memory_space<semaphore_mem>>)
        %slice3A_131 = vector.extract_strided_slice %get3A_105 {offsets = [2], sizes = [1], strides = [1]} : vector<16xi32> to vector<1xi32>
        %squeeze3A_132 = vector.extract %slice3A_131[0] : i32 from vector<1xi32>
        %mul3A_133 = arith.constant 16 : i32
        %mul3A_134 = arith.muli %scan3A_101, %mul3A_133 : i32
        %add3A_135 = arith.constant 2 : i32
        %add3A_136 = arith.addi %mul3A_134, %add3A_135 : i32
        %dma_start3A_137 = arith.constant 0 : i32
        %dma_start3A_138 = tpu.memref_slice %arg6[%add3A_136, %dma_start3A_137] : memref<512x64xf32, #tpu.memory_space<vmem>> -> memref<1x64xf32, #tpu.memory_space<vmem>>
        %dma_start3A_139 = arith.constant 0 : i32
        %dma_start3A_140 = tpu.memref_slice %arg2[%squeeze3A_132, %dma_start3A_139] : memref<1000000x64xf32, #tpu.memory_space<hbm>> -> memref<1x64xf32, #tpu.memory_space<hbm>>
        %dma_start3A_141 = arith.constant 0 : i32
        %dma_start3A_142 = tpu.memref_slice %arg6[%add3A_136, %dma_start3A_141] : memref<512x64xf32, #tpu.memory_space<vmem>> -> memref<1x64xf32, #tpu.memory_space<vmem>>
        %dma_start3A_143 = arith.constant 0 : i32
        %dma_start3A_144 = tpu.memref_slice %arg2[%squeeze3A_132, %dma_start3A_143] : memref<1000000x64xf32, #tpu.memory_space<hbm>> -> memref<1x64xf32, #tpu.memory_space<hbm>>
        tpu.enqueue_dma source(%dma_start3A_144 : memref<1x64xf32, #tpu.memory_space<hbm>>) target(%dma_start3A_142 : memref<1x64xf32, #tpu.memory_space<vmem>>) target_semaphore(%arg7 : memref<!tpu.dma_semaphore, #tpu.memory_space<semaphore_mem>>)
        %slice3A_145 = vector.extract_strided_slice %get3A_105 {offsets = [3], sizes = [1], strides = [1]} : vector<16xi32> to vector<1xi32>
        %squeeze3A_146 = vector.extract %slice3A_145[0] : i32 from vector<1xi32>
        %mul3A_147 = arith.constant 16 : i32
        %mul3A_148 = arith.muli %scan3A_101, %mul3A_147 : i32
        %add3A_149 = arith.constant 3 : i32
        %add3A_150 = arith.addi %mul3A_148, %add3A_149 : i32
        %dma_start3A_151 = arith.constant 0 : i32
        %dma_start3A_152 = tpu.memref_slice %arg6[%add3A_150, %dma_start3A_151] : memref<512x64xf32, #tpu.memory_space<vmem>> -> memref<1x64xf32, #tpu.memory_space<vmem>>
        %dma_start3A_153 = arith.constant 0 : i32
        %dma_start3A_154 = tpu.memref_slice %arg2[%squeeze3A_146, %dma_start3A_153] : memref<1000000x64xf32, #tpu.memory_space<hbm>> -> memref<1x64xf32, #tpu.memory_space<hbm>>
        %dma_start3A_155 = arith.constant 0 : i32
        %dma_start3A_156 = tpu.memref_slice %arg6[%add3A_150, %dma_start3A_155] : memref<512x64xf32, #tpu.memory_space<vmem>> -> memref<1x64xf32, #tpu.memory_space<vmem>>
        %dma_start3A_157 = arith.constant 0 : i32
        %dma_start3A_158 = tpu.memref_slice %arg2[%squeeze3A_146, %dma_start3A_157] : memref<1000000x64xf32, #tpu.memory_space<hbm>> -> memref<1x64xf32, #tpu.memory_space<hbm>>
        tpu.enqueue_dma source(%dma_start3A_158 : memref<1x64xf32, #tpu.memory_space<hbm>>) target(%dma_start3A_156 : memref<1x64xf32, #tpu.memory_space<vmem>>) target_semaphore(%arg7 : memref<!tpu.dma_semaphore, #tpu.memory_space<semaphore_mem>>)
        %slice3A_159 = vector.extract_strided_slice %get3A_105 {offsets = [4], sizes = [1], strides = [1]} : vector<16xi32> to vector<1xi32>
        %squeeze3A_160 = vector.extract %slice3A_159[0] : i32 from vector<1xi32>
        %mul3A_161 = arith.constant 16 : i32
        %mul3A_162 = arith.muli %scan3A_101, %mul3A_161 : i32
        %add3A_163 = arith.constant 4 : i32
        %add3A_164 = arith.addi %mul3A_162, %add3A_163 : i32
        %dma_start3A_165 = arith.constant 0 : i32
        %dma_start3A_166 = tpu.memref_slice %arg6[%add3A_164, %dma_start3A_165] : memref<512x64xf32, #tpu.memory_space<vmem>> -> memref<1x64xf32, #tpu.memory_space<vmem>>
        %dma_start3A_167 = arith.constant 0 : i32
        %dma_start3A_168 = tpu.memref_slice %arg2[%squeeze3A_160, %dma_start3A_167] : memref<1000000x64xf32, #tpu.memory_space<hbm>> -> memref<1x64xf32, #tpu.memory_space<hbm>>
        %dma_start3A_169 = arith.constant 0 : i32
        %dma_start3A_170 = tpu.memref_slice %arg6[%add3A_164, %dma_start3A_169] : memref<512x64xf32, #tpu.memory_space<vmem>> -> memref<1x64xf32, #tpu.memory_space<vmem>>
        %dma_start3A_171 = arith.constant 0 : i32
        %dma_start3A_172 = tpu.memref_slice %arg2[%squeeze3A_160, %dma_start3A_171] : memref<1000000x64xf32, #tpu.memory_space<hbm>> -> memref<1x64xf32, #tpu.memory_space<hbm>>
        tpu.enqueue_dma source(%dma_start3A_172 : memref<1x64xf32, #tpu.memory_space<hbm>>) target(%dma_start3A_170 : memref<1x64xf32, #tpu.memory_space<vmem>>) target_semaphore(%arg7 : memref<!tpu.dma_semaphore, #tpu.memory_space<semaphore_mem>>)
        %slice3A_173 = vector.extract_strided_slice %get3A_105 {offsets = [5], sizes = [1], strides = [1]} : vector<16xi32> to vector<1xi32>
        %squeeze3A_174 = vector.extract %slice3A_173[0] : i32 from vector<1xi32>
        %mul3A_175 = arith.constant 16 : i32
        %mul3A_176 = arith.muli %scan3A_101, %mul3A_175 : i32
        %add3A_177 = arith.constant 5 : i32
        %add3A_178 = arith.addi %mul3A_176, %add3A_177 : i32
        %dma_start3A_179 = arith.constant 0 : i32
        %dma_start3A_180 = tpu.memref_slice %arg6[%add3A_178, %dma_start3A_179] : memref<512x64xf32, #tpu.memory_space<vmem>> -> memref<1x64xf32, #tpu.memory_space<vmem>>
        %dma_start3A_181 = arith.constant 0 : i32
        %dma_start3A_182 = tpu.memref_slice %arg2[%squeeze3A_174, %dma_start3A_181] : memref<1000000x64xf32, #tpu.memory_space<hbm>> -> memref<1x64xf32, #tpu.memory_space<hbm>>
        %dma_start3A_183 = arith.constant 0 : i32
        %dma_start3A_184 = tpu.memref_slice %arg6[%add3A_178, %dma_start3A_183] : memref<512x64xf32, #tpu.memory_space<vmem>> -> memref<1x64xf32, #tpu.memory_space<vmem>>
        %dma_start3A_185 = arith.constant 0 : i32
        %dma_start3A_186 = tpu.memref_slice %arg2[%squeeze3A_174, %dma_start3A_185] : memref<1000000x64xf32, #tpu.memory_space<hbm>> -> memref<1x64xf32, #tpu.memory_space<hbm>>
        tpu.enqueue_dma source(%dma_start3A_186 : memref<1x64xf32, #tpu.memory_space<hbm>>) target(%dma_start3A_184 : memref<1x64xf32, #tpu.memory_space<vmem>>) target_semaphore(%arg7 : memref<!tpu.dma_semaphore, #tpu.memory_space<semaphore_mem>>)
        %slice3A_187 = vector.extract_strided_slice %get3A_105 {offsets = [6], sizes = [1], strides = [1]} : vector<16xi32> to vector<1xi32>
        %squeeze3A_188 = vector.extract %slice3A_187[0] : i32 from vector<1xi32>
        %mul3A_189 = arith.constant 16 : i32
        %mul3A_190 = arith.muli %scan3A_101, %mul3A_189 : i32
        %add3A_191 = arith.constant 6 : i32
        %add3A_192 = arith.addi %mul3A_190, %add3A_191 : i32
        %dma_start3A_193 = arith.constant 0 : i32
        %dma_start3A_194 = tpu.memref_slice %arg6[%add3A_192, %dma_start3A_193] : memref<512x64xf32, #tpu.memory_space<vmem>> -> memref<1x64xf32, #tpu.memory_space<vmem>>
        %dma_start3A_195 = arith.constant 0 : i32
        %dma_start3A_196 = tpu.memref_slice %arg2[%squeeze3A_188, %dma_start3A_195] : memref<1000000x64xf32, #tpu.memory_space<hbm>> -> memref<1x64xf32, #tpu.memory_space<hbm>>
        %dma_start3A_197 = arith.constant 0 : i32
        %dma_start3A_198 = tpu.memref_slice %arg6[%add3A_192, %dma_start3A_197] : memref<512x64xf32, #tpu.memory_space<vmem>> -> memref<1x64xf32, #tpu.memory_space<vmem>>
        %dma_start3A_199 = arith.constant 0 : i32
        %dma_start3A_200 = tpu.memref_slice %arg2[%squeeze3A_188, %dma_start3A_199] : memref<1000000x64xf32, #tpu.memory_space<hbm>> -> memref<1x64xf32, #tpu.memory_space<hbm>>
        tpu.enqueue_dma source(%dma_start3A_200 : memref<1x64xf32, #tpu.memory_space<hbm>>) target(%dma_start3A_198 : memref<1x64xf32, #tpu.memory_space<vmem>>) target_semaphore(%arg7 : memref<!tpu.dma_semaphore, #tpu.memory_space<semaphore_mem>>)
        %slice3A_201 = vector.extract_strided_slice %get3A_105 {offsets = [7], sizes = [1], strides = [1]} : vector<16xi32> to vector<1xi32>
        %squeeze3A_202 = vector.extract %slice3A_201[0] : i32 from vector<1xi32>
        %mul3A_203 = arith.constant 16 : i32
        %mul3A_204 = arith.muli %scan3A_101, %mul3A_203 : i32
        %add3A_205 = arith.constant 7 : i32
        %add3A_206 = arith.addi %mul3A_204, %add3A_205 : i32
        %dma_start3A_207 = arith.constant 0 : i32
        %dma_start3A_208 = tpu.memref_slice %arg6[%add3A_206, %dma_start3A_207] : memref<512x64xf32, #tpu.memory_space<vmem>> -> memref<1x64xf32, #tpu.memory_space<vmem>>
        %dma_start3A_209 = arith.constant 0 : i32
        %dma_start3A_210 = tpu.memref_slice %arg2[%squeeze3A_202, %dma_start3A_209] : memref<1000000x64xf32, #tpu.memory_space<hbm>> -> memref<1x64xf32, #tpu.memory_space<hbm>>
        %dma_start3A_211 = arith.constant 0 : i32
        %dma_start3A_212 = tpu.memref_slice %arg6[%add3A_206, %dma_start3A_211] : memref<512x64xf32, #tpu.memory_space<vmem>> -> memref<1x64xf32, #tpu.memory_space<vmem>>
        %dma_start3A_213 = arith.constant 0 : i32
        %dma_start3A_214 = tpu.memref_slice %arg2[%squeeze3A_202, %dma_start3A_213] : memref<1000000x64xf32, #tpu.memory_space<hbm>> -> memref<1x64xf32, #tpu.memory_space<hbm>>
        tpu.enqueue_dma source(%dma_start3A_214 : memref<1x64xf32, #tpu.memory_space<hbm>>) target(%dma_start3A_212 : memref<1x64xf32, #tpu.memory_space<vmem>>) target_semaphore(%arg7 : memref<!tpu.dma_semaphore, #tpu.memory_space<semaphore_mem>>)
        %slice3A_215 = vector.extract_strided_slice %get3A_105 {offsets = [8], sizes = [1], strides = [1]} : vector<16xi32> to vector<1xi32>
        %squeeze3A_216 = vector.extract %slice3A_215[0] : i32 from vector<1xi32>
        %mul3A_217 = arith.constant 16 : i32
        %mul3A_218 = arith.muli %scan3A_101, %mul3A_217 : i32
        %add3A_219 = arith.constant 8 : i32
        %add3A_220 = arith.addi %mul3A_218, %add3A_219 : i32
        %dma_start3A_221 = arith.constant 0 : i32
        %dma_start3A_222 = tpu.memref_slice %arg6[%add3A_220, %dma_start3A_221] : memref<512x64xf32, #tpu.memory_space<vmem>> -> memref<1x64xf32, #tpu.memory_space<vmem>>
        %dma_start3A_223 = arith.constant 0 : i32
        %dma_start3A_224 = tpu.memref_slice %arg2[%squeeze3A_216, %dma_start3A_223] : memref<1000000x64xf32, #tpu.memory_space<hbm>> -> memref<1x64xf32, #tpu.memory_space<hbm>>
        %dma_start3A_225 = arith.constant 0 : i32
        %dma_start3A_226 = tpu.memref_slice %arg6[%add3A_220, %dma_start3A_225] : memref<512x64xf32, #tpu.memory_space<vmem>> -> memref<1x64xf32, #tpu.memory_space<vmem>>
        %dma_start3A_227 = arith.constant 0 : i32
        %dma_start3A_228 = tpu.memref_slice %arg2[%squeeze3A_216, %dma_start3A_227] : memref<1000000x64xf32, #tpu.memory_space<hbm>> -> memref<1x64xf32, #tpu.memory_space<hbm>>
        tpu.enqueue_dma source(%dma_start3A_228 : memref<1x64xf32, #tpu.memory_space<hbm>>) target(%dma_start3A_226 : memref<1x64xf32, #tpu.memory_space<vmem>>) target_semaphore(%arg7 : memref<!tpu.dma_semaphore, #tpu.memory_space<semaphore_mem>>)
        %slice3A_229 = vector.extract_strided_slice %get3A_105 {offsets = [9], sizes = [1], strides = [1]} : vector<16xi32> to vector<1xi32>
        %squeeze3A_230 = vector.extract %slice3A_229[0] : i32 from vector<1xi32>
        %mul3A_231 = arith.constant 16 : i32
        %mul3A_232 = arith.muli %scan3A_101, %mul3A_231 : i32
        %add3A_233 = arith.constant 9 : i32
        %add3A_234 = arith.addi %mul3A_232, %add3A_233 : i32
        %dma_start3A_235 = arith.constant 0 : i32
        %dma_start3A_236 = tpu.memref_slice %arg6[%add3A_234, %dma_start3A_235] : memref<512x64xf32, #tpu.memory_space<vmem>> -> memref<1x64xf32, #tpu.memory_space<vmem>>
        %dma_start3A_237 = arith.constant 0 : i32
        %dma_start3A_238 = tpu.memref_slice %arg2[%squeeze3A_230, %dma_start3A_237] : memref<1000000x64xf32, #tpu.memory_space<hbm>> -> memref<1x64xf32, #tpu.memory_space<hbm>>
        %dma_start3A_239 = arith.constant 0 : i32
        %dma_start3A_240 = tpu.memref_slice %arg6[%add3A_234, %dma_start3A_239] : memref<512x64xf32, #tpu.memory_space<vmem>> -> memref<1x64xf32, #tpu.memory_space<vmem>>
        %dma_start3A_241 = arith.constant 0 : i32
        %dma_start3A_242 = tpu.memref_slice %arg2[%squeeze3A_230, %dma_start3A_241] : memref<1000000x64xf32, #tpu.memory_space<hbm>> -> memref<1x64xf32, #tpu.memory_space<hbm>>
        tpu.enqueue_dma source(%dma_start3A_242 : memref<1x64xf32, #tpu.memory_space<hbm>>) target(%dma_start3A_240 : memref<1x64xf32, #tpu.memory_space<vmem>>) target_semaphore(%arg7 : memref<!tpu.dma_semaphore, #tpu.memory_space<semaphore_mem>>)
        %slice3A_243 = vector.extract_strided_slice %get3A_105 {offsets = [10], sizes = [1], strides = [1]} : vector<16xi32> to vector<1xi32>
        %squeeze3A_244 = vector.extract %slice3A_243[0] : i32 from vector<1xi32>
        %mul3A_245 = arith.constant 16 : i32
        %mul3A_246 = arith.muli %scan3A_101, %mul3A_245 : i32
        %add3A_247 = arith.constant 10 : i32
        %add3A_248 = arith.addi %mul3A_246, %add3A_247 : i32
        %dma_start3A_249 = arith.constant 0 : i32
        %dma_start3A_250 = tpu.memref_slice %arg6[%add3A_248, %dma_start3A_249] : memref<512x64xf32, #tpu.memory_space<vmem>> -> memref<1x64xf32, #tpu.memory_space<vmem>>
        %dma_start3A_251 = arith.constant 0 : i32
        %dma_start3A_252 = tpu.memref_slice %arg2[%squeeze3A_244, %dma_start3A_251] : memref<1000000x64xf32, #tpu.memory_space<hbm>> -> memref<1x64xf32, #tpu.memory_space<hbm>>
        %dma_start3A_253 = arith.constant 0 : i32
        %dma_start3A_254 = tpu.memref_slice %arg6[%add3A_248, %dma_start3A_253] : memref<512x64xf32, #tpu.memory_space<vmem>> -> memref<1x64xf32, #tpu.memory_space<vmem>>
        %dma_start3A_255 = arith.constant 0 : i32
        %dma_start3A_256 = tpu.memref_slice %arg2[%squeeze3A_244, %dma_start3A_255] : memref<1000000x64xf32, #tpu.memory_space<hbm>> -> memref<1x64xf32, #tpu.memory_space<hbm>>
        tpu.enqueue_dma source(%dma_start3A_256 : memref<1x64xf32, #tpu.memory_space<hbm>>) target(%dma_start3A_254 : memref<1x64xf32, #tpu.memory_space<vmem>>) target_semaphore(%arg7 : memref<!tpu.dma_semaphore, #tpu.memory_space<semaphore_mem>>)
        %slice3A_257 = vector.extract_strided_slice %get3A_105 {offsets = [11], sizes = [1], strides = [1]} : vector<16xi32> to vector<1xi32>
        %squeeze3A_258 = vector.extract %slice3A_257[0] : i32 from vector<1xi32>
        %mul3A_259 = arith.constant 16 : i32
        %mul3A_260 = arith.muli %scan3A_101, %mul3A_259 : i32
        %add3A_261 = arith.constant 11 : i32
        %add3A_262 = arith.addi %mul3A_260, %add3A_261 : i32
        %dma_start3A_263 = arith.constant 0 : i32
        %dma_start3A_264 = tpu.memref_slice %arg6[%add3A_262, %dma_start3A_263] : memref<512x64xf32, #tpu.memory_space<vmem>> -> memref<1x64xf32, #tpu.memory_space<vmem>>
        %dma_start3A_265 = arith.constant 0 : i32
        %dma_start3A_266 = tpu.memref_slice %arg2[%squeeze3A_258, %dma_start3A_265] : memref<1000000x64xf32, #tpu.memory_space<hbm>> -> memref<1x64xf32, #tpu.memory_space<hbm>>
        %dma_start3A_267 = arith.constant 0 : i32
        %dma_start3A_268 = tpu.memref_slice %arg6[%add3A_262, %dma_start3A_267] : memref<512x64xf32, #tpu.memory_space<vmem>> -> memref<1x64xf32, #tpu.memory_space<vmem>>
        %dma_start3A_269 = arith.constant 0 : i32
        %dma_start3A_270 = tpu.memref_slice %arg2[%squeeze3A_258, %dma_start3A_269] : memref<1000000x64xf32, #tpu.memory_space<hbm>> -> memref<1x64xf32, #tpu.memory_space<hbm>>
        tpu.enqueue_dma source(%dma_start3A_270 : memref<1x64xf32, #tpu.memory_space<hbm>>) target(%dma_start3A_268 : memref<1x64xf32, #tpu.memory_space<vmem>>) target_semaphore(%arg7 : memref<!tpu.dma_semaphore, #tpu.memory_space<semaphore_mem>>)
        %slice3A_271 = vector.extract_strided_slice %get3A_105 {offsets = [12], sizes = [1], strides = [1]} : vector<16xi32> to vector<1xi32>
        %squeeze3A_272 = vector.extract %slice3A_271[0] : i32 from vector<1xi32>
        %mul3A_273 = arith.constant 16 : i32
        %mul3A_274 = arith.muli %scan3A_101, %mul3A_273 : i32
        %add3A_275 = arith.constant 12 : i32
        %add3A_276 = arith.addi %mul3A_274, %add3A_275 : i32
        %dma_start3A_277 = arith.constant 0 : i32
        %dma_start3A_278 = tpu.memref_slice %arg6[%add3A_276, %dma_start3A_277] : memref<512x64xf32, #tpu.memory_space<vmem>> -> memref<1x64xf32, #tpu.memory_space<vmem>>
        %dma_start3A_279 = arith.constant 0 : i32
        %dma_start3A_280 = tpu.memref_slice %arg2[%squeeze3A_272, %dma_start3A_279] : memref<1000000x64xf32, #tpu.memory_space<hbm>> -> memref<1x64xf32, #tpu.memory_space<hbm>>
        %dma_start3A_281 = arith.constant 0 : i32
        %dma_start3A_282 = tpu.memref_slice %arg6[%add3A_276, %dma_start3A_281] : memref<512x64xf32, #tpu.memory_space<vmem>> -> memref<1x64xf32, #tpu.memory_space<vmem>>
        %dma_start3A_283 = arith.constant 0 : i32
        %dma_start3A_284 = tpu.memref_slice %arg2[%squeeze3A_272, %dma_start3A_283] : memref<1000000x64xf32, #tpu.memory_space<hbm>> -> memref<1x64xf32, #tpu.memory_space<hbm>>
        tpu.enqueue_dma source(%dma_start3A_284 : memref<1x64xf32, #tpu.memory_space<hbm>>) target(%dma_start3A_282 : memref<1x64xf32, #tpu.memory_space<vmem>>) target_semaphore(%arg7 : memref<!tpu.dma_semaphore, #tpu.memory_space<semaphore_mem>>)
        %slice3A_285 = vector.extract_strided_slice %get3A_105 {offsets = [13], sizes = [1], strides = [1]} : vector<16xi32> to vector<1xi32>
        %squeeze3A_286 = vector.extract %slice3A_285[0] : i32 from vector<1xi32>
        %mul3A_287 = arith.constant 16 : i32
        %mul3A_288 = arith.muli %scan3A_101, %mul3A_287 : i32
        %add3A_289 = arith.constant 13 : i32
        %add3A_290 = arith.addi %mul3A_288, %add3A_289 : i32
        %dma_start3A_291 = arith.constant 0 : i32
        %dma_start3A_292 = tpu.memref_slice %arg6[%add3A_290, %dma_start3A_291] : memref<512x64xf32, #tpu.memory_space<vmem>> -> memref<1x64xf32, #tpu.memory_space<vmem>>
        %dma_start3A_293 = arith.constant 0 : i32
        %dma_start3A_294 = tpu.memref_slice %arg2[%squeeze3A_286, %dma_start3A_293] : memref<1000000x64xf32, #tpu.memory_space<hbm>> -> memref<1x64xf32, #tpu.memory_space<hbm>>
        %dma_start3A_295 = arith.constant 0 : i32
        %dma_start3A_296 = tpu.memref_slice %arg6[%add3A_290, %dma_start3A_295] : memref<512x64xf32, #tpu.memory_space<vmem>> -> memref<1x64xf32, #tpu.memory_space<vmem>>
        %dma_start3A_297 = arith.constant 0 : i32
        %dma_start3A_298 = tpu.memref_slice %arg2[%squeeze3A_286, %dma_start3A_297] : memref<1000000x64xf32, #tpu.memory_space<hbm>> -> memref<1x64xf32, #tpu.memory_space<hbm>>
        tpu.enqueue_dma source(%dma_start3A_298 : memref<1x64xf32, #tpu.memory_space<hbm>>) target(%dma_start3A_296 : memref<1x64xf32, #tpu.memory_space<vmem>>) target_semaphore(%arg7 : memref<!tpu.dma_semaphore, #tpu.memory_space<semaphore_mem>>)
        %slice3A_299 = vector.extract_strided_slice %get3A_105 {offsets = [14], sizes = [1], strides = [1]} : vector<16xi32> to vector<1xi32>
        %squeeze3A_300 = vector.extract %slice3A_299[0] : i32 from vector<1xi32>
        %mul3A_301 = arith.constant 16 : i32
        %mul3A_302 = arith.muli %scan3A_101, %mul3A_301 : i32
        %add3A_303 = arith.constant 14 : i32
        %add3A_304 = arith.addi %mul3A_302, %add3A_303 : i32
        %dma_start3A_305 = arith.constant 0 : i32
        %dma_start3A_306 = tpu.memref_slice %arg6[%add3A_304, %dma_start3A_305] : memref<512x64xf32, #tpu.memory_space<vmem>> -> memref<1x64xf32, #tpu.memory_space<vmem>>
        %dma_start3A_307 = arith.constant 0 : i32
        %dma_start3A_308 = tpu.memref_slice %arg2[%squeeze3A_300, %dma_start3A_307] : memref<1000000x64xf32, #tpu.memory_space<hbm>> -> memref<1x64xf32, #tpu.memory_space<hbm>>
        %dma_start3A_309 = arith.constant 0 : i32
        %dma_start3A_310 = tpu.memref_slice %arg6[%add3A_304, %dma_start3A_309] : memref<512x64xf32, #tpu.memory_space<vmem>> -> memref<1x64xf32, #tpu.memory_space<vmem>>
        %dma_start3A_311 = arith.constant 0 : i32
        %dma_start3A_312 = tpu.memref_slice %arg2[%squeeze3A_300, %dma_start3A_311] : memref<1000000x64xf32, #tpu.memory_space<hbm>> -> memref<1x64xf32, #tpu.memory_space<hbm>>
        tpu.enqueue_dma source(%dma_start3A_312 : memref<1x64xf32, #tpu.memory_space<hbm>>) target(%dma_start3A_310 : memref<1x64xf32, #tpu.memory_space<vmem>>) target_semaphore(%arg7 : memref<!tpu.dma_semaphore, #tpu.memory_space<semaphore_mem>>)
        %slice3A_313 = vector.extract_strided_slice %get3A_105 {offsets = [15], sizes = [1], strides = [1]} : vector<16xi32> to vector<1xi32>
        %squeeze3A_314 = vector.extract %slice3A_313[0] : i32 from vector<1xi32>
        %mul3A_315 = arith.constant 16 : i32
        %mul3A_316 = arith.muli %scan3A_101, %mul3A_315 : i32
        %add3A_317 = arith.constant 15 : i32
        %add3A_318 = arith.addi %mul3A_316, %add3A_317 : i32
        %dma_start3A_319 = arith.constant 0 : i32
        %dma_start3A_320 = tpu.memref_slice %arg6[%add3A_318, %dma_start3A_319] : memref<512x64xf32, #tpu.memory_space<vmem>> -> memref<1x64xf32, #tpu.memory_space<vmem>>
        %dma_start3A_321 = arith.constant 0 : i32
        %dma_start3A_322 = tpu.memref_slice %arg2[%squeeze3A_314, %dma_start3A_321] : memref<1000000x64xf32, #tpu.memory_space<hbm>> -> memref<1x64xf32, #tpu.memory_space<hbm>>
        %dma_start3A_323 = arith.constant 0 : i32
        %dma_start3A_324 = tpu.memref_slice %arg6[%add3A_318, %dma_start3A_323] : memref<512x64xf32, #tpu.memory_space<vmem>> -> memref<1x64xf32, #tpu.memory_space<vmem>>
        %dma_start3A_325 = arith.constant 0 : i32
        %dma_start3A_326 = tpu.memref_slice %arg2[%squeeze3A_314, %dma_start3A_325] : memref<1000000x64xf32, #tpu.memory_space<hbm>> -> memref<1x64xf32, #tpu.memory_space<hbm>>
        tpu.enqueue_dma source(%dma_start3A_326 : memref<1x64xf32, #tpu.memory_space<hbm>>) target(%dma_start3A_324 : memref<1x64xf32, #tpu.memory_space<vmem>>) target_semaphore(%arg7 : memref<!tpu.dma_semaphore, #tpu.memory_space<semaphore_mem>>)
        %gt3A = arith.constant 3 : i32
        %gt3A_327 = arith.cmpi sgt, %scan3A_101, %gt3A : i32
        %convert_element_type3A_328 = arith.extui %gt3A_327 : i1 to i32
        %cond3A_329 = arith.constant 0 : i32
        %cond3A_330 = arith.cmpi ne, %convert_element_type3A_328, %cond3A_329 : i32
        scf.if %cond3A_330 {
          %dma_wait3A_331 = arith.constant 0 : i32
          %dma_wait3A_332 = arith.constant 0 : i32
          %dma_wait3A_333 = tpu.memref_slice %arg6[%dma_wait3A_331, %dma_wait3A_332] : memref<512x64xf32, #tpu.memory_space<vmem>> -> memref<16x64xf32, #tpu.memory_space<vmem>>
          %dma_wait3A_334 = arith.constant 0 : i32
          %dma_wait3A_335 = arith.constant 0 : i32
          %dma_wait3A_336 = tpu.memref_slice %arg2[%dma_wait3A_334, %dma_wait3A_335] : memref<1000000x64xf32, #tpu.memory_space<hbm>> -> memref<16x64xf32, #tpu.memory_space<hbm>>
          %dma_wait3A_337 = arith.constant 0 : i32
          %dma_wait3A_338 = arith.constant 0 : i32
          %dma_wait3A_339 = tpu.memref_slice %arg6[%dma_wait3A_337, %dma_wait3A_338] : memref<512x64xf32, #tpu.memory_space<vmem>> -> memref<16x64xf32, #tpu.memory_space<vmem>>
          %dma_wait3A_340 = arith.constant 0 : i32
          %dma_wait3A_341 = arith.constant 0 : i32
          %dma_wait3A_342 = tpu.memref_slice %arg2[%dma_wait3A_340, %dma_wait3A_341] : memref<1000000x64xf32, #tpu.memory_space<hbm>> -> memref<16x64xf32, #tpu.memory_space<hbm>>
          tpu.wait_dma2 semaphore(%arg7 : memref<!tpu.dma_semaphore, #tpu.memory_space<semaphore_mem>>) src(%dma_wait3A_342 : memref<16x64xf32, #tpu.memory_space<hbm>>) dst(%dma_wait3A_339 : memref<16x64xf32, #tpu.memory_space<vmem>>)
        } else {
        }
      }
      %scan3A_53 = arith.constant 32 : i32
      %dma_wait3A = arith.constant 0 : i32
      %dma_wait3A_54 = arith.constant 0 : i32
      %dma_wait3A_55 = tpu.memref_slice %arg6[%dma_wait3A, %dma_wait3A_54] : memref<512x64xf32, #tpu.memory_space<vmem>> -> memref<16x64xf32, #tpu.memory_space<vmem>>
      %dma_wait3A_56 = arith.constant 0 : i32
      %dma_wait3A_57 = arith.constant 0 : i32
      %dma_wait3A_58 = tpu.memref_slice %arg2[%dma_wait3A_56, %dma_wait3A_57] : memref<1000000x64xf32, #tpu.memory_space<hbm>> -> memref<16x64xf32, #tpu.memory_space<hbm>>
      %dma_wait3A_59 = arith.constant 0 : i32
      %dma_wait3A_60 = arith.constant 0 : i32
      %dma_wait3A_61 = tpu.memref_slice %arg6[%dma_wait3A_59, %dma_wait3A_60] : memref<512x64xf32, #tpu.memory_space<vmem>> -> memref<16x64xf32, #tpu.memory_space<vmem>>
      %dma_wait3A_62 = arith.constant 0 : i32
      %dma_wait3A_63 = arith.constant 0 : i32
      %dma_wait3A_64 = tpu.memref_slice %arg2[%dma_wait3A_62, %dma_wait3A_63] : memref<1000000x64xf32, #tpu.memory_space<hbm>> -> memref<16x64xf32, #tpu.memory_space<hbm>>
      tpu.wait_dma2 semaphore(%arg7 : memref<!tpu.dma_semaphore, #tpu.memory_space<semaphore_mem>>) src(%dma_wait3A_64 : memref<16x64xf32, #tpu.memory_space<hbm>>) dst(%dma_wait3A_61 : memref<16x64xf32, #tpu.memory_space<vmem>>)
      %dma_wait3A_65 = arith.constant 0 : i32
      %dma_wait3A_66 = arith.constant 0 : i32
      %dma_wait3A_67 = tpu.memref_slice %arg6[%dma_wait3A_65, %dma_wait3A_66] : memref<512x64xf32, #tpu.memory_space<vmem>> -> memref<16x64xf32, #tpu.memory_space<vmem>>
      %dma_wait3A_68 = arith.constant 0 : i32
      %dma_wait3A_69 = arith.constant 0 : i32
      %dma_wait3A_70 = tpu.memref_slice %arg2[%dma_wait3A_68, %dma_wait3A_69] : memref<1000000x64xf32, #tpu.memory_space<hbm>> -> memref<16x64xf32, #tpu.memory_space<hbm>>
      %dma_wait3A_71 = arith.constant 0 : i32
      %dma_wait3A_72 = arith.constant 0 : i32
      %dma_wait3A_73 = tpu.memref_slice %arg6[%dma_wait3A_71, %dma_wait3A_72] : memref<512x64xf32, #tpu.memory_space<vmem>> -> memref<16x64xf32, #tpu.memory_space<vmem>>
      %dma_wait3A_74 = arith.constant 0 : i32
      %dma_wait3A_75 = arith.constant 0 : i32
      %dma_wait3A_76 = tpu.memref_slice %arg2[%dma_wait3A_74, %dma_wait3A_75] : memref<1000000x64xf32, #tpu.memory_space<hbm>> -> memref<16x64xf32, #tpu.memory_space<hbm>>
      tpu.wait_dma2 semaphore(%arg7 : memref<!tpu.dma_semaphore, #tpu.memory_space<semaphore_mem>>) src(%dma_wait3A_76 : memref<16x64xf32, #tpu.memory_space<hbm>>) dst(%dma_wait3A_73 : memref<16x64xf32, #tpu.memory_space<vmem>>)
      %dma_wait3A_77 = arith.constant 0 : i32
      %dma_wait3A_78 = arith.constant 0 : i32
      %dma_wait3A_79 = tpu.memref_slice %arg6[%dma_wait3A_77, %dma_wait3A_78] : memref<512x64xf32, #tpu.memory_space<vmem>> -> memref<16x64xf32, #tpu.memory_space<vmem>>
      %dma_wait3A_80 = arith.constant 0 : i32
      %dma_wait3A_81 = arith.constant 0 : i32
      %dma_wait3A_82 = tpu.memref_slice %arg2[%dma_wait3A_80, %dma_wait3A_81] : memref<1000000x64xf32, #tpu.memory_space<hbm>> -> memref<16x64xf32, #tpu.memory_space<hbm>>
      %dma_wait3A_83 = arith.constant 0 : i32
      %dma_wait3A_84 = arith.constant 0 : i32
      %dma_wait3A_85 = tpu.memref_slice %arg6[%dma_wait3A_83, %dma_wait3A_84] : memref<512x64xf32, #tpu.memory_space<vmem>> -> memref<16x64xf32, #tpu.memory_space<vmem>>
      %dma_wait3A_86 = arith.constant 0 : i32
      %dma_wait3A_87 = arith.constant 0 : i32
      %dma_wait3A_88 = tpu.memref_slice %arg2[%dma_wait3A_86, %dma_wait3A_87] : memref<1000000x64xf32, #tpu.memory_space<hbm>> -> memref<16x64xf32, #tpu.memory_space<hbm>>
      tpu.wait_dma2 semaphore(%arg7 : memref<!tpu.dma_semaphore, #tpu.memory_space<semaphore_mem>>) src(%dma_wait3A_88 : memref<16x64xf32, #tpu.memory_space<hbm>>) dst(%dma_wait3A_85 : memref<16x64xf32, #tpu.memory_space<vmem>>)
      %dma_wait3A_89 = arith.constant 0 : i32
      %dma_wait3A_90 = arith.constant 0 : i32
      %dma_wait3A_91 = tpu.memref_slice %arg6[%dma_wait3A_89, %dma_wait3A_90] : memref<512x64xf32, #tpu.memory_space<vmem>> -> memref<16x64xf32, #tpu.memory_space<vmem>>
      %dma_wait3A_92 = arith.constant 0 : i32
      %dma_wait3A_93 = arith.constant 0 : i32
      %dma_wait3A_94 = tpu.memref_slice %arg2[%dma_wait3A_92, %dma_wait3A_93] : memref<1000000x64xf32, #tpu.memory_space<hbm>> -> memref<16x64xf32, #tpu.memory_space<hbm>>
      %dma_wait3A_95 = arith.constant 0 : i32
      %dma_wait3A_96 = arith.constant 0 : i32
      %dma_wait3A_97 = tpu.memref_slice %arg6[%dma_wait3A_95, %dma_wait3A_96] : memref<512x64xf32, #tpu.memory_space<vmem>> -> memref<16x64xf32, #tpu.memory_space<vmem>>
      %dma_wait3A_98 = arith.constant 0 : i32
      %dma_wait3A_99 = arith.constant 0 : i32
      %dma_wait3A_100 = tpu.memref_slice %arg2[%dma_wait3A_98, %dma_wait3A_99] : memref<1000000x64xf32, #tpu.memory_space<hbm>> -> memref<16x64xf32, #tpu.memory_space<hbm>>
      tpu.wait_dma2 semaphore(%arg7 : memref<!tpu.dma_semaphore, #tpu.memory_space<semaphore_mem>>) src(%dma_wait3A_100 : memref<16x64xf32, #tpu.memory_space<hbm>>) dst(%dma_wait3A_97 : memref<16x64xf32, #tpu.memory_space<vmem>>)
      "tpu.region"() ({
        %run_scoped3A = tpu.sem_alloc : memref<!tpu.dma_semaphore, #tpu.memory_space<semaphore_mem>>
        %dma_start3A = arith.constant 0 : i32
        %dma_start3A_101 = tpu.memref_slice %arg4[%multiple_of3A, %dma_start3A] : memref<100000x64xf32, #tpu.memory_space<hbm>> -> memref<512x64xf32, #tpu.memory_space<hbm>>
        %dma_start3A_102 = arith.constant 0 : i32
        %dma_start3A_103 = tpu.memref_slice %arg4[%multiple_of3A, %dma_start3A_102] : memref<100000x64xf32, #tpu.memory_space<hbm>> -> memref<512x64xf32, #tpu.memory_space<hbm>>
        tpu.enqueue_dma source(%arg6 : memref<512x64xf32, #tpu.memory_space<vmem>>) target(%dma_start3A_103 : memref<512x64xf32, #tpu.memory_space<hbm>>) target_semaphore(%run_scoped3A : memref<!tpu.dma_semaphore, #tpu.memory_space<semaphore_mem>>)
        %dma_wait3A_104 = arith.constant 0 : i32
        %dma_wait3A_105 = tpu.memref_slice %arg4[%multiple_of3A, %dma_wait3A_104] : memref<100000x64xf32, #tpu.memory_space<hbm>> -> memref<512x64xf32, #tpu.memory_space<hbm>>
        %dma_wait3A_106 = arith.constant 0 : i32
        %dma_wait3A_107 = tpu.memref_slice %arg4[%multiple_of3A, %dma_wait3A_106] : memref<100000x64xf32, #tpu.memory_space<hbm>> -> memref<512x64xf32, #tpu.memory_space<hbm>>
        tpu.wait_dma2 semaphore(%run_scoped3A : memref<!tpu.dma_semaphore, #tpu.memory_space<semaphore_mem>>) src(%arg6 : memref<512x64xf32, #tpu.memory_space<vmem>>) dst(%dma_wait3A_107 : memref<512x64xf32, #tpu.memory_space<hbm>>)
        tpu.yield
      }) : () -> ()
    } else {
    }
    %add3A_33 = arith.constant 160 : i32
    %add3A_34 = arith.addi %add3A, %add3A_33 : i32
    %lt3A_35 = arith.constant 196 : i32
    %lt3A_36 = arith.cmpi slt, %add3A_34, %lt3A_35 : i32
    %convert_element_type3A_37 = arith.extui %lt3A_36 : i1 to i32
    %cond3A_38 = arith.constant 0 : i32
    %cond3A_39 = arith.cmpi ne, %convert_element_type3A_37, %cond3A_38 : i32
    scf.if %cond3A_39 {
      %mul3A_47 = arith.constant 512 : i32
      %mul3A_48 = arith.muli %add3A_34, %mul3A_47 : i32
      %min3A = arith.constant 99488 : i32
      %min3A_49 = arith.minsi %mul3A_48, %min3A : i32
      %multiple_of3A = tpu.assume_multiple %min3A_49, 8 : i32
      "tpu.region"() ({
        %run_scoped3A = tpu.sem_alloc : memref<!tpu.dma_semaphore, #tpu.memory_space<semaphore_mem>>
        %dma_start3A = tpu.memref_slice %arg3[%multiple_of3A] : memref<100000xi32, #tpu.memory_space<hbm>> -> memref<512xi32, #tpu.memory_space<hbm>>
        %dma_start3A_101 = tpu.memref_slice %arg3[%multiple_of3A] : memref<100000xi32, #tpu.memory_space<hbm>> -> memref<512xi32, #tpu.memory_space<hbm>>
        tpu.enqueue_dma source(%dma_start3A_101 : memref<512xi32, #tpu.memory_space<hbm>>) target(%arg5 : memref<512xi32, #tpu.memory_space<vmem>>) target_semaphore(%run_scoped3A : memref<!tpu.dma_semaphore, #tpu.memory_space<semaphore_mem>>)
        %dma_wait3A_102 = tpu.memref_slice %arg3[%multiple_of3A] : memref<100000xi32, #tpu.memory_space<hbm>> -> memref<512xi32, #tpu.memory_space<hbm>>
        %dma_wait3A_103 = tpu.memref_slice %arg3[%multiple_of3A] : memref<100000xi32, #tpu.memory_space<hbm>> -> memref<512xi32, #tpu.memory_space<hbm>>
        tpu.wait_dma2 semaphore(%run_scoped3A : memref<!tpu.dma_semaphore, #tpu.memory_space<semaphore_mem>>) src(%dma_wait3A_103 : memref<512xi32, #tpu.memory_space<hbm>>) dst(%arg5 : memref<512xi32, #tpu.memory_space<vmem>>)
        tpu.yield
      }) : () -> ()
      %scan3A = arith.constant 0 : i32
      %scan3A_50 = arith.constant 32 : i32
      %scan3A_51 = arith.addi %scan3A, %scan3A_50 : i32
      %scan3A_52 = arith.constant 1 : i32
      scf.for %scan3A_101 = %scan3A to %scan3A_51 step %scan3A_52  : i32 {
        %mul3A_102 = arith.constant 16 : i32
        %mul3A_103 = arith.muli %scan3A_101, %mul3A_102 : i32
        %get3A = arith.index_cast %mul3A_103 : i32 to index
        %get3A_104 = tpu.vector_load %arg5[%get3A] {strides = array<i32>} : memref<512xi32, #tpu.memory_space<vmem>>, vector<16xi32>,
        %get3A_105 = vector.shape_cast %get3A_104 : vector<16xi32> to vector<16xi32>
        %slice3A = vector.extract_strided_slice %get3A_105 {offsets = [0], sizes = [1], strides = [1]} : vector<16xi32> to vector<1xi32>
        %squeeze3A = vector.extract %slice3A[0] : i32 from vector<1xi32>
        %mul3A_106 = arith.constant 16 : i32
        %mul3A_107 = arith.muli %scan3A_101, %mul3A_106 : i32
        %add3A_108 = arith.constant 0 : i32
        %add3A_109 = arith.addi %mul3A_107, %add3A_108 : i32
        %dma_start3A = arith.constant 0 : i32
        %dma_start3A_110 = tpu.memref_slice %arg6[%add3A_109, %dma_start3A] : memref<512x64xf32, #tpu.memory_space<vmem>> -> memref<1x64xf32, #tpu.memory_space<vmem>>
        %dma_start3A_111 = arith.constant 0 : i32
        %dma_start3A_112 = tpu.memref_slice %arg2[%squeeze3A, %dma_start3A_111] : memref<1000000x64xf32, #tpu.memory_space<hbm>> -> memref<1x64xf32, #tpu.memory_space<hbm>>
        %dma_start3A_113 = arith.constant 0 : i32
        %dma_start3A_114 = tpu.memref_slice %arg6[%add3A_109, %dma_start3A_113] : memref<512x64xf32, #tpu.memory_space<vmem>> -> memref<1x64xf32, #tpu.memory_space<vmem>>
        %dma_start3A_115 = arith.constant 0 : i32
        %dma_start3A_116 = tpu.memref_slice %arg2[%squeeze3A, %dma_start3A_115] : memref<1000000x64xf32, #tpu.memory_space<hbm>> -> memref<1x64xf32, #tpu.memory_space<hbm>>
        tpu.enqueue_dma source(%dma_start3A_116 : memref<1x64xf32, #tpu.memory_space<hbm>>) target(%dma_start3A_114 : memref<1x64xf32, #tpu.memory_space<vmem>>) target_semaphore(%arg7 : memref<!tpu.dma_semaphore, #tpu.memory_space<semaphore_mem>>)
        %slice3A_117 = vector.extract_strided_slice %get3A_105 {offsets = [1], sizes = [1], strides = [1]} : vector<16xi32> to vector<1xi32>
        %squeeze3A_118 = vector.extract %slice3A_117[0] : i32 from vector<1xi32>
        %mul3A_119 = arith.constant 16 : i32
        %mul3A_120 = arith.muli %scan3A_101, %mul3A_119 : i32
        %add3A_121 = arith.constant 1 : i32
        %add3A_122 = arith.addi %mul3A_120, %add3A_121 : i32
        %dma_start3A_123 = arith.constant 0 : i32
        %dma_start3A_124 = tpu.memref_slice %arg6[%add3A_122, %dma_start3A_123] : memref<512x64xf32, #tpu.memory_space<vmem>> -> memref<1x64xf32, #tpu.memory_space<vmem>>
        %dma_start3A_125 = arith.constant 0 : i32
        %dma_start3A_126 = tpu.memref_slice %arg2[%squeeze3A_118, %dma_start3A_125] : memref<1000000x64xf32, #tpu.memory_space<hbm>> -> memref<1x64xf32, #tpu.memory_space<hbm>>
        %dma_start3A_127 = arith.constant 0 : i32
        %dma_start3A_128 = tpu.memref_slice %arg6[%add3A_122, %dma_start3A_127] : memref<512x64xf32, #tpu.memory_space<vmem>> -> memref<1x64xf32, #tpu.memory_space<vmem>>
        %dma_start3A_129 = arith.constant 0 : i32
        %dma_start3A_130 = tpu.memref_slice %arg2[%squeeze3A_118, %dma_start3A_129] : memref<1000000x64xf32, #tpu.memory_space<hbm>> -> memref<1x64xf32, #tpu.memory_space<hbm>>
        tpu.enqueue_dma source(%dma_start3A_130 : memref<1x64xf32, #tpu.memory_space<hbm>>) target(%dma_start3A_128 : memref<1x64xf32, #tpu.memory_space<vmem>>) target_semaphore(%arg7 : memref<!tpu.dma_semaphore, #tpu.memory_space<semaphore_mem>>)
        %slice3A_131 = vector.extract_strided_slice %get3A_105 {offsets = [2], sizes = [1], strides = [1]} : vector<16xi32> to vector<1xi32>
        %squeeze3A_132 = vector.extract %slice3A_131[0] : i32 from vector<1xi32>
        %mul3A_133 = arith.constant 16 : i32
        %mul3A_134 = arith.muli %scan3A_101, %mul3A_133 : i32
        %add3A_135 = arith.constant 2 : i32
        %add3A_136 = arith.addi %mul3A_134, %add3A_135 : i32
        %dma_start3A_137 = arith.constant 0 : i32
        %dma_start3A_138 = tpu.memref_slice %arg6[%add3A_136, %dma_start3A_137] : memref<512x64xf32, #tpu.memory_space<vmem>> -> memref<1x64xf32, #tpu.memory_space<vmem>>
        %dma_start3A_139 = arith.constant 0 : i32
        %dma_start3A_140 = tpu.memref_slice %arg2[%squeeze3A_132, %dma_start3A_139] : memref<1000000x64xf32, #tpu.memory_space<hbm>> -> memref<1x64xf32, #tpu.memory_space<hbm>>
        %dma_start3A_141 = arith.constant 0 : i32
        %dma_start3A_142 = tpu.memref_slice %arg6[%add3A_136, %dma_start3A_141] : memref<512x64xf32, #tpu.memory_space<vmem>> -> memref<1x64xf32, #tpu.memory_space<vmem>>
        %dma_start3A_143 = arith.constant 0 : i32
        %dma_start3A_144 = tpu.memref_slice %arg2[%squeeze3A_132, %dma_start3A_143] : memref<1000000x64xf32, #tpu.memory_space<hbm>> -> memref<1x64xf32, #tpu.memory_space<hbm>>
        tpu.enqueue_dma source(%dma_start3A_144 : memref<1x64xf32, #tpu.memory_space<hbm>>) target(%dma_start3A_142 : memref<1x64xf32, #tpu.memory_space<vmem>>) target_semaphore(%arg7 : memref<!tpu.dma_semaphore, #tpu.memory_space<semaphore_mem>>)
        %slice3A_145 = vector.extract_strided_slice %get3A_105 {offsets = [3], sizes = [1], strides = [1]} : vector<16xi32> to vector<1xi32>
        %squeeze3A_146 = vector.extract %slice3A_145[0] : i32 from vector<1xi32>
        %mul3A_147 = arith.constant 16 : i32
        %mul3A_148 = arith.muli %scan3A_101, %mul3A_147 : i32
        %add3A_149 = arith.constant 3 : i32
        %add3A_150 = arith.addi %mul3A_148, %add3A_149 : i32
        %dma_start3A_151 = arith.constant 0 : i32
        %dma_start3A_152 = tpu.memref_slice %arg6[%add3A_150, %dma_start3A_151] : memref<512x64xf32, #tpu.memory_space<vmem>> -> memref<1x64xf32, #tpu.memory_space<vmem>>
        %dma_start3A_153 = arith.constant 0 : i32
        %dma_start3A_154 = tpu.memref_slice %arg2[%squeeze3A_146, %dma_start3A_153] : memref<1000000x64xf32, #tpu.memory_space<hbm>> -> memref<1x64xf32, #tpu.memory_space<hbm>>
        %dma_start3A_155 = arith.constant 0 : i32
        %dma_start3A_156 = tpu.memref_slice %arg6[%add3A_150, %dma_start3A_155] : memref<512x64xf32, #tpu.memory_space<vmem>> -> memref<1x64xf32, #tpu.memory_space<vmem>>
        %dma_start3A_157 = arith.constant 0 : i32
        %dma_start3A_158 = tpu.memref_slice %arg2[%squeeze3A_146, %dma_start3A_157] : memref<1000000x64xf32, #tpu.memory_space<hbm>> -> memref<1x64xf32, #tpu.memory_space<hbm>>
        tpu.enqueue_dma source(%dma_start3A_158 : memref<1x64xf32, #tpu.memory_space<hbm>>) target(%dma_start3A_156 : memref<1x64xf32, #tpu.memory_space<vmem>>) target_semaphore(%arg7 : memref<!tpu.dma_semaphore, #tpu.memory_space<semaphore_mem>>)
        %slice3A_159 = vector.extract_strided_slice %get3A_105 {offsets = [4], sizes = [1], strides = [1]} : vector<16xi32> to vector<1xi32>
        %squeeze3A_160 = vector.extract %slice3A_159[0] : i32 from vector<1xi32>
        %mul3A_161 = arith.constant 16 : i32
        %mul3A_162 = arith.muli %scan3A_101, %mul3A_161 : i32
        %add3A_163 = arith.constant 4 : i32
        %add3A_164 = arith.addi %mul3A_162, %add3A_163 : i32
        %dma_start3A_165 = arith.constant 0 : i32
        %dma_start3A_166 = tpu.memref_slice %arg6[%add3A_164, %dma_start3A_165] : memref<512x64xf32, #tpu.memory_space<vmem>> -> memref<1x64xf32, #tpu.memory_space<vmem>>
        %dma_start3A_167 = arith.constant 0 : i32
        %dma_start3A_168 = tpu.memref_slice %arg2[%squeeze3A_160, %dma_start3A_167] : memref<1000000x64xf32, #tpu.memory_space<hbm>> -> memref<1x64xf32, #tpu.memory_space<hbm>>
        %dma_start3A_169 = arith.constant 0 : i32
        %dma_start3A_170 = tpu.memref_slice %arg6[%add3A_164, %dma_start3A_169] : memref<512x64xf32, #tpu.memory_space<vmem>> -> memref<1x64xf32, #tpu.memory_space<vmem>>
        %dma_start3A_171 = arith.constant 0 : i32
        %dma_start3A_172 = tpu.memref_slice %arg2[%squeeze3A_160, %dma_start3A_171] : memref<1000000x64xf32, #tpu.memory_space<hbm>> -> memref<1x64xf32, #tpu.memory_space<hbm>>
        tpu.enqueue_dma source(%dma_start3A_172 : memref<1x64xf32, #tpu.memory_space<hbm>>) target(%dma_start3A_170 : memref<1x64xf32, #tpu.memory_space<vmem>>) target_semaphore(%arg7 : memref<!tpu.dma_semaphore, #tpu.memory_space<semaphore_mem>>)
        %slice3A_173 = vector.extract_strided_slice %get3A_105 {offsets = [5], sizes = [1], strides = [1]} : vector<16xi32> to vector<1xi32>
        %squeeze3A_174 = vector.extract %slice3A_173[0] : i32 from vector<1xi32>
        %mul3A_175 = arith.constant 16 : i32
        %mul3A_176 = arith.muli %scan3A_101, %mul3A_175 : i32
        %add3A_177 = arith.constant 5 : i32
        %add3A_178 = arith.addi %mul3A_176, %add3A_177 : i32
        %dma_start3A_179 = arith.constant 0 : i32
        %dma_start3A_180 = tpu.memref_slice %arg6[%add3A_178, %dma_start3A_179] : memref<512x64xf32, #tpu.memory_space<vmem>> -> memref<1x64xf32, #tpu.memory_space<vmem>>
        %dma_start3A_181 = arith.constant 0 : i32
        %dma_start3A_182 = tpu.memref_slice %arg2[%squeeze3A_174, %dma_start3A_181] : memref<1000000x64xf32, #tpu.memory_space<hbm>> -> memref<1x64xf32, #tpu.memory_space<hbm>>
        %dma_start3A_183 = arith.constant 0 : i32
        %dma_start3A_184 = tpu.memref_slice %arg6[%add3A_178, %dma_start3A_183] : memref<512x64xf32, #tpu.memory_space<vmem>> -> memref<1x64xf32, #tpu.memory_space<vmem>>
        %dma_start3A_185 = arith.constant 0 : i32
        %dma_start3A_186 = tpu.memref_slice %arg2[%squeeze3A_174, %dma_start3A_185] : memref<1000000x64xf32, #tpu.memory_space<hbm>> -> memref<1x64xf32, #tpu.memory_space<hbm>>
        tpu.enqueue_dma source(%dma_start3A_186 : memref<1x64xf32, #tpu.memory_space<hbm>>) target(%dma_start3A_184 : memref<1x64xf32, #tpu.memory_space<vmem>>) target_semaphore(%arg7 : memref<!tpu.dma_semaphore, #tpu.memory_space<semaphore_mem>>)
        %slice3A_187 = vector.extract_strided_slice %get3A_105 {offsets = [6], sizes = [1], strides = [1]} : vector<16xi32> to vector<1xi32>
        %squeeze3A_188 = vector.extract %slice3A_187[0] : i32 from vector<1xi32>
        %mul3A_189 = arith.constant 16 : i32
        %mul3A_190 = arith.muli %scan3A_101, %mul3A_189 : i32
        %add3A_191 = arith.constant 6 : i32
        %add3A_192 = arith.addi %mul3A_190, %add3A_191 : i32
        %dma_start3A_193 = arith.constant 0 : i32
        %dma_start3A_194 = tpu.memref_slice %arg6[%add3A_192, %dma_start3A_193] : memref<512x64xf32, #tpu.memory_space<vmem>> -> memref<1x64xf32, #tpu.memory_space<vmem>>
        %dma_start3A_195 = arith.constant 0 : i32
        %dma_start3A_196 = tpu.memref_slice %arg2[%squeeze3A_188, %dma_start3A_195] : memref<1000000x64xf32, #tpu.memory_space<hbm>> -> memref<1x64xf32, #tpu.memory_space<hbm>>
        %dma_start3A_197 = arith.constant 0 : i32
        %dma_start3A_198 = tpu.memref_slice %arg6[%add3A_192, %dma_start3A_197] : memref<512x64xf32, #tpu.memory_space<vmem>> -> memref<1x64xf32, #tpu.memory_space<vmem>>
        %dma_start3A_199 = arith.constant 0 : i32
        %dma_start3A_200 = tpu.memref_slice %arg2[%squeeze3A_188, %dma_start3A_199] : memref<1000000x64xf32, #tpu.memory_space<hbm>> -> memref<1x64xf32, #tpu.memory_space<hbm>>
        tpu.enqueue_dma source(%dma_start3A_200 : memref<1x64xf32, #tpu.memory_space<hbm>>) target(%dma_start3A_198 : memref<1x64xf32, #tpu.memory_space<vmem>>) target_semaphore(%arg7 : memref<!tpu.dma_semaphore, #tpu.memory_space<semaphore_mem>>)
        %slice3A_201 = vector.extract_strided_slice %get3A_105 {offsets = [7], sizes = [1], strides = [1]} : vector<16xi32> to vector<1xi32>
        %squeeze3A_202 = vector.extract %slice3A_201[0] : i32 from vector<1xi32>
        %mul3A_203 = arith.constant 16 : i32
        %mul3A_204 = arith.muli %scan3A_101, %mul3A_203 : i32
        %add3A_205 = arith.constant 7 : i32
        %add3A_206 = arith.addi %mul3A_204, %add3A_205 : i32
        %dma_start3A_207 = arith.constant 0 : i32
        %dma_start3A_208 = tpu.memref_slice %arg6[%add3A_206, %dma_start3A_207] : memref<512x64xf32, #tpu.memory_space<vmem>> -> memref<1x64xf32, #tpu.memory_space<vmem>>
        %dma_start3A_209 = arith.constant 0 : i32
        %dma_start3A_210 = tpu.memref_slice %arg2[%squeeze3A_202, %dma_start3A_209] : memref<1000000x64xf32, #tpu.memory_space<hbm>> -> memref<1x64xf32, #tpu.memory_space<hbm>>
        %dma_start3A_211 = arith.constant 0 : i32
        %dma_start3A_212 = tpu.memref_slice %arg6[%add3A_206, %dma_start3A_211] : memref<512x64xf32, #tpu.memory_space<vmem>> -> memref<1x64xf32, #tpu.memory_space<vmem>>
        %dma_start3A_213 = arith.constant 0 : i32
        %dma_start3A_214 = tpu.memref_slice %arg2[%squeeze3A_202, %dma_start3A_213] : memref<1000000x64xf32, #tpu.memory_space<hbm>> -> memref<1x64xf32, #tpu.memory_space<hbm>>
        tpu.enqueue_dma source(%dma_start3A_214 : memref<1x64xf32, #tpu.memory_space<hbm>>) target(%dma_start3A_212 : memref<1x64xf32, #tpu.memory_space<vmem>>) target_semaphore(%arg7 : memref<!tpu.dma_semaphore, #tpu.memory_space<semaphore_mem>>)
        %slice3A_215 = vector.extract_strided_slice %get3A_105 {offsets = [8], sizes = [1], strides = [1]} : vector<16xi32> to vector<1xi32>
        %squeeze3A_216 = vector.extract %slice3A_215[0] : i32 from vector<1xi32>
        %mul3A_217 = arith.constant 16 : i32
        %mul3A_218 = arith.muli %scan3A_101, %mul3A_217 : i32
        %add3A_219 = arith.constant 8 : i32
        %add3A_220 = arith.addi %mul3A_218, %add3A_219 : i32
        %dma_start3A_221 = arith.constant 0 : i32
        %dma_start3A_222 = tpu.memref_slice %arg6[%add3A_220, %dma_start3A_221] : memref<512x64xf32, #tpu.memory_space<vmem>> -> memref<1x64xf32, #tpu.memory_space<vmem>>
        %dma_start3A_223 = arith.constant 0 : i32
        %dma_start3A_224 = tpu.memref_slice %arg2[%squeeze3A_216, %dma_start3A_223] : memref<1000000x64xf32, #tpu.memory_space<hbm>> -> memref<1x64xf32, #tpu.memory_space<hbm>>
        %dma_start3A_225 = arith.constant 0 : i32
        %dma_start3A_226 = tpu.memref_slice %arg6[%add3A_220, %dma_start3A_225] : memref<512x64xf32, #tpu.memory_space<vmem>> -> memref<1x64xf32, #tpu.memory_space<vmem>>
        %dma_start3A_227 = arith.constant 0 : i32
        %dma_start3A_228 = tpu.memref_slice %arg2[%squeeze3A_216, %dma_start3A_227] : memref<1000000x64xf32, #tpu.memory_space<hbm>> -> memref<1x64xf32, #tpu.memory_space<hbm>>
        tpu.enqueue_dma source(%dma_start3A_228 : memref<1x64xf32, #tpu.memory_space<hbm>>) target(%dma_start3A_226 : memref<1x64xf32, #tpu.memory_space<vmem>>) target_semaphore(%arg7 : memref<!tpu.dma_semaphore, #tpu.memory_space<semaphore_mem>>)
        %slice3A_229 = vector.extract_strided_slice %get3A_105 {offsets = [9], sizes = [1], strides = [1]} : vector<16xi32> to vector<1xi32>
        %squeeze3A_230 = vector.extract %slice3A_229[0] : i32 from vector<1xi32>
        %mul3A_231 = arith.constant 16 : i32
        %mul3A_232 = arith.muli %scan3A_101, %mul3A_231 : i32
        %add3A_233 = arith.constant 9 : i32
        %add3A_234 = arith.addi %mul3A_232, %add3A_233 : i32
        %dma_start3A_235 = arith.constant 0 : i32
        %dma_start3A_236 = tpu.memref_slice %arg6[%add3A_234, %dma_start3A_235] : memref<512x64xf32, #tpu.memory_space<vmem>> -> memref<1x64xf32, #tpu.memory_space<vmem>>
        %dma_start3A_237 = arith.constant 0 : i32
        %dma_start3A_238 = tpu.memref_slice %arg2[%squeeze3A_230, %dma_start3A_237] : memref<1000000x64xf32, #tpu.memory_space<hbm>> -> memref<1x64xf32, #tpu.memory_space<hbm>>
        %dma_start3A_239 = arith.constant 0 : i32
        %dma_start3A_240 = tpu.memref_slice %arg6[%add3A_234, %dma_start3A_239] : memref<512x64xf32, #tpu.memory_space<vmem>> -> memref<1x64xf32, #tpu.memory_space<vmem>>
        %dma_start3A_241 = arith.constant 0 : i32
        %dma_start3A_242 = tpu.memref_slice %arg2[%squeeze3A_230, %dma_start3A_241] : memref<1000000x64xf32, #tpu.memory_space<hbm>> -> memref<1x64xf32, #tpu.memory_space<hbm>>
        tpu.enqueue_dma source(%dma_start3A_242 : memref<1x64xf32, #tpu.memory_space<hbm>>) target(%dma_start3A_240 : memref<1x64xf32, #tpu.memory_space<vmem>>) target_semaphore(%arg7 : memref<!tpu.dma_semaphore, #tpu.memory_space<semaphore_mem>>)
        %slice3A_243 = vector.extract_strided_slice %get3A_105 {offsets = [10], sizes = [1], strides = [1]} : vector<16xi32> to vector<1xi32>
        %squeeze3A_244 = vector.extract %slice3A_243[0] : i32 from vector<1xi32>
        %mul3A_245 = arith.constant 16 : i32
        %mul3A_246 = arith.muli %scan3A_101, %mul3A_245 : i32
        %add3A_247 = arith.constant 10 : i32
        %add3A_248 = arith.addi %mul3A_246, %add3A_247 : i32
        %dma_start3A_249 = arith.constant 0 : i32
        %dma_start3A_250 = tpu.memref_slice %arg6[%add3A_248, %dma_start3A_249] : memref<512x64xf32, #tpu.memory_space<vmem>> -> memref<1x64xf32, #tpu.memory_space<vmem>>
        %dma_start3A_251 = arith.constant 0 : i32
        %dma_start3A_252 = tpu.memref_slice %arg2[%squeeze3A_244, %dma_start3A_251] : memref<1000000x64xf32, #tpu.memory_space<hbm>> -> memref<1x64xf32, #tpu.memory_space<hbm>>
        %dma_start3A_253 = arith.constant 0 : i32
        %dma_start3A_254 = tpu.memref_slice %arg6[%add3A_248, %dma_start3A_253] : memref<512x64xf32, #tpu.memory_space<vmem>> -> memref<1x64xf32, #tpu.memory_space<vmem>>
        %dma_start3A_255 = arith.constant 0 : i32
        %dma_start3A_256 = tpu.memref_slice %arg2[%squeeze3A_244, %dma_start3A_255] : memref<1000000x64xf32, #tpu.memory_space<hbm>> -> memref<1x64xf32, #tpu.memory_space<hbm>>
        tpu.enqueue_dma source(%dma_start3A_256 : memref<1x64xf32, #tpu.memory_space<hbm>>) target(%dma_start3A_254 : memref<1x64xf32, #tpu.memory_space<vmem>>) target_semaphore(%arg7 : memref<!tpu.dma_semaphore, #tpu.memory_space<semaphore_mem>>)
        %slice3A_257 = vector.extract_strided_slice %get3A_105 {offsets = [11], sizes = [1], strides = [1]} : vector<16xi32> to vector<1xi32>
        %squeeze3A_258 = vector.extract %slice3A_257[0] : i32 from vector<1xi32>
        %mul3A_259 = arith.constant 16 : i32
        %mul3A_260 = arith.muli %scan3A_101, %mul3A_259 : i32
        %add3A_261 = arith.constant 11 : i32
        %add3A_262 = arith.addi %mul3A_260, %add3A_261 : i32
        %dma_start3A_263 = arith.constant 0 : i32
        %dma_start3A_264 = tpu.memref_slice %arg6[%add3A_262, %dma_start3A_263] : memref<512x64xf32, #tpu.memory_space<vmem>> -> memref<1x64xf32, #tpu.memory_space<vmem>>
        %dma_start3A_265 = arith.constant 0 : i32
        %dma_start3A_266 = tpu.memref_slice %arg2[%squeeze3A_258, %dma_start3A_265] : memref<1000000x64xf32, #tpu.memory_space<hbm>> -> memref<1x64xf32, #tpu.memory_space<hbm>>
        %dma_start3A_267 = arith.constant 0 : i32
        %dma_start3A_268 = tpu.memref_slice %arg6[%add3A_262, %dma_start3A_267] : memref<512x64xf32, #tpu.memory_space<vmem>> -> memref<1x64xf32, #tpu.memory_space<vmem>>
        %dma_start3A_269 = arith.constant 0 : i32
        %dma_start3A_270 = tpu.memref_slice %arg2[%squeeze3A_258, %dma_start3A_269] : memref<1000000x64xf32, #tpu.memory_space<hbm>> -> memref<1x64xf32, #tpu.memory_space<hbm>>
        tpu.enqueue_dma source(%dma_start3A_270 : memref<1x64xf32, #tpu.memory_space<hbm>>) target(%dma_start3A_268 : memref<1x64xf32, #tpu.memory_space<vmem>>) target_semaphore(%arg7 : memref<!tpu.dma_semaphore, #tpu.memory_space<semaphore_mem>>)
        %slice3A_271 = vector.extract_strided_slice %get3A_105 {offsets = [12], sizes = [1], strides = [1]} : vector<16xi32> to vector<1xi32>
        %squeeze3A_272 = vector.extract %slice3A_271[0] : i32 from vector<1xi32>
        %mul3A_273 = arith.constant 16 : i32
        %mul3A_274 = arith.muli %scan3A_101, %mul3A_273 : i32
        %add3A_275 = arith.constant 12 : i32
        %add3A_276 = arith.addi %mul3A_274, %add3A_275 : i32
        %dma_start3A_277 = arith.constant 0 : i32
        %dma_start3A_278 = tpu.memref_slice %arg6[%add3A_276, %dma_start3A_277] : memref<512x64xf32, #tpu.memory_space<vmem>> -> memref<1x64xf32, #tpu.memory_space<vmem>>
        %dma_start3A_279 = arith.constant 0 : i32
        %dma_start3A_280 = tpu.memref_slice %arg2[%squeeze3A_272, %dma_start3A_279] : memref<1000000x64xf32, #tpu.memory_space<hbm>> -> memref<1x64xf32, #tpu.memory_space<hbm>>
        %dma_start3A_281 = arith.constant 0 : i32
        %dma_start3A_282 = tpu.memref_slice %arg6[%add3A_276, %dma_start3A_281] : memref<512x64xf32, #tpu.memory_space<vmem>> -> memref<1x64xf32, #tpu.memory_space<vmem>>
        %dma_start3A_283 = arith.constant 0 : i32
        %dma_start3A_284 = tpu.memref_slice %arg2[%squeeze3A_272, %dma_start3A_283] : memref<1000000x64xf32, #tpu.memory_space<hbm>> -> memref<1x64xf32, #tpu.memory_space<hbm>>
        tpu.enqueue_dma source(%dma_start3A_284 : memref<1x64xf32, #tpu.memory_space<hbm>>) target(%dma_start3A_282 : memref<1x64xf32, #tpu.memory_space<vmem>>) target_semaphore(%arg7 : memref<!tpu.dma_semaphore, #tpu.memory_space<semaphore_mem>>)
        %slice3A_285 = vector.extract_strided_slice %get3A_105 {offsets = [13], sizes = [1], strides = [1]} : vector<16xi32> to vector<1xi32>
        %squeeze3A_286 = vector.extract %slice3A_285[0] : i32 from vector<1xi32>
        %mul3A_287 = arith.constant 16 : i32
        %mul3A_288 = arith.muli %scan3A_101, %mul3A_287 : i32
        %add3A_289 = arith.constant 13 : i32
        %add3A_290 = arith.addi %mul3A_288, %add3A_289 : i32
        %dma_start3A_291 = arith.constant 0 : i32
        %dma_start3A_292 = tpu.memref_slice %arg6[%add3A_290, %dma_start3A_291] : memref<512x64xf32, #tpu.memory_space<vmem>> -> memref<1x64xf32, #tpu.memory_space<vmem>>
        %dma_start3A_293 = arith.constant 0 : i32
        %dma_start3A_294 = tpu.memref_slice %arg2[%squeeze3A_286, %dma_start3A_293] : memref<1000000x64xf32, #tpu.memory_space<hbm>> -> memref<1x64xf32, #tpu.memory_space<hbm>>
        %dma_start3A_295 = arith.constant 0 : i32
        %dma_start3A_296 = tpu.memref_slice %arg6[%add3A_290, %dma_start3A_295] : memref<512x64xf32, #tpu.memory_space<vmem>> -> memref<1x64xf32, #tpu.memory_space<vmem>>
        %dma_start3A_297 = arith.constant 0 : i32
        %dma_start3A_298 = tpu.memref_slice %arg2[%squeeze3A_286, %dma_start3A_297] : memref<1000000x64xf32, #tpu.memory_space<hbm>> -> memref<1x64xf32, #tpu.memory_space<hbm>>
        tpu.enqueue_dma source(%dma_start3A_298 : memref<1x64xf32, #tpu.memory_space<hbm>>) target(%dma_start3A_296 : memref<1x64xf32, #tpu.memory_space<vmem>>) target_semaphore(%arg7 : memref<!tpu.dma_semaphore, #tpu.memory_space<semaphore_mem>>)
        %slice3A_299 = vector.extract_strided_slice %get3A_105 {offsets = [14], sizes = [1], strides = [1]} : vector<16xi32> to vector<1xi32>
        %squeeze3A_300 = vector.extract %slice3A_299[0] : i32 from vector<1xi32>
        %mul3A_301 = arith.constant 16 : i32
        %mul3A_302 = arith.muli %scan3A_101, %mul3A_301 : i32
        %add3A_303 = arith.constant 14 : i32
        %add3A_304 = arith.addi %mul3A_302, %add3A_303 : i32
        %dma_start3A_305 = arith.constant 0 : i32
        %dma_start3A_306 = tpu.memref_slice %arg6[%add3A_304, %dma_start3A_305] : memref<512x64xf32, #tpu.memory_space<vmem>> -> memref<1x64xf32, #tpu.memory_space<vmem>>
        %dma_start3A_307 = arith.constant 0 : i32
        %dma_start3A_308 = tpu.memref_slice %arg2[%squeeze3A_300, %dma_start3A_307] : memref<1000000x64xf32, #tpu.memory_space<hbm>> -> memref<1x64xf32, #tpu.memory_space<hbm>>
        %dma_start3A_309 = arith.constant 0 : i32
        %dma_start3A_310 = tpu.memref_slice %arg6[%add3A_304, %dma_start3A_309] : memref<512x64xf32, #tpu.memory_space<vmem>> -> memref<1x64xf32, #tpu.memory_space<vmem>>
        %dma_start3A_311 = arith.constant 0 : i32
        %dma_start3A_312 = tpu.memref_slice %arg2[%squeeze3A_300, %dma_start3A_311] : memref<1000000x64xf32, #tpu.memory_space<hbm>> -> memref<1x64xf32, #tpu.memory_space<hbm>>
        tpu.enqueue_dma source(%dma_start3A_312 : memref<1x64xf32, #tpu.memory_space<hbm>>) target(%dma_start3A_310 : memref<1x64xf32, #tpu.memory_space<vmem>>) target_semaphore(%arg7 : memref<!tpu.dma_semaphore, #tpu.memory_space<semaphore_mem>>)
        %slice3A_313 = vector.extract_strided_slice %get3A_105 {offsets = [15], sizes = [1], strides = [1]} : vector<16xi32> to vector<1xi32>
        %squeeze3A_314 = vector.extract %slice3A_313[0] : i32 from vector<1xi32>
        %mul3A_315 = arith.constant 16 : i32
        %mul3A_316 = arith.muli %scan3A_101, %mul3A_315 : i32
        %add3A_317 = arith.constant 15 : i32
        %add3A_318 = arith.addi %mul3A_316, %add3A_317 : i32
        %dma_start3A_319 = arith.constant 0 : i32
        %dma_start3A_320 = tpu.memref_slice %arg6[%add3A_318, %dma_start3A_319] : memref<512x64xf32, #tpu.memory_space<vmem>> -> memref<1x64xf32, #tpu.memory_space<vmem>>
        %dma_start3A_321 = arith.constant 0 : i32
        %dma_start3A_322 = tpu.memref_slice %arg2[%squeeze3A_314, %dma_start3A_321] : memref<1000000x64xf32, #tpu.memory_space<hbm>> -> memref<1x64xf32, #tpu.memory_space<hbm>>
        %dma_start3A_323 = arith.constant 0 : i32
        %dma_start3A_324 = tpu.memref_slice %arg6[%add3A_318, %dma_start3A_323] : memref<512x64xf32, #tpu.memory_space<vmem>> -> memref<1x64xf32, #tpu.memory_space<vmem>>
        %dma_start3A_325 = arith.constant 0 : i32
        %dma_start3A_326 = tpu.memref_slice %arg2[%squeeze3A_314, %dma_start3A_325] : memref<1000000x64xf32, #tpu.memory_space<hbm>> -> memref<1x64xf32, #tpu.memory_space<hbm>>
        tpu.enqueue_dma source(%dma_start3A_326 : memref<1x64xf32, #tpu.memory_space<hbm>>) target(%dma_start3A_324 : memref<1x64xf32, #tpu.memory_space<vmem>>) target_semaphore(%arg7 : memref<!tpu.dma_semaphore, #tpu.memory_space<semaphore_mem>>)
        %gt3A = arith.constant 3 : i32
        %gt3A_327 = arith.cmpi sgt, %scan3A_101, %gt3A : i32
        %convert_element_type3A_328 = arith.extui %gt3A_327 : i1 to i32
        %cond3A_329 = arith.constant 0 : i32
        %cond3A_330 = arith.cmpi ne, %convert_element_type3A_328, %cond3A_329 : i32
        scf.if %cond3A_330 {
          %dma_wait3A_331 = arith.constant 0 : i32
          %dma_wait3A_332 = arith.constant 0 : i32
          %dma_wait3A_333 = tpu.memref_slice %arg6[%dma_wait3A_331, %dma_wait3A_332] : memref<512x64xf32, #tpu.memory_space<vmem>> -> memref<16x64xf32, #tpu.memory_space<vmem>>
          %dma_wait3A_334 = arith.constant 0 : i32
          %dma_wait3A_335 = arith.constant 0 : i32
          %dma_wait3A_336 = tpu.memref_slice %arg2[%dma_wait3A_334, %dma_wait3A_335] : memref<1000000x64xf32, #tpu.memory_space<hbm>> -> memref<16x64xf32, #tpu.memory_space<hbm>>
          %dma_wait3A_337 = arith.constant 0 : i32
          %dma_wait3A_338 = arith.constant 0 : i32
          %dma_wait3A_339 = tpu.memref_slice %arg6[%dma_wait3A_337, %dma_wait3A_338] : memref<512x64xf32, #tpu.memory_space<vmem>> -> memref<16x64xf32, #tpu.memory_space<vmem>>
          %dma_wait3A_340 = arith.constant 0 : i32
          %dma_wait3A_341 = arith.constant 0 : i32
          %dma_wait3A_342 = tpu.memref_slice %arg2[%dma_wait3A_340, %dma_wait3A_341] : memref<1000000x64xf32, #tpu.memory_space<hbm>> -> memref<16x64xf32, #tpu.memory_space<hbm>>
          tpu.wait_dma2 semaphore(%arg7 : memref<!tpu.dma_semaphore, #tpu.memory_space<semaphore_mem>>) src(%dma_wait3A_342 : memref<16x64xf32, #tpu.memory_space<hbm>>) dst(%dma_wait3A_339 : memref<16x64xf32, #tpu.memory_space<vmem>>)
        } else {
        }
      }
      %scan3A_53 = arith.constant 32 : i32
      %dma_wait3A = arith.constant 0 : i32
      %dma_wait3A_54 = arith.constant 0 : i32
      %dma_wait3A_55 = tpu.memref_slice %arg6[%dma_wait3A, %dma_wait3A_54] : memref<512x64xf32, #tpu.memory_space<vmem>> -> memref<16x64xf32, #tpu.memory_space<vmem>>
      %dma_wait3A_56 = arith.constant 0 : i32
      %dma_wait3A_57 = arith.constant 0 : i32
      %dma_wait3A_58 = tpu.memref_slice %arg2[%dma_wait3A_56, %dma_wait3A_57] : memref<1000000x64xf32, #tpu.memory_space<hbm>> -> memref<16x64xf32, #tpu.memory_space<hbm>>
      %dma_wait3A_59 = arith.constant 0 : i32
      %dma_wait3A_60 = arith.constant 0 : i32
      %dma_wait3A_61 = tpu.memref_slice %arg6[%dma_wait3A_59, %dma_wait3A_60] : memref<512x64xf32, #tpu.memory_space<vmem>> -> memref<16x64xf32, #tpu.memory_space<vmem>>
      %dma_wait3A_62 = arith.constant 0 : i32
      %dma_wait3A_63 = arith.constant 0 : i32
      %dma_wait3A_64 = tpu.memref_slice %arg2[%dma_wait3A_62, %dma_wait3A_63] : memref<1000000x64xf32, #tpu.memory_space<hbm>> -> memref<16x64xf32, #tpu.memory_space<hbm>>
      tpu.wait_dma2 semaphore(%arg7 : memref<!tpu.dma_semaphore, #tpu.memory_space<semaphore_mem>>) src(%dma_wait3A_64 : memref<16x64xf32, #tpu.memory_space<hbm>>) dst(%dma_wait3A_61 : memref<16x64xf32, #tpu.memory_space<vmem>>)
      %dma_wait3A_65 = arith.constant 0 : i32
      %dma_wait3A_66 = arith.constant 0 : i32
      %dma_wait3A_67 = tpu.memref_slice %arg6[%dma_wait3A_65, %dma_wait3A_66] : memref<512x64xf32, #tpu.memory_space<vmem>> -> memref<16x64xf32, #tpu.memory_space<vmem>>
      %dma_wait3A_68 = arith.constant 0 : i32
      %dma_wait3A_69 = arith.constant 0 : i32
      %dma_wait3A_70 = tpu.memref_slice %arg2[%dma_wait3A_68, %dma_wait3A_69] : memref<1000000x64xf32, #tpu.memory_space<hbm>> -> memref<16x64xf32, #tpu.memory_space<hbm>>
      %dma_wait3A_71 = arith.constant 0 : i32
      %dma_wait3A_72 = arith.constant 0 : i32
      %dma_wait3A_73 = tpu.memref_slice %arg6[%dma_wait3A_71, %dma_wait3A_72] : memref<512x64xf32, #tpu.memory_space<vmem>> -> memref<16x64xf32, #tpu.memory_space<vmem>>
      %dma_wait3A_74 = arith.constant 0 : i32
      %dma_wait3A_75 = arith.constant 0 : i32
      %dma_wait3A_76 = tpu.memref_slice %arg2[%dma_wait3A_74, %dma_wait3A_75] : memref<1000000x64xf32, #tpu.memory_space<hbm>> -> memref<16x64xf32, #tpu.memory_space<hbm>>
      tpu.wait_dma2 semaphore(%arg7 : memref<!tpu.dma_semaphore, #tpu.memory_space<semaphore_mem>>) src(%dma_wait3A_76 : memref<16x64xf32, #tpu.memory_space<hbm>>) dst(%dma_wait3A_73 : memref<16x64xf32, #tpu.memory_space<vmem>>)
      %dma_wait3A_77 = arith.constant 0 : i32
      %dma_wait3A_78 = arith.constant 0 : i32
      %dma_wait3A_79 = tpu.memref_slice %arg6[%dma_wait3A_77, %dma_wait3A_78] : memref<512x64xf32, #tpu.memory_space<vmem>> -> memref<16x64xf32, #tpu.memory_space<vmem>>
      %dma_wait3A_80 = arith.constant 0 : i32
      %dma_wait3A_81 = arith.constant 0 : i32
      %dma_wait3A_82 = tpu.memref_slice %arg2[%dma_wait3A_80, %dma_wait3A_81] : memref<1000000x64xf32, #tpu.memory_space<hbm>> -> memref<16x64xf32, #tpu.memory_space<hbm>>
      %dma_wait3A_83 = arith.constant 0 : i32
      %dma_wait3A_84 = arith.constant 0 : i32
      %dma_wait3A_85 = tpu.memref_slice %arg6[%dma_wait3A_83, %dma_wait3A_84] : memref<512x64xf32, #tpu.memory_space<vmem>> -> memref<16x64xf32, #tpu.memory_space<vmem>>
      %dma_wait3A_86 = arith.constant 0 : i32
      %dma_wait3A_87 = arith.constant 0 : i32
      %dma_wait3A_88 = tpu.memref_slice %arg2[%dma_wait3A_86, %dma_wait3A_87] : memref<1000000x64xf32, #tpu.memory_space<hbm>> -> memref<16x64xf32, #tpu.memory_space<hbm>>
      tpu.wait_dma2 semaphore(%arg7 : memref<!tpu.dma_semaphore, #tpu.memory_space<semaphore_mem>>) src(%dma_wait3A_88 : memref<16x64xf32, #tpu.memory_space<hbm>>) dst(%dma_wait3A_85 : memref<16x64xf32, #tpu.memory_space<vmem>>)
      %dma_wait3A_89 = arith.constant 0 : i32
      %dma_wait3A_90 = arith.constant 0 : i32
      %dma_wait3A_91 = tpu.memref_slice %arg6[%dma_wait3A_89, %dma_wait3A_90] : memref<512x64xf32, #tpu.memory_space<vmem>> -> memref<16x64xf32, #tpu.memory_space<vmem>>
      %dma_wait3A_92 = arith.constant 0 : i32
      %dma_wait3A_93 = arith.constant 0 : i32
      %dma_wait3A_94 = tpu.memref_slice %arg2[%dma_wait3A_92, %dma_wait3A_93] : memref<1000000x64xf32, #tpu.memory_space<hbm>> -> memref<16x64xf32, #tpu.memory_space<hbm>>
      %dma_wait3A_95 = arith.constant 0 : i32
      %dma_wait3A_96 = arith.constant 0 : i32
      %dma_wait3A_97 = tpu.memref_slice %arg6[%dma_wait3A_95, %dma_wait3A_96] : memref<512x64xf32, #tpu.memory_space<vmem>> -> memref<16x64xf32, #tpu.memory_space<vmem>>
      %dma_wait3A_98 = arith.constant 0 : i32
      %dma_wait3A_99 = arith.constant 0 : i32
      %dma_wait3A_100 = tpu.memref_slice %arg2[%dma_wait3A_98, %dma_wait3A_99] : memref<1000000x64xf32, #tpu.memory_space<hbm>> -> memref<16x64xf32, #tpu.memory_space<hbm>>
      tpu.wait_dma2 semaphore(%arg7 : memref<!tpu.dma_semaphore, #tpu.memory_space<semaphore_mem>>) src(%dma_wait3A_100 : memref<16x64xf32, #tpu.memory_space<hbm>>) dst(%dma_wait3A_97 : memref<16x64xf32, #tpu.memory_space<vmem>>)
      "tpu.region"() ({
        %run_scoped3A = tpu.sem_alloc : memref<!tpu.dma_semaphore, #tpu.memory_space<semaphore_mem>>
        %dma_start3A = arith.constant 0 : i32
        %dma_start3A_101 = tpu.memref_slice %arg4[%multiple_of3A, %dma_start3A] : memref<100000x64xf32, #tpu.memory_space<hbm>> -> memref<512x64xf32, #tpu.memory_space<hbm>>
        %dma_start3A_102 = arith.constant 0 : i32
        %dma_start3A_103 = tpu.memref_slice %arg4[%multiple_of3A, %dma_start3A_102] : memref<100000x64xf32, #tpu.memory_space<hbm>> -> memref<512x64xf32, #tpu.memory_space<hbm>>
        tpu.enqueue_dma source(%arg6 : memref<512x64xf32, #tpu.memory_space<vmem>>) target(%dma_start3A_103 : memref<512x64xf32, #tpu.memory_space<hbm>>) target_semaphore(%run_scoped3A : memref<!tpu.dma_semaphore, #tpu.memory_space<semaphore_mem>>)
        %dma_wait3A_104 = arith.constant 0 : i32
        %dma_wait3A_105 = tpu.memref_slice %arg4[%multiple_of3A, %dma_wait3A_104] : memref<100000x64xf32, #tpu.memory_space<hbm>> -> memref<512x64xf32, #tpu.memory_space<hbm>>
        %dma_wait3A_106 = arith.constant 0 : i32
        %dma_wait3A_107 = tpu.memref_slice %arg4[%multiple_of3A, %dma_wait3A_106] : memref<100000x64xf32, #tpu.memory_space<hbm>> -> memref<512x64xf32, #tpu.memory_space<hbm>>
        tpu.wait_dma2 semaphore(%run_scoped3A : memref<!tpu.dma_semaphore, #tpu.memory_space<semaphore_mem>>) src(%arg6 : memref<512x64xf32, #tpu.memory_space<vmem>>) dst(%dma_wait3A_107 : memref<512x64xf32, #tpu.memory_space<hbm>>)
        tpu.yield
      }) : () -> ()
    } else {
    }
    %add3A_40 = arith.constant 192 : i32
    %add3A_41 = arith.addi %add3A, %add3A_40 : i32
    %lt3A_42 = arith.constant 196 : i32
    %lt3A_43 = arith.cmpi slt, %add3A_41, %lt3A_42 : i32
    %convert_element_type3A_44 = arith.extui %lt3A_43 : i1 to i32
    %cond3A_45 = arith.constant 0 : i32
    %cond3A_46 = arith.cmpi ne, %convert_element_type3A_44, %cond3A_45 : i32
    scf.if %cond3A_46 {
      %mul3A_47 = arith.constant 512 : i32
      %mul3A_48 = arith.muli %add3A_41, %mul3A_47 : i32
      %min3A = arith.constant 99488 : i32
      %min3A_49 = arith.minsi %mul3A_48, %min3A : i32
      %multiple_of3A = tpu.assume_multiple %min3A_49, 8 : i32
      "tpu.region"() ({
        %run_scoped3A = tpu.sem_alloc : memref<!tpu.dma_semaphore, #tpu.memory_space<semaphore_mem>>
        %dma_start3A = tpu.memref_slice %arg3[%multiple_of3A] : memref<100000xi32, #tpu.memory_space<hbm>> -> memref<512xi32, #tpu.memory_space<hbm>>
        %dma_start3A_101 = tpu.memref_slice %arg3[%multiple_of3A] : memref<100000xi32, #tpu.memory_space<hbm>> -> memref<512xi32, #tpu.memory_space<hbm>>
        tpu.enqueue_dma source(%dma_start3A_101 : memref<512xi32, #tpu.memory_space<hbm>>) target(%arg5 : memref<512xi32, #tpu.memory_space<vmem>>) target_semaphore(%run_scoped3A : memref<!tpu.dma_semaphore, #tpu.memory_space<semaphore_mem>>)
        %dma_wait3A_102 = tpu.memref_slice %arg3[%multiple_of3A] : memref<100000xi32, #tpu.memory_space<hbm>> -> memref<512xi32, #tpu.memory_space<hbm>>
        %dma_wait3A_103 = tpu.memref_slice %arg3[%multiple_of3A] : memref<100000xi32, #tpu.memory_space<hbm>> -> memref<512xi32, #tpu.memory_space<hbm>>
        tpu.wait_dma2 semaphore(%run_scoped3A : memref<!tpu.dma_semaphore, #tpu.memory_space<semaphore_mem>>) src(%dma_wait3A_103 : memref<512xi32, #tpu.memory_space<hbm>>) dst(%arg5 : memref<512xi32, #tpu.memory_space<vmem>>)
        tpu.yield
      }) : () -> ()
      %scan3A = arith.constant 0 : i32
      %scan3A_50 = arith.constant 32 : i32
      %scan3A_51 = arith.addi %scan3A, %scan3A_50 : i32
      %scan3A_52 = arith.constant 1 : i32
      scf.for %scan3A_101 = %scan3A to %scan3A_51 step %scan3A_52  : i32 {
        %mul3A_102 = arith.constant 16 : i32
        %mul3A_103 = arith.muli %scan3A_101, %mul3A_102 : i32
        %get3A = arith.index_cast %mul3A_103 : i32 to index
        %get3A_104 = tpu.vector_load %arg5[%get3A] {strides = array<i32>} : memref<512xi32, #tpu.memory_space<vmem>>, vector<16xi32>,
        %get3A_105 = vector.shape_cast %get3A_104 : vector<16xi32> to vector<16xi32>
        %slice3A = vector.extract_strided_slice %get3A_105 {offsets = [0], sizes = [1], strides = [1]} : vector<16xi32> to vector<1xi32>
        %squeeze3A = vector.extract %slice3A[0] : i32 from vector<1xi32>
        %mul3A_106 = arith.constant 16 : i32
        %mul3A_107 = arith.muli %scan3A_101, %mul3A_106 : i32
        %add3A_108 = arith.constant 0 : i32
        %add3A_109 = arith.addi %mul3A_107, %add3A_108 : i32
        %dma_start3A = arith.constant 0 : i32
        %dma_start3A_110 = tpu.memref_slice %arg6[%add3A_109, %dma_start3A] : memref<512x64xf32, #tpu.memory_space<vmem>> -> memref<1x64xf32, #tpu.memory_space<vmem>>
        %dma_start3A_111 = arith.constant 0 : i32
        %dma_start3A_112 = tpu.memref_slice %arg2[%squeeze3A, %dma_start3A_111] : memref<1000000x64xf32, #tpu.memory_space<hbm>> -> memref<1x64xf32, #tpu.memory_space<hbm>>
        %dma_start3A_113 = arith.constant 0 : i32
        %dma_start3A_114 = tpu.memref_slice %arg6[%add3A_109, %dma_start3A_113] : memref<512x64xf32, #tpu.memory_space<vmem>> -> memref<1x64xf32, #tpu.memory_space<vmem>>
        %dma_start3A_115 = arith.constant 0 : i32
        %dma_start3A_116 = tpu.memref_slice %arg2[%squeeze3A, %dma_start3A_115] : memref<1000000x64xf32, #tpu.memory_space<hbm>> -> memref<1x64xf32, #tpu.memory_space<hbm>>
        tpu.enqueue_dma source(%dma_start3A_116 : memref<1x64xf32, #tpu.memory_space<hbm>>) target(%dma_start3A_114 : memref<1x64xf32, #tpu.memory_space<vmem>>) target_semaphore(%arg7 : memref<!tpu.dma_semaphore, #tpu.memory_space<semaphore_mem>>)
        %slice3A_117 = vector.extract_strided_slice %get3A_105 {offsets = [1], sizes = [1], strides = [1]} : vector<16xi32> to vector<1xi32>
        %squeeze3A_118 = vector.extract %slice3A_117[0] : i32 from vector<1xi32>
        %mul3A_119 = arith.constant 16 : i32
        %mul3A_120 = arith.muli %scan3A_101, %mul3A_119 : i32
        %add3A_121 = arith.constant 1 : i32
        %add3A_122 = arith.addi %mul3A_120, %add3A_121 : i32
        %dma_start3A_123 = arith.constant 0 : i32
        %dma_start3A_124 = tpu.memref_slice %arg6[%add3A_122, %dma_start3A_123] : memref<512x64xf32, #tpu.memory_space<vmem>> -> memref<1x64xf32, #tpu.memory_space<vmem>>
        %dma_start3A_125 = arith.constant 0 : i32
        %dma_start3A_126 = tpu.memref_slice %arg2[%squeeze3A_118, %dma_start3A_125] : memref<1000000x64xf32, #tpu.memory_space<hbm>> -> memref<1x64xf32, #tpu.memory_space<hbm>>
        %dma_start3A_127 = arith.constant 0 : i32
        %dma_start3A_128 = tpu.memref_slice %arg6[%add3A_122, %dma_start3A_127] : memref<512x64xf32, #tpu.memory_space<vmem>> -> memref<1x64xf32, #tpu.memory_space<vmem>>
        %dma_start3A_129 = arith.constant 0 : i32
        %dma_start3A_130 = tpu.memref_slice %arg2[%squeeze3A_118, %dma_start3A_129] : memref<1000000x64xf32, #tpu.memory_space<hbm>> -> memref<1x64xf32, #tpu.memory_space<hbm>>
        tpu.enqueue_dma source(%dma_start3A_130 : memref<1x64xf32, #tpu.memory_space<hbm>>) target(%dma_start3A_128 : memref<1x64xf32, #tpu.memory_space<vmem>>) target_semaphore(%arg7 : memref<!tpu.dma_semaphore, #tpu.memory_space<semaphore_mem>>)
        %slice3A_131 = vector.extract_strided_slice %get3A_105 {offsets = [2], sizes = [1], strides = [1]} : vector<16xi32> to vector<1xi32>
        %squeeze3A_132 = vector.extract %slice3A_131[0] : i32 from vector<1xi32>
        %mul3A_133 = arith.constant 16 : i32
        %mul3A_134 = arith.muli %scan3A_101, %mul3A_133 : i32
        %add3A_135 = arith.constant 2 : i32
        %add3A_136 = arith.addi %mul3A_134, %add3A_135 : i32
        %dma_start3A_137 = arith.constant 0 : i32
        %dma_start3A_138 = tpu.memref_slice %arg6[%add3A_136, %dma_start3A_137] : memref<512x64xf32, #tpu.memory_space<vmem>> -> memref<1x64xf32, #tpu.memory_space<vmem>>
        %dma_start3A_139 = arith.constant 0 : i32
        %dma_start3A_140 = tpu.memref_slice %arg2[%squeeze3A_132, %dma_start3A_139] : memref<1000000x64xf32, #tpu.memory_space<hbm>> -> memref<1x64xf32, #tpu.memory_space<hbm>>
        %dma_start3A_141 = arith.constant 0 : i32
        %dma_start3A_142 = tpu.memref_slice %arg6[%add3A_136, %dma_start3A_141] : memref<512x64xf32, #tpu.memory_space<vmem>> -> memref<1x64xf32, #tpu.memory_space<vmem>>
        %dma_start3A_143 = arith.constant 0 : i32
        %dma_start3A_144 = tpu.memref_slice %arg2[%squeeze3A_132, %dma_start3A_143] : memref<1000000x64xf32, #tpu.memory_space<hbm>> -> memref<1x64xf32, #tpu.memory_space<hbm>>
        tpu.enqueue_dma source(%dma_start3A_144 : memref<1x64xf32, #tpu.memory_space<hbm>>) target(%dma_start3A_142 : memref<1x64xf32, #tpu.memory_space<vmem>>) target_semaphore(%arg7 : memref<!tpu.dma_semaphore, #tpu.memory_space<semaphore_mem>>)
        %slice3A_145 = vector.extract_strided_slice %get3A_105 {offsets = [3], sizes = [1], strides = [1]} : vector<16xi32> to vector<1xi32>
        %squeeze3A_146 = vector.extract %slice3A_145[0] : i32 from vector<1xi32>
        %mul3A_147 = arith.constant 16 : i32
        %mul3A_148 = arith.muli %scan3A_101, %mul3A_147 : i32
        %add3A_149 = arith.constant 3 : i32
        %add3A_150 = arith.addi %mul3A_148, %add3A_149 : i32
        %dma_start3A_151 = arith.constant 0 : i32
        %dma_start3A_152 = tpu.memref_slice %arg6[%add3A_150, %dma_start3A_151] : memref<512x64xf32, #tpu.memory_space<vmem>> -> memref<1x64xf32, #tpu.memory_space<vmem>>
        %dma_start3A_153 = arith.constant 0 : i32
        %dma_start3A_154 = tpu.memref_slice %arg2[%squeeze3A_146, %dma_start3A_153] : memref<1000000x64xf32, #tpu.memory_space<hbm>> -> memref<1x64xf32, #tpu.memory_space<hbm>>
        %dma_start3A_155 = arith.constant 0 : i32
        %dma_start3A_156 = tpu.memref_slice %arg6[%add3A_150, %dma_start3A_155] : memref<512x64xf32, #tpu.memory_space<vmem>> -> memref<1x64xf32, #tpu.memory_space<vmem>>
        %dma_start3A_157 = arith.constant 0 : i32
        %dma_start3A_158 = tpu.memref_slice %arg2[%squeeze3A_146, %dma_start3A_157] : memref<1000000x64xf32, #tpu.memory_space<hbm>> -> memref<1x64xf32, #tpu.memory_space<hbm>>
        tpu.enqueue_dma source(%dma_start3A_158 : memref<1x64xf32, #tpu.memory_space<hbm>>) target(%dma_start3A_156 : memref<1x64xf32, #tpu.memory_space<vmem>>) target_semaphore(%arg7 : memref<!tpu.dma_semaphore, #tpu.memory_space<semaphore_mem>>)
        %slice3A_159 = vector.extract_strided_slice %get3A_105 {offsets = [4], sizes = [1], strides = [1]} : vector<16xi32> to vector<1xi32>
        %squeeze3A_160 = vector.extract %slice3A_159[0] : i32 from vector<1xi32>
        %mul3A_161 = arith.constant 16 : i32
        %mul3A_162 = arith.muli %scan3A_101, %mul3A_161 : i32
        %add3A_163 = arith.constant 4 : i32
        %add3A_164 = arith.addi %mul3A_162, %add3A_163 : i32
        %dma_start3A_165 = arith.constant 0 : i32
        %dma_start3A_166 = tpu.memref_slice %arg6[%add3A_164, %dma_start3A_165] : memref<512x64xf32, #tpu.memory_space<vmem>> -> memref<1x64xf32, #tpu.memory_space<vmem>>
        %dma_start3A_167 = arith.constant 0 : i32
        %dma_start3A_168 = tpu.memref_slice %arg2[%squeeze3A_160, %dma_start3A_167] : memref<1000000x64xf32, #tpu.memory_space<hbm>> -> memref<1x64xf32, #tpu.memory_space<hbm>>
        %dma_start3A_169 = arith.constant 0 : i32
        %dma_start3A_170 = tpu.memref_slice %arg6[%add3A_164, %dma_start3A_169] : memref<512x64xf32, #tpu.memory_space<vmem>> -> memref<1x64xf32, #tpu.memory_space<vmem>>
        %dma_start3A_171 = arith.constant 0 : i32
        %dma_start3A_172 = tpu.memref_slice %arg2[%squeeze3A_160, %dma_start3A_171] : memref<1000000x64xf32, #tpu.memory_space<hbm>> -> memref<1x64xf32, #tpu.memory_space<hbm>>
        tpu.enqueue_dma source(%dma_start3A_172 : memref<1x64xf32, #tpu.memory_space<hbm>>) target(%dma_start3A_170 : memref<1x64xf32, #tpu.memory_space<vmem>>) target_semaphore(%arg7 : memref<!tpu.dma_semaphore, #tpu.memory_space<semaphore_mem>>)
        %slice3A_173 = vector.extract_strided_slice %get3A_105 {offsets = [5], sizes = [1], strides = [1]} : vector<16xi32> to vector<1xi32>
        %squeeze3A_174 = vector.extract %slice3A_173[0] : i32 from vector<1xi32>
        %mul3A_175 = arith.constant 16 : i32
        %mul3A_176 = arith.muli %scan3A_101, %mul3A_175 : i32
        %add3A_177 = arith.constant 5 : i32
        %add3A_178 = arith.addi %mul3A_176, %add3A_177 : i32
        %dma_start3A_179 = arith.constant 0 : i32
        %dma_start3A_180 = tpu.memref_slice %arg6[%add3A_178, %dma_start3A_179] : memref<512x64xf32, #tpu.memory_space<vmem>> -> memref<1x64xf32, #tpu.memory_space<vmem>>
        %dma_start3A_181 = arith.constant 0 : i32
        %dma_start3A_182 = tpu.memref_slice %arg2[%squeeze3A_174, %dma_start3A_181] : memref<1000000x64xf32, #tpu.memory_space<hbm>> -> memref<1x64xf32, #tpu.memory_space<hbm>>
        %dma_start3A_183 = arith.constant 0 : i32
        %dma_start3A_184 = tpu.memref_slice %arg6[%add3A_178, %dma_start3A_183] : memref<512x64xf32, #tpu.memory_space<vmem>> -> memref<1x64xf32, #tpu.memory_space<vmem>>
        %dma_start3A_185 = arith.constant 0 : i32
        %dma_start3A_186 = tpu.memref_slice %arg2[%squeeze3A_174, %dma_start3A_185] : memref<1000000x64xf32, #tpu.memory_space<hbm>> -> memref<1x64xf32, #tpu.memory_space<hbm>>
        tpu.enqueue_dma source(%dma_start3A_186 : memref<1x64xf32, #tpu.memory_space<hbm>>) target(%dma_start3A_184 : memref<1x64xf32, #tpu.memory_space<vmem>>) target_semaphore(%arg7 : memref<!tpu.dma_semaphore, #tpu.memory_space<semaphore_mem>>)
        %slice3A_187 = vector.extract_strided_slice %get3A_105 {offsets = [6], sizes = [1], strides = [1]} : vector<16xi32> to vector<1xi32>
        %squeeze3A_188 = vector.extract %slice3A_187[0] : i32 from vector<1xi32>
        %mul3A_189 = arith.constant 16 : i32
        %mul3A_190 = arith.muli %scan3A_101, %mul3A_189 : i32
        %add3A_191 = arith.constant 6 : i32
        %add3A_192 = arith.addi %mul3A_190, %add3A_191 : i32
        %dma_start3A_193 = arith.constant 0 : i32
        %dma_start3A_194 = tpu.memref_slice %arg6[%add3A_192, %dma_start3A_193] : memref<512x64xf32, #tpu.memory_space<vmem>> -> memref<1x64xf32, #tpu.memory_space<vmem>>
        %dma_start3A_195 = arith.constant 0 : i32
        %dma_start3A_196 = tpu.memref_slice %arg2[%squeeze3A_188, %dma_start3A_195] : memref<1000000x64xf32, #tpu.memory_space<hbm>> -> memref<1x64xf32, #tpu.memory_space<hbm>>
        %dma_start3A_197 = arith.constant 0 : i32
        %dma_start3A_198 = tpu.memref_slice %arg6[%add3A_192, %dma_start3A_197] : memref<512x64xf32, #tpu.memory_space<vmem>> -> memref<1x64xf32, #tpu.memory_space<vmem>>
        %dma_start3A_199 = arith.constant 0 : i32
        %dma_start3A_200 = tpu.memref_slice %arg2[%squeeze3A_188, %dma_start3A_199] : memref<1000000x64xf32, #tpu.memory_space<hbm>> -> memref<1x64xf32, #tpu.memory_space<hbm>>
        tpu.enqueue_dma source(%dma_start3A_200 : memref<1x64xf32, #tpu.memory_space<hbm>>) target(%dma_start3A_198 : memref<1x64xf32, #tpu.memory_space<vmem>>) target_semaphore(%arg7 : memref<!tpu.dma_semaphore, #tpu.memory_space<semaphore_mem>>)
        %slice3A_201 = vector.extract_strided_slice %get3A_105 {offsets = [7], sizes = [1], strides = [1]} : vector<16xi32> to vector<1xi32>
        %squeeze3A_202 = vector.extract %slice3A_201[0] : i32 from vector<1xi32>
        %mul3A_203 = arith.constant 16 : i32
        %mul3A_204 = arith.muli %scan3A_101, %mul3A_203 : i32
        %add3A_205 = arith.constant 7 : i32
        %add3A_206 = arith.addi %mul3A_204, %add3A_205 : i32
        %dma_start3A_207 = arith.constant 0 : i32
        %dma_start3A_208 = tpu.memref_slice %arg6[%add3A_206, %dma_start3A_207] : memref<512x64xf32, #tpu.memory_space<vmem>> -> memref<1x64xf32, #tpu.memory_space<vmem>>
        %dma_start3A_209 = arith.constant 0 : i32
        %dma_start3A_210 = tpu.memref_slice %arg2[%squeeze3A_202, %dma_start3A_209] : memref<1000000x64xf32, #tpu.memory_space<hbm>> -> memref<1x64xf32, #tpu.memory_space<hbm>>
        %dma_start3A_211 = arith.constant 0 : i32
        %dma_start3A_212 = tpu.memref_slice %arg6[%add3A_206, %dma_start3A_211] : memref<512x64xf32, #tpu.memory_space<vmem>> -> memref<1x64xf32, #tpu.memory_space<vmem>>
        %dma_start3A_213 = arith.constant 0 : i32
        %dma_start3A_214 = tpu.memref_slice %arg2[%squeeze3A_202, %dma_start3A_213] : memref<1000000x64xf32, #tpu.memory_space<hbm>> -> memref<1x64xf32, #tpu.memory_space<hbm>>
        tpu.enqueue_dma source(%dma_start3A_214 : memref<1x64xf32, #tpu.memory_space<hbm>>) target(%dma_start3A_212 : memref<1x64xf32, #tpu.memory_space<vmem>>) target_semaphore(%arg7 : memref<!tpu.dma_semaphore, #tpu.memory_space<semaphore_mem>>)
        %slice3A_215 = vector.extract_strided_slice %get3A_105 {offsets = [8], sizes = [1], strides = [1]} : vector<16xi32> to vector<1xi32>
        %squeeze3A_216 = vector.extract %slice3A_215[0] : i32 from vector<1xi32>
        %mul3A_217 = arith.constant 16 : i32
        %mul3A_218 = arith.muli %scan3A_101, %mul3A_217 : i32
        %add3A_219 = arith.constant 8 : i32
        %add3A_220 = arith.addi %mul3A_218, %add3A_219 : i32
        %dma_start3A_221 = arith.constant 0 : i32
        %dma_start3A_222 = tpu.memref_slice %arg6[%add3A_220, %dma_start3A_221] : memref<512x64xf32, #tpu.memory_space<vmem>> -> memref<1x64xf32, #tpu.memory_space<vmem>>
        %dma_start3A_223 = arith.constant 0 : i32
        %dma_start3A_224 = tpu.memref_slice %arg2[%squeeze3A_216, %dma_start3A_223] : memref<1000000x64xf32, #tpu.memory_space<hbm>> -> memref<1x64xf32, #tpu.memory_space<hbm>>
        %dma_start3A_225 = arith.constant 0 : i32
        %dma_start3A_226 = tpu.memref_slice %arg6[%add3A_220, %dma_start3A_225] : memref<512x64xf32, #tpu.memory_space<vmem>> -> memref<1x64xf32, #tpu.memory_space<vmem>>
        %dma_start3A_227 = arith.constant 0 : i32
        %dma_start3A_228 = tpu.memref_slice %arg2[%squeeze3A_216, %dma_start3A_227] : memref<1000000x64xf32, #tpu.memory_space<hbm>> -> memref<1x64xf32, #tpu.memory_space<hbm>>
        tpu.enqueue_dma source(%dma_start3A_228 : memref<1x64xf32, #tpu.memory_space<hbm>>) target(%dma_start3A_226 : memref<1x64xf32, #tpu.memory_space<vmem>>) target_semaphore(%arg7 : memref<!tpu.dma_semaphore, #tpu.memory_space<semaphore_mem>>)
        %slice3A_229 = vector.extract_strided_slice %get3A_105 {offsets = [9], sizes = [1], strides = [1]} : vector<16xi32> to vector<1xi32>
        %squeeze3A_230 = vector.extract %slice3A_229[0] : i32 from vector<1xi32>
        %mul3A_231 = arith.constant 16 : i32
        %mul3A_232 = arith.muli %scan3A_101, %mul3A_231 : i32
        %add3A_233 = arith.constant 9 : i32
        %add3A_234 = arith.addi %mul3A_232, %add3A_233 : i32
        %dma_start3A_235 = arith.constant 0 : i32
        %dma_start3A_236 = tpu.memref_slice %arg6[%add3A_234, %dma_start3A_235] : memref<512x64xf32, #tpu.memory_space<vmem>> -> memref<1x64xf32, #tpu.memory_space<vmem>>
        %dma_start3A_237 = arith.constant 0 : i32
        %dma_start3A_238 = tpu.memref_slice %arg2[%squeeze3A_230, %dma_start3A_237] : memref<1000000x64xf32, #tpu.memory_space<hbm>> -> memref<1x64xf32, #tpu.memory_space<hbm>>
        %dma_start3A_239 = arith.constant 0 : i32
        %dma_start3A_240 = tpu.memref_slice %arg6[%add3A_234, %dma_start3A_239] : memref<512x64xf32, #tpu.memory_space<vmem>> -> memref<1x64xf32, #tpu.memory_space<vmem>>
        %dma_start3A_241 = arith.constant 0 : i32
        %dma_start3A_242 = tpu.memref_slice %arg2[%squeeze3A_230, %dma_start3A_241] : memref<1000000x64xf32, #tpu.memory_space<hbm>> -> memref<1x64xf32, #tpu.memory_space<hbm>>
        tpu.enqueue_dma source(%dma_start3A_242 : memref<1x64xf32, #tpu.memory_space<hbm>>) target(%dma_start3A_240 : memref<1x64xf32, #tpu.memory_space<vmem>>) target_semaphore(%arg7 : memref<!tpu.dma_semaphore, #tpu.memory_space<semaphore_mem>>)
        %slice3A_243 = vector.extract_strided_slice %get3A_105 {offsets = [10], sizes = [1], strides = [1]} : vector<16xi32> to vector<1xi32>
        %squeeze3A_244 = vector.extract %slice3A_243[0] : i32 from vector<1xi32>
        %mul3A_245 = arith.constant 16 : i32
        %mul3A_246 = arith.muli %scan3A_101, %mul3A_245 : i32
        %add3A_247 = arith.constant 10 : i32
        %add3A_248 = arith.addi %mul3A_246, %add3A_247 : i32
        %dma_start3A_249 = arith.constant 0 : i32
        %dma_start3A_250 = tpu.memref_slice %arg6[%add3A_248, %dma_start3A_249] : memref<512x64xf32, #tpu.memory_space<vmem>> -> memref<1x64xf32, #tpu.memory_space<vmem>>
        %dma_start3A_251 = arith.constant 0 : i32
        %dma_start3A_252 = tpu.memref_slice %arg2[%squeeze3A_244, %dma_start3A_251] : memref<1000000x64xf32, #tpu.memory_space<hbm>> -> memref<1x64xf32, #tpu.memory_space<hbm>>
        %dma_start3A_253 = arith.constant 0 : i32
        %dma_start3A_254 = tpu.memref_slice %arg6[%add3A_248, %dma_start3A_253] : memref<512x64xf32, #tpu.memory_space<vmem>> -> memref<1x64xf32, #tpu.memory_space<vmem>>
        %dma_start3A_255 = arith.constant 0 : i32
        %dma_start3A_256 = tpu.memref_slice %arg2[%squeeze3A_244, %dma_start3A_255] : memref<1000000x64xf32, #tpu.memory_space<hbm>> -> memref<1x64xf32, #tpu.memory_space<hbm>>
        tpu.enqueue_dma source(%dma_start3A_256 : memref<1x64xf32, #tpu.memory_space<hbm>>) target(%dma_start3A_254 : memref<1x64xf32, #tpu.memory_space<vmem>>) target_semaphore(%arg7 : memref<!tpu.dma_semaphore, #tpu.memory_space<semaphore_mem>>)
        %slice3A_257 = vector.extract_strided_slice %get3A_105 {offsets = [11], sizes = [1], strides = [1]} : vector<16xi32> to vector<1xi32>
        %squeeze3A_258 = vector.extract %slice3A_257[0] : i32 from vector<1xi32>
        %mul3A_259 = arith.constant 16 : i32
        %mul3A_260 = arith.muli %scan3A_101, %mul3A_259 : i32
        %add3A_261 = arith.constant 11 : i32
        %add3A_262 = arith.addi %mul3A_260, %add3A_261 : i32
        %dma_start3A_263 = arith.constant 0 : i32
        %dma_start3A_264 = tpu.memref_slice %arg6[%add3A_262, %dma_start3A_263] : memref<512x64xf32, #tpu.memory_space<vmem>> -> memref<1x64xf32, #tpu.memory_space<vmem>>
        %dma_start3A_265 = arith.constant 0 : i32
        %dma_start3A_266 = tpu.memref_slice %arg2[%squeeze3A_258, %dma_start3A_265] : memref<1000000x64xf32, #tpu.memory_space<hbm>> -> memref<1x64xf32, #tpu.memory_space<hbm>>
        %dma_start3A_267 = arith.constant 0 : i32
        %dma_start3A_268 = tpu.memref_slice %arg6[%add3A_262, %dma_start3A_267] : memref<512x64xf32, #tpu.memory_space<vmem>> -> memref<1x64xf32, #tpu.memory_space<vmem>>
        %dma_start3A_269 = arith.constant 0 : i32
        %dma_start3A_270 = tpu.memref_slice %arg2[%squeeze3A_258, %dma_start3A_269] : memref<1000000x64xf32, #tpu.memory_space<hbm>> -> memref<1x64xf32, #tpu.memory_space<hbm>>
        tpu.enqueue_dma source(%dma_start3A_270 : memref<1x64xf32, #tpu.memory_space<hbm>>) target(%dma_start3A_268 : memref<1x64xf32, #tpu.memory_space<vmem>>) target_semaphore(%arg7 : memref<!tpu.dma_semaphore, #tpu.memory_space<semaphore_mem>>)
        %slice3A_271 = vector.extract_strided_slice %get3A_105 {offsets = [12], sizes = [1], strides = [1]} : vector<16xi32> to vector<1xi32>
        %squeeze3A_272 = vector.extract %slice3A_271[0] : i32 from vector<1xi32>
        %mul3A_273 = arith.constant 16 : i32
        %mul3A_274 = arith.muli %scan3A_101, %mul3A_273 : i32
        %add3A_275 = arith.constant 12 : i32
        %add3A_276 = arith.addi %mul3A_274, %add3A_275 : i32
        %dma_start3A_277 = arith.constant 0 : i32
        %dma_start3A_278 = tpu.memref_slice %arg6[%add3A_276, %dma_start3A_277] : memref<512x64xf32, #tpu.memory_space<vmem>> -> memref<1x64xf32, #tpu.memory_space<vmem>>
        %dma_start3A_279 = arith.constant 0 : i32
        %dma_start3A_280 = tpu.memref_slice %arg2[%squeeze3A_272, %dma_start3A_279] : memref<1000000x64xf32, #tpu.memory_space<hbm>> -> memref<1x64xf32, #tpu.memory_space<hbm>>
        %dma_start3A_281 = arith.constant 0 : i32
        %dma_start3A_282 = tpu.memref_slice %arg6[%add3A_276, %dma_start3A_281] : memref<512x64xf32, #tpu.memory_space<vmem>> -> memref<1x64xf32, #tpu.memory_space<vmem>>
        %dma_start3A_283 = arith.constant 0 : i32
        %dma_start3A_284 = tpu.memref_slice %arg2[%squeeze3A_272, %dma_start3A_283] : memref<1000000x64xf32, #tpu.memory_space<hbm>> -> memref<1x64xf32, #tpu.memory_space<hbm>>
        tpu.enqueue_dma source(%dma_start3A_284 : memref<1x64xf32, #tpu.memory_space<hbm>>) target(%dma_start3A_282 : memref<1x64xf32, #tpu.memory_space<vmem>>) target_semaphore(%arg7 : memref<!tpu.dma_semaphore, #tpu.memory_space<semaphore_mem>>)
        %slice3A_285 = vector.extract_strided_slice %get3A_105 {offsets = [13], sizes = [1], strides = [1]} : vector<16xi32> to vector<1xi32>
        %squeeze3A_286 = vector.extract %slice3A_285[0] : i32 from vector<1xi32>
        %mul3A_287 = arith.constant 16 : i32
        %mul3A_288 = arith.muli %scan3A_101, %mul3A_287 : i32
        %add3A_289 = arith.constant 13 : i32
        %add3A_290 = arith.addi %mul3A_288, %add3A_289 : i32
        %dma_start3A_291 = arith.constant 0 : i32
        %dma_start3A_292 = tpu.memref_slice %arg6[%add3A_290, %dma_start3A_291] : memref<512x64xf32, #tpu.memory_space<vmem>> -> memref<1x64xf32, #tpu.memory_space<vmem>>
        %dma_start3A_293 = arith.constant 0 : i32
        %dma_start3A_294 = tpu.memref_slice %arg2[%squeeze3A_286, %dma_start3A_293] : memref<1000000x64xf32, #tpu.memory_space<hbm>> -> memref<1x64xf32, #tpu.memory_space<hbm>>
        %dma_start3A_295 = arith.constant 0 : i32
        %dma_start3A_296 = tpu.memref_slice %arg6[%add3A_290, %dma_start3A_295] : memref<512x64xf32, #tpu.memory_space<vmem>> -> memref<1x64xf32, #tpu.memory_space<vmem>>
        %dma_start3A_297 = arith.constant 0 : i32
        %dma_start3A_298 = tpu.memref_slice %arg2[%squeeze3A_286, %dma_start3A_297] : memref<1000000x64xf32, #tpu.memory_space<hbm>> -> memref<1x64xf32, #tpu.memory_space<hbm>>
        tpu.enqueue_dma source(%dma_start3A_298 : memref<1x64xf32, #tpu.memory_space<hbm>>) target(%dma_start3A_296 : memref<1x64xf32, #tpu.memory_space<vmem>>) target_semaphore(%arg7 : memref<!tpu.dma_semaphore, #tpu.memory_space<semaphore_mem>>)
        %slice3A_299 = vector.extract_strided_slice %get3A_105 {offsets = [14], sizes = [1], strides = [1]} : vector<16xi32> to vector<1xi32>
        %squeeze3A_300 = vector.extract %slice3A_299[0] : i32 from vector<1xi32>
        %mul3A_301 = arith.constant 16 : i32
        %mul3A_302 = arith.muli %scan3A_101, %mul3A_301 : i32
        %add3A_303 = arith.constant 14 : i32
        %add3A_304 = arith.addi %mul3A_302, %add3A_303 : i32
        %dma_start3A_305 = arith.constant 0 : i32
        %dma_start3A_306 = tpu.memref_slice %arg6[%add3A_304, %dma_start3A_305] : memref<512x64xf32, #tpu.memory_space<vmem>> -> memref<1x64xf32, #tpu.memory_space<vmem>>
        %dma_start3A_307 = arith.constant 0 : i32
        %dma_start3A_308 = tpu.memref_slice %arg2[%squeeze3A_300, %dma_start3A_307] : memref<1000000x64xf32, #tpu.memory_space<hbm>> -> memref<1x64xf32, #tpu.memory_space<hbm>>
        %dma_start3A_309 = arith.constant 0 : i32
        %dma_start3A_310 = tpu.memref_slice %arg6[%add3A_304, %dma_start3A_309] : memref<512x64xf32, #tpu.memory_space<vmem>> -> memref<1x64xf32, #tpu.memory_space<vmem>>
        %dma_start3A_311 = arith.constant 0 : i32
        %dma_start3A_312 = tpu.memref_slice %arg2[%squeeze3A_300, %dma_start3A_311] : memref<1000000x64xf32, #tpu.memory_space<hbm>> -> memref<1x64xf32, #tpu.memory_space<hbm>>
        tpu.enqueue_dma source(%dma_start3A_312 : memref<1x64xf32, #tpu.memory_space<hbm>>) target(%dma_start3A_310 : memref<1x64xf32, #tpu.memory_space<vmem>>) target_semaphore(%arg7 : memref<!tpu.dma_semaphore, #tpu.memory_space<semaphore_mem>>)
        %slice3A_313 = vector.extract_strided_slice %get3A_105 {offsets = [15], sizes = [1], strides = [1]} : vector<16xi32> to vector<1xi32>
        %squeeze3A_314 = vector.extract %slice3A_313[0] : i32 from vector<1xi32>
        %mul3A_315 = arith.constant 16 : i32
        %mul3A_316 = arith.muli %scan3A_101, %mul3A_315 : i32
        %add3A_317 = arith.constant 15 : i32
        %add3A_318 = arith.addi %mul3A_316, %add3A_317 : i32
        %dma_start3A_319 = arith.constant 0 : i32
        %dma_start3A_320 = tpu.memref_slice %arg6[%add3A_318, %dma_start3A_319] : memref<512x64xf32, #tpu.memory_space<vmem>> -> memref<1x64xf32, #tpu.memory_space<vmem>>
        %dma_start3A_321 = arith.constant 0 : i32
        %dma_start3A_322 = tpu.memref_slice %arg2[%squeeze3A_314, %dma_start3A_321] : memref<1000000x64xf32, #tpu.memory_space<hbm>> -> memref<1x64xf32, #tpu.memory_space<hbm>>
        %dma_start3A_323 = arith.constant 0 : i32
        %dma_start3A_324 = tpu.memref_slice %arg6[%add3A_318, %dma_start3A_323] : memref<512x64xf32, #tpu.memory_space<vmem>> -> memref<1x64xf32, #tpu.memory_space<vmem>>
        %dma_start3A_325 = arith.constant 0 : i32
        %dma_start3A_326 = tpu.memref_slice %arg2[%squeeze3A_314, %dma_start3A_325] : memref<1000000x64xf32, #tpu.memory_space<hbm>> -> memref<1x64xf32, #tpu.memory_space<hbm>>
        tpu.enqueue_dma source(%dma_start3A_326 : memref<1x64xf32, #tpu.memory_space<hbm>>) target(%dma_start3A_324 : memref<1x64xf32, #tpu.memory_space<vmem>>) target_semaphore(%arg7 : memref<!tpu.dma_semaphore, #tpu.memory_space<semaphore_mem>>)
        %gt3A = arith.constant 3 : i32
        %gt3A_327 = arith.cmpi sgt, %scan3A_101, %gt3A : i32
        %convert_element_type3A_328 = arith.extui %gt3A_327 : i1 to i32
        %cond3A_329 = arith.constant 0 : i32
        %cond3A_330 = arith.cmpi ne, %convert_element_type3A_328, %cond3A_329 : i32
        scf.if %cond3A_330 {
          %dma_wait3A_331 = arith.constant 0 : i32
          %dma_wait3A_332 = arith.constant 0 : i32
          %dma_wait3A_333 = tpu.memref_slice %arg6[%dma_wait3A_331, %dma_wait3A_332] : memref<512x64xf32, #tpu.memory_space<vmem>> -> memref<16x64xf32, #tpu.memory_space<vmem>>
          %dma_wait3A_334 = arith.constant 0 : i32
          %dma_wait3A_335 = arith.constant 0 : i32
          %dma_wait3A_336 = tpu.memref_slice %arg2[%dma_wait3A_334, %dma_wait3A_335] : memref<1000000x64xf32, #tpu.memory_space<hbm>> -> memref<16x64xf32, #tpu.memory_space<hbm>>
          %dma_wait3A_337 = arith.constant 0 : i32
          %dma_wait3A_338 = arith.constant 0 : i32
          %dma_wait3A_339 = tpu.memref_slice %arg6[%dma_wait3A_337, %dma_wait3A_338] : memref<512x64xf32, #tpu.memory_space<vmem>> -> memref<16x64xf32, #tpu.memory_space<vmem>>
          %dma_wait3A_340 = arith.constant 0 : i32
          %dma_wait3A_341 = arith.constant 0 : i32
          %dma_wait3A_342 = tpu.memref_slice %arg2[%dma_wait3A_340, %dma_wait3A_341] : memref<1000000x64xf32, #tpu.memory_space<hbm>> -> memref<16x64xf32, #tpu.memory_space<hbm>>
          tpu.wait_dma2 semaphore(%arg7 : memref<!tpu.dma_semaphore, #tpu.memory_space<semaphore_mem>>) src(%dma_wait3A_342 : memref<16x64xf32, #tpu.memory_space<hbm>>) dst(%dma_wait3A_339 : memref<16x64xf32, #tpu.memory_space<vmem>>)
        } else {
        }
      }
      %scan3A_53 = arith.constant 32 : i32
      %dma_wait3A = arith.constant 0 : i32
      %dma_wait3A_54 = arith.constant 0 : i32
      %dma_wait3A_55 = tpu.memref_slice %arg6[%dma_wait3A, %dma_wait3A_54] : memref<512x64xf32, #tpu.memory_space<vmem>> -> memref<16x64xf32, #tpu.memory_space<vmem>>
      %dma_wait3A_56 = arith.constant 0 : i32
      %dma_wait3A_57 = arith.constant 0 : i32
      %dma_wait3A_58 = tpu.memref_slice %arg2[%dma_wait3A_56, %dma_wait3A_57] : memref<1000000x64xf32, #tpu.memory_space<hbm>> -> memref<16x64xf32, #tpu.memory_space<hbm>>
      %dma_wait3A_59 = arith.constant 0 : i32
      %dma_wait3A_60 = arith.constant 0 : i32
      %dma_wait3A_61 = tpu.memref_slice %arg6[%dma_wait3A_59, %dma_wait3A_60] : memref<512x64xf32, #tpu.memory_space<vmem>> -> memref<16x64xf32, #tpu.memory_space<vmem>>
      %dma_wait3A_62 = arith.constant 0 : i32
      %dma_wait3A_63 = arith.constant 0 : i32
      %dma_wait3A_64 = tpu.memref_slice %arg2[%dma_wait3A_62, %dma_wait3A_63] : memref<1000000x64xf32, #tpu.memory_space<hbm>> -> memref<16x64xf32, #tpu.memory_space<hbm>>
      tpu.wait_dma2 semaphore(%arg7 : memref<!tpu.dma_semaphore, #tpu.memory_space<semaphore_mem>>) src(%dma_wait3A_64 : memref<16x64xf32, #tpu.memory_space<hbm>>) dst(%dma_wait3A_61 : memref<16x64xf32, #tpu.memory_space<vmem>>)
      %dma_wait3A_65 = arith.constant 0 : i32
      %dma_wait3A_66 = arith.constant 0 : i32
      %dma_wait3A_67 = tpu.memref_slice %arg6[%dma_wait3A_65, %dma_wait3A_66] : memref<512x64xf32, #tpu.memory_space<vmem>> -> memref<16x64xf32, #tpu.memory_space<vmem>>
      %dma_wait3A_68 = arith.constant 0 : i32
      %dma_wait3A_69 = arith.constant 0 : i32
      %dma_wait3A_70 = tpu.memref_slice %arg2[%dma_wait3A_68, %dma_wait3A_69] : memref<1000000x64xf32, #tpu.memory_space<hbm>> -> memref<16x64xf32, #tpu.memory_space<hbm>>
      %dma_wait3A_71 = arith.constant 0 : i32
      %dma_wait3A_72 = arith.constant 0 : i32
      %dma_wait3A_73 = tpu.memref_slice %arg6[%dma_wait3A_71, %dma_wait3A_72] : memref<512x64xf32, #tpu.memory_space<vmem>> -> memref<16x64xf32, #tpu.memory_space<vmem>>
      %dma_wait3A_74 = arith.constant 0 : i32
      %dma_wait3A_75 = arith.constant 0 : i32
      %dma_wait3A_76 = tpu.memref_slice %arg2[%dma_wait3A_74, %dma_wait3A_75] : memref<1000000x64xf32, #tpu.memory_space<hbm>> -> memref<16x64xf32, #tpu.memory_space<hbm>>
      tpu.wait_dma2 semaphore(%arg7 : memref<!tpu.dma_semaphore, #tpu.memory_space<semaphore_mem>>) src(%dma_wait3A_76 : memref<16x64xf32, #tpu.memory_space<hbm>>) dst(%dma_wait3A_73 : memref<16x64xf32, #tpu.memory_space<vmem>>)
      %dma_wait3A_77 = arith.constant 0 : i32
      %dma_wait3A_78 = arith.constant 0 : i32
      %dma_wait3A_79 = tpu.memref_slice %arg6[%dma_wait3A_77, %dma_wait3A_78] : memref<512x64xf32, #tpu.memory_space<vmem>> -> memref<16x64xf32, #tpu.memory_space<vmem>>
      %dma_wait3A_80 = arith.constant 0 : i32
      %dma_wait3A_81 = arith.constant 0 : i32
      %dma_wait3A_82 = tpu.memref_slice %arg2[%dma_wait3A_80, %dma_wait3A_81] : memref<1000000x64xf32, #tpu.memory_space<hbm>> -> memref<16x64xf32, #tpu.memory_space<hbm>>
      %dma_wait3A_83 = arith.constant 0 : i32
      %dma_wait3A_84 = arith.constant 0 : i32
      %dma_wait3A_85 = tpu.memref_slice %arg6[%dma_wait3A_83, %dma_wait3A_84] : memref<512x64xf32, #tpu.memory_space<vmem>> -> memref<16x64xf32, #tpu.memory_space<vmem>>
      %dma_wait3A_86 = arith.constant 0 : i32
      %dma_wait3A_87 = arith.constant 0 : i32
      %dma_wait3A_88 = tpu.memref_slice %arg2[%dma_wait3A_86, %dma_wait3A_87] : memref<1000000x64xf32, #tpu.memory_space<hbm>> -> memref<16x64xf32, #tpu.memory_space<hbm>>
      tpu.wait_dma2 semaphore(%arg7 : memref<!tpu.dma_semaphore, #tpu.memory_space<semaphore_mem>>) src(%dma_wait3A_88 : memref<16x64xf32, #tpu.memory_space<hbm>>) dst(%dma_wait3A_85 : memref<16x64xf32, #tpu.memory_space<vmem>>)
      %dma_wait3A_89 = arith.constant 0 : i32
      %dma_wait3A_90 = arith.constant 0 : i32
      %dma_wait3A_91 = tpu.memref_slice %arg6[%dma_wait3A_89, %dma_wait3A_90] : memref<512x64xf32, #tpu.memory_space<vmem>> -> memref<16x64xf32, #tpu.memory_space<vmem>>
      %dma_wait3A_92 = arith.constant 0 : i32
      %dma_wait3A_93 = arith.constant 0 : i32
      %dma_wait3A_94 = tpu.memref_slice %arg2[%dma_wait3A_92, %dma_wait3A_93] : memref<1000000x64xf32, #tpu.memory_space<hbm>> -> memref<16x64xf32, #tpu.memory_space<hbm>>
      %dma_wait3A_95 = arith.constant 0 : i32
      %dma_wait3A_96 = arith.constant 0 : i32
      %dma_wait3A_97 = tpu.memref_slice %arg6[%dma_wait3A_95, %dma_wait3A_96] : memref<512x64xf32, #tpu.memory_space<vmem>> -> memref<16x64xf32, #tpu.memory_space<vmem>>
      %dma_wait3A_98 = arith.constant 0 : i32
      %dma_wait3A_99 = arith.constant 0 : i32
      %dma_wait3A_100 = tpu.memref_slice %arg2[%dma_wait3A_98, %dma_wait3A_99] : memref<1000000x64xf32, #tpu.memory_space<hbm>> -> memref<16x64xf32, #tpu.memory_space<hbm>>
      tpu.wait_dma2 semaphore(%arg7 : memref<!tpu.dma_semaphore, #tpu.memory_space<semaphore_mem>>) src(%dma_wait3A_100 : memref<16x64xf32, #tpu.memory_space<hbm>>) dst(%dma_wait3A_97 : memref<16x64xf32, #tpu.memory_space<vmem>>)
      "tpu.region"() ({
        %run_scoped3A = tpu.sem_alloc : memref<!tpu.dma_semaphore, #tpu.memory_space<semaphore_mem>>
        %dma_start3A = arith.constant 0 : i32
        %dma_start3A_101 = tpu.memref_slice %arg4[%multiple_of3A, %dma_start3A] : memref<100000x64xf32, #tpu.memory_space<hbm>> -> memref<512x64xf32, #tpu.memory_space<hbm>>
        %dma_start3A_102 = arith.constant 0 : i32
        %dma_start3A_103 = tpu.memref_slice %arg4[%multiple_of3A, %dma_start3A_102] : memref<100000x64xf32, #tpu.memory_space<hbm>> -> memref<512x64xf32, #tpu.memory_space<hbm>>
        tpu.enqueue_dma source(%arg6 : memref<512x64xf32, #tpu.memory_space<vmem>>) target(%dma_start3A_103 : memref<512x64xf32, #tpu.memory_space<hbm>>) target_semaphore(%run_scoped3A : memref<!tpu.dma_semaphore, #tpu.memory_space<semaphore_mem>>)
        %dma_wait3A_104 = arith.constant 0 : i32
        %dma_wait3A_105 = tpu.memref_slice %arg4[%multiple_of3A, %dma_wait3A_104] : memref<100000x64xf32, #tpu.memory_space<hbm>> -> memref<512x64xf32, #tpu.memory_space<hbm>>
        %dma_wait3A_106 = arith.constant 0 : i32
        %dma_wait3A_107 = tpu.memref_slice %arg4[%multiple_of3A, %dma_wait3A_106] : memref<100000x64xf32, #tpu.memory_space<hbm>> -> memref<512x64xf32, #tpu.memory_space<hbm>>
        tpu.wait_dma2 semaphore(%run_scoped3A : memref<!tpu.dma_semaphore, #tpu.memory_space<semaphore_mem>>) src(%arg6 : memref<512x64xf32, #tpu.memory_space<vmem>>) dst(%dma_wait3A_107 : memref<512x64xf32, #tpu.memory_space<hbm>>)
        tpu.yield
      }) : () -> ()
    } else {
    }
    return
  }
}

module attributes {stable_mosaic.version = 14 : i64} {
  func.func @body(%arg0: i32, %arg1: memref<32x64xf32, #tpu.memory_space<vmem>>, %arg2: memref<8192x64xf32, #tpu.memory_space<vmem>>, %arg3: memref<32x1xi32, #tpu.memory_space<vmem>>, %arg4: memref<32x1xf32, #tpu.memory_space<vmem>>, %arg5: memref<32x1xi32, #tpu.memory_space<vmem>>) attributes {dimension_semantics = [#tpu.dimension_semantics<arbitrary>], iteration_bounds = array<i64: 13>, scalar_prefetch = 0 : i64, scratch_operands = 2 : i64, tpu.core_type = #tpu.core_type<tc>, window_params = [{pipeline_mode = #tpu.pipeline_mode<synchronous>, transform_indices = @transform_0, window_bounds = array<i64: 32, 64>}, {transform_indices = @transform_1, window_bounds = array<i64: 8192, 64>}, {pipeline_mode = #tpu.pipeline_mode<synchronous>, transform_indices = @transform_2, window_bounds = array<i64: 32, 1>}]} {
    %get3A = arith.constant 0 : index
    %get3A_0 = arith.constant 0 : index
    %get3A_1 = vector.load %arg1[%get3A, %get3A_0] : memref<32x64xf32, #tpu.memory_space<vmem>>, vector<32x64xf32>
    %get3A_2 = arith.constant 0 : index
    %get3A_3 = arith.constant 0 : index
    %get3A_4 = vector.load %arg2[%get3A_2, %get3A_3] : memref<8192x64xf32, #tpu.memory_space<vmem>>, vector<8192x64xf32>
    %mul3A = arith.mulf %get3A_1, %get3A_1 : vector<32x64xf32>
    %reduce_sum3A = arith.constant dense<0.000000e+00> : vector<32xf32>
    %reduce_sum3A_5 = vector.multi_reduction <add>, %mul3A, %reduce_sum3A [1] : vector<32x64xf32> to vector<32xf32>
    %broadcast_in_dim3A = vector.shape_cast %reduce_sum3A_5 : vector<32xf32> to vector<32x1xf32>
    %sqrt3A = math.sqrt %broadcast_in_dim3A : vector<32x1xf32>
    %max3A = arith.constant 9.99999996E-13 : f32
    %max3A_6 = vector.broadcast %max3A : f32 to vector<32x1xf32>
    %max3A_7 = arith.maximumf %sqrt3A, %max3A_6 : vector<32x1xf32>
    %div3A = vector.broadcast %max3A_7 : vector<32x1xf32> to vector<32x64xf32>
    %div3A_8 = arith.divf %get3A_1, %div3A : vector<32x64xf32>
    %transpose3A = tpu.transpose %get3A_4, [1, 0] : vector<8192x64xf32> -> vector<64x8192xf32>
    %mul3A_9 = arith.mulf %transpose3A, %transpose3A : vector<64x8192xf32>
    %reduce_sum3A_10 = arith.constant dense<0.000000e+00> : vector<8192xf32>
    %reduce_sum3A_11 = vector.multi_reduction <add>, %mul3A_9, %reduce_sum3A_10 [0] : vector<64x8192xf32> to vector<8192xf32>
    %broadcast_in_dim3A_12 = vector.shape_cast %reduce_sum3A_11 : vector<8192xf32> to vector<1x8192xf32>
    %sqrt3A_13 = math.sqrt %broadcast_in_dim3A_12 : vector<1x8192xf32>
    %max3A_14 = arith.constant 9.99999996E-13 : f32
    %max3A_15 = vector.broadcast %max3A_14 : f32 to vector<1x8192xf32>
    %max3A_16 = arith.maximumf %sqrt3A_13, %max3A_15 : vector<1x8192xf32>
    %div3A_17 = vector.broadcast %max3A_16 : vector<1x8192xf32> to vector<64x8192xf32>
    %div3A_18 = arith.divf %transpose3A, %div3A_17 : vector<64x8192xf32>
    %convert_element_type3A = arith.truncf %div3A_8 : vector<32x64xf32> to vector<32x64xbf16>
    %convert_element_type3A_19 = arith.truncf %div3A_18 : vector<64x8192xf32> to vector<64x8192xbf16>
    %dot_general3A = arith.constant dense<0.000000e+00> : vector<32x8192xf32>
    %dot_general3A_20 = tpu.matmul %convert_element_type3A, %convert_element_type3A_19, %dot_general3A {dimension_numbers = #tpu.dot_dimension_numbers<[1], [0], [0], [1], [0, 0, 1, 1], [], []>, transpose_lhs_hint = false} : vector<32x64xbf16>, vector<64x8192xbf16>, vector<32x8192xf32> -> vector<32x8192xf32>
    %mul3A_21 = arith.constant 8192 : i32
    %mul3A_22 = arith.muli %arg0, %mul3A_21 : i32
    %iota3A = tpu.iota {dimensions = array<i32: 1>} : vector<32x8192xi32>
    %add3A = vector.broadcast %mul3A_22 : i32 to vector<32x8192xi32>
    %add3A_23 = arith.addi %add3A, %iota3A : vector<32x8192xi32>
    %lt3A = arith.constant 100000 : i32
    %lt3A_24 = vector.broadcast %lt3A : i32 to vector<32x8192xi32>
    %lt3A_25 = arith.cmpi slt, %add3A_23, %lt3A_24 : vector<32x8192xi32>
    %jit3A = arith.constant 0xFF800000 : f32
    %broadcast_in_dim3A_26 = vector.broadcast %jit3A : f32 to vector<32x8192xf32>
    %select_n3A = arith.select %lt3A_25, %dot_general3A_20, %broadcast_in_dim3A_26 : vector<32x8192xi1>, vector<32x8192xf32>
    %reduce_max3A = arith.constant dense<0xFF800000> : vector<32xf32>
    %reduce_max3A_27 = vector.multi_reduction <maximumf>, %select_n3A, %reduce_max3A [1] : vector<32x8192xf32> to vector<32xf32>
    %broadcast_in_dim3A_28 = vector.shape_cast %reduce_max3A_27 : vector<32xf32> to vector<32x1xf32>
    %eq3A = vector.broadcast %broadcast_in_dim3A_28 : vector<32x1xf32> to vector<32x8192xf32>
    %eq3A_29 = arith.cmpf oeq, %select_n3A, %eq3A : vector<32x8192xf32>
    %jit3A_30 = arith.constant 100000 : i32
    %broadcast_in_dim3A_31 = vector.broadcast %jit3A_30 : i32 to vector<32x8192xi32>
    %select_n3A_32 = arith.select %eq3A_29, %add3A_23, %broadcast_in_dim3A_31 : vector<32x8192xi1>, vector<32x8192xi32>
    %reduce_min3A = arith.constant dense<2147483647> : vector<32xi32>
    %reduce_min3A_33 = vector.multi_reduction <minsi>, %select_n3A_32, %reduce_min3A [1] : vector<32x8192xi32> to vector<32xi32>
    %broadcast_in_dim3A_34 = vector.shape_cast %reduce_min3A_33 : vector<32xi32> to vector<32x1xi32>
    %eq3A_35 = arith.constant 0 : i32
    %eq3A_36 = arith.cmpi eq, %arg0, %eq3A_35 : i32
    %convert_element_type3A_37 = arith.extui %eq3A_36 : i1 to i32
    %cond3A = arith.constant 0 : i32
    %cond3A_38 = arith.cmpi ne, %convert_element_type3A_37, %cond3A : i32
    scf.if %cond3A_38 {
      %broadcast_in_dim3A_60 = arith.constant 0xFF800000 : f32
      %broadcast_in_dim3A_61 = vector.broadcast %broadcast_in_dim3A_60 : f32 to vector<32x1xf32>
      %swap3A_62 = arith.constant 0 : index
      %swap3A_63 = arith.constant 0 : index
      %swap3A_64 = vector.load %arg4[%swap3A_62, %swap3A_63] : memref<32x1xf32, #tpu.memory_space<vmem>>, vector<32x1xf32>
      tpu.vector_store %arg4[%swap3A_62, %swap3A_63], %broadcast_in_dim3A_61 {strides = array<i32>} : memref<32x1xf32, #tpu.memory_space<vmem>>, vector<32x1xf32>,
      %broadcast_in_dim3A_65 = arith.constant 0 : i32
      %broadcast_in_dim3A_66 = vector.broadcast %broadcast_in_dim3A_65 : i32 to vector<32x1xi32>
      %swap3A_67 = arith.constant 0 : index
      %swap3A_68 = arith.constant 0 : index
      %swap3A_69 = vector.load %arg5[%swap3A_67, %swap3A_68] : memref<32x1xi32, #tpu.memory_space<vmem>>, vector<32x1xi32>
      tpu.vector_store %arg5[%swap3A_67, %swap3A_68], %broadcast_in_dim3A_66 {strides = array<i32>} : memref<32x1xi32, #tpu.memory_space<vmem>>, vector<32x1xi32>,
    } else {
    }
    %get3A_39 = arith.constant 0 : index
    %get3A_40 = arith.constant 0 : index
    %get3A_41 = vector.load %arg4[%get3A_39, %get3A_40] : memref<32x1xf32, #tpu.memory_space<vmem>>, vector<32x1xf32>
    %gt3A = arith.cmpf ogt, %broadcast_in_dim3A_28, %get3A_41 : vector<32x1xf32>
    %get3A_42 = arith.constant 0 : index
    %get3A_43 = arith.constant 0 : index
    %get3A_44 = vector.load %arg4[%get3A_42, %get3A_43] : memref<32x1xf32, #tpu.memory_space<vmem>>, vector<32x1xf32>
    %select_n3A_45 = arith.select %gt3A, %broadcast_in_dim3A_28, %get3A_44 : vector<32x1xi1>, vector<32x1xf32>
    %swap3A = arith.constant 0 : index
    %swap3A_46 = arith.constant 0 : index
    %swap3A_47 = vector.load %arg4[%swap3A, %swap3A_46] : memref<32x1xf32, #tpu.memory_space<vmem>>, vector<32x1xf32>
    tpu.vector_store %arg4[%swap3A, %swap3A_46], %select_n3A_45 {strides = array<i32>} : memref<32x1xf32, #tpu.memory_space<vmem>>, vector<32x1xf32>,
    %get3A_48 = arith.constant 0 : index
    %get3A_49 = arith.constant 0 : index
    %get3A_50 = vector.load %arg5[%get3A_48, %get3A_49] : memref<32x1xi32, #tpu.memory_space<vmem>>, vector<32x1xi32>
    %select_n3A_51 = arith.select %gt3A, %broadcast_in_dim3A_34, %get3A_50 : vector<32x1xi1>, vector<32x1xi32>
    %swap3A_52 = arith.constant 0 : index
    %swap3A_53 = arith.constant 0 : index
    %swap3A_54 = vector.load %arg5[%swap3A_52, %swap3A_53] : memref<32x1xi32, #tpu.memory_space<vmem>>, vector<32x1xi32>
    tpu.vector_store %arg5[%swap3A_52, %swap3A_53], %select_n3A_51 {strides = array<i32>} : memref<32x1xi32, #tpu.memory_space<vmem>>, vector<32x1xi32>,
    %eq3A_55 = arith.constant 12 : i32
    %eq3A_56 = arith.cmpi eq, %arg0, %eq3A_55 : i32
    %convert_element_type3A_57 = arith.extui %eq3A_56 : i1 to i32
    %cond3A_58 = arith.constant 0 : i32
    %cond3A_59 = arith.cmpi ne, %convert_element_type3A_57, %cond3A_58 : i32
    scf.if %cond3A_59 {
      %get3A_60 = arith.constant 0 : index
      %get3A_61 = arith.constant 0 : index
      %get3A_62 = vector.load %arg5[%get3A_60, %get3A_61] : memref<32x1xi32, #tpu.memory_space<vmem>>, vector<32x1xi32>
      %swap3A_63 = arith.constant 0 : index
      %swap3A_64 = arith.constant 0 : index
      %swap3A_65 = vector.load %arg3[%swap3A_63, %swap3A_64] : memref<32x1xi32, #tpu.memory_space<vmem>>, vector<32x1xi32>
      tpu.vector_store %arg3[%swap3A_63, %swap3A_64], %get3A_62 {strides = array<i32>} : memref<32x1xi32, #tpu.memory_space<vmem>>, vector<32x1xi32>,
    } else {
    }
    return
  }
  func.func @transform_0(%arg0: i32) -> (i32, i32) {
    %c0_i32 = arith.constant 0 : i32
    %c0_i32_0 = arith.constant 0 : i32
    %c0_i32_1 = arith.constant 0 : i32
    return %c0_i32, %c0_i32_0 : i32, i32
  }
  func.func @transform_1(%arg0: i32) -> (i32, i32) {
    %c0_i32 = arith.constant 0 : i32
    %c0_i32_0 = arith.constant 0 : i32
    return %arg0, %c0_i32 : i32, i32
  }
  func.func @transform_2(%arg0: i32) -> (i32, i32) {
    %c0_i32 = arith.constant 0 : i32
    %c0_i32_0 = arith.constant 0 : i32
    %c0_i32_1 = arith.constant 0 : i32
    return %c0_i32, %c0_i32_0 : i32, i32
  }
}

</mosaic_0001>

<sc_bundles>
// kernel: kernel.4.cloned.1.call-start
scs
__scs_entry_jumppad:
0x0: {  	(pc) =	sbr.rel $0x88, $3  }
0x1: {  	(tag) =	ssettag $0x0;
	lr =	simm.s32 $0x1  }
0x2: {  	[smem:$0x3F9E] =	sst lr;
	_ =	strace $0xD0000000  }
0x3: {  	_ = 	snop  }
0x4: {  	_ = 	snop  }
0x5: {  	_ = 	snop  }
0x6: {  	_ = 	snop  }
0x7: {  	_ = 	snop  }
__scs_overlays_trampoline_lowered:
0x8: {  	[smem:$0x3FAD] =	sst s0  }
0x9: {  	[smem:$0x3FAE] =	sst s1  }
0xa: {  	[smem:$0x3FAF] =	sst s2  }
0xb: {  	[smem:$0x3FB0] =	sst s3  }
0xc: {  	[smem:$0x3FB1] =	sst s4  }
0xd: {  	[smem:$0x3FB2] =	sst s5  }
0xe: {  	[smem:$0x3FB3] =	sst s6  }
0xf: {  	[smem:$0x3FB4] =	sst s7  }
0x10: {  	[smem:$0x3FB5] =	sst s8  }
0x11: {  	[smem:$0x3FB6] =	sst s9;
	s0 =	simm.s32 @!p0 $0x0  }
0x12: {  	s1 =	sld [smem:$0x3F9C];
	s0 =	simm.s32 @p0 $0x1  }
0x13: {  	[smem:$0x3FB7] =	sst s0;
	s0 =	simm.s32 @!p1 $0x0  }
0x14: {  	s2 =	sld [smem:$0x3F9B];
	s0 =	simm.s32 @p1 $0x1  }
0x15: {  	[smem:$0x3FB8] =	sst s0;
	s0 =	simm.s32 @!p2 $0x0  }
0x16: {  	s3 =	sld [smem:$0x3FDB];
	s0 =	simm.s32 @p2 $0x1  }
0x17: {  	s4 =	simm.s32 $0x1BF5;
	[smem:$0x3FBA] =	sst s0  }
0x18: {  	s0 =	sld [smem:$0x3F9D];
	_ =	swait.ge [sflag:s4], $0x0  }
0x19: {  	s7 =	sld [smem:$0x3F9E]  }
0x1a: {  	s8 =	sadd.s32 $0xFFFFE003, lr  }
0x1b: {  	s9 =	sadd.s32 $0xFFFFFEF7, lr;
	s5 =	simm.s32 $0xFFFFFFFF;
	p2 =	slt.u32 s8, $0xFFFFF086  }
0x1c: {  	p1 =	slt.u32 s9, $0xF7A;
	s5 =	simm.s32 @!p2 $0x0  }
0x1d: {  	s5 =	simm.s32 @p1 $0x1;
	p0 =	seq.s32 s7, s2  }
0x1e: {  	s7 =	smul.u32 @!p0 $0xF7A, s2;
	p2 =	seq.s32 @!p0 s5, $0x0  }
0x1f: {  	s9 =	smul.u32 $0xF7A, s1;
	s8 =	simm.s32 @!p0 $0x1BF5;
	p2 =	por !p2, p0  }
0x20: {  	[sflag:s8] =	ssyncset.s32 @!p0 $0xFFFFF086;
	s6 =	sadd.s32 @!p0 s3, s7;
	s7 =	simm.s32 @!p0 $0x108  }
0x21: {  	s3 =	sadd.s32 s3, s9;
	s6 =	sadd.s32 @!p0 $0x88, s6;
	s7 =	simm.s32 @p2 $0x1082  }
0x22: {  	[simem:s7], [sflag:s8] =	dma.local @!p0 [hbm:s6], $0xF7A  }
0x23: {  	s9 =	sor.u32 $0xD0000000, s2;
	s6 =	simm.s32 $0x108;
	_ =	swait.ge @!p0 [sflag:s8], $0x0  }
0x24: {  	s3 =	sadd.s32 $0x88, s3;
	s6 =	simm.s32 @!p1 $0x1082;
	[sflag:s4] =	ssyncset.s32 $0xFFFFF086  }
0x25: {  	[simem:s6], [sflag:s4] =	dma.local [hbm:s3], $0xF7A  }
0x26: {  	[smem:$0x3F9E] =	sst s1;
	(tag) =	ssettag s2;
	_ =	strace s9  }
0x27: {  	s1 =	sld [smem:$0x3FAE]  }
0x28: {  	s2 =	sld [smem:$0x3FAF]  }
0x29: {  	s4 =	sld [smem:$0x3FB1]  }
0x2a: {  	p0 =	seq.s32 s5, $0x0;
	s5 =	sld [smem:$0x3FB2]  }
0x2b: {  	s6 =	sld [smem:$0x3FB3]  }
0x2c: {  	s7 =	sld [smem:$0x3FB4]  }
0x2d: {  	s3 =	simm.s32 $0x108;
	s8 =	sld [smem:$0x3FB5]  }
0x2e: {  	s3 =	simm.s32 @!p0 $0x1082;
	s9 =	sld [smem:$0x3FB6]  }
0x2f: {  	lr =	sadd.s32 s0, s3;
	s0 =	sld [smem:$0x3FAD]  }
0x30: {  	s3 =	sld [smem:$0x3FB0]  }
0x31: {  	[smem:$0x3FB9] =	sst s10  }
0x32: {  	s10 =	sld [smem:$0x3FB7];
	_ =	sdelay $0x3  }
0x33: {  	p0 =	seq.s32 s10, $0x1;
	s10 =	sld [smem:$0x3FB9];
	_ =	sdelay $0x3  }
0x34: {  	[smem:$0x3FB9] =	sst s10  }
0x35: {  	s10 =	sld [smem:$0x3FB8];
	_ =	sdelay $0x3  }
0x36: {  	p1 =	seq.s32 s10, $0x1;
	s10 =	sld [smem:$0x3FB9];
	_ =	sdelay $0x3  }
0x37: {  	[smem:$0x3FB9] =	sst s10  }
0x38: {  	s10 =	sld [smem:$0x3FBA]  }
0x39: {  	_ = 	snop;
	(pc) =	sbr.ind lr, $3  }
0x3a: {  	_ = 	snop  }
0x3b: {  	_ = 	snop  }
0x3c: {  	p2 =	seq.s32 s10, $0x1;
	s10 =	sld [smem:$0x3FB9]  }
0x3d: {  	_ =	shalt  }
0x3e: {  	_ =	shalt  }
0x3f: {  	_ =	shalt  }
0x40: {  	_ =	shalt  }
0x41: {  	_ =	shalt  }
0x42: {  	_ =	shalt  }
0x43: {  	_ =	shalt  }
0x44: {  	_ =	shalt  }
0x45: {  	_ =	shalt  }
0x46: {  	_ =	shalt  }
0x47: {  	_ =	shalt  }
0x48: {  	_ =	shalt  }
0x49: {  	_ =	shalt  }
0x4a: {  	_ =	shalt  }
0x4b: {  	_ =	shalt  }
0x4c: {  	_ =	shalt  }
0x4d: {  	_ =	shalt  }
0x4e: {  	_ =	shalt  }
0x4f: {  	_ =	shalt  }
0x50: {  	_ =	shalt  }
0x51: {  	_ =	shalt  }
0x52: {  	_ =	shalt  }
0x53: {  	_ =	shalt  }
0x54: {  	_ =	shalt  }
0x55: {  	_ =	shalt  }
0x56: {  	_ =	shalt  }
0x57: {  	_ =	shalt  }
0x58: {  	_ =	shalt  }
0x59: {  	_ =	shalt  }
0x5a: {  	_ =	shalt  }
0x5b: {  	_ =	shalt  }
0x5c: {  	_ =	shalt  }
0x5d: {  	_ =	shalt  }
0x5e: {  	_ =	shalt  }
0x5f: {  	_ =	shalt  }
0x60: {  	_ =	shalt  }
0x61: {  	_ =	shalt  }
0x62: {  	_ =	shalt  }
0x63: {  	_ =	shalt  }
0x64: {  	_ =	shalt  }
0x65: {  	_ =	shalt  }
0x66: {  	_ =	shalt  }
0x67: {  	_ =	shalt  }
0x68: {  	_ =	shalt  }
0x69: {  	_ =	shalt  }
0x6a: {  	_ =	shalt  }
0x6b: {  	_ =	shalt  }
0x6c: {  	_ =	shalt  }
0x6d: {  	_ =	shalt  }
0x6e: {  	_ =	shalt  }
0x6f: {  	_ =	shalt  }
0x70: {  	_ =	shalt  }
0x71: {  	_ =	shalt  }
0x72: {  	_ =	shalt  }
0x73: {  	_ =	shalt  }
0x74: {  	_ =	shalt  }
0x75: {  	_ =	shalt  }
0x76: {  	_ =	shalt  }
0x77: {  	_ =	shalt  }
0x78: {  	_ =	shalt  }
0x79: {  	_ =	shalt  }
0x7a: {  	_ =	shalt  }
0x7b: {  	_ =	shalt  }
0x7c: {  	_ =	shalt  }
0x7d: {  	_ =	shalt  }
0x7e: {  	_ =	shalt  }
0x7f: {  	_ =	shalt  }
0x80: {  	_ =	shalt  }
0x81: {  	_ =	shalt  }
0x82: {  	_ =	shalt  }
0x83: {  	_ =	shalt  }
0x84: {  	_ =	shalt  }
0x85: {  	_ =	shalt  }
0x86: {  	_ =	shalt  }
0x87: {  	_ =	shalt  }
.Lfunc_end0:
.L_simem_size_0:
called_computation_lowered:
.L_overlay_start_0:
0x88: {  	s2 =	sld [smem:$0x3FD9]  }
0x89: {  	s3 =	sld [smem:$0x3FFE];
	_ =	sdelay $0x1  }
0x8a: {  	s1 =	srdreg.scid  }
0x8b: {  	s0 =	sand.u32 $0x1, s1  }
0x8c: {  	s17 =	sshll.u32 s0, $0xA;
	s2 =	sadd.s32 s3, s2  }
0x8d: {  	s2 =	sadd.s32 s2, s17  }
0x8e: {  	[smem:$0x3FC5] =	sst s2  }
0x8f: {  	_ = 	snop  }
0x90: {  	s2 =	sld [smem:$0x3FC7];
	(tm) =	ssettm $0x1  }
0x91: {  	s18 =	sld [smem:$0x3FFB];
	_ =	sdelay $0x3  }
0x92: {  	_ =	strace s18  }
0x93: {  	s3 =	sld [smem:$0x3FFC];
	_ =	sdelay $0x3  }
0x94: {  	_ =	strace s3  }
0x95: {  	s3 =	sld [smem:$0x3FFD];
	_ =	sdelay $0x3  }
0x96: {  	_ =	strace s3  }
0x97: {  	_ =	strace $0x8FFFFFFF  }
0x98: {  	s19 =	sld [smem:$0x3FDB];
	_ =	sdelay $0x1  }
0x99: {  	s4 =	simm.s32 $_scs_section_size  }
0x9a: {  	s5 =	simm.s32 $_size__tile_overlayer_lowered;
	s6 =	simm.s32 $_tile_overlayer_lowered  }
0x9b: {  	s22 =	simm.s32 $0x1BFF;
	s21 =	sshll.u32 s6, $0x1;
	s3 =	sadd.s32 s4, s19  }
0x9c: {  	s7 =	simm.s32 $0x0;
	s20 =	sshll.u32 s5, $0x1;
	s5 =	sadd.s32 s21, s3  }
0x9d: {  	[timem:s7], [sflag:s22] =	dma.local [hbm:s5], s20  }
0x9e: {  	_ =	swait.ge [sflag:s22], s20  }
0x9f: {  	s4 =	ssub.s32 $0x0, s20;
	[sflag:s22] =	ssyncset.done $0x0  }
0xa0: {  	[sflag:s22] =	ssyncadd.s32 s4;
	_ =	sdelay $0x1  }
0xa1: {  	s23 =	simm.s32 $0x1B8B  }
0xa2: {  	_ =	swait.ge [sflag:s23], $0x1  }
0xa3: {  	[sflag:s23] =	ssyncset.done $0x0  }
0xa4: {  	s25 =	simm.s32 $0x1B8E;
	s24 =	sld [smem:$0x3FFE];
	[sflag:s23] =	ssyncadd.s32 $0xFFFFFFFF  }
0xa5: {  	s26 =	simm.s32 $execute0_lowered;
	[smem:$0x3FD2] =	sst s25  }
0xa6: {  	s5 =	sshll.u32 s26, $0x1;
	_ =	strace $0x80000046;
	[dreg:$0x1] =	wrdreg $0xFFFFFFFF  }
0xa7: {  	s28 =	simm.s32 $_size_execute0_lowered;
	s3 =	sadd.s32 s3, s5;
	[dreg:$0x0] =	wrdreg $0x0  }
0xa8: {  	s5 =	sshll.u32 s28, $0x1;
	[dreg:$0x2] =	wrdreg s3  }
0xa9: {  	[dreg:$0x3] =	wrdreg s5  }
0xaa: {  	[dreg:$0x4] =	wrdreg $0xC0  }
0xab: {  	_ =	task [dreg:s7], $0x5FFFF  }
0xac: {  	[dreg:$0x1] =	wrdreg $0xFFFFFFFF  }
0xad: {  	[dreg:$0x0] =	wrdreg $0x60  }
0xae: {  	[dreg:$0x2] =	wrdreg s24  }
0xaf: {  	[dreg:$0x3] =	wrdreg s2  }
0xb0: {  	[dreg:$0x4] =	wrdreg $0x9  }
0xb1: {  	_ =	task.clear_ibuf [dreg:s7], $0x5FFFF;
	_ =	strace $0x90000046  }
0xb2: {  	s29 =	simm.s32 $0x9;
	_ =	strace $0x80000048  }
0xb3: {  	_ =	swait.ge [sflag:s29], $0x1  }
0xb4: {  	[sflag:s29] =	ssyncadd.s32 $0xFFFFFFFF  }
0xb5: {  	_ =	strace $0x90000048  }
0xb6: {  	_ =	sfence  }
0xb7: {  	s30 =	sld [smem:$0x0];
	_ =	sdelay $0x2  }
0xb8: {  	s31 =	sshll.u32 s1, $0xD;
	s1 =	sshrl.u32 s1, $0x2  }
0xb9: {  	s3 =	sand.u32 $0x4000, s31;
	s1 =	sadd.s32 s1, s30  }
0xba: {  	s0 =	sor.u32 s3, s0;
	s1 =	sshll.u32 s1, $0x11  }
0xbb: {  	s0 =	sor.u32 s1, s0  }
0xbc: {  	s0 =	sadd.s32 $0x8F2B, s0  }
0xbd: {  	[sflag:s0] =	ssyncadd.remote.s32 $0x1  }
0xbe: {  	_ =	sfence.sel $0xFFFF  }
0xbf: {  	[dreg:$0x0] =	wrdreg $0xFFFFFFFF;
	(pc) =	sbr.abs _section_cstart, $3  }
0xc0: {  	[dreg:$0x1] =	wrdreg $0xFFFFFFFF  }
0xc1: {  	_ =	task.clear_ibuf [dreg:s7], $0x2FFFF;
	_ =	strace $0x9FFFFFFF  }
0xc2: {  	(tm) =	ssettm $0x7FFFFFFF  }
0xc3: {  	_ =	shalt  }
tec
execute0_lowered:
.L_overlay_start_1:
0x0: {  	(tag) =	ssettag $0x1  }
0x1: {  	s1 =	rddreg [dreg:$0x0]  }
0x2: {  	s0 =	rddreg [dreg:$0x1];
	s3 =	simm.s32 $0x0;
	s2 =	srdreg.scid  }
0x3: {  	s9 =	stileid.u32;
	[smem:$0x7FF] =	sst s3  }
0x4: {  	s2 =	sand.u32 $0x1, s2;
	s5 =	sshll.u32 s9, $0xA;
	s6 =	sadd.s32 $0xF42400, s1  }
0x5: {  	p0 =	sgt.u32 s9, $0x1;
	s4 =	ssub.s32 $0x2, s2;
	s2 =	sshll.u32 s2, $0x9  }
0x6: {  	_ =	strace $0x80000047;
	s7 =	sshrl.u32 s4, $0x1;
	s2 =	sor.u32 s2, s5  }
0x7: {  	s4 =	ssub.s32 s4, s7;
	s5 =	sshrl.u32 s2, $0x3;
	s12 =	sshll.u32 s2, $0x4  }
0x8: {  	s14 =	sor.u32 $0x4000, s2;
	s8 =	sor.u32 $0x8000, s2;
	s18 =	sor.u32 $0xC000, s2  }
0x9: {  	s20 =	sor.u32 $0x10000, s2;
	s24 =	sor.u32 $0x14000, s2;
	s2 =	sor.u32 $0x18000, s2  }
0xa: {  	s5 =	sadd.s32 s0, s5;
	s13 =	sadd.s32 s6, s12;
	s15 =	sshrl.u32 s14, $0x3  }
0xb: {  	s16 =	sshrl.u32 s8, $0x3;
	s22 =	sshrl.u32 s20, $0x3;
	[dreg:$0x3] =	wrdreg s5  }
0xc: {  	s25 =	sshll.u32 s20, $0x4;
	s31 =	smax.u32 s4, $0x1;
	[dreg:$0x4] =	wrdreg s13  }
0xd: {  	s26 =	sshrl.u32 s24, $0x3;
	s7 =	sadd.s32 s0, s15;
	[dreg:$0x11] =	wrdreg s31  }
0xe: {  	s2 =	smin.u32 s2, $0x184A0;
	s23 =	sadd.s32 s0, s22;
	[dreg:$0x5] =	wrdreg s7  }
0xf: {  	s5 =	sshll.u32 s14, $0x4;
	s28 =	sadd.s32 s0, s26;
	[dreg:$0xb] =	wrdreg s23  }
0x10: {  	s29 =	sshrl.u32 s2, $0x3;
	s5 =	sadd.s32 s6, s5;
	[dreg:$0xd] =	wrdreg s28  }
0x11: {  	s2 =	sshll.u32 s2, $0x4;
	s7 =	sadd.s32 s6, s25;
	[dreg:$0x6] =	wrdreg s5  }
0x12: {  	s17 =	sshll.u32 s8, $0x4;
	s30 =	sadd.s32 s6, s2;
	[dreg:$0xc] =	wrdreg s7  }
0x13: {  	s19 =	sshrl.u32 s18, $0x3;
	s5 =	sadd.s32 s0, s16;
	[dreg:$0x10] =	wrdreg s30  }
0x14: {  	s21 =	sshll.u32 s18, $0x4;
	[dreg:$0x7] =	wrdreg s5;
	s5 =	sadd.s32 s6, s17  }
.Ltmp0:
0x15: {  	[dreg:$0x8] =	wrdreg s5;
	s5 =	sadd.s32 s0, s19;
	(pc) =	sbr.rel .LBB2_1-.Ltmp0, $4  }
0x16: {  	s20 =	simm.s32 $0x1;
	[dreg:$0x9] =	wrdreg s5;
	s5 =	sadd.s32 s6, s21  }
0x17: {  	s0 =	sadd.s32 s0, s29;
	[dreg:$0xa] =	wrdreg s5;
	s5 =	sshll.u32 s24, $0x4  }
0x18: {  	s22 =	simm.s32 $0x0;
	[dreg:$0xf] =	wrdreg s0;
	s5 =	sadd.s32 s6, s5  }
0x19: {  	s19 =	simm.s32 $0x2;
	s21 =	simm.s32 $0x200;
	[dreg:$0xe] =	wrdreg s5  }
.LBB2_16:
0x1a: {  	[tilespmem:s25], [sflag:$0x1] =	stream.linear.gather [hbm4b:s0+s3], $0x80, $0x38;
	[tilespmem:$0x10200] =	vst v63  }
0x1b: {  	_ =	swait.ge @!p2 [sflag:s30], $0x800  }
0x1c: {  	[sflag:s30] =	ssyncset.done @!p2 $0x0  }
0x1d: {  	[sflag:s30] =	ssyncadd.s32 @!p2 $0xFFFFF800  }
0x1e: {  	v0 =	vld [tilespmem:s26+$0x0];
	_ =	sdelay $0x4  }
0x1f: {  	v0 =	vshll.u32 v0, $0x4  }
0x20: {  	(v2sf) =	vpush v0, $0x2;
	_ =	sdelay $0x1  }
0x21: {  	(v2sf) =	vpush v0, $0x0;
	_ =	sdelay $0x1  }
0x22: {  	(v2sf) =	vpush v0, $0x1;
	_ =	sdelay $0x2  }
0x23: {  	(v2sf) =	vpush v0, $0x3;
	_ =	sdelay $0x7  }
0x24: {  	s18 =	spop (v2sf);
	(v2sf) =	vpush v0, $0x4;
	_ =	sdelay $0x1  }
0x25: {  	s2 =	spop (v2sf);
	(v2sf) =	vpush v0, $0x5;
	_ =	sdelay $0x1  }
0x26: {  	s24 =	spop (v2sf);
	(v2sf) =	vpush v0, $0x6;
	_ =	sdelay $0x2  }
0x27: {  	s2 =	sand.u32 $0x1FFFFFF0, s2;
	s28 =	spop (v2sf);
	(v2sf) =	vpush v0, $0x7  }
0x28: {  	s4 =	sadd.s32 $0x200, s23;
	s2 =	sadd.s32 s1, s2  }
0x29: {  	[tilespmem:s4], [sflag:$0x1] =	stream.linear.gather [hbm4b:s2+s3], $0x80, $0x38;
	[tilespmem:$0x10200] =	vst v63  }
0x2a: {  	s2 =	sand.u32 $0x1FFFFFF0, s24  }
0x2b: {  	s25 =	sadd.s32 $0x280, s23;
	s0 =	sand.u32 $0x1FFFFFF0, s18;
	s2 =	sadd.s32 s1, s2  }
0x2c: {  	[tilespmem:s25], [sflag:$0x1] =	stream.linear.gather [hbm4b:s2+s3], $0x80, $0x38;
	[tilespmem:$0x10200] =	vst v63  }
0x2d: {  	s26 =	sadd.s32 $0x300, s23;
	s0 =	sadd.s32 s1, s0  }
0x2e: {  	[tilespmem:s26], [sflag:$0x1] =	stream.linear.gather [hbm4b:s0+s3], $0x80, $0x38;
	[tilespmem:$0x10200] =	vst v63  }
0x2f: {  	s30 =	spop (v2sf);
	(v2sf) =	vpush v0, $0x8  }
0x30: {  	s0 =	sand.u32 $0x1FFFFFF0, s28  }
0x31: {  	s29 =	sadd.s32 $0x380, s23;
	s0 =	sadd.s32 s1, s0;
	s2 =	spop (v2sf);
	(v2sf) =	vpush v0, $0x9  }
0x32: {  	[tilespmem:s29], [sflag:$0x1] =	stream.linear.gather [hbm4b:s0+s3], $0x80, $0x38;
	[tilespmem:$0x10200] =	vst v63  }
0x33: {  	s0 =	sand.u32 $0x1FFFFFF0, s30;
	s5 =	spop (v2sf);
	(v2sf) =	vpush v0, $0xA  }
0x34: {  	s31 =	sadd.s32 $0x400, s23;
	s0 =	sadd.s32 s1, s0  }
0x35: {  	[tilespmem:s31], [sflag:$0x1] =	stream.linear.gather [hbm4b:s0+s3], $0x80, $0x38;
	[tilespmem:$0x10200] =	vst v63  }
0x36: {  	s7 =	spop (v2sf);
	(v2sf) =	vpush v0, $0xB  }
0x37: {  	s0 =	sand.u32 $0x1FFFFFF0, s2  }
0x38: {  	s4 =	sadd.s32 $0x480, s23;
	s0 =	sadd.s32 s1, s0  }
0x39: {  	[tilespmem:s4], [sflag:$0x1] =	stream.linear.gather [hbm4b:s0+s3], $0x80, $0x38;
	[tilespmem:$0x10200] =	vst v63  }
0x3a: {  	s0 =	sand.u32 $0x1FFFFFF0, s5  }
0x3b: {  	s6 =	sadd.s32 $0x500, s23;
	s0 =	sadd.s32 s1, s0  }
0x3c: {  	[tilespmem:s6], [sflag:$0x1] =	stream.linear.gather [hbm4b:s0+s3], $0x80, $0x38;
	[tilespmem:$0x10200] =	vst v63  }
0x3d: {  	s0 =	sand.u32 $0x1FFFFFF0, s7  }
0x3e: {  	s8 =	sadd.s32 $0x580, s23;
	s0 =	sadd.s32 s1, s0;
	s9 =	spop (v2sf);
	(v2sf) =	vpush v0, $0xC  }
0x3f: {  	[tilespmem:s8], [sflag:$0x1] =	stream.linear.gather [hbm4b:s0+s3], $0x80, $0x38;
	[tilespmem:$0x10200] =	vst v63  }
0x40: {  	s11 =	spop (v2sf);
	(v2sf) =	vpush v0, $0xD  }
0x41: {  	s0 =	sand.u32 $0x1FFFFFF0, s9  }
0x42: {  	s10 =	sadd.s32 $0x600, s23;
	s0 =	sadd.s32 s1, s0;
	s13 =	spop (v2sf)  }
0x43: {  	(v2sf) =	vpush v0, $0xE;
	[tilespmem:s10], [sflag:$0x1] =	stream.linear.gather [hbm4b:s0+s3], $0x80, $0x38;
	[tilespmem:$0x10200] =	vst v63  }
0x44: {  	s0 =	sand.u32 $0x1FFFFFF0, s11  }
0x45: {  	s12 =	sadd.s32 $0x680, s23;
	s15 =	spop (v2sf);
	s0 =	sadd.s32 s1, s0  }
0x46: {  	(v2sf) =	vpush v0, $0xF;
	[tilespmem:s12], [sflag:$0x1] =	stream.linear.gather [hbm4b:s0+s3], $0x80, $0x38;
	[tilespmem:$0x10200] =	vst v63  }
0x47: {  	s0 =	sand.u32 $0x1FFFFFF0, s13  }
0x48: {  	s14 =	sadd.s32 $0x700, s23;
	s0 =	sadd.s32 s1, s0  }
0x49: {  	[tilespmem:s14], [sflag:$0x1] =	stream.linear.gather [hbm4b:s0+s3], $0x80, $0x38;
	[tilespmem:$0x10200] =	vst v63  }
0x4a: {  	s0 =	sand.u32 $0x1FFFFFF0, s15  }
0x4b: {  	s16 =	sadd.s32 $0x780, s23;
	s0 =	sadd.s32 s1, s0  }
0x4c: {  	[tilespmem:s16], [sflag:$0x1] =	stream.linear.gather [hbm4b:s0+s3], $0x80, $0x38;
	[tilespmem:$0x10200] =	vst v63  }
0x4d: {  	s17 =	spop (v2sf)  }
0x4e: {  	s0 =	sand.u32 $0x1FFFFFF0, s17  }
0x4f: {  	s18 =	sadd.s32 $0x800, s23;
	s24 =	spop (v2sf);
	s0 =	sadd.s32 s1, s0  }
0x50: {  	[tilespmem:s18], [sflag:$0x1] =	stream.linear.gather [hbm4b:s0+s3], $0x80, $0x38;
	[tilespmem:$0x10200] =	vst v63  }
0x51: {  	s0 =	sand.u32 $0x1FFFFFF0, s24  }
0x52: {  	s25 =	sadd.s32 $0x880, s23;
	s26 =	spop (v2sf);
	s0 =	sadd.s32 s1, s0  }
0x53: {  	[tilespmem:s25], [sflag:$0x1] =	stream.linear.gather [hbm4b:s0+s3], $0x80, $0x38;
	[tilespmem:$0x10200] =	vst v63  }
0x54: {  	s0 =	sand.u32 $0x1FFFFFF0, s26  }
0x55: {  	s28 =	sadd.s32 $0x900, s23;
	s29 =	spop (v2sf);
	s0 =	sadd.s32 s1, s0  }
0x56: {  	[tilespmem:s28], [sflag:$0x1] =	stream.linear.gather [hbm4b:s0+s3], $0x80, $0x38;
	[tilespmem:$0x10200] =	vst v63  }
0x57: {  	s0 =	sand.u32 $0x1FFFFFF0, s29  }
0x58: {  	p1 =	por p1, p1;
	s30 =	sadd.s32 $0x980, s23;
	s0 =	sadd.s32 s1, s0  }
0x59: {  	[tilespmem:s30], [sflag:$0x1] =	stream.linear.gather [hbm4b:s0+s3], $0x80, $0x38;
	[tilespmem:$0x10200] =	vst v63  }
0x5a: {  	s0 =	simm.s32 @!p1 $0x1  }
0x5b: {  	_ =	swait.ge @!p1 [sflag:s0], $0x800  }
0x5c: {  	[sflag:s0] =	ssyncset.done @!p1 $0x0  }
0x5d: {  	[sflag:s0] =	ssyncadd.s32 @!p1 $0xFFFFF800  }
0x5e: {  	_ =	swait.ge [sflag:s20], $0x800  }
0x5f: {  	[sflag:s20] =	ssyncset.done $0x0  }
0x60: {  	[sflag:s20] =	ssyncadd.s32 $0xFFFFF800  }
0x61: {  	_ =	swait.ge [sflag:s20], $0x800  }
0x62: {  	[sflag:s20] =	ssyncset.done $0x0  }
0x63: {  	[sflag:s20] =	ssyncadd.s32 $0xFFFFF800  }
0x64: {  	_ =	swait.ge [sflag:s20], $0x800  }
0x65: {  	[sflag:s20] =	ssyncset.done $0x0  }
0x66: {  	[sflag:s20] =	ssyncadd.s32 $0xFFFFF800  }
0x67: {  	_ =	swait.ge [sflag:s20], $0x800  }
0x68: {  	[sflag:s20] =	ssyncset.done $0x0  }
0x69: {  	s31 =	rddreg [dreg:$0x10];
	[sflag:s20] =	ssyncadd.s32 $0xFFFFF800  }
0x6a: {  	[hbm4b:s31+s3] =	stream.linear.scatter [tilespmem:s21], [sflag:$0x2], $0x10000, $0x38;
	[tilespmem:$0x10200] =	vst v63  }
0x6b: {  	_ =	swait.ge [sflag:s19], $0x10000  }
0x6c: {  	[sflag:s19] =	ssyncset.done $0x0  }
0x6d: {  	[sflag:s19] =	ssyncadd.s32 $0xFFFF0000  }
.LBB2_17:
0x6e: {  	s22 =	sadd.s32 $0x1, s22;
	s0 =	rddreg [dreg:$0x11]  }
0x6f: {  	p1 =	sne.s32 s22, s0  }
.Ltmp1:
0x70: {  	_ = 	snop;
	(pc) =	sbr.rel @!p1 .LBB2_18-.Ltmp1, $1  }
0x71: {  	_ =	sdelay $0x3  }
.LBB2_1:
0x72: {  	s0 =	rddreg [dreg:$0x3]  }
0x73: {  	[tilespmem:s3], [sflag:$0x2] =	stream.linear.gather [hbm4b:s0+s3], $0x200, $0x38;
	[tilespmem:$0x10200] =	vst v63  }
0x74: {  	_ =	swait.ge [sflag:s19], $0x200  }
0x75: {  	[sflag:s19] =	ssyncset.done $0x0  }
0x76: {  	[sflag:s19] =	ssyncadd.s32 $0xFFFFFE00  }
0x77: {  	v0 =	vld [tilespmem:s3+$0x0];
	_ =	sdelay $0x4  }
0x78: {  	v0 =	vshll.u32 v0, $0x4  }
0x79: {  	(v2sf) =	vpush v0, $0x2  }
0x7a: {  	(v2sf) =	vpush v0, $0x0  }
0x7b: {  	(v2sf) =	vpush v0, $0x1;
	_ =	sdelay $0x2  }
0x7c: {  	(v2sf) =	vpush v0, $0x3;
	_ =	sdelay $0x1  }
0x7d: {  	(v2sf) =	vpush v0, $0x4;
	_ =	sdelay $0x1  }
0x7e: {  	(v2sf) =	vpush v0, $0x5;
	_ =	sdelay $0x1  }
0x7f: {  	p1 =	por $0x1, $0x1;
	s24 =	simm.s32 $0x4000;
	(v2sf) =	vpush v0, $0x6  }
0x80: {  	s4 =	simm.s32 $0x280;
	s6 =	simm.s32 $0x200;
	s25 =	simm.s32 $0x980  }
0x81: {  	s7 =	simm.s32 $0x480;
	s8 =	simm.s32 $0x300;
	s11 =	simm.s32 $0x380  }
0x82: {  	s13 =	simm.s32 $0x400;
	s15 =	simm.s32 $0x600;
	p3 =	por $0x1, $0x1  }
0x83: {  	s18 =	simm.s32 $0x500;
	s26 =	simm.s32 $0x700;
	s31 =	spop (v2sf);
	(v2sf) =	vpush v0, $0x7  }
0x84: {  	s28 =	simm.s32 $0x2;
	p1 =	por p1, p1;
	s2 =	spop (v2sf)  }
0x85: {  	p2 =	por p1, p1;
	(v2sf) =	vpush v0, $0x8;
	s2 =	sand.u32 $0x1FFFFFF0, s2;
	s5 =	spop (v2sf)  }
0x86: {  	p1 =	por p3, p3;
	(v2sf) =	vpush v0, $0x9;
	s2 =	sadd.s32 s1, s2;
	s5 =	sand.u32 $0x1FFFFFF0, s5  }
0x87: {  	[tilespmem:s6], [sflag:$0x1] =	stream.linear.gather [hbm4b:s2+s3], $0x80, $0x38;
	[tilespmem:$0x10200] =	vst v63  }
0x88: {  	s0 =	sand.u32 $0x1FFFFFF0, s31;
	s9 =	spop (v2sf);
	(v2sf) =	vpush v0, $0xA;
	s5 =	sadd.s32 s1, s5  }
0x89: {  	[tilespmem:s4], [sflag:$0x1] =	stream.linear.gather [hbm4b:s5+s3], $0x80, $0x38;
	[tilespmem:$0x10200] =	vst v63  }
0x8a: {  	s0 =	sadd.s32 s1, s0;
	s10 =	spop (v2sf);
	(v2sf) =	vpush v0, $0xB;
	s5 =	sand.u32 $0x1FFFFFF0, s9  }
0x8b: {  	[tilespmem:s8], [sflag:$0x1] =	stream.linear.gather [hbm4b:s0+s3], $0x80, $0x38;
	[tilespmem:$0x10200] =	vst v63  }
0x8c: {  	s12 =	sand.u32 $0x1FFFFFF0, s10;
	s14 =	spop (v2sf);
	(v2sf) =	vpush v0, $0xC;
	s5 =	sadd.s32 s1, s5  }
0x8d: {  	[tilespmem:s11], [sflag:$0x1] =	stream.linear.gather [hbm4b:s5+s3], $0x80, $0x38;
	[tilespmem:$0x10200] =	vst v63  }
0x8e: {  	s4 =	sadd.s32 s1, s12;
	s16 =	sand.u32 $0x1FFFFFF0, s14;
	s17 =	spop (v2sf);
	(v2sf) =	vpush v0, $0xD  }
0x8f: {  	[tilespmem:s13], [sflag:$0x1] =	stream.linear.gather [hbm4b:s4+s3], $0x80, $0x38;
	[tilespmem:$0x10200] =	vst v63  }
0x90: {  	s31 =	simm.s32 $0x580;
	s5 =	sand.u32 $0x1FFFFFF0, s17;
	s4 =	sadd.s32 s1, s16  }
0x91: {  	[tilespmem:s7], [sflag:$0x1] =	stream.linear.gather [hbm4b:s4+s3], $0x80, $0x38;
	[tilespmem:$0x10200] =	vst v63  }
0x92: {  	(v2sf) =	vpush v0, $0xE;
	s5 =	sadd.s32 s1, s5;
	s13 =	simm.s32 $0x780;
	s23 =	spop (v2sf)  }
0x93: {  	[tilespmem:s18], [sflag:$0x1] =	stream.linear.gather [hbm4b:s5+s3], $0x80, $0x38;
	[tilespmem:$0x10200] =	vst v63  }
0x94: {  	s7 =	simm.s32 $0x680;
	(v2sf) =	vpush v0, $0xF;
	s4 =	sand.u32 $0x1FFFFFF0, s23;
	s29 =	spop (v2sf)  }
0x95: {  	s5 =	sand.u32 $0x1FFFFFF0, s29;
	s4 =	sadd.s32 s1, s4;
	s8 =	spop (v2sf)  }
0x96: {  	[tilespmem:s31], [sflag:$0x1] =	stream.linear.gather [hbm4b:s4+s3], $0x80, $0x38;
	[tilespmem:$0x10200] =	vst v63  }
0x97: {  	s5 =	sadd.s32 s1, s5;
	s9 =	sand.u32 $0x1FFFFFF0, s8;
	s10 =	spop (v2sf)  }
0x98: {  	[tilespmem:s15], [sflag:$0x1] =	stream.linear.gather [hbm4b:s5+s3], $0x80, $0x38;
	[tilespmem:$0x10200] =	vst v63  }
0x99: {  	s0 =	sadd.s32 s1, s9;
	s12 =	spop (v2sf);
	s5 =	sand.u32 $0x1FFFFFF0, s10  }
0x9a: {  	[tilespmem:s7], [sflag:$0x1] =	stream.linear.gather [hbm4b:s0+s3], $0x80, $0x38;
	[tilespmem:$0x10200] =	vst v63  }
0x9b: {  	s4 =	sand.u32 $0x1FFFFFF0, s12;
	s14 =	spop (v2sf);
	s5 =	sadd.s32 s1, s5  }
0x9c: {  	[tilespmem:s26], [sflag:$0x1] =	stream.linear.gather [hbm4b:s5+s3], $0x80, $0x38;
	[tilespmem:$0x10200] =	vst v63  }
0x9d: {  	s15 =	spop (v2sf);
	s4 =	sadd.s32 s1, s4;
	s5 =	sand.u32 $0x1FFFFFF0, s14  }
0x9e: {  	[tilespmem:s13], [sflag:$0x1] =	stream.linear.gather [hbm4b:s4+s3], $0x80, $0x38;
	[tilespmem:$0x10200] =	vst v63  }
0x9f: {  	s11 =	simm.s32 $0x800;
	s16 =	sand.u32 $0x1FFFFFF0, s15;
	s5 =	sadd.s32 s1, s5  }
0xa0: {  	[tilespmem:s11], [sflag:$0x1] =	stream.linear.gather [hbm4b:s5+s3], $0x80, $0x38;
	[tilespmem:$0x10200] =	vst v63  }
0xa1: {  	s23 =	simm.s32 $0x880;
	s17 =	spop (v2sf);
	s2 =	sadd.s32 s1, s16  }
0xa2: {  	[tilespmem:s23], [sflag:$0x1] =	stream.linear.gather [hbm4b:s2+s3], $0x80, $0x38;
	[tilespmem:$0x10200] =	vst v63  }
0xa3: {  	s30 =	simm.s32 @!p2 $0x1;
	s18 =	sand.u32 $0x1FFFFFF0, s17;
	s29 =	spop (v2sf)  }
0xa4: {  	s26 =	simm.s32 $0x900;
	s0 =	sadd.s32 s1, s18;
	s31 =	sand.u32 $0x1FFFFFF0, s29  }
0xa5: {  	[tilespmem:s26], [sflag:$0x1] =	stream.linear.gather [hbm4b:s0+s3], $0x80, $0x38;
	[tilespmem:$0x10200] =	vst v63  }
0xa6: {  	s23 =	simm.s32 $0x800;
	s26 =	simm.s32 $0x10;
	s0 =	sadd.s32 s1, s31  }
.LBB2_2:
0xa7: {  	s8 =	sadd.s32 $0x280, s23  }
0xa8: {  	s4 =	sadd.s32 $0x980, s23;
	s29 =	smov.u32 s24;
	s24 =	sadd.s32 $0x2000, s24  }
0xa9: {  	[tilespmem:s25], [sflag:$0x1] =	stream.linear.gather [hbm4b:s0+s3], $0x80, $0x38;
	[tilespmem:$0x10200] =	vst v63  }
0xaa: {  	s16 =	sadd.s32 $0x480, s23;
	s31 =	sadd.s32 $0x600, s23;
	_ =	swait.ge @!p2 [sflag:s30], $0x800  }
0xab: {  	s11 =	sadd.s32 $0x200, s23;
	s6 =	sadd.s32 $0x400, s23;
	[sflag:s30] =	ssyncset.done @!p2 $0x0  }
0xac: {  	p4 =	slt.u32 s28, $0x4;
	s17 =	sadd.s32 $0x500, s23;
	[sflag:s30] =	ssyncadd.s32 @!p2 $0xFFFFF800  }
0xad: {  	s9 =	sadd.s32 $0x300, s23;
	p3 =	sne.s32 s24, $0x40000;
	s0 =	sadd.s32 $0x700, s23;
	v0 =	vld [tilespmem:s26+$0x0]  }
0xae: {  	s2 =	sadd.s32 $0x680, s23;
	s25 =	smov.u32 s4;
	p2 =	por p1, p1  }
0xaf: {  	p1 =	por p4, p4;
	_ =	sdelay $0x1  }
0xb0: {  	s10 =	sadd.s32 $0x380, s23  }
0xb1: {  	v0 =	vshll.u32 v0, $0x4  }
0xb2: {  	(v2sf) =	vpush v0, $0x2  }
0xb3: {  	(v2sf) =	vpush v0, $0x0  }
0xb4: {  	(v2sf) =	vpush v0, $0x1  }
0xb5: {  	(v2sf) =	vpush v0, $0x3;
	_ =	sdelay $0x1  }
0xb6: {  	(v2sf) =	vpush v0, $0x4;
	_ =	sdelay $0x1  }
0xb7: {  	(v2sf) =	vpush v0, $0x5;
	_ =	sdelay $0x1  }
0xb8: {  	(v2sf) =	vpush v0, $0x6;
	_ =	sdelay $0x1  }
0xb9: {  	(v2sf) =	vpush v0, $0x7;
	_ =	sdelay $0x1  }
0xba: {  	s4 =	sadd.s32 $0x800, s23;
	(v2sf) =	vpush v0, $0x8  }
0xbb: {  	s7 =	sadd.s32 $0x780, s23;
	s26 =	sadd.s32 $0x10, s26  }
0xbc: {  	s28 =	sadd.s32 $0x1, s28;
	s30 =	simm.s32 @!p2 $0x1;
	s5 =	spop (v2sf);
	(v2sf) =	vpush v0, $0x9  }
0xbd: {  	s12 =	sand.u32 $0x1FFFFFF0, s5;
	s5 =	sadd.s32 $0x900, s23;
	s13 =	spop (v2sf)  }
0xbe: {  	s14 =	sadd.s32 $0x580, s23;
	s13 =	sand.u32 $0x1FFFFFF0, s13;
	s15 =	spop (v2sf);
	(v2sf) =	vpush v0, $0xA  }
0xbf: {  	s13 =	sadd.s32 s1, s13;
	s15 =	sand.u32 $0x1FFFFFF0, s15;
	s18 =	spop (v2sf)  }
0xc0: {  	[tilespmem:s11], [sflag:$0x1] =	stream.linear.gather [hbm4b:s13+s3], $0x80, $0x38;
	(v2sf) =	vpush v0, $0xB;
	[tilespmem:$0x10200] =	vst v63  }
0xc1: {  	s11 =	sadd.s32 s1, s15;
	s13 =	sand.u32 $0x1FFFFFF0, s18;
	s15 =	spop (v2sf)  }
0xc2: {  	[tilespmem:s8], [sflag:$0x1] =	stream.linear.gather [hbm4b:s11+s3], $0x80, $0x38;
	(v2sf) =	vpush v0, $0xC;
	[tilespmem:$0x10200] =	vst v63  }
0xc3: {  	s8 =	sadd.s32 s1, s12;
	s11 =	sand.u32 $0x1FFFFFF0, s15;
	s12 =	spop (v2sf)  }
0xc4: {  	[tilespmem:s9], [sflag:$0x1] =	stream.linear.gather [hbm4b:s8+s3], $0x80, $0x38;
	(v2sf) =	vpush v0, $0xD;
	[tilespmem:$0x10200] =	vst v63  }
0xc5: {  	s8 =	sadd.s32 s1, s13;
	s9 =	sand.u32 $0x1FFFFFF0, s12;
	s12 =	spop (v2sf)  }
0xc6: {  	[tilespmem:s10], [sflag:$0x1] =	stream.linear.gather [hbm4b:s8+s3], $0x80, $0x38;
	(v2sf) =	vpush v0, $0xE;
	[tilespmem:$0x10200] =	vst v63  }
0xc7: {  	s8 =	sadd.s32 s1, s11;
	s10 =	sand.u32 $0x1FFFFFF0, s12;
	s11 =	spop (v2sf)  }
0xc8: {  	[tilespmem:s6], [sflag:$0x1] =	stream.linear.gather [hbm4b:s8+s3], $0x80, $0x38;
	(v2sf) =	vpush v0, $0xF;
	[tilespmem:$0x10200] =	vst v63  }
0xc9: {  	s6 =	sadd.s32 s1, s9;
	s8 =	sand.u32 $0x1FFFFFF0, s11;
	s9 =	spop (v2sf)  }
0xca: {  	[tilespmem:s16], [sflag:$0x1] =	stream.linear.gather [hbm4b:s6+s3], $0x80, $0x38;
	[tilespmem:$0x10200] =	vst v63  }
0xcb: {  	s6 =	sadd.s32 s1, s10;
	s9 =	sand.u32 $0x1FFFFFF0, s9;
	s10 =	spop (v2sf)  }
0xcc: {  	[tilespmem:s17], [sflag:$0x1] =	stream.linear.gather [hbm4b:s6+s3], $0x80, $0x38;
	[tilespmem:$0x10200] =	vst v63  }
0xcd: {  	s6 =	sadd.s32 s1, s8;
	s8 =	sand.u32 $0x1FFFFFF0, s10;
	s10 =	spop (v2sf)  }
0xce: {  	[tilespmem:s14], [sflag:$0x1] =	stream.linear.gather [hbm4b:s6+s3], $0x80, $0x38;
	[tilespmem:$0x10200] =	vst v63  }
0xcf: {  	s6 =	sadd.s32 s1, s9;
	s9 =	sand.u32 $0x1FFFFFF0, s10;
	s10 =	spop (v2sf)  }
0xd0: {  	[tilespmem:s31], [sflag:$0x1] =	stream.linear.gather [hbm4b:s6+s3], $0x80, $0x38;
	[tilespmem:$0x10200] =	vst v63  }
0xd1: {  	s6 =	sadd.s32 s1, s8;
	s8 =	sand.u32 $0x1FFFFFF0, s10;
	s10 =	spop (v2sf)  }
0xd2: {  	[tilespmem:s2], [sflag:$0x1] =	stream.linear.gather [hbm4b:s6+s3], $0x80, $0x38;
	[tilespmem:$0x10200] =	vst v63  }
0xd3: {  	s2 =	sadd.s32 s1, s9;
	s6 =	sand.u32 $0x1FFFFFF0, s10;
	s9 =	spop (v2sf)  }
0xd4: {  	[tilespmem:s0], [sflag:$0x1] =	stream.linear.gather [hbm4b:s2+s3], $0x80, $0x38;
	[tilespmem:$0x10200] =	vst v63  }
0xd5: {  	s0 =	sadd.s32 s1, s8;
	s2 =	sand.u32 $0x1FFFFFF0, s9;
	s8 =	spop (v2sf)  }
0xd6: {  	[tilespmem:s7], [sflag:$0x1] =	stream.linear.gather [hbm4b:s0+s3], $0x80, $0x38;
	[tilespmem:$0x10200] =	vst v63  }
0xd7: {  	s0 =	sadd.s32 s1, s6;
	s6 =	sand.u32 $0x1FFFFFF0, s8;
	s7 =	spop (v2sf)  }
0xd8: {  	[tilespmem:s4], [sflag:$0x1] =	stream.linear.gather [hbm4b:s0+s3], $0x80, $0x38;
	[tilespmem:$0x10200] =	vst v63  }
.Ltmp2:
0xd9: {  	_ = 	snop;
	(pc) =	sbr.rel @p3 .LBB2_2-.Ltmp2, $4  }
0xda: {  	s2 =	sadd.s32 s1, s2;
	s0 =	sadd.s32 $0x880, s23;
	s4 =	sand.u32 $0x1FFFFFF0, s7  }
0xdb: {  	[tilespmem:s0], [sflag:$0x1] =	stream.linear.gather [hbm4b:s2+s3], $0x80, $0x38;
	[tilespmem:$0x10200] =	vst v63  }
0xdc: {  	s23 =	sshra.s32 s29, $0x2;
	s2 =	sadd.s32 s1, s6;
	s0 =	sadd.s32 s1, s4  }
0xdd: {  	[tilespmem:s5], [sflag:$0x1] =	stream.linear.gather [hbm4b:s2+s3], $0x80, $0x38;
	[tilespmem:$0x10200] =	vst v63  }
0xde: {  	[tilespmem:s25], [sflag:$0x1] =	stream.linear.gather [hbm4b:s0+s3], $0x80, $0x38;
	[tilespmem:$0x10200] =	vst v63  }
0xdf: {  	_ =	swait.ge @!p2 [sflag:s30], $0x800  }
0xe0: {  	[sflag:s30] =	ssyncset.done @!p2 $0x0  }
0xe1: {  	[sflag:s30] =	ssyncadd.s32 @!p2 $0xFFFFF800  }
0xe2: {  	v0 =	vld [tilespmem:s26+$0x0];
	_ =	sdelay $0x4  }
0xe3: {  	v0 =	vshll.u32 v0, $0x4  }
0xe4: {  	(v2sf) =	vpush v0, $0x2  }
0xe5: {  	(v2sf) =	vpush v0, $0x0  }
0xe6: {  	(v2sf) =	vpush v0, $0x1  }
0xe7: {  	(v2sf) =	vpush v0, $0x3;
	_ =	sdelay $0x1  }
0xe8: {  	(v2sf) =	vpush v0, $0x4;
	_ =	sdelay $0x1  }
0xe9: {  	(v2sf) =	vpush v0, $0x5;
	_ =	sdelay $0x3  }
0xea: {  	(v2sf) =	vpush v0, $0x6;
	_ =	sdelay $0x2  }
0xeb: {  	s2 =	sadd.s32 $0x280, s23;
	s5 =	sadd.s32 $0x480, s23;
	s7 =	sadd.s32 $0x200, s23  }
0xec: {  	s18 =	sadd.s32 $0x300, s23;
	s25 =	sadd.s32 $0x380, s23;
	s17 =	spop (v2sf);
	(v2sf) =	vpush v0, $0x7  }
0xed: {  	s8 =	sadd.s32 $0x500, s23;
	s10 =	sadd.s32 $0x700, s23;
	s4 =	spop (v2sf)  }
0xee: {  	s13 =	sadd.s32 $0x680, s23;
	(v2sf) =	vpush v0, $0x8;
	s4 =	sand.u32 $0x1FFFFFF0, s4;
	s6 =	spop (v2sf)  }
0xef: {  	(v2sf) =	vpush v0, $0x9;
	s4 =	sadd.s32 s1, s4;
	s6 =	sand.u32 $0x1FFFFFF0, s6;
	s24 =	spop (v2sf)  }
0xf0: {  	[tilespmem:s7], [sflag:$0x1] =	stream.linear.gather [hbm4b:s4+s3], $0x80, $0x38;
	[tilespmem:$0x10200] =	vst v63  }
0xf1: {  	s0 =	sand.u32 $0x1FFFFFF0, s17;
	(v2sf) =	vpush v0, $0xA;
	s6 =	sadd.s32 s1, s6;
	s29 =	spop (v2sf)  }
0xf2: {  	(v2sf) =	vpush v0, $0xB;
	[tilespmem:s2], [sflag:$0x1] =	stream.linear.gather [hbm4b:s6+s3], $0x80, $0x38;
	[tilespmem:$0x10200] =	vst v63  }
0xf3: {  	s0 =	sadd.s32 s1, s0;
	s26 =	sand.u32 $0x1FFFFFF0, s24;
	s31 =	spop (v2sf)  }
0xf4: {  	(v2sf) =	vpush v0, $0xC;
	[tilespmem:s18], [sflag:$0x1] =	stream.linear.gather [hbm4b:s0+s3], $0x80, $0x38;
	[tilespmem:$0x10200] =	vst v63  }
0xf5: {  	s6 =	sand.u32 $0x1FFFFFF0, s29;
	s2 =	sadd.s32 s1, s26;
	s7 =	sand.u32 $0x1FFFFFF0, s31  }
0xf6: {  	(v2sf) =	vpush v0, $0xD;
	[tilespmem:s25], [sflag:$0x1] =	stream.linear.gather [hbm4b:s2+s3], $0x80, $0x38;
	[tilespmem:$0x10200] =	vst v63  }
0xf7: {  	s9 =	spop (v2sf);
	s6 =	sadd.s32 s1, s6;
	s2 =	sadd.s32 $0x400, s23  }
0xf8: {  	(v2sf) =	vpush v0, $0xE;
	[tilespmem:s2], [sflag:$0x1] =	stream.linear.gather [hbm4b:s6+s3], $0x80, $0x38;
	[tilespmem:$0x10200] =	vst v63  }
0xf9: {  	s14 =	sadd.s32 $0x580, s23;
	s11 =	sand.u32 $0x1FFFFFF0, s9;
	s2 =	sadd.s32 s1, s7  }
0xfa: {  	[tilespmem:s5], [sflag:$0x1] =	stream.linear.gather [hbm4b:s2+s3], $0x80, $0x38;
	[tilespmem:$0x10200] =	vst v63  }
0xfb: {  	p1 =	por p1, p1;
	s5 =	sadd.s32 s1, s11;
	s12 =	spop (v2sf)  }
0xfc: {  	(v2sf) =	vpush v0, $0xF;
	[tilespmem:s8], [sflag:$0x1] =	stream.linear.gather [hbm4b:s5+s3], $0x80, $0x38;
	[tilespmem:$0x10200] =	vst v63  }
0xfd: {  	s4 =	sadd.s32 $0x600, s23;
	s6 =	sand.u32 $0x1FFFFFF0, s12;
	s15 =	spop (v2sf)  }
0xfe: {  	s26 =	sadd.s32 $0x800, s23;
	s6 =	sadd.s32 s1, s6;
	s17 =	spop (v2sf)  }
0xff: {  	[tilespmem:s14], [sflag:$0x1] =	stream.linear.gather [hbm4b:s6+s3], $0x80, $0x38;
	[tilespmem:$0x10200] =	vst v63  }
0x100: {  	s31 =	sadd.s32 $0x780, s23;
	s16 =	sand.u32 $0x1FFFFFF0, s15;
	s18 =	spop (v2sf)  }
0x101: {  	s5 =	sand.u32 $0x1FFFFFF0, s17;
	s0 =	sadd.s32 s1, s16;
	s25 =	spop (v2sf)  }
0x102: {  	[tilespmem:s4], [sflag:$0x1] =	stream.linear.gather [hbm4b:s0+s3], $0x80, $0x38;
	[tilespmem:$0x10200] =	vst v63  }
0x103: {  	s24 =	sand.u32 $0x1FFFFFF0, s18;
	s5 =	sadd.s32 s1, s5;
	s29 =	spop (v2sf)  }
0x104: {  	[tilespmem:s13], [sflag:$0x1] =	stream.linear.gather [hbm4b:s5+s3], $0x80, $0x38;
	[tilespmem:$0x10200] =	vst v63  }
0x105: {  	s0 =	sadd.s32 s1, s24;
	s4 =	sand.u32 $0x1FFFFFF0, s25;
	s7 =	spop (v2sf)  }
0x106: {  	[tilespmem:s10], [sflag:$0x1] =	stream.linear.gather [hbm4b:s0+s3], $0x80, $0x38;
	[tilespmem:$0x10200] =	vst v63  }
0x107: {  	s6 =	sand.u32 $0x1FFFFFF0, s29;
	s2 =	sadd.s32 s1, s4;
	s8 =	spop (v2sf)  }
0x108: {  	[tilespmem:s31], [sflag:$0x1] =	stream.linear.gather [hbm4b:s2+s3], $0x80, $0x38;
	[tilespmem:$0x10200] =	vst v63  }
0x109: {  	s9 =	sand.u32 $0x1FFFFFF0, s7;
	s13 =	sadd.s32 $0x880, s23;
	s10 =	sadd.s32 s1, s6  }
0x10a: {  	[tilespmem:s26], [sflag:$0x1] =	stream.linear.gather [hbm4b:s10+s3], $0x80, $0x38;
	[tilespmem:$0x10200] =	vst v63  }
0x10b: {  	s11 =	sand.u32 $0x1FFFFFF0, s8;
	s0 =	sadd.s32 s1, s9;
	s12 =	spop (v2sf)  }
0x10c: {  	[tilespmem:s13], [sflag:$0x1] =	stream.linear.gather [hbm4b:s0+s3], $0x80, $0x38;
	[tilespmem:$0x10200] =	vst v63  }
0x10d: {  	s14 =	sadd.s32 $0x900, s23;
	s4 =	sadd.s32 s1, s11;
	s2 =	sand.u32 $0x1FFFFFF0, s12  }
0x10e: {  	[tilespmem:s14], [sflag:$0x1] =	stream.linear.gather [hbm4b:s4+s3], $0x80, $0x38;
	[tilespmem:$0x10200] =	vst v63  }
0x10f: {  	s15 =	sadd.s32 $0x980, s23;
	s4 =	simm.s32 @!p1 $0x1;
	s2 =	sadd.s32 s1, s2  }
0x110: {  	[tilespmem:s15], [sflag:$0x1] =	stream.linear.gather [hbm4b:s2+s3], $0x80, $0x38;
	[tilespmem:$0x10200] =	vst v63  }
0x111: {  	_ =	swait.ge @!p1 [sflag:s4], $0x800  }
0x112: {  	[sflag:s4] =	ssyncset.done @!p1 $0x0  }
0x113: {  	[sflag:s4] =	ssyncadd.s32 @!p1 $0xFFFFF800  }
0x114: {  	_ =	swait.ge [sflag:s20], $0x800  }
0x115: {  	[sflag:s20] =	ssyncset.done $0x0  }
0x116: {  	[sflag:s20] =	ssyncadd.s32 $0xFFFFF800  }
0x117: {  	_ =	swait.ge [sflag:s20], $0x800  }
0x118: {  	[sflag:s20] =	ssyncset.done $0x0  }
0x119: {  	[sflag:s20] =	ssyncadd.s32 $0xFFFFF800  }
0x11a: {  	_ =	swait.ge [sflag:s20], $0x800  }
0x11b: {  	[sflag:s20] =	ssyncset.done $0x0  }
0x11c: {  	[sflag:s20] =	ssyncadd.s32 $0xFFFFF800  }
0x11d: {  	_ =	swait.ge [sflag:s20], $0x800  }
0x11e: {  	[sflag:s20] =	ssyncset.done $0x0  }
0x11f: {  	s16 =	simm.s32 $0x0;
	s17 =	rddreg [dreg:$0x4];
	[sflag:s20] =	ssyncadd.s32 $0xFFFFF800  }
0x120: {  	[hbm4b:s17+s16] =	stream.linear.scatter [tilespmem:s21], [sflag:$0x2], $0x10000, $0x38;
	[tilespmem:$0x10200] =	vst v63  }
0x121: {  	_ =	swait.ge [sflag:s19], $0x10000  }
0x122: {  	[sflag:s19] =	ssyncset.done $0x0  }
0x123: {  	s18 =	rddreg [dreg:$0x5];
	[sflag:s19] =	ssyncadd.s32 $0xFFFF0000  }
0x124: {  	[tilespmem:s16], [sflag:$0x2] =	stream.linear.gather [hbm4b:s18+s16], $0x200, $0x38;
	[tilespmem:$0x10200] =	vst v63  }
0x125: {  	_ =	swait.ge [sflag:s19], $0x200  }
0x126: {  	[sflag:s19] =	ssyncset.done $0x0  }
0x127: {  	[sflag:s19] =	ssyncadd.s32 $0xFFFFFE00  }
0x128: {  	v63 =	vld [tilespmem:s16+$0x0];
	_ =	sdelay $0x4  }
0x129: {  	v0 =	vshll.u32 v63, $0x4  }
0x12a: {  	(v2sf) =	vpush v0, $0x2  }
0x12b: {  	(v2sf) =	vpush v0, $0x0;
	_ =	sdelay $0x1  }
0x12c: {  	(v2sf) =	vpush v0, $0x1  }
0x12d: {  	(v2sf) =	vpush v0, $0x3;
	_ =	sdelay $0x1  }
0x12e: {  	(v2sf) =	vpush v0, $0x4;
	_ =	sdelay $0x1  }
0x12f: {  	(v2sf) =	vpush v0, $0x5;
	_ =	sdelay $0x1  }
0x130: {  	(v2sf) =	vpush v0, $0x6  }
0x131: {  	p6 =	por $0x1, $0x1;
	p3 =	por $0x1, $0x1  }
0x132: {  	s28 =	simm.s32 $0x2;
	s24 =	simm.s32 $0x4000;
	s7 =	simm.s32 $0x480;
	(v2sf) =	vpush v0, $0x7  }
0x133: {  	s8 =	simm.s32 $0x300;
	s11 =	simm.s32 $0x380;
	s31 =	simm.s32 $0x200  }
0x134: {  	s26 =	simm.s32 $0x280;
	s13 =	simm.s32 $0x400;
	p1 =	por p6, p6  }
0x135: {  	s15 =	simm.s32 $0x600;
	p2 =	por p1, p1;
	s23 =	spop (v2sf)  }
0x136: {  	p1 =	por p3, p3;
	s30 =	simm.s32 @!p2 $0x1;
	s25 =	spop (v2sf)  }
0x137: {  	s18 =	simm.s32 $0x500;
	(v2sf) =	vpush v0, $0x8;
	s0 =	sand.u32 $0x1FFFFFF0, s23;
	s2 =	sand.u32 $0x1FFFFFF0, s25  }
0x138: {  	s29 =	spop (v2sf);
	s25 =	simm.s32 $0x980;
	s0 =	sadd.s32 s1, s0  }
0x139: {  	(v2sf) =	vpush v0, $0x9;
	s2 =	sadd.s32 s1, s2;
	s5 =	sand.u32 $0x1FFFFFF0, s29;
	s9 =	spop (v2sf)  }
0x13a: {  	[tilespmem:s31], [sflag:$0x1] =	stream.linear.gather [hbm4b:s2+s3], $0x80, $0x38;
	[tilespmem:$0x10200] =	vst v63  }
0x13b: {  	(v2sf) =	vpush v0, $0xA;
	s5 =	sadd.s32 s1, s5;
	s10 =	spop (v2sf);
	s31 =	simm.s32 $0x580  }
0x13c: {  	[tilespmem:s26], [sflag:$0x1] =	stream.linear.gather [hbm4b:s5+s3], $0x80, $0x38;
	[tilespmem:$0x10200] =	vst v63  }
0x13d: {  	(v2sf) =	vpush v0, $0xB;
	s12 =	sand.u32 $0x1FFFFFF0, s10;
	s14 =	spop (v2sf);
	s5 =	sand.u32 $0x1FFFFFF0, s9  }
0x13e: {  	[tilespmem:s8], [sflag:$0x1] =	stream.linear.gather [hbm4b:s0+s3], $0x80, $0x38;
	[tilespmem:$0x10200] =	vst v63  }
0x13f: {  	(v2sf) =	vpush v0, $0xC;
	s4 =	sadd.s32 s1, s12;
	s17 =	spop (v2sf);
	s5 =	sadd.s32 s1, s5  }
0x140: {  	[tilespmem:s11], [sflag:$0x1] =	stream.linear.gather [hbm4b:s5+s3], $0x80, $0x38;
	[tilespmem:$0x10200] =	vst v63  }
0x141: {  	(v2sf) =	vpush v0, $0xD;
	s16 =	sand.u32 $0x1FFFFFF0, s14;
	s26 =	simm.s32 $0x700;
	s23 =	spop (v2sf)  }
0x142: {  	[tilespmem:s13], [sflag:$0x1] =	stream.linear.gather [hbm4b:s4+s3], $0x80, $0x38;
	[tilespmem:$0x10200] =	vst v63  }
0x143: {  	(v2sf) =	vpush v0, $0xE;
	s5 =	sand.u32 $0x1FFFFFF0, s17;
	s11 =	simm.s32 $0x800;
	s4 =	sadd.s32 s1, s16  }
0x144: {  	[tilespmem:s7], [sflag:$0x1] =	stream.linear.gather [hbm4b:s4+s3], $0x80, $0x38;
	[tilespmem:$0x10200] =	vst v63  }
0x145: {  	(v2sf) =	vpush v0, $0xF;
	s5 =	sadd.s32 s1, s5;
	s13 =	simm.s32 $0x780;
	s4 =	sand.u32 $0x1FFFFFF0, s23  }
0x146: {  	s7 =	simm.s32 $0x680;
	s23 =	simm.s32 $0x880;
	s29 =	spop (v2sf)  }
0x147: {  	[tilespmem:s18], [sflag:$0x1] =	stream.linear.gather [hbm4b:s5+s3], $0x80, $0x38;
	[tilespmem:$0x10200] =	vst v63  }
0x148: {  	s4 =	sadd.s32 s1, s4;
	s5 =	sand.u32 $0x1FFFFFF0, s29;
	s8 =	spop (v2sf)  }
0x149: {  	[tilespmem:s31], [sflag:$0x1] =	stream.linear.gather [hbm4b:s4+s3], $0x80, $0x38;
	[tilespmem:$0x10200] =	vst v63  }
0x14a: {  	s5 =	sadd.s32 s1, s5;
	s9 =	sand.u32 $0x1FFFFFF0, s8;
	s10 =	spop (v2sf)  }
0x14b: {  	[tilespmem:s15], [sflag:$0x1] =	stream.linear.gather [hbm4b:s5+s3], $0x80, $0x38;
	[tilespmem:$0x10200] =	vst v63  }
0x14c: {  	s0 =	sadd.s32 s1, s9;
	s12 =	spop (v2sf);
	s5 =	sand.u32 $0x1FFFFFF0, s10  }
0x14d: {  	[tilespmem:s7], [sflag:$0x1] =	stream.linear.gather [hbm4b:s0+s3], $0x80, $0x38;
	[tilespmem:$0x10200] =	vst v63  }
0x14e: {  	s4 =	sand.u32 $0x1FFFFFF0, s12;
	s14 =	spop (v2sf);
	s5 =	sadd.s32 s1, s5  }
0x14f: {  	[tilespmem:s26], [sflag:$0x1] =	stream.linear.gather [hbm4b:s5+s3], $0x80, $0x38;
	[tilespmem:$0x10200] =	vst v63  }
0x150: {  	s15 =	spop (v2sf);
	s4 =	sadd.s32 s1, s4;
	s5 =	sand.u32 $0x1FFFFFF0, s14  }
0x151: {  	[tilespmem:s13], [sflag:$0x1] =	stream.linear.gather [hbm4b:s4+s3], $0x80, $0x38;
	[tilespmem:$0x10200] =	vst v63  }
0x152: {  	s16 =	sand.u32 $0x1FFFFFF0, s15;
	s17 =	spop (v2sf);
	s5 =	sadd.s32 s1, s5  }
0x153: {  	[tilespmem:s11], [sflag:$0x1] =	stream.linear.gather [hbm4b:s5+s3], $0x80, $0x38;
	[tilespmem:$0x10200] =	vst v63  }
0x154: {  	s18 =	sand.u32 $0x1FFFFFF0, s17;
	s2 =	sadd.s32 s1, s16;
	s29 =	spop (v2sf)  }
0x155: {  	[tilespmem:s23], [sflag:$0x1] =	stream.linear.gather [hbm4b:s2+s3], $0x80, $0x38;
	[tilespmem:$0x10200] =	vst v63  }
0x156: {  	s0 =	sadd.s32 s1, s18;
	s31 =	sand.u32 $0x1FFFFFF0, s29;
	s26 =	simm.s32 $0x900  }
0x157: {  	[tilespmem:s26], [sflag:$0x1] =	stream.linear.gather [hbm4b:s0+s3], $0x80, $0x38;
	[tilespmem:$0x10200] =	vst v63  }
0x158: {  	s23 =	simm.s32 $0x800;
	s26 =	simm.s32 $0x10;
	s0 =	sadd.s32 s1, s31  }
.LBB2_4:
0x159: {  	s8 =	sadd.s32 $0x280, s23  }
0x15a: {  	s4 =	sadd.s32 $0x980, s23;
	s29 =	smov.u32 s24;
	s24 =	sadd.s32 $0x2000, s24  }
0x15b: {  	[tilespmem:s25], [sflag:$0x1] =	stream.linear.gather [hbm4b:s0+s3], $0x80, $0x38;
	[tilespmem:$0x10200] =	vst v63  }
0x15c: {  	s16 =	sadd.s32 $0x480, s23;
	s31 =	sadd.s32 $0x600, s23;
	_ =	swait.ge @!p2 [sflag:s30], $0x800  }
0x15d: {  	s11 =	sadd.s32 $0x200, s23;
	s6 =	sadd.s32 $0x400, s23;
	[sflag:s30] =	ssyncset.done @!p2 $0x0  }
0x15e: {  	p4 =	slt.u32 s28, $0x4;
	s17 =	sadd.s32 $0x500, s23;
	[sflag:s30] =	ssyncadd.s32 @!p2 $0xFFFFF800  }
0x15f: {  	s9 =	sadd.s32 $0x300, s23;
	p3 =	sne.s32 s24, $0x40000;
	s0 =	sadd.s32 $0x700, s23;
	v0 =	vld [tilespmem:s26+$0x0]  }
0x160: {  	s2 =	sadd.s32 $0x680, s23;
	s25 =	smov.u32 s4;
	p2 =	por p1, p1  }
0x161: {  	p1 =	por p4, p4;
	_ =	sdelay $0x1  }
0x162: {  	s10 =	sadd.s32 $0x380, s23  }
0x163: {  	v0 =	vshll.u32 v0, $0x4  }
0x164: {  	(v2sf) =	vpush v0, $0x2  }
0x165: {  	(v2sf) =	vpush v0, $0x0  }
0x166: {  	(v2sf) =	vpush v0, $0x1  }
0x167: {  	(v2sf) =	vpush v0, $0x3;
	_ =	sdelay $0x1  }
0x168: {  	(v2sf) =	vpush v0, $0x4;
	_ =	sdelay $0x1  }
0x169: {  	(v2sf) =	vpush v0, $0x5;
	_ =	sdelay $0x1  }
0x16a: {  	(v2sf) =	vpush v0, $0x6;
	_ =	sdelay $0x1  }
0x16b: {  	(v2sf) =	vpush v0, $0x7;
	_ =	sdelay $0x1  }
0x16c: {  	s4 =	sadd.s32 $0x800, s23;
	(v2sf) =	vpush v0, $0x8  }
0x16d: {  	s7 =	sadd.s32 $0x780, s23;
	s26 =	sadd.s32 $0x10, s26  }
0x16e: {  	s28 =	sadd.s32 $0x1, s28;
	s30 =	simm.s32 @!p2 $0x1;
	s5 =	spop (v2sf);
	(v2sf) =	vpush v0, $0x9  }
0x16f: {  	s12 =	sand.u32 $0x1FFFFFF0, s5;
	s5 =	sadd.s32 $0x900, s23;
	s13 =	spop (v2sf)  }
0x170: {  	s14 =	sadd.s32 $0x580, s23;
	s13 =	sand.u32 $0x1FFFFFF0, s13;
	s15 =	spop (v2sf);
	(v2sf) =	vpush v0, $0xA  }
0x171: {  	s13 =	sadd.s32 s1, s13;
	s15 =	sand.u32 $0x1FFFFFF0, s15;
	s18 =	spop (v2sf)  }
0x172: {  	[tilespmem:s11], [sflag:$0x1] =	stream.linear.gather [hbm4b:s13+s3], $0x80, $0x38;
	(v2sf) =	vpush v0, $0xB;
	[tilespmem:$0x10200] =	vst v63  }
0x173: {  	s11 =	sadd.s32 s1, s15;
	s13 =	sand.u32 $0x1FFFFFF0, s18;
	s15 =	spop (v2sf)  }
0x174: {  	[tilespmem:s8], [sflag:$0x1] =	stream.linear.gather [hbm4b:s11+s3], $0x80, $0x38;
	(v2sf) =	vpush v0, $0xC;
	[tilespmem:$0x10200] =	vst v63  }
0x175: {  	s8 =	sadd.s32 s1, s12;
	s11 =	sand.u32 $0x1FFFFFF0, s15;
	s12 =	spop (v2sf)  }
0x176: {  	[tilespmem:s9], [sflag:$0x1] =	stream.linear.gather [hbm4b:s8+s3], $0x80, $0x38;
	(v2sf) =	vpush v0, $0xD;
	[tilespmem:$0x10200] =	vst v63  }
0x177: {  	s8 =	sadd.s32 s1, s13;
	s9 =	sand.u32 $0x1FFFFFF0, s12;
	s12 =	spop (v2sf)  }
0x178: {  	[tilespmem:s10], [sflag:$0x1] =	stream.linear.gather [hbm4b:s8+s3], $0x80, $0x38;
	(v2sf) =	vpush v0, $0xE;
	[tilespmem:$0x10200] =	vst v63  }
0x179: {  	s8 =	sadd.s32 s1, s11;
	s10 =	sand.u32 $0x1FFFFFF0, s12;
	s11 =	spop (v2sf)  }
0x17a: {  	[tilespmem:s6], [sflag:$0x1] =	stream.linear.gather [hbm4b:s8+s3], $0x80, $0x38;
	(v2sf) =	vpush v0, $0xF;
	[tilespmem:$0x10200] =	vst v63  }
0x17b: {  	s6 =	sadd.s32 s1, s9;
	s8 =	sand.u32 $0x1FFFFFF0, s11;
	s9 =	spop (v2sf)  }
0x17c: {  	[tilespmem:s16], [sflag:$0x1] =	stream.linear.gather [hbm4b:s6+s3], $0x80, $0x38;
	[tilespmem:$0x10200] =	vst v63  }
0x17d: {  	s6 =	sadd.s32 s1, s10;
	s9 =	sand.u32 $0x1FFFFFF0, s9;
	s10 =	spop (v2sf)  }
0x17e: {  	[tilespmem:s17], [sflag:$0x1] =	stream.linear.gather [hbm4b:s6+s3], $0x80, $0x38;
	[tilespmem:$0x10200] =	vst v63  }
0x17f: {  	s6 =	sadd.s32 s1, s8;
	s8 =	sand.u32 $0x1FFFFFF0, s10;
	s10 =	spop (v2sf)  }
0x180: {  	[tilespmem:s14], [sflag:$0x1] =	stream.linear.gather [hbm4b:s6+s3], $0x80, $0x38;
	[tilespmem:$0x10200] =	vst v63  }
0x181: {  	s6 =	sadd.s32 s1, s9;
	s9 =	sand.u32 $0x1FFFFFF0, s10;
	s10 =	spop (v2sf)  }
0x182: {  	[tilespmem:s31], [sflag:$0x1] =	stream.linear.gather [hbm4b:s6+s3], $0x80, $0x38;
	[tilespmem:$0x10200] =	vst v63  }
0x183: {  	s6 =	sadd.s32 s1, s8;
	s8 =	sand.u32 $0x1FFFFFF0, s10;
	s10 =	spop (v2sf)  }
0x184: {  	[tilespmem:s2], [sflag:$0x1] =	stream.linear.gather [hbm4b:s6+s3], $0x80, $0x38;
	[tilespmem:$0x10200] =	vst v63  }
0x185: {  	s2 =	sadd.s32 s1, s9;
	s6 =	sand.u32 $0x1FFFFFF0, s10;
	s9 =	spop (v2sf)  }
0x186: {  	[tilespmem:s0], [sflag:$0x1] =	stream.linear.gather [hbm4b:s2+s3], $0x80, $0x38;
	[tilespmem:$0x10200] =	vst v63  }
0x187: {  	s0 =	sadd.s32 s1, s8;
	s2 =	sand.u32 $0x1FFFFFF0, s9;
	s8 =	spop (v2sf)  }
0x188: {  	[tilespmem:s7], [sflag:$0x1] =	stream.linear.gather [hbm4b:s0+s3], $0x80, $0x38;
	[tilespmem:$0x10200] =	vst v63  }
0x189: {  	s0 =	sadd.s32 s1, s6;
	s6 =	sand.u32 $0x1FFFFFF0, s8;
	s7 =	spop (v2sf)  }
0x18a: {  	[tilespmem:s4], [sflag:$0x1] =	stream.linear.gather [hbm4b:s0+s3], $0x80, $0x38;
	[tilespmem:$0x10200] =	vst v63  }
.Ltmp3:
0x18b: {  	_ = 	snop;
	(pc) =	sbr.rel @p3 .LBB2_4-.Ltmp3, $4  }
0x18c: {  	s2 =	sadd.s32 s1, s2;
	s0 =	sadd.s32 $0x880, s23;
	s4 =	sand.u32 $0x1FFFFFF0, s7  }
0x18d: {  	[tilespmem:s0], [sflag:$0x1] =	stream.linear.gather [hbm4b:s2+s3], $0x80, $0x38;
	[tilespmem:$0x10200] =	vst v63  }
0x18e: {  	s23 =	sshra.s32 s29, $0x2;
	s2 =	sadd.s32 s1, s6;
	s0 =	sadd.s32 s1, s4  }
0x18f: {  	[tilespmem:s5], [sflag:$0x1] =	stream.linear.gather [hbm4b:s2+s3], $0x80, $0x38;
	[tilespmem:$0x10200] =	vst v63  }
0x190: {  	[tilespmem:s25], [sflag:$0x1] =	stream.linear.gather [hbm4b:s0+s3], $0x80, $0x38;
	[tilespmem:$0x10200] =	vst v63  }
0x191: {  	_ =	swait.ge @!p2 [sflag:s30], $0x800  }
0x192: {  	[sflag:s30] =	ssyncset.done @!p2 $0x0  }
0x193: {  	[sflag:s30] =	ssyncadd.s32 @!p2 $0xFFFFF800  }
0x194: {  	v0 =	vld [tilespmem:s26+$0x0];
	_ =	sdelay $0x4  }
0x195: {  	v0 =	vshll.u32 v0, $0x4  }
0x196: {  	(v2sf) =	vpush v0, $0x2  }
0x197: {  	(v2sf) =	vpush v0, $0x0  }
0x198: {  	(v2sf) =	vpush v0, $0x1  }
0x199: {  	(v2sf) =	vpush v0, $0x3;
	_ =	sdelay $0x1  }
0x19a: {  	(v2sf) =	vpush v0, $0x4;
	_ =	sdelay $0x1  }
0x19b: {  	(v2sf) =	vpush v0, $0x5;
	_ =	sdelay $0x3  }
0x19c: {  	(v2sf) =	vpush v0, $0x6;
	_ =	sdelay $0x2  }
0x19d: {  	s2 =	sadd.s32 $0x280, s23;
	s5 =	sadd.s32 $0x480, s23;
	s7 =	sadd.s32 $0x200, s23  }
0x19e: {  	s18 =	sadd.s32 $0x300, s23;
	s25 =	sadd.s32 $0x380, s23;
	s17 =	spop (v2sf);
	(v2sf) =	vpush v0, $0x7  }
0x19f: {  	s8 =	sadd.s32 $0x500, s23;
	s10 =	sadd.s32 $0x700, s23;
	s4 =	spop (v2sf)  }
0x1a0: {  	s13 =	sadd.s32 $0x680, s23;
	(v2sf) =	vpush v0, $0x8;
	s4 =	sand.u32 $0x1FFFFFF0, s4;
	s6 =	spop (v2sf)  }
0x1a1: {  	(v2sf) =	vpush v0, $0x9;
	s4 =	sadd.s32 s1, s4;
	s6 =	sand.u32 $0x1FFFFFF0, s6;
	s24 =	spop (v2sf)  }
0x1a2: {  	[tilespmem:s7], [sflag:$0x1] =	stream.linear.gather [hbm4b:s4+s3], $0x80, $0x38;
	[tilespmem:$0x10200] =	vst v63  }
0x1a3: {  	s0 =	sand.u32 $0x1FFFFFF0, s17;
	(v2sf) =	vpush v0, $0xA;
	s6 =	sadd.s32 s1, s6;
	s29 =	spop (v2sf)  }
0x1a4: {  	(v2sf) =	vpush v0, $0xB;
	[tilespmem:s2], [sflag:$0x1] =	stream.linear.gather [hbm4b:s6+s3], $0x80, $0x38;
	[tilespmem:$0x10200] =	vst v63  }
0x1a5: {  	s0 =	sadd.s32 s1, s0;
	s26 =	sand.u32 $0x1FFFFFF0, s24;
	s31 =	spop (v2sf)  }
0x1a6: {  	(v2sf) =	vpush v0, $0xC;
	[tilespmem:s18], [sflag:$0x1] =	stream.linear.gather [hbm4b:s0+s3], $0x80, $0x38;
	[tilespmem:$0x10200] =	vst v63  }
0x1a7: {  	s6 =	sand.u32 $0x1FFFFFF0, s29;
	s2 =	sadd.s32 s1, s26;
	s7 =	sand.u32 $0x1FFFFFF0, s31  }
0x1a8: {  	(v2sf) =	vpush v0, $0xD;
	[tilespmem:s25], [sflag:$0x1] =	stream.linear.gather [hbm4b:s2+s3], $0x80, $0x38;
	[tilespmem:$0x10200] =	vst v63  }
0x1a9: {  	s9 =	spop (v2sf);
	s6 =	sadd.s32 s1, s6;
	s2 =	sadd.s32 $0x400, s23  }
0x1aa: {  	(v2sf) =	vpush v0, $0xE;
	[tilespmem:s2], [sflag:$0x1] =	stream.linear.gather [hbm4b:s6+s3], $0x80, $0x38;
	[tilespmem:$0x10200] =	vst v63  }
0x1ab: {  	s14 =	sadd.s32 $0x580, s23;
	s11 =	sand.u32 $0x1FFFFFF0, s9;
	s2 =	sadd.s32 s1, s7  }
0x1ac: {  	[tilespmem:s5], [sflag:$0x1] =	stream.linear.gather [hbm4b:s2+s3], $0x80, $0x38;
	[tilespmem:$0x10200] =	vst v63  }
0x1ad: {  	p1 =	por p1, p1;
	s5 =	sadd.s32 s1, s11;
	s12 =	spop (v2sf)  }
0x1ae: {  	(v2sf) =	vpush v0, $0xF;
	[tilespmem:s8], [sflag:$0x1] =	stream.linear.gather [hbm4b:s5+s3], $0x80, $0x38;
	[tilespmem:$0x10200] =	vst v63  }
0x1af: {  	s4 =	sadd.s32 $0x600, s23;
	s6 =	sand.u32 $0x1FFFFFF0, s12;
	s15 =	spop (v2sf)  }
0x1b0: {  	s26 =	sadd.s32 $0x800, s23;
	s6 =	sadd.s32 s1, s6;
	s17 =	spop (v2sf)  }
0x1b1: {  	[tilespmem:s14], [sflag:$0x1] =	stream.linear.gather [hbm4b:s6+s3], $0x80, $0x38;
	[tilespmem:$0x10200] =	vst v63  }
0x1b2: {  	s31 =	sadd.s32 $0x780, s23;
	s16 =	sand.u32 $0x1FFFFFF0, s15;
	s18 =	spop (v2sf)  }
0x1b3: {  	s5 =	sand.u32 $0x1FFFFFF0, s17;
	s0 =	sadd.s32 s1, s16;
	s25 =	spop (v2sf)  }
0x1b4: {  	[tilespmem:s4], [sflag:$0x1] =	stream.linear.gather [hbm4b:s0+s3], $0x80, $0x38;
	[tilespmem:$0x10200] =	vst v63  }
0x1b5: {  	s24 =	sand.u32 $0x1FFFFFF0, s18;
	s5 =	sadd.s32 s1, s5;
	s29 =	spop (v2sf)  }
0x1b6: {  	[tilespmem:s13], [sflag:$0x1] =	stream.linear.gather [hbm4b:s5+s3], $0x80, $0x38;
	[tilespmem:$0x10200] =	vst v63  }
0x1b7: {  	s0 =	sadd.s32 s1, s24;
	s4 =	sand.u32 $0x1FFFFFF0, s25;
	s7 =	spop (v2sf)  }
0x1b8: {  	[tilespmem:s10], [sflag:$0x1] =	stream.linear.gather [hbm4b:s0+s3], $0x80, $0x38;
	[tilespmem:$0x10200] =	vst v63  }
0x1b9: {  	s6 =	sand.u32 $0x1FFFFFF0, s29;
	s2 =	sadd.s32 s1, s4;
	s8 =	spop (v2sf)  }
0x1ba: {  	[tilespmem:s31], [sflag:$0x1] =	stream.linear.gather [hbm4b:s2+s3], $0x80, $0x38;
	[tilespmem:$0x10200] =	vst v63  }
0x1bb: {  	s9 =	sand.u32 $0x1FFFFFF0, s7;
	s13 =	sadd.s32 $0x880, s23;
	s10 =	sadd.s32 s1, s6  }
0x1bc: {  	[tilespmem:s26], [sflag:$0x1] =	stream.linear.gather [hbm4b:s10+s3], $0x80, $0x38;
	[tilespmem:$0x10200] =	vst v63  }
0x1bd: {  	s11 =	sand.u32 $0x1FFFFFF0, s8;
	s0 =	sadd.s32 s1, s9;
	s12 =	spop (v2sf)  }
0x1be: {  	[tilespmem:s13], [sflag:$0x1] =	stream.linear.gather [hbm4b:s0+s3], $0x80, $0x38;
	[tilespmem:$0x10200] =	vst v63  }
0x1bf: {  	s14 =	sadd.s32 $0x900, s23;
	s4 =	sadd.s32 s1, s11;
	s2 =	sand.u32 $0x1FFFFFF0, s12  }
0x1c0: {  	[tilespmem:s14], [sflag:$0x1] =	stream.linear.gather [hbm4b:s4+s3], $0x80, $0x38;
	[tilespmem:$0x10200] =	vst v63  }
0x1c1: {  	s15 =	sadd.s32 $0x980, s23;
	s4 =	simm.s32 @!p1 $0x1;
	s2 =	sadd.s32 s1, s2  }
0x1c2: {  	[tilespmem:s15], [sflag:$0x1] =	stream.linear.gather [hbm4b:s2+s3], $0x80, $0x38;
	[tilespmem:$0x10200] =	vst v63  }
0x1c3: {  	_ =	swait.ge @!p1 [sflag:s4], $0x800  }
0x1c4: {  	[sflag:s4] =	ssyncset.done @!p1 $0x0  }
0x1c5: {  	[sflag:s4] =	ssyncadd.s32 @!p1 $0xFFFFF800  }
0x1c6: {  	_ =	swait.ge [sflag:s20], $0x800  }
0x1c7: {  	[sflag:s20] =	ssyncset.done $0x0  }
0x1c8: {  	[sflag:s20] =	ssyncadd.s32 $0xFFFFF800  }
0x1c9: {  	_ =	swait.ge [sflag:s20], $0x800  }
0x1ca: {  	[sflag:s20] =	ssyncset.done $0x0  }
0x1cb: {  	[sflag:s20] =	ssyncadd.s32 $0xFFFFF800  }
0x1cc: {  	_ =	swait.ge [sflag:s20], $0x800  }
0x1cd: {  	[sflag:s20] =	ssyncset.done $0x0  }
0x1ce: {  	[sflag:s20] =	ssyncadd.s32 $0xFFFFF800  }
0x1cf: {  	_ =	swait.ge [sflag:s20], $0x800  }
0x1d0: {  	[sflag:s20] =	ssyncset.done $0x0  }
0x1d1: {  	s16 =	simm.s32 $0x0;
	s17 =	rddreg [dreg:$0x6];
	[sflag:s20] =	ssyncadd.s32 $0xFFFFF800  }
0x1d2: {  	[hbm4b:s17+s16] =	stream.linear.scatter [tilespmem:s21], [sflag:$0x2], $0x10000, $0x38;
	[tilespmem:$0x10200] =	vst v63  }
0x1d3: {  	_ =	swait.ge [sflag:s19], $0x10000  }
0x1d4: {  	[sflag:s19] =	ssyncset.done $0x0  }
0x1d5: {  	s18 =	rddreg [dreg:$0x7];
	[sflag:s19] =	ssyncadd.s32 $0xFFFF0000  }
0x1d6: {  	[tilespmem:s16], [sflag:$0x2] =	stream.linear.gather [hbm4b:s18+s16], $0x200, $0x38;
	[tilespmem:$0x10200] =	vst v63  }
0x1d7: {  	_ =	swait.ge [sflag:s19], $0x200  }
0x1d8: {  	[sflag:s19] =	ssyncset.done $0x0  }
0x1d9: {  	[sflag:s19] =	ssyncadd.s32 $0xFFFFFE00  }
0x1da: {  	v63 =	vld [tilespmem:s16+$0x0];
	_ =	sdelay $0x4  }
0x1db: {  	v0 =	vshll.u32 v63, $0x4  }
0x1dc: {  	(v2sf) =	vpush v0, $0x2  }
0x1dd: {  	(v2sf) =	vpush v0, $0x0;
	_ =	sdelay $0x1  }
0x1de: {  	(v2sf) =	vpush v0, $0x1  }
0x1df: {  	(v2sf) =	vpush v0, $0x3;
	_ =	sdelay $0x1  }
0x1e0: {  	(v2sf) =	vpush v0, $0x4;
	_ =	sdelay $0x1  }
0x1e1: {  	(v2sf) =	vpush v0, $0x5;
	_ =	sdelay $0x1  }
0x1e2: {  	(v2sf) =	vpush v0, $0x6  }
0x1e3: {  	p6 =	por $0x1, $0x1;
	p3 =	por $0x1, $0x1  }
0x1e4: {  	s28 =	simm.s32 $0x2;
	s24 =	simm.s32 $0x4000;
	s7 =	simm.s32 $0x480;
	(v2sf) =	vpush v0, $0x7  }
0x1e5: {  	s8 =	simm.s32 $0x300;
	s11 =	simm.s32 $0x380;
	s31 =	simm.s32 $0x200  }
0x1e6: {  	s26 =	simm.s32 $0x280;
	s13 =	simm.s32 $0x400;
	p1 =	por p6, p6  }
0x1e7: {  	s15 =	simm.s32 $0x600;
	p2 =	por p1, p1;
	s23 =	spop (v2sf)  }
0x1e8: {  	p1 =	por p3, p3;
	s30 =	simm.s32 @!p2 $0x1;
	s25 =	spop (v2sf)  }
0x1e9: {  	s18 =	simm.s32 $0x500;
	(v2sf) =	vpush v0, $0x8;
	s0 =	sand.u32 $0x1FFFFFF0, s23;
	s2 =	sand.u32 $0x1FFFFFF0, s25  }
0x1ea: {  	s29 =	spop (v2sf);
	s25 =	simm.s32 $0x980;
	s0 =	sadd.s32 s1, s0  }
0x1eb: {  	(v2sf) =	vpush v0, $0x9;
	s2 =	sadd.s32 s1, s2;
	s5 =	sand.u32 $0x1FFFFFF0, s29;
	s9 =	spop (v2sf)  }
0x1ec: {  	[tilespmem:s31], [sflag:$0x1] =	stream.linear.gather [hbm4b:s2+s3], $0x80, $0x38;
	[tilespmem:$0x10200] =	vst v63  }
0x1ed: {  	(v2sf) =	vpush v0, $0xA;
	s5 =	sadd.s32 s1, s5;
	s10 =	spop (v2sf);
	s31 =	simm.s32 $0x580  }
0x1ee: {  	[tilespmem:s26], [sflag:$0x1] =	stream.linear.gather [hbm4b:s5+s3], $0x80, $0x38;
	[tilespmem:$0x10200] =	vst v63  }
0x1ef: {  	(v2sf) =	vpush v0, $0xB;
	s12 =	sand.u32 $0x1FFFFFF0, s10;
	s14 =	spop (v2sf);
	s5 =	sand.u32 $0x1FFFFFF0, s9  }
0x1f0: {  	[tilespmem:s8], [sflag:$0x1] =	stream.linear.gather [hbm4b:s0+s3], $0x80, $0x38;
	[tilespmem:$0x10200] =	vst v63  }
0x1f1: {  	(v2sf) =	vpush v0, $0xC;
	s4 =	sadd.s32 s1, s12;
	s17 =	spop (v2sf);
	s5 =	sadd.s32 s1, s5  }
0x1f2: {  	[tilespmem:s11], [sflag:$0x1] =	stream.linear.gather [hbm4b:s5+s3], $0x80, $0x38;
	[tilespmem:$0x10200] =	vst v63  }
0x1f3: {  	(v2sf) =	vpush v0, $0xD;
	s16 =	sand.u32 $0x1FFFFFF0, s14;
	s26 =	simm.s32 $0x700;
	s23 =	spop (v2sf)  }
0x1f4: {  	[tilespmem:s13], [sflag:$0x1] =	stream.linear.gather [hbm4b:s4+s3], $0x80, $0x38;
	[tilespmem:$0x10200] =	vst v63  }
0x1f5: {  	(v2sf) =	vpush v0, $0xE;
	s5 =	sand.u32 $0x1FFFFFF0, s17;
	s11 =	simm.s32 $0x800;
	s4 =	sadd.s32 s1, s16  }
0x1f6: {  	[tilespmem:s7], [sflag:$0x1] =	stream.linear.gather [hbm4b:s4+s3], $0x80, $0x38;
	[tilespmem:$0x10200] =	vst v63  }
0x1f7: {  	(v2sf) =	vpush v0, $0xF;
	s5 =	sadd.s32 s1, s5;
	s13 =	simm.s32 $0x780;
	s4 =	sand.u32 $0x1FFFFFF0, s23  }
0x1f8: {  	s7 =	simm.s32 $0x680;
	s23 =	simm.s32 $0x880;
	s29 =	spop (v2sf)  }
0x1f9: {  	[tilespmem:s18], [sflag:$0x1] =	stream.linear.gather [hbm4b:s5+s3], $0x80, $0x38;
	[tilespmem:$0x10200] =	vst v63  }
0x1fa: {  	s4 =	sadd.s32 s1, s4;
	s5 =	sand.u32 $0x1FFFFFF0, s29;
	s8 =	spop (v2sf)  }
0x1fb: {  	[tilespmem:s31], [sflag:$0x1] =	stream.linear.gather [hbm4b:s4+s3], $0x80, $0x38;
	[tilespmem:$0x10200] =	vst v63  }
0x1fc: {  	s5 =	sadd.s32 s1, s5;
	s9 =	sand.u32 $0x1FFFFFF0, s8;
	s10 =	spop (v2sf)  }
0x1fd: {  	[tilespmem:s15], [sflag:$0x1] =	stream.linear.gather [hbm4b:s5+s3], $0x80, $0x38;
	[tilespmem:$0x10200] =	vst v63  }
0x1fe: {  	s0 =	sadd.s32 s1, s9;
	s12 =	spop (v2sf);
	s5 =	sand.u32 $0x1FFFFFF0, s10  }
0x1ff: {  	[tilespmem:s7], [sflag:$0x1] =	stream.linear.gather [hbm4b:s0+s3], $0x80, $0x38;
	[tilespmem:$0x10200] =	vst v63  }
0x200: {  	s4 =	sand.u32 $0x1FFFFFF0, s12;
	s14 =	spop (v2sf);
	s5 =	sadd.s32 s1, s5  }
0x201: {  	[tilespmem:s26], [sflag:$0x1] =	stream.linear.gather [hbm4b:s5+s3], $0x80, $0x38;
	[tilespmem:$0x10200] =	vst v63  }
0x202: {  	s15 =	spop (v2sf);
	s4 =	sadd.s32 s1, s4;
	s5 =	sand.u32 $0x1FFFFFF0, s14  }
0x203: {  	[tilespmem:s13], [sflag:$0x1] =	stream.linear.gather [hbm4b:s4+s3], $0x80, $0x38;
	[tilespmem:$0x10200] =	vst v63  }
0x204: {  	s16 =	sand.u32 $0x1FFFFFF0, s15;
	s17 =	spop (v2sf);
	s5 =	sadd.s32 s1, s5  }
0x205: {  	[tilespmem:s11], [sflag:$0x1] =	stream.linear.gather [hbm4b:s5+s3], $0x80, $0x38;
	[tilespmem:$0x10200] =	vst v63  }
0x206: {  	s18 =	sand.u32 $0x1FFFFFF0, s17;
	s2 =	sadd.s32 s1, s16;
	s29 =	spop (v2sf)  }
0x207: {  	[tilespmem:s23], [sflag:$0x1] =	stream.linear.gather [hbm4b:s2+s3], $0x80, $0x38;
	[tilespmem:$0x10200] =	vst v63  }
0x208: {  	s0 =	sadd.s32 s1, s18;
	s31 =	sand.u32 $0x1FFFFFF0, s29;
	s26 =	simm.s32 $0x900  }
0x209: {  	[tilespmem:s26], [sflag:$0x1] =	stream.linear.gather [hbm4b:s0+s3], $0x80, $0x38;
	[tilespmem:$0x10200] =	vst v63  }
0x20a: {  	s23 =	simm.s32 $0x800;
	s26 =	simm.s32 $0x10;
	s0 =	sadd.s32 s1, s31  }
.LBB2_6:
0x20b: {  	s8 =	sadd.s32 $0x280, s23  }
0x20c: {  	s4 =	sadd.s32 $0x980, s23;
	s29 =	smov.u32 s24;
	s24 =	sadd.s32 $0x2000, s24  }
0x20d: {  	[tilespmem:s25], [sflag:$0x1] =	stream.linear.gather [hbm4b:s0+s3], $0x80, $0x38;
	[tilespmem:$0x10200] =	vst v63  }
0x20e: {  	s16 =	sadd.s32 $0x480, s23;
	s31 =	sadd.s32 $0x600, s23;
	_ =	swait.ge @!p2 [sflag:s30], $0x800  }
0x20f: {  	s11 =	sadd.s32 $0x200, s23;
	s6 =	sadd.s32 $0x400, s23;
	[sflag:s30] =	ssyncset.done @!p2 $0x0  }
0x210: {  	p4 =	slt.u32 s28, $0x4;
	s17 =	sadd.s32 $0x500, s23;
	[sflag:s30] =	ssyncadd.s32 @!p2 $0xFFFFF800  }
0x211: {  	s9 =	sadd.s32 $0x300, s23;
	p3 =	sne.s32 s24, $0x40000;
	s0 =	sadd.s32 $0x700, s23;
	v0 =	vld [tilespmem:s26+$0x0]  }
0x212: {  	s2 =	sadd.s32 $0x680, s23;
	s25 =	smov.u32 s4;
	p2 =	por p1, p1  }
0x213: {  	p1 =	por p4, p4;
	_ =	sdelay $0x1  }
0x214: {  	s10 =	sadd.s32 $0x380, s23  }
0x215: {  	v0 =	vshll.u32 v0, $0x4  }
0x216: {  	(v2sf) =	vpush v0, $0x2  }
0x217: {  	(v2sf) =	vpush v0, $0x0  }
0x218: {  	(v2sf) =	vpush v0, $0x1  }
0x219: {  	(v2sf) =	vpush v0, $0x3;
	_ =	sdelay $0x1  }
0x21a: {  	(v2sf) =	vpush v0, $0x4;
	_ =	sdelay $0x1  }
0x21b: {  	(v2sf) =	vpush v0, $0x5;
	_ =	sdelay $0x1  }
0x21c: {  	(v2sf) =	vpush v0, $0x6;
	_ =	sdelay $0x1  }
0x21d: {  	(v2sf) =	vpush v0, $0x7;
	_ =	sdelay $0x1  }
0x21e: {  	s4 =	sadd.s32 $0x800, s23;
	(v2sf) =	vpush v0, $0x8  }
0x21f: {  	s7 =	sadd.s32 $0x780, s23;
	s26 =	sadd.s32 $0x10, s26  }
0x220: {  	s28 =	sadd.s32 $0x1, s28;
	s30 =	simm.s32 @!p2 $0x1;
	s5 =	spop (v2sf);
	(v2sf) =	vpush v0, $0x9  }
0x221: {  	s12 =	sand.u32 $0x1FFFFFF0, s5;
	s5 =	sadd.s32 $0x900, s23;
	s13 =	spop (v2sf)  }
0x222: {  	s14 =	sadd.s32 $0x580, s23;
	s13 =	sand.u32 $0x1FFFFFF0, s13;
	s15 =	spop (v2sf);
	(v2sf) =	vpush v0, $0xA  }
0x223: {  	s13 =	sadd.s32 s1, s13;
	s15 =	sand.u32 $0x1FFFFFF0, s15;
	s18 =	spop (v2sf)  }
0x224: {  	[tilespmem:s11], [sflag:$0x1] =	stream.linear.gather [hbm4b:s13+s3], $0x80, $0x38;
	(v2sf) =	vpush v0, $0xB;
	[tilespmem:$0x10200] =	vst v63  }
0x225: {  	s11 =	sadd.s32 s1, s15;
	s13 =	sand.u32 $0x1FFFFFF0, s18;
	s15 =	spop (v2sf)  }
0x226: {  	[tilespmem:s8], [sflag:$0x1] =	stream.linear.gather [hbm4b:s11+s3], $0x80, $0x38;
	(v2sf) =	vpush v0, $0xC;
	[tilespmem:$0x10200] =	vst v63  }
0x227: {  	s8 =	sadd.s32 s1, s12;
	s11 =	sand.u32 $0x1FFFFFF0, s15;
	s12 =	spop (v2sf)  }
0x228: {  	[tilespmem:s9], [sflag:$0x1] =	stream.linear.gather [hbm4b:s8+s3], $0x80, $0x38;
	(v2sf) =	vpush v0, $0xD;
	[tilespmem:$0x10200] =	vst v63  }
0x229: {  	s8 =	sadd.s32 s1, s13;
	s9 =	sand.u32 $0x1FFFFFF0, s12;
	s12 =	spop (v2sf)  }
0x22a: {  	[tilespmem:s10], [sflag:$0x1] =	stream.linear.gather [hbm4b:s8+s3], $0x80, $0x38;
	(v2sf) =	vpush v0, $0xE;
	[tilespmem:$0x10200] =	vst v63  }
0x22b: {  	s8 =	sadd.s32 s1, s11;
	s10 =	sand.u32 $0x1FFFFFF0, s12;
	s11 =	spop (v2sf)  }
0x22c: {  	[tilespmem:s6], [sflag:$0x1] =	stream.linear.gather [hbm4b:s8+s3], $0x80, $0x38;
	(v2sf) =	vpush v0, $0xF;
	[tilespmem:$0x10200] =	vst v63  }
0x22d: {  	s6 =	sadd.s32 s1, s9;
	s8 =	sand.u32 $0x1FFFFFF0, s11;
	s9 =	spop (v2sf)  }
0x22e: {  	[tilespmem:s16], [sflag:$0x1] =	stream.linear.gather [hbm4b:s6+s3], $0x80, $0x38;
	[tilespmem:$0x10200] =	vst v63  }
0x22f: {  	s6 =	sadd.s32 s1, s10;
	s9 =	sand.u32 $0x1FFFFFF0, s9;
	s10 =	spop (v2sf)  }
0x230: {  	[tilespmem:s17], [sflag:$0x1] =	stream.linear.gather [hbm4b:s6+s3], $0x80, $0x38;
	[tilespmem:$0x10200] =	vst v63  }
0x231: {  	s6 =	sadd.s32 s1, s8;
	s8 =	sand.u32 $0x1FFFFFF0, s10;
	s10 =	spop (v2sf)  }
0x232: {  	[tilespmem:s14], [sflag:$0x1] =	stream.linear.gather [hbm4b:s6+s3], $0x80, $0x38;
	[tilespmem:$0x10200] =	vst v63  }
0x233: {  	s6 =	sadd.s32 s1, s9;
	s9 =	sand.u32 $0x1FFFFFF0, s10;
	s10 =	spop (v2sf)  }
0x234: {  	[tilespmem:s31], [sflag:$0x1] =	stream.linear.gather [hbm4b:s6+s3], $0x80, $0x38;
	[tilespmem:$0x10200] =	vst v63  }
0x235: {  	s6 =	sadd.s32 s1, s8;
	s8 =	sand.u32 $0x1FFFFFF0, s10;
	s10 =	spop (v2sf)  }
0x236: {  	[tilespmem:s2], [sflag:$0x1] =	stream.linear.gather [hbm4b:s6+s3], $0x80, $0x38;
	[tilespmem:$0x10200] =	vst v63  }
0x237: {  	s2 =	sadd.s32 s1, s9;
	s6 =	sand.u32 $0x1FFFFFF0, s10;
	s9 =	spop (v2sf)  }
0x238: {  	[tilespmem:s0], [sflag:$0x1] =	stream.linear.gather [hbm4b:s2+s3], $0x80, $0x38;
	[tilespmem:$0x10200] =	vst v63  }
0x239: {  	s0 =	sadd.s32 s1, s8;
	s2 =	sand.u32 $0x1FFFFFF0, s9;
	s8 =	spop (v2sf)  }
0x23a: {  	[tilespmem:s7], [sflag:$0x1] =	stream.linear.gather [hbm4b:s0+s3], $0x80, $0x38;
	[tilespmem:$0x10200] =	vst v63  }
0x23b: {  	s0 =	sadd.s32 s1, s6;
	s6 =	sand.u32 $0x1FFFFFF0, s8;
	s7 =	spop (v2sf)  }
0x23c: {  	[tilespmem:s4], [sflag:$0x1] =	stream.linear.gather [hbm4b:s0+s3], $0x80, $0x38;
	[tilespmem:$0x10200] =	vst v63  }
.Ltmp4:
0x23d: {  	_ = 	snop;
	(pc) =	sbr.rel @p3 .LBB2_6-.Ltmp4, $4  }
0x23e: {  	s2 =	sadd.s32 s1, s2;
	s0 =	sadd.s32 $0x880, s23;
	s4 =	sand.u32 $0x1FFFFFF0, s7  }
0x23f: {  	[tilespmem:s0], [sflag:$0x1] =	stream.linear.gather [hbm4b:s2+s3], $0x80, $0x38;
	[tilespmem:$0x10200] =	vst v63  }
0x240: {  	s23 =	sshra.s32 s29, $0x2;
	s2 =	sadd.s32 s1, s6;
	s0 =	sadd.s32 s1, s4  }
0x241: {  	[tilespmem:s5], [sflag:$0x1] =	stream.linear.gather [hbm4b:s2+s3], $0x80, $0x38;
	[tilespmem:$0x10200] =	vst v63  }
0x242: {  	[tilespmem:s25], [sflag:$0x1] =	stream.linear.gather [hbm4b:s0+s3], $0x80, $0x38;
	[tilespmem:$0x10200] =	vst v63  }
0x243: {  	_ =	swait.ge @!p2 [sflag:s30], $0x800  }
0x244: {  	[sflag:s30] =	ssyncset.done @!p2 $0x0  }
0x245: {  	[sflag:s30] =	ssyncadd.s32 @!p2 $0xFFFFF800  }
0x246: {  	v0 =	vld [tilespmem:s26+$0x0];
	_ =	sdelay $0x4  }
0x247: {  	v0 =	vshll.u32 v0, $0x4  }
0x248: {  	(v2sf) =	vpush v0, $0x2  }
0x249: {  	(v2sf) =	vpush v0, $0x0  }
0x24a: {  	(v2sf) =	vpush v0, $0x1  }
0x24b: {  	(v2sf) =	vpush v0, $0x3;
	_ =	sdelay $0x1  }
0x24c: {  	(v2sf) =	vpush v0, $0x4;
	_ =	sdelay $0x1  }
0x24d: {  	(v2sf) =	vpush v0, $0x5;
	_ =	sdelay $0x3  }
0x24e: {  	(v2sf) =	vpush v0, $0x6;
	_ =	sdelay $0x2  }
0x24f: {  	s2 =	sadd.s32 $0x280, s23;
	s5 =	sadd.s32 $0x480, s23;
	s7 =	sadd.s32 $0x200, s23  }
0x250: {  	s18 =	sadd.s32 $0x300, s23;
	s25 =	sadd.s32 $0x380, s23;
	s17 =	spop (v2sf);
	(v2sf) =	vpush v0, $0x7  }
0x251: {  	s8 =	sadd.s32 $0x500, s23;
	s10 =	sadd.s32 $0x700, s23;
	s4 =	spop (v2sf)  }
0x252: {  	s13 =	sadd.s32 $0x680, s23;
	(v2sf) =	vpush v0, $0x8;
	s4 =	sand.u32 $0x1FFFFFF0, s4;
	s6 =	spop (v2sf)  }
0x253: {  	(v2sf) =	vpush v0, $0x9;
	s4 =	sadd.s32 s1, s4;
	s6 =	sand.u32 $0x1FFFFFF0, s6;
	s24 =	spop (v2sf)  }
0x254: {  	[tilespmem:s7], [sflag:$0x1] =	stream.linear.gather [hbm4b:s4+s3], $0x80, $0x38;
	[tilespmem:$0x10200] =	vst v63  }
0x255: {  	s0 =	sand.u32 $0x1FFFFFF0, s17;
	(v2sf) =	vpush v0, $0xA;
	s6 =	sadd.s32 s1, s6;
	s29 =	spop (v2sf)  }
0x256: {  	(v2sf) =	vpush v0, $0xB;
	[tilespmem:s2], [sflag:$0x1] =	stream.linear.gather [hbm4b:s6+s3], $0x80, $0x38;
	[tilespmem:$0x10200] =	vst v63  }
0x257: {  	s0 =	sadd.s32 s1, s0;
	s26 =	sand.u32 $0x1FFFFFF0, s24;
	s31 =	spop (v2sf)  }
0x258: {  	(v2sf) =	vpush v0, $0xC;
	[tilespmem:s18], [sflag:$0x1] =	stream.linear.gather [hbm4b:s0+s3], $0x80, $0x38;
	[tilespmem:$0x10200] =	vst v63  }
0x259: {  	s6 =	sand.u32 $0x1FFFFFF0, s29;
	s2 =	sadd.s32 s1, s26;
	s7 =	sand.u32 $0x1FFFFFF0, s31  }
0x25a: {  	(v2sf) =	vpush v0, $0xD;
	[tilespmem:s25], [sflag:$0x1] =	stream.linear.gather [hbm4b:s2+s3], $0x80, $0x38;
	[tilespmem:$0x10200] =	vst v63  }
0x25b: {  	s9 =	spop (v2sf);
	s6 =	sadd.s32 s1, s6;
	s2 =	sadd.s32 $0x400, s23  }
0x25c: {  	(v2sf) =	vpush v0, $0xE;
	[tilespmem:s2], [sflag:$0x1] =	stream.linear.gather [hbm4b:s6+s3], $0x80, $0x38;
	[tilespmem:$0x10200] =	vst v63  }
0x25d: {  	s14 =	sadd.s32 $0x580, s23;
	s11 =	sand.u32 $0x1FFFFFF0, s9;
	s2 =	sadd.s32 s1, s7  }
0x25e: {  	[tilespmem:s5], [sflag:$0x1] =	stream.linear.gather [hbm4b:s2+s3], $0x80, $0x38;
	[tilespmem:$0x10200] =	vst v63  }
0x25f: {  	p1 =	por p1, p1;
	s5 =	sadd.s32 s1, s11;
	s12 =	spop (v2sf)  }
0x260: {  	(v2sf) =	vpush v0, $0xF;
	[tilespmem:s8], [sflag:$0x1] =	stream.linear.gather [hbm4b:s5+s3], $0x80, $0x38;
	[tilespmem:$0x10200] =	vst v63  }
0x261: {  	s4 =	sadd.s32 $0x600, s23;
	s6 =	sand.u32 $0x1FFFFFF0, s12;
	s15 =	spop (v2sf)  }
0x262: {  	s26 =	sadd.s32 $0x800, s23;
	s6 =	sadd.s32 s1, s6;
	s17 =	spop (v2sf)  }
0x263: {  	[tilespmem:s14], [sflag:$0x1] =	stream.linear.gather [hbm4b:s6+s3], $0x80, $0x38;
	[tilespmem:$0x10200] =	vst v63  }
0x264: {  	s31 =	sadd.s32 $0x780, s23;
	s16 =	sand.u32 $0x1FFFFFF0, s15;
	s18 =	spop (v2sf)  }
0x265: {  	s5 =	sand.u32 $0x1FFFFFF0, s17;
	s0 =	sadd.s32 s1, s16;
	s25 =	spop (v2sf)  }
0x266: {  	[tilespmem:s4], [sflag:$0x1] =	stream.linear.gather [hbm4b:s0+s3], $0x80, $0x38;
	[tilespmem:$0x10200] =	vst v63  }
0x267: {  	s24 =	sand.u32 $0x1FFFFFF0, s18;
	s5 =	sadd.s32 s1, s5;
	s29 =	spop (v2sf)  }
0x268: {  	[tilespmem:s13], [sflag:$0x1] =	stream.linear.gather [hbm4b:s5+s3], $0x80, $0x38;
	[tilespmem:$0x10200] =	vst v63  }
0x269: {  	s0 =	sadd.s32 s1, s24;
	s4 =	sand.u32 $0x1FFFFFF0, s25;
	s7 =	spop (v2sf)  }
0x26a: {  	[tilespmem:s10], [sflag:$0x1] =	stream.linear.gather [hbm4b:s0+s3], $0x80, $0x38;
	[tilespmem:$0x10200] =	vst v63  }
0x26b: {  	s6 =	sand.u32 $0x1FFFFFF0, s29;
	s2 =	sadd.s32 s1, s4;
	s8 =	spop (v2sf)  }
0x26c: {  	[tilespmem:s31], [sflag:$0x1] =	stream.linear.gather [hbm4b:s2+s3], $0x80, $0x38;
	[tilespmem:$0x10200] =	vst v63  }
0x26d: {  	s9 =	sand.u32 $0x1FFFFFF0, s7;
	s13 =	sadd.s32 $0x880, s23;
	s10 =	sadd.s32 s1, s6  }
0x26e: {  	[tilespmem:s26], [sflag:$0x1] =	stream.linear.gather [hbm4b:s10+s3], $0x80, $0x38;
	[tilespmem:$0x10200] =	vst v63  }
0x26f: {  	s11 =	sand.u32 $0x1FFFFFF0, s8;
	s0 =	sadd.s32 s1, s9;
	s12 =	spop (v2sf)  }
0x270: {  	[tilespmem:s13], [sflag:$0x1] =	stream.linear.gather [hbm4b:s0+s3], $0x80, $0x38;
	[tilespmem:$0x10200] =	vst v63  }
0x271: {  	s14 =	sadd.s32 $0x900, s23;
	s4 =	sadd.s32 s1, s11;
	s2 =	sand.u32 $0x1FFFFFF0, s12  }
0x272: {  	[tilespmem:s14], [sflag:$0x1] =	stream.linear.gather [hbm4b:s4+s3], $0x80, $0x38;
	[tilespmem:$0x10200] =	vst v63  }
0x273: {  	s15 =	sadd.s32 $0x980, s23;
	s4 =	simm.s32 @!p1 $0x1;
	s2 =	sadd.s32 s1, s2  }
0x274: {  	[tilespmem:s15], [sflag:$0x1] =	stream.linear.gather [hbm4b:s2+s3], $0x80, $0x38;
	[tilespmem:$0x10200] =	vst v63  }
0x275: {  	_ =	swait.ge @!p1 [sflag:s4], $0x800  }
0x276: {  	[sflag:s4] =	ssyncset.done @!p1 $0x0  }
0x277: {  	[sflag:s4] =	ssyncadd.s32 @!p1 $0xFFFFF800  }
0x278: {  	_ =	swait.ge [sflag:s20], $0x800  }
0x279: {  	[sflag:s20] =	ssyncset.done $0x0  }
0x27a: {  	[sflag:s20] =	ssyncadd.s32 $0xFFFFF800  }
0x27b: {  	_ =	swait.ge [sflag:s20], $0x800  }
0x27c: {  	[sflag:s20] =	ssyncset.done $0x0  }
0x27d: {  	[sflag:s20] =	ssyncadd.s32 $0xFFFFF800  }
0x27e: {  	_ =	swait.ge [sflag:s20], $0x800  }
0x27f: {  	[sflag:s20] =	ssyncset.done $0x0  }
0x280: {  	[sflag:s20] =	ssyncadd.s32 $0xFFFFF800  }
0x281: {  	_ =	swait.ge [sflag:s20], $0x800  }
0x282: {  	[sflag:s20] =	ssyncset.done $0x0  }
0x283: {  	s16 =	simm.s32 $0x0;
	s17 =	rddreg [dreg:$0x8];
	[sflag:s20] =	ssyncadd.s32 $0xFFFFF800  }
0x284: {  	[hbm4b:s17+s16] =	stream.linear.scatter [tilespmem:s21], [sflag:$0x2], $0x10000, $0x38;
	[tilespmem:$0x10200] =	vst v63  }
0x285: {  	_ =	swait.ge [sflag:s19], $0x10000  }
0x286: {  	[sflag:s19] =	ssyncset.done $0x0  }
0x287: {  	s18 =	rddreg [dreg:$0x9];
	[sflag:s19] =	ssyncadd.s32 $0xFFFF0000  }
0x288: {  	[tilespmem:s16], [sflag:$0x2] =	stream.linear.gather [hbm4b:s18+s16], $0x200, $0x38;
	[tilespmem:$0x10200] =	vst v63  }
0x289: {  	_ =	swait.ge [sflag:s19], $0x200  }
0x28a: {  	[sflag:s19] =	ssyncset.done $0x0  }
0x28b: {  	[sflag:s19] =	ssyncadd.s32 $0xFFFFFE00  }
0x28c: {  	v63 =	vld [tilespmem:s16+$0x0];
	_ =	sdelay $0x4  }
0x28d: {  	v0 =	vshll.u32 v63, $0x4  }
0x28e: {  	(v2sf) =	vpush v0, $0x2  }
0x28f: {  	(v2sf) =	vpush v0, $0x0;
	_ =	sdelay $0x1  }
0x290: {  	(v2sf) =	vpush v0, $0x1  }
0x291: {  	(v2sf) =	vpush v0, $0x3;
	_ =	sdelay $0x1  }
0x292: {  	(v2sf) =	vpush v0, $0x4;
	_ =	sdelay $0x1  }
0x293: {  	(v2sf) =	vpush v0, $0x5;
	_ =	sdelay $0x1  }
0x294: {  	(v2sf) =	vpush v0, $0x6  }
0x295: {  	p6 =	por $0x1, $0x1;
	p3 =	por $0x1, $0x1  }
0x296: {  	s28 =	simm.s32 $0x2;
	s24 =	simm.s32 $0x4000;
	s7 =	simm.s32 $0x480;
	(v2sf) =	vpush v0, $0x7  }
0x297: {  	s8 =	simm.s32 $0x300;
	s11 =	simm.s32 $0x380;
	s31 =	simm.s32 $0x200  }
0x298: {  	s26 =	simm.s32 $0x280;
	s13 =	simm.s32 $0x400;
	p1 =	por p6, p6  }
0x299: {  	s15 =	simm.s32 $0x600;
	p2 =	por p1, p1;
	s23 =	spop (v2sf)  }
0x29a: {  	p1 =	por p3, p3;
	s30 =	simm.s32 @!p2 $0x1;
	s25 =	spop (v2sf)  }
0x29b: {  	s18 =	simm.s32 $0x500;
	(v2sf) =	vpush v0, $0x8;
	s0 =	sand.u32 $0x1FFFFFF0, s23;
	s2 =	sand.u32 $0x1FFFFFF0, s25  }
0x29c: {  	s29 =	spop (v2sf);
	s25 =	simm.s32 $0x980;
	s0 =	sadd.s32 s1, s0  }
0x29d: {  	(v2sf) =	vpush v0, $0x9;
	s2 =	sadd.s32 s1, s2;
	s5 =	sand.u32 $0x1FFFFFF0, s29;
	s9 =	spop (v2sf)  }
0x29e: {  	[tilespmem:s31], [sflag:$0x1] =	stream.linear.gather [hbm4b:s2+s3], $0x80, $0x38;
	[tilespmem:$0x10200] =	vst v63  }
0x29f: {  	(v2sf) =	vpush v0, $0xA;
	s5 =	sadd.s32 s1, s5;
	s10 =	spop (v2sf);
	s31 =	simm.s32 $0x580  }
0x2a0: {  	[tilespmem:s26], [sflag:$0x1] =	stream.linear.gather [hbm4b:s5+s3], $0x80, $0x38;
	[tilespmem:$0x10200] =	vst v63  }
0x2a1: {  	(v2sf) =	vpush v0, $0xB;
	s12 =	sand.u32 $0x1FFFFFF0, s10;
	s14 =	spop (v2sf);
	s5 =	sand.u32 $0x1FFFFFF0, s9  }
0x2a2: {  	[tilespmem:s8], [sflag:$0x1] =	stream.linear.gather [hbm4b:s0+s3], $0x80, $0x38;
	[tilespmem:$0x10200] =	vst v63  }
0x2a3: {  	(v2sf) =	vpush v0, $0xC;
	s4 =	sadd.s32 s1, s12;
	s17 =	spop (v2sf);
	s5 =	sadd.s32 s1, s5  }
0x2a4: {  	[tilespmem:s11], [sflag:$0x1] =	stream.linear.gather [hbm4b:s5+s3], $0x80, $0x38;
	[tilespmem:$0x10200] =	vst v63  }
0x2a5: {  	(v2sf) =	vpush v0, $0xD;
	s16 =	sand.u32 $0x1FFFFFF0, s14;
	s26 =	simm.s32 $0x700;
	s23 =	spop (v2sf)  }
0x2a6: {  	[tilespmem:s13], [sflag:$0x1] =	stream.linear.gather [hbm4b:s4+s3], $0x80, $0x38;
	[tilespmem:$0x10200] =	vst v63  }
0x2a7: {  	(v2sf) =	vpush v0, $0xE;
	s5 =	sand.u32 $0x1FFFFFF0, s17;
	s11 =	simm.s32 $0x800;
	s4 =	sadd.s32 s1, s16  }
0x2a8: {  	[tilespmem:s7], [sflag:$0x1] =	stream.linear.gather [hbm4b:s4+s3], $0x80, $0x38;
	[tilespmem:$0x10200] =	vst v63  }
0x2a9: {  	(v2sf) =	vpush v0, $0xF;
	s5 =	sadd.s32 s1, s5;
	s13 =	simm.s32 $0x780;
	s4 =	sand.u32 $0x1FFFFFF0, s23  }
0x2aa: {  	s7 =	simm.s32 $0x680;
	s23 =	simm.s32 $0x880;
	s29 =	spop (v2sf)  }
0x2ab: {  	[tilespmem:s18], [sflag:$0x1] =	stream.linear.gather [hbm4b:s5+s3], $0x80, $0x38;
	[tilespmem:$0x10200] =	vst v63  }
0x2ac: {  	s4 =	sadd.s32 s1, s4;
	s5 =	sand.u32 $0x1FFFFFF0, s29;
	s8 =	spop (v2sf)  }
0x2ad: {  	[tilespmem:s31], [sflag:$0x1] =	stream.linear.gather [hbm4b:s4+s3], $0x80, $0x38;
	[tilespmem:$0x10200] =	vst v63  }
0x2ae: {  	s5 =	sadd.s32 s1, s5;
	s9 =	sand.u32 $0x1FFFFFF0, s8;
	s10 =	spop (v2sf)  }
0x2af: {  	[tilespmem:s15], [sflag:$0x1] =	stream.linear.gather [hbm4b:s5+s3], $0x80, $0x38;
	[tilespmem:$0x10200] =	vst v63  }
0x2b0: {  	s0 =	sadd.s32 s1, s9;
	s12 =	spop (v2sf);
	s5 =	sand.u32 $0x1FFFFFF0, s10  }
0x2b1: {  	[tilespmem:s7], [sflag:$0x1] =	stream.linear.gather [hbm4b:s0+s3], $0x80, $0x38;
	[tilespmem:$0x10200] =	vst v63  }
0x2b2: {  	s4 =	sand.u32 $0x1FFFFFF0, s12;
	s14 =	spop (v2sf);
	s5 =	sadd.s32 s1, s5  }
0x2b3: {  	[tilespmem:s26], [sflag:$0x1] =	stream.linear.gather [hbm4b:s5+s3], $0x80, $0x38;
	[tilespmem:$0x10200] =	vst v63  }
0x2b4: {  	s15 =	spop (v2sf);
	s4 =	sadd.s32 s1, s4;
	s5 =	sand.u32 $0x1FFFFFF0, s14  }
0x2b5: {  	[tilespmem:s13], [sflag:$0x1] =	stream.linear.gather [hbm4b:s4+s3], $0x80, $0x38;
	[tilespmem:$0x10200] =	vst v63  }
0x2b6: {  	s16 =	sand.u32 $0x1FFFFFF0, s15;
	s17 =	spop (v2sf);
	s5 =	sadd.s32 s1, s5  }
0x2b7: {  	[tilespmem:s11], [sflag:$0x1] =	stream.linear.gather [hbm4b:s5+s3], $0x80, $0x38;
	[tilespmem:$0x10200] =	vst v63  }
0x2b8: {  	s18 =	sand.u32 $0x1FFFFFF0, s17;
	s2 =	sadd.s32 s1, s16;
	s29 =	spop (v2sf)  }
0x2b9: {  	[tilespmem:s23], [sflag:$0x1] =	stream.linear.gather [hbm4b:s2+s3], $0x80, $0x38;
	[tilespmem:$0x10200] =	vst v63  }
0x2ba: {  	s0 =	sadd.s32 s1, s18;
	s31 =	sand.u32 $0x1FFFFFF0, s29;
	s26 =	simm.s32 $0x900  }
0x2bb: {  	[tilespmem:s26], [sflag:$0x1] =	stream.linear.gather [hbm4b:s0+s3], $0x80, $0x38;
	[tilespmem:$0x10200] =	vst v63  }
0x2bc: {  	s23 =	simm.s32 $0x800;
	s26 =	simm.s32 $0x10;
	s0 =	sadd.s32 s1, s31  }
.LBB2_8:
0x2bd: {  	s8 =	sadd.s32 $0x280, s23  }
0x2be: {  	s4 =	sadd.s32 $0x980, s23;
	s29 =	smov.u32 s24;
	s24 =	sadd.s32 $0x2000, s24  }
0x2bf: {  	[tilespmem:s25], [sflag:$0x1] =	stream.linear.gather [hbm4b:s0+s3], $0x80, $0x38;
	[tilespmem:$0x10200] =	vst v63  }
0x2c0: {  	s16 =	sadd.s32 $0x480, s23;
	s31 =	sadd.s32 $0x600, s23;
	_ =	swait.ge @!p2 [sflag:s30], $0x800  }
0x2c1: {  	s11 =	sadd.s32 $0x200, s23;
	s6 =	sadd.s32 $0x400, s23;
	[sflag:s30] =	ssyncset.done @!p2 $0x0  }
0x2c2: {  	p4 =	slt.u32 s28, $0x4;
	s17 =	sadd.s32 $0x500, s23;
	[sflag:s30] =	ssyncadd.s32 @!p2 $0xFFFFF800  }
0x2c3: {  	s9 =	sadd.s32 $0x300, s23;
	p3 =	sne.s32 s24, $0x40000;
	s0 =	sadd.s32 $0x700, s23;
	v0 =	vld [tilespmem:s26+$0x0]  }
0x2c4: {  	s2 =	sadd.s32 $0x680, s23;
	s25 =	smov.u32 s4;
	p2 =	por p1, p1  }
0x2c5: {  	p1 =	por p4, p4;
	_ =	sdelay $0x1  }
0x2c6: {  	s10 =	sadd.s32 $0x380, s23  }
0x2c7: {  	v0 =	vshll.u32 v0, $0x4  }
0x2c8: {  	(v2sf) =	vpush v0, $0x2  }
0x2c9: {  	(v2sf) =	vpush v0, $0x0  }
0x2ca: {  	(v2sf) =	vpush v0, $0x1  }
0x2cb: {  	(v2sf) =	vpush v0, $0x3;
	_ =	sdelay $0x1  }
0x2cc: {  	(v2sf) =	vpush v0, $0x4;
	_ =	sdelay $0x1  }
0x2cd: {  	(v2sf) =	vpush v0, $0x5;
	_ =	sdelay $0x1  }
0x2ce: {  	(v2sf) =	vpush v0, $0x6;
	_ =	sdelay $0x1  }
0x2cf: {  	(v2sf) =	vpush v0, $0x7;
	_ =	sdelay $0x1  }
0x2d0: {  	s4 =	sadd.s32 $0x800, s23;
	(v2sf) =	vpush v0, $0x8  }
0x2d1: {  	s7 =	sadd.s32 $0x780, s23;
	s26 =	sadd.s32 $0x10, s26  }
0x2d2: {  	s28 =	sadd.s32 $0x1, s28;
	s30 =	simm.s32 @!p2 $0x1;
	s5 =	spop (v2sf);
	(v2sf) =	vpush v0, $0x9  }
0x2d3: {  	s12 =	sand.u32 $0x1FFFFFF0, s5;
	s5 =	sadd.s32 $0x900, s23;
	s13 =	spop (v2sf)  }
0x2d4: {  	s14 =	sadd.s32 $0x580, s23;
	s13 =	sand.u32 $0x1FFFFFF0, s13;
	s15 =	spop (v2sf);
	(v2sf) =	vpush v0, $0xA  }
0x2d5: {  	s13 =	sadd.s32 s1, s13;
	s15 =	sand.u32 $0x1FFFFFF0, s15;
	s18 =	spop (v2sf)  }
0x2d6: {  	[tilespmem:s11], [sflag:$0x1] =	stream.linear.gather [hbm4b:s13+s3], $0x80, $0x38;
	(v2sf) =	vpush v0, $0xB;
	[tilespmem:$0x10200] =	vst v63  }
0x2d7: {  	s11 =	sadd.s32 s1, s15;
	s13 =	sand.u32 $0x1FFFFFF0, s18;
	s15 =	spop (v2sf)  }
0x2d8: {  	[tilespmem:s8], [sflag:$0x1] =	stream.linear.gather [hbm4b:s11+s3], $0x80, $0x38;
	(v2sf) =	vpush v0, $0xC;
	[tilespmem:$0x10200] =	vst v63  }
0x2d9: {  	s8 =	sadd.s32 s1, s12;
	s11 =	sand.u32 $0x1FFFFFF0, s15;
	s12 =	spop (v2sf)  }
0x2da: {  	[tilespmem:s9], [sflag:$0x1] =	stream.linear.gather [hbm4b:s8+s3], $0x80, $0x38;
	(v2sf) =	vpush v0, $0xD;
	[tilespmem:$0x10200] =	vst v63  }
0x2db: {  	s8 =	sadd.s32 s1, s13;
	s9 =	sand.u32 $0x1FFFFFF0, s12;
	s12 =	spop (v2sf)  }
0x2dc: {  	[tilespmem:s10], [sflag:$0x1] =	stream.linear.gather [hbm4b:s8+s3], $0x80, $0x38;
	(v2sf) =	vpush v0, $0xE;
	[tilespmem:$0x10200] =	vst v63  }
0x2dd: {  	s8 =	sadd.s32 s1, s11;
	s10 =	sand.u32 $0x1FFFFFF0, s12;
	s11 =	spop (v2sf)  }
0x2de: {  	[tilespmem:s6], [sflag:$0x1] =	stream.linear.gather [hbm4b:s8+s3], $0x80, $0x38;
	(v2sf) =	vpush v0, $0xF;
	[tilespmem:$0x10200] =	vst v63  }
0x2df: {  	s6 =	sadd.s32 s1, s9;
	s8 =	sand.u32 $0x1FFFFFF0, s11;
	s9 =	spop (v2sf)  }
0x2e0: {  	[tilespmem:s16], [sflag:$0x1] =	stream.linear.gather [hbm4b:s6+s3], $0x80, $0x38;
	[tilespmem:$0x10200] =	vst v63  }
0x2e1: {  	s6 =	sadd.s32 s1, s10;
	s9 =	sand.u32 $0x1FFFFFF0, s9;
	s10 =	spop (v2sf)  }
0x2e2: {  	[tilespmem:s17], [sflag:$0x1] =	stream.linear.gather [hbm4b:s6+s3], $0x80, $0x38;
	[tilespmem:$0x10200] =	vst v63  }
0x2e3: {  	s6 =	sadd.s32 s1, s8;
	s8 =	sand.u32 $0x1FFFFFF0, s10;
	s10 =	spop (v2sf)  }
0x2e4: {  	[tilespmem:s14], [sflag:$0x1] =	stream.linear.gather [hbm4b:s6+s3], $0x80, $0x38;
	[tilespmem:$0x10200] =	vst v63  }
0x2e5: {  	s6 =	sadd.s32 s1, s9;
	s9 =	sand.u32 $0x1FFFFFF0, s10;
	s10 =	spop (v2sf)  }
0x2e6: {  	[tilespmem:s31], [sflag:$0x1] =	stream.linear.gather [hbm4b:s6+s3], $0x80, $0x38;
	[tilespmem:$0x10200] =	vst v63  }
0x2e7: {  	s6 =	sadd.s32 s1, s8;
	s8 =	sand.u32 $0x1FFFFFF0, s10;
	s10 =	spop (v2sf)  }
0x2e8: {  	[tilespmem:s2], [sflag:$0x1] =	stream.linear.gather [hbm4b:s6+s3], $0x80, $0x38;
	[tilespmem:$0x10200] =	vst v63  }
0x2e9: {  	s2 =	sadd.s32 s1, s9;
	s6 =	sand.u32 $0x1FFFFFF0, s10;
	s9 =	spop (v2sf)  }
0x2ea: {  	[tilespmem:s0], [sflag:$0x1] =	stream.linear.gather [hbm4b:s2+s3], $0x80, $0x38;
	[tilespmem:$0x10200] =	vst v63  }
0x2eb: {  	s0 =	sadd.s32 s1, s8;
	s2 =	sand.u32 $0x1FFFFFF0, s9;
	s8 =	spop (v2sf)  }
0x2ec: {  	[tilespmem:s7], [sflag:$0x1] =	stream.linear.gather [hbm4b:s0+s3], $0x80, $0x38;
	[tilespmem:$0x10200] =	vst v63  }
0x2ed: {  	s0 =	sadd.s32 s1, s6;
	s6 =	sand.u32 $0x1FFFFFF0, s8;
	s7 =	spop (v2sf)  }
0x2ee: {  	[tilespmem:s4], [sflag:$0x1] =	stream.linear.gather [hbm4b:s0+s3], $0x80, $0x38;
	[tilespmem:$0x10200] =	vst v63  }
.Ltmp5:
0x2ef: {  	_ = 	snop;
	(pc) =	sbr.rel @p3 .LBB2_8-.Ltmp5, $4  }
0x2f0: {  	s2 =	sadd.s32 s1, s2;
	s0 =	sadd.s32 $0x880, s23;
	s4 =	sand.u32 $0x1FFFFFF0, s7  }
0x2f1: {  	[tilespmem:s0], [sflag:$0x1] =	stream.linear.gather [hbm4b:s2+s3], $0x80, $0x38;
	[tilespmem:$0x10200] =	vst v63  }
0x2f2: {  	s23 =	sshra.s32 s29, $0x2;
	s2 =	sadd.s32 s1, s6;
	s0 =	sadd.s32 s1, s4  }
0x2f3: {  	[tilespmem:s5], [sflag:$0x1] =	stream.linear.gather [hbm4b:s2+s3], $0x80, $0x38;
	[tilespmem:$0x10200] =	vst v63  }
0x2f4: {  	[tilespmem:s25], [sflag:$0x1] =	stream.linear.gather [hbm4b:s0+s3], $0x80, $0x38;
	[tilespmem:$0x10200] =	vst v63  }
0x2f5: {  	_ =	swait.ge @!p2 [sflag:s30], $0x800  }
0x2f6: {  	[sflag:s30] =	ssyncset.done @!p2 $0x0  }
0x2f7: {  	[sflag:s30] =	ssyncadd.s32 @!p2 $0xFFFFF800  }
0x2f8: {  	v0 =	vld [tilespmem:s26+$0x0];
	_ =	sdelay $0x4  }
0x2f9: {  	v0 =	vshll.u32 v0, $0x4  }
0x2fa: {  	(v2sf) =	vpush v0, $0x2  }
0x2fb: {  	(v2sf) =	vpush v0, $0x0  }
0x2fc: {  	(v2sf) =	vpush v0, $0x1  }
0x2fd: {  	(v2sf) =	vpush v0, $0x3;
	_ =	sdelay $0x1  }
0x2fe: {  	(v2sf) =	vpush v0, $0x4;
	_ =	sdelay $0x1  }
0x2ff: {  	(v2sf) =	vpush v0, $0x5;
	_ =	sdelay $0x3  }
0x300: {  	(v2sf) =	vpush v0, $0x6;
	_ =	sdelay $0x2  }
0x301: {  	s2 =	sadd.s32 $0x280, s23;
	s5 =	sadd.s32 $0x480, s23;
	s7 =	sadd.s32 $0x200, s23  }
0x302: {  	s18 =	sadd.s32 $0x300, s23;
	s25 =	sadd.s32 $0x380, s23;
	s17 =	spop (v2sf);
	(v2sf) =	vpush v0, $0x7  }
0x303: {  	s8 =	sadd.s32 $0x500, s23;
	s10 =	sadd.s32 $0x700, s23;
	s4 =	spop (v2sf)  }
0x304: {  	s13 =	sadd.s32 $0x680, s23;
	(v2sf) =	vpush v0, $0x8;
	s4 =	sand.u32 $0x1FFFFFF0, s4;
	s6 =	spop (v2sf)  }
0x305: {  	(v2sf) =	vpush v0, $0x9;
	s4 =	sadd.s32 s1, s4;
	s6 =	sand.u32 $0x1FFFFFF0, s6;
	s24 =	spop (v2sf)  }
0x306: {  	[tilespmem:s7], [sflag:$0x1] =	stream.linear.gather [hbm4b:s4+s3], $0x80, $0x38;
	[tilespmem:$0x10200] =	vst v63  }
0x307: {  	s0 =	sand.u32 $0x1FFFFFF0, s17;
	(v2sf) =	vpush v0, $0xA;
	s6 =	sadd.s32 s1, s6;
	s29 =	spop (v2sf)  }
0x308: {  	(v2sf) =	vpush v0, $0xB;
	[tilespmem:s2], [sflag:$0x1] =	stream.linear.gather [hbm4b:s6+s3], $0x80, $0x38;
	[tilespmem:$0x10200] =	vst v63  }
0x309: {  	s0 =	sadd.s32 s1, s0;
	s26 =	sand.u32 $0x1FFFFFF0, s24;
	s31 =	spop (v2sf)  }
0x30a: {  	(v2sf) =	vpush v0, $0xC;
	[tilespmem:s18], [sflag:$0x1] =	stream.linear.gather [hbm4b:s0+s3], $0x80, $0x38;
	[tilespmem:$0x10200] =	vst v63  }
0x30b: {  	s6 =	sand.u32 $0x1FFFFFF0, s29;
	s2 =	sadd.s32 s1, s26;
	s7 =	sand.u32 $0x1FFFFFF0, s31  }
0x30c: {  	(v2sf) =	vpush v0, $0xD;
	[tilespmem:s25], [sflag:$0x1] =	stream.linear.gather [hbm4b:s2+s3], $0x80, $0x38;
	[tilespmem:$0x10200] =	vst v63  }
0x30d: {  	s9 =	spop (v2sf);
	s6 =	sadd.s32 s1, s6;
	s2 =	sadd.s32 $0x400, s23  }
0x30e: {  	(v2sf) =	vpush v0, $0xE;
	[tilespmem:s2], [sflag:$0x1] =	stream.linear.gather [hbm4b:s6+s3], $0x80, $0x38;
	[tilespmem:$0x10200] =	vst v63  }
0x30f: {  	s14 =	sadd.s32 $0x580, s23;
	s11 =	sand.u32 $0x1FFFFFF0, s9;
	s2 =	sadd.s32 s1, s7  }
0x310: {  	[tilespmem:s5], [sflag:$0x1] =	stream.linear.gather [hbm4b:s2+s3], $0x80, $0x38;
	[tilespmem:$0x10200] =	vst v63  }
0x311: {  	p1 =	por p1, p1;
	s5 =	sadd.s32 s1, s11;
	s12 =	spop (v2sf)  }
0x312: {  	(v2sf) =	vpush v0, $0xF;
	[tilespmem:s8], [sflag:$0x1] =	stream.linear.gather [hbm4b:s5+s3], $0x80, $0x38;
	[tilespmem:$0x10200] =	vst v63  }
0x313: {  	s4 =	sadd.s32 $0x600, s23;
	s6 =	sand.u32 $0x1FFFFFF0, s12;
	s15 =	spop (v2sf)  }
0x314: {  	s26 =	sadd.s32 $0x800, s23;
	s6 =	sadd.s32 s1, s6;
	s17 =	spop (v2sf)  }
0x315: {  	[tilespmem:s14], [sflag:$0x1] =	stream.linear.gather [hbm4b:s6+s3], $0x80, $0x38;
	[tilespmem:$0x10200] =	vst v63  }
0x316: {  	s31 =	sadd.s32 $0x780, s23;
	s16 =	sand.u32 $0x1FFFFFF0, s15;
	s18 =	spop (v2sf)  }
0x317: {  	s5 =	sand.u32 $0x1FFFFFF0, s17;
	s0 =	sadd.s32 s1, s16;
	s25 =	spop (v2sf)  }
0x318: {  	[tilespmem:s4], [sflag:$0x1] =	stream.linear.gather [hbm4b:s0+s3], $0x80, $0x38;
	[tilespmem:$0x10200] =	vst v63  }
0x319: {  	s24 =	sand.u32 $0x1FFFFFF0, s18;
	s5 =	sadd.s32 s1, s5;
	s29 =	spop (v2sf)  }
0x31a: {  	[tilespmem:s13], [sflag:$0x1] =	stream.linear.gather [hbm4b:s5+s3], $0x80, $0x38;
	[tilespmem:$0x10200] =	vst v63  }
0x31b: {  	s0 =	sadd.s32 s1, s24;
	s4 =	sand.u32 $0x1FFFFFF0, s25;
	s7 =	spop (v2sf)  }
0x31c: {  	[tilespmem:s10], [sflag:$0x1] =	stream.linear.gather [hbm4b:s0+s3], $0x80, $0x38;
	[tilespmem:$0x10200] =	vst v63  }
0x31d: {  	s6 =	sand.u32 $0x1FFFFFF0, s29;
	s2 =	sadd.s32 s1, s4;
	s8 =	spop (v2sf)  }
0x31e: {  	[tilespmem:s31], [sflag:$0x1] =	stream.linear.gather [hbm4b:s2+s3], $0x80, $0x38;
	[tilespmem:$0x10200] =	vst v63  }
0x31f: {  	s9 =	sand.u32 $0x1FFFFFF0, s7;
	s13 =	sadd.s32 $0x880, s23;
	s10 =	sadd.s32 s1, s6  }
0x320: {  	[tilespmem:s26], [sflag:$0x1] =	stream.linear.gather [hbm4b:s10+s3], $0x80, $0x38;
	[tilespmem:$0x10200] =	vst v63  }
0x321: {  	s11 =	sand.u32 $0x1FFFFFF0, s8;
	s0 =	sadd.s32 s1, s9;
	s12 =	spop (v2sf)  }
0x322: {  	[tilespmem:s13], [sflag:$0x1] =	stream.linear.gather [hbm4b:s0+s3], $0x80, $0x38;
	[tilespmem:$0x10200] =	vst v63  }
0x323: {  	s14 =	sadd.s32 $0x900, s23;
	s4 =	sadd.s32 s1, s11;
	s2 =	sand.u32 $0x1FFFFFF0, s12  }
0x324: {  	[tilespmem:s14], [sflag:$0x1] =	stream.linear.gather [hbm4b:s4+s3], $0x80, $0x38;
	[tilespmem:$0x10200] =	vst v63  }
0x325: {  	s15 =	sadd.s32 $0x980, s23;
	s4 =	simm.s32 @!p1 $0x1;
	s2 =	sadd.s32 s1, s2  }
0x326: {  	[tilespmem:s15], [sflag:$0x1] =	stream.linear.gather [hbm4b:s2+s3], $0x80, $0x38;
	[tilespmem:$0x10200] =	vst v63  }
0x327: {  	_ =	swait.ge @!p1 [sflag:s4], $0x800  }
0x328: {  	[sflag:s4] =	ssyncset.done @!p1 $0x0  }
0x329: {  	[sflag:s4] =	ssyncadd.s32 @!p1 $0xFFFFF800  }
0x32a: {  	_ =	swait.ge [sflag:s20], $0x800  }
0x32b: {  	[sflag:s20] =	ssyncset.done $0x0  }
0x32c: {  	[sflag:s20] =	ssyncadd.s32 $0xFFFFF800  }
0x32d: {  	_ =	swait.ge [sflag:s20], $0x800  }
0x32e: {  	[sflag:s20] =	ssyncset.done $0x0  }
0x32f: {  	[sflag:s20] =	ssyncadd.s32 $0xFFFFF800  }
0x330: {  	_ =	swait.ge [sflag:s20], $0x800  }
0x331: {  	[sflag:s20] =	ssyncset.done $0x0  }
0x332: {  	[sflag:s20] =	ssyncadd.s32 $0xFFFFF800  }
0x333: {  	_ =	swait.ge [sflag:s20], $0x800  }
0x334: {  	[sflag:s20] =	ssyncset.done $0x0  }
0x335: {  	s16 =	simm.s32 $0x0;
	s17 =	rddreg [dreg:$0xa];
	[sflag:s20] =	ssyncadd.s32 $0xFFFFF800  }
0x336: {  	[hbm4b:s17+s16] =	stream.linear.scatter [tilespmem:s21], [sflag:$0x2], $0x10000, $0x38;
	[tilespmem:$0x10200] =	vst v63  }
0x337: {  	_ =	swait.ge [sflag:s19], $0x10000  }
0x338: {  	[sflag:s19] =	ssyncset.done $0x0  }
0x339: {  	s18 =	rddreg [dreg:$0xb];
	[sflag:s19] =	ssyncadd.s32 $0xFFFF0000  }
0x33a: {  	[tilespmem:s16], [sflag:$0x2] =	stream.linear.gather [hbm4b:s18+s16], $0x200, $0x38;
	[tilespmem:$0x10200] =	vst v63  }
0x33b: {  	_ =	swait.ge [sflag:s19], $0x200  }
0x33c: {  	[sflag:s19] =	ssyncset.done $0x0  }
0x33d: {  	[sflag:s19] =	ssyncadd.s32 $0xFFFFFE00  }
0x33e: {  	v63 =	vld [tilespmem:s16+$0x0];
	_ =	sdelay $0x4  }
0x33f: {  	v0 =	vshll.u32 v63, $0x4  }
0x340: {  	(v2sf) =	vpush v0, $0x2  }
0x341: {  	(v2sf) =	vpush v0, $0x0;
	_ =	sdelay $0x1  }
0x342: {  	(v2sf) =	vpush v0, $0x1  }
0x343: {  	(v2sf) =	vpush v0, $0x3;
	_ =	sdelay $0x1  }
0x344: {  	(v2sf) =	vpush v0, $0x4;
	_ =	sdelay $0x1  }
0x345: {  	(v2sf) =	vpush v0, $0x5;
	_ =	sdelay $0x1  }
0x346: {  	(v2sf) =	vpush v0, $0x6  }
0x347: {  	p6 =	por $0x1, $0x1;
	p3 =	por $0x1, $0x1  }
0x348: {  	s28 =	simm.s32 $0x2;
	s24 =	simm.s32 $0x4000;
	s7 =	simm.s32 $0x480;
	(v2sf) =	vpush v0, $0x7  }
0x349: {  	s8 =	simm.s32 $0x300;
	s11 =	simm.s32 $0x380;
	s31 =	simm.s32 $0x200  }
0x34a: {  	s26 =	simm.s32 $0x280;
	s13 =	simm.s32 $0x400;
	p1 =	por p6, p6  }
0x34b: {  	s15 =	simm.s32 $0x600;
	p2 =	por p1, p1;
	s23 =	spop (v2sf)  }
0x34c: {  	p1 =	por p3, p3;
	s30 =	simm.s32 @!p2 $0x1;
	s25 =	spop (v2sf)  }
0x34d: {  	s18 =	simm.s32 $0x500;
	(v2sf) =	vpush v0, $0x8;
	s0 =	sand.u32 $0x1FFFFFF0, s23;
	s2 =	sand.u32 $0x1FFFFFF0, s25  }
0x34e: {  	s29 =	spop (v2sf);
	s25 =	simm.s32 $0x980;
	s0 =	sadd.s32 s1, s0  }
0x34f: {  	(v2sf) =	vpush v0, $0x9;
	s2 =	sadd.s32 s1, s2;
	s5 =	sand.u32 $0x1FFFFFF0, s29;
	s9 =	spop (v2sf)  }
0x350: {  	[tilespmem:s31], [sflag:$0x1] =	stream.linear.gather [hbm4b:s2+s3], $0x80, $0x38;
	[tilespmem:$0x10200] =	vst v63  }
0x351: {  	(v2sf) =	vpush v0, $0xA;
	s5 =	sadd.s32 s1, s5;
	s10 =	spop (v2sf);
	s31 =	simm.s32 $0x580  }
0x352: {  	[tilespmem:s26], [sflag:$0x1] =	stream.linear.gather [hbm4b:s5+s3], $0x80, $0x38;
	[tilespmem:$0x10200] =	vst v63  }
0x353: {  	(v2sf) =	vpush v0, $0xB;
	s12 =	sand.u32 $0x1FFFFFF0, s10;
	s14 =	spop (v2sf);
	s5 =	sand.u32 $0x1FFFFFF0, s9  }
0x354: {  	[tilespmem:s8], [sflag:$0x1] =	stream.linear.gather [hbm4b:s0+s3], $0x80, $0x38;
	[tilespmem:$0x10200] =	vst v63  }
0x355: {  	(v2sf) =	vpush v0, $0xC;
	s4 =	sadd.s32 s1, s12;
	s17 =	spop (v2sf);
	s5 =	sadd.s32 s1, s5  }
0x356: {  	[tilespmem:s11], [sflag:$0x1] =	stream.linear.gather [hbm4b:s5+s3], $0x80, $0x38;
	[tilespmem:$0x10200] =	vst v63  }
0x357: {  	(v2sf) =	vpush v0, $0xD;
	s16 =	sand.u32 $0x1FFFFFF0, s14;
	s26 =	simm.s32 $0x700;
	s23 =	spop (v2sf)  }
0x358: {  	[tilespmem:s13], [sflag:$0x1] =	stream.linear.gather [hbm4b:s4+s3], $0x80, $0x38;
	[tilespmem:$0x10200] =	vst v63  }
0x359: {  	(v2sf) =	vpush v0, $0xE;
	s5 =	sand.u32 $0x1FFFFFF0, s17;
	s11 =	simm.s32 $0x800;
	s4 =	sadd.s32 s1, s16  }
0x35a: {  	[tilespmem:s7], [sflag:$0x1] =	stream.linear.gather [hbm4b:s4+s3], $0x80, $0x38;
	[tilespmem:$0x10200] =	vst v63  }
0x35b: {  	(v2sf) =	vpush v0, $0xF;
	s5 =	sadd.s32 s1, s5;
	s13 =	simm.s32 $0x780;
	s4 =	sand.u32 $0x1FFFFFF0, s23  }
0x35c: {  	s7 =	simm.s32 $0x680;
	s23 =	simm.s32 $0x880;
	s29 =	spop (v2sf)  }
0x35d: {  	[tilespmem:s18], [sflag:$0x1] =	stream.linear.gather [hbm4b:s5+s3], $0x80, $0x38;
	[tilespmem:$0x10200] =	vst v63  }
0x35e: {  	s4 =	sadd.s32 s1, s4;
	s5 =	sand.u32 $0x1FFFFFF0, s29;
	s8 =	spop (v2sf)  }
0x35f: {  	[tilespmem:s31], [sflag:$0x1] =	stream.linear.gather [hbm4b:s4+s3], $0x80, $0x38;
	[tilespmem:$0x10200] =	vst v63  }
0x360: {  	s5 =	sadd.s32 s1, s5;
	s9 =	sand.u32 $0x1FFFFFF0, s8;
	s10 =	spop (v2sf)  }
0x361: {  	[tilespmem:s15], [sflag:$0x1] =	stream.linear.gather [hbm4b:s5+s3], $0x80, $0x38;
	[tilespmem:$0x10200] =	vst v63  }
0x362: {  	s0 =	sadd.s32 s1, s9;
	s12 =	spop (v2sf);
	s5 =	sand.u32 $0x1FFFFFF0, s10  }
0x363: {  	[tilespmem:s7], [sflag:$0x1] =	stream.linear.gather [hbm4b:s0+s3], $0x80, $0x38;
	[tilespmem:$0x10200] =	vst v63  }
0x364: {  	s4 =	sand.u32 $0x1FFFFFF0, s12;
	s14 =	spop (v2sf);
	s5 =	sadd.s32 s1, s5  }
0x365: {  	[tilespmem:s26], [sflag:$0x1] =	stream.linear.gather [hbm4b:s5+s3], $0x80, $0x38;
	[tilespmem:$0x10200] =	vst v63  }
0x366: {  	s15 =	spop (v2sf);
	s4 =	sadd.s32 s1, s4;
	s5 =	sand.u32 $0x1FFFFFF0, s14  }
0x367: {  	[tilespmem:s13], [sflag:$0x1] =	stream.linear.gather [hbm4b:s4+s3], $0x80, $0x38;
	[tilespmem:$0x10200] =	vst v63  }
0x368: {  	s16 =	sand.u32 $0x1FFFFFF0, s15;
	s17 =	spop (v2sf);
	s5 =	sadd.s32 s1, s5  }
0x369: {  	[tilespmem:s11], [sflag:$0x1] =	stream.linear.gather [hbm4b:s5+s3], $0x80, $0x38;
	[tilespmem:$0x10200] =	vst v63  }
0x36a: {  	s18 =	sand.u32 $0x1FFFFFF0, s17;
	s2 =	sadd.s32 s1, s16;
	s29 =	spop (v2sf)  }
0x36b: {  	[tilespmem:s23], [sflag:$0x1] =	stream.linear.gather [hbm4b:s2+s3], $0x80, $0x38;
	[tilespmem:$0x10200] =	vst v63  }
0x36c: {  	s0 =	sadd.s32 s1, s18;
	s31 =	sand.u32 $0x1FFFFFF0, s29;
	s26 =	simm.s32 $0x900  }
0x36d: {  	[tilespmem:s26], [sflag:$0x1] =	stream.linear.gather [hbm4b:s0+s3], $0x80, $0x38;
	[tilespmem:$0x10200] =	vst v63  }
0x36e: {  	s23 =	simm.s32 $0x800;
	s26 =	simm.s32 $0x10;
	s0 =	sadd.s32 s1, s31  }
.LBB2_10:
0x36f: {  	s8 =	sadd.s32 $0x280, s23  }
0x370: {  	s4 =	sadd.s32 $0x980, s23;
	s29 =	smov.u32 s24;
	s24 =	sadd.s32 $0x2000, s24  }
0x371: {  	[tilespmem:s25], [sflag:$0x1] =	stream.linear.gather [hbm4b:s0+s3], $0x80, $0x38;
	[tilespmem:$0x10200] =	vst v63  }
0x372: {  	s16 =	sadd.s32 $0x480, s23;
	s31 =	sadd.s32 $0x600, s23;
	_ =	swait.ge @!p2 [sflag:s30], $0x800  }
0x373: {  	s11 =	sadd.s32 $0x200, s23;
	s6 =	sadd.s32 $0x400, s23;
	[sflag:s30] =	ssyncset.done @!p2 $0x0  }
0x374: {  	p4 =	slt.u32 s28, $0x4;
	s17 =	sadd.s32 $0x500, s23;
	[sflag:s30] =	ssyncadd.s32 @!p2 $0xFFFFF800  }
0x375: {  	s9 =	sadd.s32 $0x300, s23;
	p3 =	sne.s32 s24, $0x40000;
	s0 =	sadd.s32 $0x700, s23;
	v0 =	vld [tilespmem:s26+$0x0]  }
0x376: {  	s2 =	sadd.s32 $0x680, s23;
	s25 =	smov.u32 s4;
	p2 =	por p1, p1  }
0x377: {  	p1 =	por p4, p4;
	_ =	sdelay $0x1  }
0x378: {  	s10 =	sadd.s32 $0x380, s23  }
0x379: {  	v0 =	vshll.u32 v0, $0x4  }
0x37a: {  	(v2sf) =	vpush v0, $0x2  }
0x37b: {  	(v2sf) =	vpush v0, $0x0  }
0x37c: {  	(v2sf) =	vpush v0, $0x1  }
0x37d: {  	(v2sf) =	vpush v0, $0x3;
	_ =	sdelay $0x1  }
0x37e: {  	(v2sf) =	vpush v0, $0x4;
	_ =	sdelay $0x1  }
0x37f: {  	(v2sf) =	vpush v0, $0x5;
	_ =	sdelay $0x1  }
0x380: {  	(v2sf) =	vpush v0, $0x6;
	_ =	sdelay $0x1  }
0x381: {  	(v2sf) =	vpush v0, $0x7;
	_ =	sdelay $0x1  }
0x382: {  	s4 =	sadd.s32 $0x800, s23;
	(v2sf) =	vpush v0, $0x8  }
0x383: {  	s7 =	sadd.s32 $0x780, s23;
	s26 =	sadd.s32 $0x10, s26  }
0x384: {  	s28 =	sadd.s32 $0x1, s28;
	s30 =	simm.s32 @!p2 $0x1;
	s5 =	spop (v2sf);
	(v2sf) =	vpush v0, $0x9  }
0x385: {  	s12 =	sand.u32 $0x1FFFFFF0, s5;
	s5 =	sadd.s32 $0x900, s23;
	s13 =	spop (v2sf)  }
0x386: {  	s14 =	sadd.s32 $0x580, s23;
	s13 =	sand.u32 $0x1FFFFFF0, s13;
	s15 =	spop (v2sf);
	(v2sf) =	vpush v0, $0xA  }
0x387: {  	s13 =	sadd.s32 s1, s13;
	s15 =	sand.u32 $0x1FFFFFF0, s15;
	s18 =	spop (v2sf)  }
0x388: {  	[tilespmem:s11], [sflag:$0x1] =	stream.linear.gather [hbm4b:s13+s3], $0x80, $0x38;
	(v2sf) =	vpush v0, $0xB;
	[tilespmem:$0x10200] =	vst v63  }
0x389: {  	s11 =	sadd.s32 s1, s15;
	s13 =	sand.u32 $0x1FFFFFF0, s18;
	s15 =	spop (v2sf)  }
0x38a: {  	[tilespmem:s8], [sflag:$0x1] =	stream.linear.gather [hbm4b:s11+s3], $0x80, $0x38;
	(v2sf) =	vpush v0, $0xC;
	[tilespmem:$0x10200] =	vst v63  }
0x38b: {  	s8 =	sadd.s32 s1, s12;
	s11 =	sand.u32 $0x1FFFFFF0, s15;
	s12 =	spop (v2sf)  }
0x38c: {  	[tilespmem:s9], [sflag:$0x1] =	stream.linear.gather [hbm4b:s8+s3], $0x80, $0x38;
	(v2sf) =	vpush v0, $0xD;
	[tilespmem:$0x10200] =	vst v63  }
0x38d: {  	s8 =	sadd.s32 s1, s13;
	s9 =	sand.u32 $0x1FFFFFF0, s12;
	s12 =	spop (v2sf)  }
0x38e: {  	[tilespmem:s10], [sflag:$0x1] =	stream.linear.gather [hbm4b:s8+s3], $0x80, $0x38;
	(v2sf) =	vpush v0, $0xE;
	[tilespmem:$0x10200] =	vst v63  }
0x38f: {  	s8 =	sadd.s32 s1, s11;
	s10 =	sand.u32 $0x1FFFFFF0, s12;
	s11 =	spop (v2sf)  }
0x390: {  	[tilespmem:s6], [sflag:$0x1] =	stream.linear.gather [hbm4b:s8+s3], $0x80, $0x38;
	(v2sf) =	vpush v0, $0xF;
	[tilespmem:$0x10200] =	vst v63  }
0x391: {  	s6 =	sadd.s32 s1, s9;
	s8 =	sand.u32 $0x1FFFFFF0, s11;
	s9 =	spop (v2sf)  }
0x392: {  	[tilespmem:s16], [sflag:$0x1] =	stream.linear.gather [hbm4b:s6+s3], $0x80, $0x38;
	[tilespmem:$0x10200] =	vst v63  }
0x393: {  	s6 =	sadd.s32 s1, s10;
	s9 =	sand.u32 $0x1FFFFFF0, s9;
	s10 =	spop (v2sf)  }
0x394: {  	[tilespmem:s17], [sflag:$0x1] =	stream.linear.gather [hbm4b:s6+s3], $0x80, $0x38;
	[tilespmem:$0x10200] =	vst v63  }
0x395: {  	s6 =	sadd.s32 s1, s8;
	s8 =	sand.u32 $0x1FFFFFF0, s10;
	s10 =	spop (v2sf)  }
0x396: {  	[tilespmem:s14], [sflag:$0x1] =	stream.linear.gather [hbm4b:s6+s3], $0x80, $0x38;
	[tilespmem:$0x10200] =	vst v63  }
0x397: {  	s6 =	sadd.s32 s1, s9;
	s9 =	sand.u32 $0x1FFFFFF0, s10;
	s10 =	spop (v2sf)  }
0x398: {  	[tilespmem:s31], [sflag:$0x1] =	stream.linear.gather [hbm4b:s6+s3], $0x80, $0x38;
	[tilespmem:$0x10200] =	vst v63  }
0x399: {  	s6 =	sadd.s32 s1, s8;
	s8 =	sand.u32 $0x1FFFFFF0, s10;
	s10 =	spop (v2sf)  }
0x39a: {  	[tilespmem:s2], [sflag:$0x1] =	stream.linear.gather [hbm4b:s6+s3], $0x80, $0x38;
	[tilespmem:$0x10200] =	vst v63  }
0x39b: {  	s2 =	sadd.s32 s1, s9;
	s6 =	sand.u32 $0x1FFFFFF0, s10;
	s9 =	spop (v2sf)  }
0x39c: {  	[tilespmem:s0], [sflag:$0x1] =	stream.linear.gather [hbm4b:s2+s3], $0x80, $0x38;
	[tilespmem:$0x10200] =	vst v63  }
0x39d: {  	s0 =	sadd.s32 s1, s8;
	s2 =	sand.u32 $0x1FFFFFF0, s9;
	s8 =	spop (v2sf)  }
0x39e: {  	[tilespmem:s7], [sflag:$0x1] =	stream.linear.gather [hbm4b:s0+s3], $0x80, $0x38;
	[tilespmem:$0x10200] =	vst v63  }
0x39f: {  	s0 =	sadd.s32 s1, s6;
	s6 =	sand.u32 $0x1FFFFFF0, s8;
	s7 =	spop (v2sf)  }
0x3a0: {  	[tilespmem:s4], [sflag:$0x1] =	stream.linear.gather [hbm4b:s0+s3], $0x80, $0x38;
	[tilespmem:$0x10200] =	vst v63  }
.Ltmp6:
0x3a1: {  	_ = 	snop;
	(pc) =	sbr.rel @p3 .LBB2_10-.Ltmp6, $4  }
0x3a2: {  	s2 =	sadd.s32 s1, s2;
	s0 =	sadd.s32 $0x880, s23;
	s4 =	sand.u32 $0x1FFFFFF0, s7  }
0x3a3: {  	[tilespmem:s0], [sflag:$0x1] =	stream.linear.gather [hbm4b:s2+s3], $0x80, $0x38;
	[tilespmem:$0x10200] =	vst v63  }
0x3a4: {  	s23 =	sshra.s32 s29, $0x2;
	s2 =	sadd.s32 s1, s6;
	s0 =	sadd.s32 s1, s4  }
0x3a5: {  	[tilespmem:s5], [sflag:$0x1] =	stream.linear.gather [hbm4b:s2+s3], $0x80, $0x38;
	[tilespmem:$0x10200] =	vst v63  }
0x3a6: {  	[tilespmem:s25], [sflag:$0x1] =	stream.linear.gather [hbm4b:s0+s3], $0x80, $0x38;
	[tilespmem:$0x10200] =	vst v63  }
0x3a7: {  	_ =	swait.ge @!p2 [sflag:s30], $0x800  }
0x3a8: {  	[sflag:s30] =	ssyncset.done @!p2 $0x0  }
0x3a9: {  	[sflag:s30] =	ssyncadd.s32 @!p2 $0xFFFFF800  }
0x3aa: {  	v0 =	vld [tilespmem:s26+$0x0];
	_ =	sdelay $0x4  }
0x3ab: {  	v0 =	vshll.u32 v0, $0x4  }
0x3ac: {  	(v2sf) =	vpush v0, $0x2  }
0x3ad: {  	(v2sf) =	vpush v0, $0x0  }
0x3ae: {  	(v2sf) =	vpush v0, $0x1  }
0x3af: {  	(v2sf) =	vpush v0, $0x3;
	_ =	sdelay $0x1  }
0x3b0: {  	(v2sf) =	vpush v0, $0x4;
	_ =	sdelay $0x1  }
0x3b1: {  	(v2sf) =	vpush v0, $0x5;
	_ =	sdelay $0x3  }
0x3b2: {  	(v2sf) =	vpush v0, $0x6;
	_ =	sdelay $0x2  }
0x3b3: {  	s2 =	sadd.s32 $0x280, s23;
	s5 =	sadd.s32 $0x480, s23;
	s7 =	sadd.s32 $0x200, s23  }
0x3b4: {  	s18 =	sadd.s32 $0x300, s23;
	s25 =	sadd.s32 $0x380, s23;
	s17 =	spop (v2sf);
	(v2sf) =	vpush v0, $0x7  }
0x3b5: {  	s8 =	sadd.s32 $0x500, s23;
	s10 =	sadd.s32 $0x700, s23;
	s4 =	spop (v2sf)  }
0x3b6: {  	s13 =	sadd.s32 $0x680, s23;
	(v2sf) =	vpush v0, $0x8;
	s4 =	sand.u32 $0x1FFFFFF0, s4;
	s6 =	spop (v2sf)  }
0x3b7: {  	(v2sf) =	vpush v0, $0x9;
	s4 =	sadd.s32 s1, s4;
	s6 =	sand.u32 $0x1FFFFFF0, s6;
	s24 =	spop (v2sf)  }
0x3b8: {  	[tilespmem:s7], [sflag:$0x1] =	stream.linear.gather [hbm4b:s4+s3], $0x80, $0x38;
	[tilespmem:$0x10200] =	vst v63  }
0x3b9: {  	s0 =	sand.u32 $0x1FFFFFF0, s17;
	(v2sf) =	vpush v0, $0xA;
	s6 =	sadd.s32 s1, s6;
	s29 =	spop (v2sf)  }
0x3ba: {  	(v2sf) =	vpush v0, $0xB;
	[tilespmem:s2], [sflag:$0x1] =	stream.linear.gather [hbm4b:s6+s3], $0x80, $0x38;
	[tilespmem:$0x10200] =	vst v63  }
0x3bb: {  	s0 =	sadd.s32 s1, s0;
	s26 =	sand.u32 $0x1FFFFFF0, s24;
	s31 =	spop (v2sf)  }
0x3bc: {  	(v2sf) =	vpush v0, $0xC;
	[tilespmem:s18], [sflag:$0x1] =	stream.linear.gather [hbm4b:s0+s3], $0x80, $0x38;
	[tilespmem:$0x10200] =	vst v63  }
0x3bd: {  	s6 =	sand.u32 $0x1FFFFFF0, s29;
	s2 =	sadd.s32 s1, s26;
	s7 =	sand.u32 $0x1FFFFFF0, s31  }
0x3be: {  	(v2sf) =	vpush v0, $0xD;
	[tilespmem:s25], [sflag:$0x1] =	stream.linear.gather [hbm4b:s2+s3], $0x80, $0x38;
	[tilespmem:$0x10200] =	vst v63  }
0x3bf: {  	s9 =	spop (v2sf);
	s6 =	sadd.s32 s1, s6;
	s2 =	sadd.s32 $0x400, s23  }
0x3c0: {  	(v2sf) =	vpush v0, $0xE;
	[tilespmem:s2], [sflag:$0x1] =	stream.linear.gather [hbm4b:s6+s3], $0x80, $0x38;
	[tilespmem:$0x10200] =	vst v63  }
0x3c1: {  	s14 =	sadd.s32 $0x580, s23;
	s11 =	sand.u32 $0x1FFFFFF0, s9;
	s2 =	sadd.s32 s1, s7  }
0x3c2: {  	[tilespmem:s5], [sflag:$0x1] =	stream.linear.gather [hbm4b:s2+s3], $0x80, $0x38;
	[tilespmem:$0x10200] =	vst v63  }
0x3c3: {  	p1 =	por p1, p1;
	s5 =	sadd.s32 s1, s11;
	s12 =	spop (v2sf)  }
0x3c4: {  	(v2sf) =	vpush v0, $0xF;
	[tilespmem:s8], [sflag:$0x1] =	stream.linear.gather [hbm4b:s5+s3], $0x80, $0x38;
	[tilespmem:$0x10200] =	vst v63  }
0x3c5: {  	s4 =	sadd.s32 $0x600, s23;
	s6 =	sand.u32 $0x1FFFFFF0, s12;
	s15 =	spop (v2sf)  }
0x3c6: {  	s26 =	sadd.s32 $0x800, s23;
	s6 =	sadd.s32 s1, s6;
	s17 =	spop (v2sf)  }
0x3c7: {  	[tilespmem:s14], [sflag:$0x1] =	stream.linear.gather [hbm4b:s6+s3], $0x80, $0x38;
	[tilespmem:$0x10200] =	vst v63  }
0x3c8: {  	s31 =	sadd.s32 $0x780, s23;
	s16 =	sand.u32 $0x1FFFFFF0, s15;
	s18 =	spop (v2sf)  }
0x3c9: {  	s5 =	sand.u32 $0x1FFFFFF0, s17;
	s0 =	sadd.s32 s1, s16;
	s25 =	spop (v2sf)  }
0x3ca: {  	[tilespmem:s4], [sflag:$0x1] =	stream.linear.gather [hbm4b:s0+s3], $0x80, $0x38;
	[tilespmem:$0x10200] =	vst v63  }
0x3cb: {  	s24 =	sand.u32 $0x1FFFFFF0, s18;
	s5 =	sadd.s32 s1, s5;
	s29 =	spop (v2sf)  }
0x3cc: {  	[tilespmem:s13], [sflag:$0x1] =	stream.linear.gather [hbm4b:s5+s3], $0x80, $0x38;
	[tilespmem:$0x10200] =	vst v63  }
0x3cd: {  	s0 =	sadd.s32 s1, s24;
	s4 =	sand.u32 $0x1FFFFFF0, s25;
	s7 =	spop (v2sf)  }
0x3ce: {  	[tilespmem:s10], [sflag:$0x1] =	stream.linear.gather [hbm4b:s0+s3], $0x80, $0x38;
	[tilespmem:$0x10200] =	vst v63  }
0x3cf: {  	s6 =	sand.u32 $0x1FFFFFF0, s29;
	s2 =	sadd.s32 s1, s4;
	s8 =	spop (v2sf)  }
0x3d0: {  	[tilespmem:s31], [sflag:$0x1] =	stream.linear.gather [hbm4b:s2+s3], $0x80, $0x38;
	[tilespmem:$0x10200] =	vst v63  }
0x3d1: {  	s9 =	sand.u32 $0x1FFFFFF0, s7;
	s13 =	sadd.s32 $0x880, s23;
	s10 =	sadd.s32 s1, s6  }
0x3d2: {  	[tilespmem:s26], [sflag:$0x1] =	stream.linear.gather [hbm4b:s10+s3], $0x80, $0x38;
	[tilespmem:$0x10200] =	vst v63  }
0x3d3: {  	s11 =	sand.u32 $0x1FFFFFF0, s8;
	s0 =	sadd.s32 s1, s9;
	s12 =	spop (v2sf)  }
0x3d4: {  	[tilespmem:s13], [sflag:$0x1] =	stream.linear.gather [hbm4b:s0+s3], $0x80, $0x38;
	[tilespmem:$0x10200] =	vst v63  }
0x3d5: {  	s14 =	sadd.s32 $0x900, s23;
	s4 =	sadd.s32 s1, s11;
	s2 =	sand.u32 $0x1FFFFFF0, s12  }
0x3d6: {  	[tilespmem:s14], [sflag:$0x1] =	stream.linear.gather [hbm4b:s4+s3], $0x80, $0x38;
	[tilespmem:$0x10200] =	vst v63  }
0x3d7: {  	s15 =	sadd.s32 $0x980, s23;
	s4 =	simm.s32 @!p1 $0x1;
	s2 =	sadd.s32 s1, s2  }
0x3d8: {  	[tilespmem:s15], [sflag:$0x1] =	stream.linear.gather [hbm4b:s2+s3], $0x80, $0x38;
	[tilespmem:$0x10200] =	vst v63  }
0x3d9: {  	_ =	swait.ge @!p1 [sflag:s4], $0x800  }
0x3da: {  	[sflag:s4] =	ssyncset.done @!p1 $0x0  }
0x3db: {  	[sflag:s4] =	ssyncadd.s32 @!p1 $0xFFFFF800  }
0x3dc: {  	_ =	swait.ge [sflag:s20], $0x800  }
0x3dd: {  	[sflag:s20] =	ssyncset.done $0x0  }
0x3de: {  	[sflag:s20] =	ssyncadd.s32 $0xFFFFF800  }
0x3df: {  	_ =	swait.ge [sflag:s20], $0x800  }
0x3e0: {  	[sflag:s20] =	ssyncset.done $0x0  }
0x3e1: {  	[sflag:s20] =	ssyncadd.s32 $0xFFFFF800  }
0x3e2: {  	_ =	swait.ge [sflag:s20], $0x800  }
0x3e3: {  	[sflag:s20] =	ssyncset.done $0x0  }
0x3e4: {  	[sflag:s20] =	ssyncadd.s32 $0xFFFFF800  }
0x3e5: {  	_ =	swait.ge [sflag:s20], $0x800  }
0x3e6: {  	[sflag:s20] =	ssyncset.done $0x0  }
0x3e7: {  	s16 =	simm.s32 $0x0;
	s17 =	rddreg [dreg:$0xc];
	[sflag:s20] =	ssyncadd.s32 $0xFFFFF800  }
0x3e8: {  	[hbm4b:s17+s16] =	stream.linear.scatter [tilespmem:s21], [sflag:$0x2], $0x10000, $0x38;
	[tilespmem:$0x10200] =	vst v63  }
0x3e9: {  	_ =	swait.ge [sflag:s19], $0x10000  }
0x3ea: {  	[sflag:s19] =	ssyncset.done $0x0  }
0x3eb: {  	s18 =	rddreg [dreg:$0xd];
	[sflag:s19] =	ssyncadd.s32 $0xFFFF0000  }
0x3ec: {  	[tilespmem:s16], [sflag:$0x2] =	stream.linear.gather [hbm4b:s18+s16], $0x200, $0x38;
	[tilespmem:$0x10200] =	vst v63  }
0x3ed: {  	_ =	swait.ge [sflag:s19], $0x200  }
0x3ee: {  	[sflag:s19] =	ssyncset.done $0x0  }
0x3ef: {  	[sflag:s19] =	ssyncadd.s32 $0xFFFFFE00  }
0x3f0: {  	v63 =	vld [tilespmem:s16+$0x0];
	_ =	sdelay $0x4  }
0x3f1: {  	v0 =	vshll.u32 v63, $0x4  }
0x3f2: {  	(v2sf) =	vpush v0, $0x2  }
0x3f3: {  	(v2sf) =	vpush v0, $0x0;
	_ =	sdelay $0x1  }
0x3f4: {  	(v2sf) =	vpush v0, $0x1  }
0x3f5: {  	(v2sf) =	vpush v0, $0x3;
	_ =	sdelay $0x1  }
0x3f6: {  	(v2sf) =	vpush v0, $0x4;
	_ =	sdelay $0x1  }
0x3f7: {  	(v2sf) =	vpush v0, $0x5;
	_ =	sdelay $0x1  }
0x3f8: {  	(v2sf) =	vpush v0, $0x6  }
0x3f9: {  	p6 =	por $0x1, $0x1;
	p3 =	por $0x1, $0x1  }
0x3fa: {  	s28 =	simm.s32 $0x2;
	s24 =	simm.s32 $0x4000;
	s7 =	simm.s32 $0x480;
	(v2sf) =	vpush v0, $0x7  }
0x3fb: {  	s8 =	simm.s32 $0x300;
	s11 =	simm.s32 $0x380;
	s31 =	simm.s32 $0x200  }
0x3fc: {  	s26 =	simm.s32 $0x280;
	s13 =	simm.s32 $0x400;
	p1 =	por p6, p6  }
0x3fd: {  	s15 =	simm.s32 $0x600;
	p2 =	por p1, p1;
	s23 =	spop (v2sf)  }
0x3fe: {  	p1 =	por p3, p3;
	s30 =	simm.s32 @!p2 $0x1;
	s25 =	spop (v2sf)  }
0x3ff: {  	s18 =	simm.s32 $0x500;
	(v2sf) =	vpush v0, $0x8;
	s0 =	sand.u32 $0x1FFFFFF0, s23;
	s2 =	sand.u32 $0x1FFFFFF0, s25  }
0x400: {  	s29 =	spop (v2sf);
	s25 =	simm.s32 $0x980;
	s0 =	sadd.s32 s1, s0  }
0x401: {  	(v2sf) =	vpush v0, $0x9;
	s2 =	sadd.s32 s1, s2;
	s5 =	sand.u32 $0x1FFFFFF0, s29;
	s9 =	spop (v2sf)  }
0x402: {  	[tilespmem:s31], [sflag:$0x1] =	stream.linear.gather [hbm4b:s2+s3], $0x80, $0x38;
	[tilespmem:$0x10200] =	vst v63  }
0x403: {  	(v2sf) =	vpush v0, $0xA;
	s5 =	sadd.s32 s1, s5;
	s10 =	spop (v2sf);
	s31 =	simm.s32 $0x580  }
0x404: {  	[tilespmem:s26], [sflag:$0x1] =	stream.linear.gather [hbm4b:s5+s3], $0x80, $0x38;
	[tilespmem:$0x10200] =	vst v63  }
0x405: {  	(v2sf) =	vpush v0, $0xB;
	s12 =	sand.u32 $0x1FFFFFF0, s10;
	s14 =	spop (v2sf);
	s5 =	sand.u32 $0x1FFFFFF0, s9  }
0x406: {  	[tilespmem:s8], [sflag:$0x1] =	stream.linear.gather [hbm4b:s0+s3], $0x80, $0x38;
	[tilespmem:$0x10200] =	vst v63  }
0x407: {  	(v2sf) =	vpush v0, $0xC;
	s4 =	sadd.s32 s1, s12;
	s17 =	spop (v2sf);
	s5 =	sadd.s32 s1, s5  }
0x408: {  	[tilespmem:s11], [sflag:$0x1] =	stream.linear.gather [hbm4b:s5+s3], $0x80, $0x38;
	[tilespmem:$0x10200] =	vst v63  }
0x409: {  	(v2sf) =	vpush v0, $0xD;
	s16 =	sand.u32 $0x1FFFFFF0, s14;
	s26 =	simm.s32 $0x700;
	s23 =	spop (v2sf)  }
0x40a: {  	[tilespmem:s13], [sflag:$0x1] =	stream.linear.gather [hbm4b:s4+s3], $0x80, $0x38;
	[tilespmem:$0x10200] =	vst v63  }
0x40b: {  	(v2sf) =	vpush v0, $0xE;
	s5 =	sand.u32 $0x1FFFFFF0, s17;
	s11 =	simm.s32 $0x800;
	s4 =	sadd.s32 s1, s16  }
0x40c: {  	[tilespmem:s7], [sflag:$0x1] =	stream.linear.gather [hbm4b:s4+s3], $0x80, $0x38;
	[tilespmem:$0x10200] =	vst v63  }
0x40d: {  	(v2sf) =	vpush v0, $0xF;
	s5 =	sadd.s32 s1, s5;
	s13 =	simm.s32 $0x780;
	s4 =	sand.u32 $0x1FFFFFF0, s23  }
0x40e: {  	s7 =	simm.s32 $0x680;
	s23 =	simm.s32 $0x880;
	s29 =	spop (v2sf)  }
0x40f: {  	[tilespmem:s18], [sflag:$0x1] =	stream.linear.gather [hbm4b:s5+s3], $0x80, $0x38;
	[tilespmem:$0x10200] =	vst v63  }
0x410: {  	s4 =	sadd.s32 s1, s4;
	s5 =	sand.u32 $0x1FFFFFF0, s29;
	s8 =	spop (v2sf)  }
0x411: {  	[tilespmem:s31], [sflag:$0x1] =	stream.linear.gather [hbm4b:s4+s3], $0x80, $0x38;
	[tilespmem:$0x10200] =	vst v63  }
0x412: {  	s5 =	sadd.s32 s1, s5;
	s9 =	sand.u32 $0x1FFFFFF0, s8;
	s10 =	spop (v2sf)  }
0x413: {  	[tilespmem:s15], [sflag:$0x1] =	stream.linear.gather [hbm4b:s5+s3], $0x80, $0x38;
	[tilespmem:$0x10200] =	vst v63  }
0x414: {  	s0 =	sadd.s32 s1, s9;
	s12 =	spop (v2sf);
	s5 =	sand.u32 $0x1FFFFFF0, s10  }
0x415: {  	[tilespmem:s7], [sflag:$0x1] =	stream.linear.gather [hbm4b:s0+s3], $0x80, $0x38;
	[tilespmem:$0x10200] =	vst v63  }
0x416: {  	s4 =	sand.u32 $0x1FFFFFF0, s12;
	s14 =	spop (v2sf);
	s5 =	sadd.s32 s1, s5  }
0x417: {  	[tilespmem:s26], [sflag:$0x1] =	stream.linear.gather [hbm4b:s5+s3], $0x80, $0x38;
	[tilespmem:$0x10200] =	vst v63  }
0x418: {  	s15 =	spop (v2sf);
	s4 =	sadd.s32 s1, s4;
	s5 =	sand.u32 $0x1FFFFFF0, s14  }
0x419: {  	[tilespmem:s13], [sflag:$0x1] =	stream.linear.gather [hbm4b:s4+s3], $0x80, $0x38;
	[tilespmem:$0x10200] =	vst v63  }
0x41a: {  	s16 =	sand.u32 $0x1FFFFFF0, s15;
	s17 =	spop (v2sf);
	s5 =	sadd.s32 s1, s5  }
0x41b: {  	[tilespmem:s11], [sflag:$0x1] =	stream.linear.gather [hbm4b:s5+s3], $0x80, $0x38;
	[tilespmem:$0x10200] =	vst v63  }
0x41c: {  	s18 =	sand.u32 $0x1FFFFFF0, s17;
	s2 =	sadd.s32 s1, s16;
	s29 =	spop (v2sf)  }
0x41d: {  	[tilespmem:s23], [sflag:$0x1] =	stream.linear.gather [hbm4b:s2+s3], $0x80, $0x38;
	[tilespmem:$0x10200] =	vst v63  }
0x41e: {  	s0 =	sadd.s32 s1, s18;
	s31 =	sand.u32 $0x1FFFFFF0, s29;
	s26 =	simm.s32 $0x900  }
0x41f: {  	[tilespmem:s26], [sflag:$0x1] =	stream.linear.gather [hbm4b:s0+s3], $0x80, $0x38;
	[tilespmem:$0x10200] =	vst v63  }
0x420: {  	s23 =	simm.s32 $0x800;
	s26 =	simm.s32 $0x10;
	s0 =	sadd.s32 s1, s31  }
.LBB2_12:
0x421: {  	s8 =	sadd.s32 $0x280, s23  }
0x422: {  	s4 =	sadd.s32 $0x980, s23;
	s29 =	smov.u32 s24;
	s24 =	sadd.s32 $0x2000, s24  }
0x423: {  	[tilespmem:s25], [sflag:$0x1] =	stream.linear.gather [hbm4b:s0+s3], $0x80, $0x38;
	[tilespmem:$0x10200] =	vst v63  }
0x424: {  	s16 =	sadd.s32 $0x480, s23;
	s31 =	sadd.s32 $0x600, s23;
	_ =	swait.ge @!p2 [sflag:s30], $0x800  }
0x425: {  	s11 =	sadd.s32 $0x200, s23;
	s6 =	sadd.s32 $0x400, s23;
	[sflag:s30] =	ssyncset.done @!p2 $0x0  }
0x426: {  	p4 =	slt.u32 s28, $0x4;
	s17 =	sadd.s32 $0x500, s23;
	[sflag:s30] =	ssyncadd.s32 @!p2 $0xFFFFF800  }
0x427: {  	s9 =	sadd.s32 $0x300, s23;
	p3 =	sne.s32 s24, $0x40000;
	s0 =	sadd.s32 $0x700, s23;
	v0 =	vld [tilespmem:s26+$0x0]  }
0x428: {  	s2 =	sadd.s32 $0x680, s23;
	s25 =	smov.u32 s4;
	p2 =	por p1, p1  }
0x429: {  	p1 =	por p4, p4;
	_ =	sdelay $0x1  }
0x42a: {  	s10 =	sadd.s32 $0x380, s23  }
0x42b: {  	v0 =	vshll.u32 v0, $0x4  }
0x42c: {  	(v2sf) =	vpush v0, $0x2  }
0x42d: {  	(v2sf) =	vpush v0, $0x0  }
0x42e: {  	(v2sf) =	vpush v0, $0x1  }
0x42f: {  	(v2sf) =	vpush v0, $0x3;
	_ =	sdelay $0x1  }
0x430: {  	(v2sf) =	vpush v0, $0x4;
	_ =	sdelay $0x1  }
0x431: {  	(v2sf) =	vpush v0, $0x5;
	_ =	sdelay $0x1  }
0x432: {  	(v2sf) =	vpush v0, $0x6;
	_ =	sdelay $0x1  }
0x433: {  	(v2sf) =	vpush v0, $0x7;
	_ =	sdelay $0x1  }
0x434: {  	s4 =	sadd.s32 $0x800, s23;
	(v2sf) =	vpush v0, $0x8  }
0x435: {  	s7 =	sadd.s32 $0x780, s23;
	s26 =	sadd.s32 $0x10, s26  }
0x436: {  	s28 =	sadd.s32 $0x1, s28;
	s30 =	simm.s32 @!p2 $0x1;
	s5 =	spop (v2sf);
	(v2sf) =	vpush v0, $0x9  }
0x437: {  	s12 =	sand.u32 $0x1FFFFFF0, s5;
	s5 =	sadd.s32 $0x900, s23;
	s13 =	spop (v2sf)  }
0x438: {  	s14 =	sadd.s32 $0x580, s23;
	s13 =	sand.u32 $0x1FFFFFF0, s13;
	s15 =	spop (v2sf);
	(v2sf) =	vpush v0, $0xA  }
0x439: {  	s13 =	sadd.s32 s1, s13;
	s15 =	sand.u32 $0x1FFFFFF0, s15;
	s18 =	spop (v2sf)  }
0x43a: {  	[tilespmem:s11], [sflag:$0x1] =	stream.linear.gather [hbm4b:s13+s3], $0x80, $0x38;
	(v2sf) =	vpush v0, $0xB;
	[tilespmem:$0x10200] =	vst v63  }
0x43b: {  	s11 =	sadd.s32 s1, s15;
	s13 =	sand.u32 $0x1FFFFFF0, s18;
	s15 =	spop (v2sf)  }
0x43c: {  	[tilespmem:s8], [sflag:$0x1] =	stream.linear.gather [hbm4b:s11+s3], $0x80, $0x38;
	(v2sf) =	vpush v0, $0xC;
	[tilespmem:$0x10200] =	vst v63  }
0x43d: {  	s8 =	sadd.s32 s1, s12;
	s11 =	sand.u32 $0x1FFFFFF0, s15;
	s12 =	spop (v2sf)  }
0x43e: {  	[tilespmem:s9], [sflag:$0x1] =	stream.linear.gather [hbm4b:s8+s3], $0x80, $0x38;
	(v2sf) =	vpush v0, $0xD;
	[tilespmem:$0x10200] =	vst v63  }
0x43f: {  	s8 =	sadd.s32 s1, s13;
	s9 =	sand.u32 $0x1FFFFFF0, s12;
	s12 =	spop (v2sf)  }
0x440: {  	[tilespmem:s10], [sflag:$0x1] =	stream.linear.gather [hbm4b:s8+s3], $0x80, $0x38;
	(v2sf) =	vpush v0, $0xE;
	[tilespmem:$0x10200] =	vst v63  }
0x441: {  	s8 =	sadd.s32 s1, s11;
	s10 =	sand.u32 $0x1FFFFFF0, s12;
	s11 =	spop (v2sf)  }
0x442: {  	[tilespmem:s6], [sflag:$0x1] =	stream.linear.gather [hbm4b:s8+s3], $0x80, $0x38;
	(v2sf) =	vpush v0, $0xF;
	[tilespmem:$0x10200] =	vst v63  }
0x443: {  	s6 =	sadd.s32 s1, s9;
	s8 =	sand.u32 $0x1FFFFFF0, s11;
	s9 =	spop (v2sf)  }
0x444: {  	[tilespmem:s16], [sflag:$0x1] =	stream.linear.gather [hbm4b:s6+s3], $0x80, $0x38;
	[tilespmem:$0x10200] =	vst v63  }
0x445: {  	s6 =	sadd.s32 s1, s10;
	s9 =	sand.u32 $0x1FFFFFF0, s9;
	s10 =	spop (v2sf)  }
0x446: {  	[tilespmem:s17], [sflag:$0x1] =	stream.linear.gather [hbm4b:s6+s3], $0x80, $0x38;
	[tilespmem:$0x10200] =	vst v63  }
0x447: {  	s6 =	sadd.s32 s1, s8;
	s8 =	sand.u32 $0x1FFFFFF0, s10;
	s10 =	spop (v2sf)  }
0x448: {  	[tilespmem:s14], [sflag:$0x1] =	stream.linear.gather [hbm4b:s6+s3], $0x80, $0x38;
	[tilespmem:$0x10200] =	vst v63  }
0x449: {  	s6 =	sadd.s32 s1, s9;
	s9 =	sand.u32 $0x1FFFFFF0, s10;
	s10 =	spop (v2sf)  }
0x44a: {  	[tilespmem:s31], [sflag:$0x1] =	stream.linear.gather [hbm4b:s6+s3], $0x80, $0x38;
	[tilespmem:$0x10200] =	vst v63  }
0x44b: {  	s6 =	sadd.s32 s1, s8;
	s8 =	sand.u32 $0x1FFFFFF0, s10;
	s10 =	spop (v2sf)  }
0x44c: {  	[tilespmem:s2], [sflag:$0x1] =	stream.linear.gather [hbm4b:s6+s3], $0x80, $0x38;
	[tilespmem:$0x10200] =	vst v63  }
0x44d: {  	s2 =	sadd.s32 s1, s9;
	s6 =	sand.u32 $0x1FFFFFF0, s10;
	s9 =	spop (v2sf)  }
0x44e: {  	[tilespmem:s0], [sflag:$0x1] =	stream.linear.gather [hbm4b:s2+s3], $0x80, $0x38;
	[tilespmem:$0x10200] =	vst v63  }
0x44f: {  	s0 =	sadd.s32 s1, s8;
	s2 =	sand.u32 $0x1FFFFFF0, s9;
	s8 =	spop (v2sf)  }
0x450: {  	[tilespmem:s7], [sflag:$0x1] =	stream.linear.gather [hbm4b:s0+s3], $0x80, $0x38;
	[tilespmem:$0x10200] =	vst v63  }
0x451: {  	s0 =	sadd.s32 s1, s6;
	s6 =	sand.u32 $0x1FFFFFF0, s8;
	s7 =	spop (v2sf)  }
0x452: {  	[tilespmem:s4], [sflag:$0x1] =	stream.linear.gather [hbm4b:s0+s3], $0x80, $0x38;
	[tilespmem:$0x10200] =	vst v63  }
.Ltmp7:
0x453: {  	_ = 	snop;
	(pc) =	sbr.rel @p3 .LBB2_12-.Ltmp7, $4  }
0x454: {  	s2 =	sadd.s32 s1, s2;
	s0 =	sadd.s32 $0x880, s23;
	s4 =	sand.u32 $0x1FFFFFF0, s7  }
0x455: {  	[tilespmem:s0], [sflag:$0x1] =	stream.linear.gather [hbm4b:s2+s3], $0x80, $0x38;
	[tilespmem:$0x10200] =	vst v63  }
0x456: {  	s23 =	sshra.s32 s29, $0x2;
	s2 =	sadd.s32 s1, s6;
	s0 =	sadd.s32 s1, s4  }
0x457: {  	[tilespmem:s5], [sflag:$0x1] =	stream.linear.gather [hbm4b:s2+s3], $0x80, $0x38;
	[tilespmem:$0x10200] =	vst v63  }
0x458: {  	[tilespmem:s25], [sflag:$0x1] =	stream.linear.gather [hbm4b:s0+s3], $0x80, $0x38;
	[tilespmem:$0x10200] =	vst v63  }
0x459: {  	_ =	swait.ge @!p2 [sflag:s30], $0x800  }
0x45a: {  	[sflag:s30] =	ssyncset.done @!p2 $0x0  }
0x45b: {  	[sflag:s30] =	ssyncadd.s32 @!p2 $0xFFFFF800  }
0x45c: {  	v0 =	vld [tilespmem:s26+$0x0];
	_ =	sdelay $0x4  }
0x45d: {  	v0 =	vshll.u32 v0, $0x4  }
0x45e: {  	(v2sf) =	vpush v0, $0x2;
	_ =	sdelay $0x1  }
0x45f: {  	(v2sf) =	vpush v0, $0x0;
	_ =	sdelay $0x1  }
0x460: {  	(v2sf) =	vpush v0, $0x1;
	_ =	sdelay $0x2  }
0x461: {  	(v2sf) =	vpush v0, $0x3;
	_ =	sdelay $0x7  }
0x462: {  	s18 =	spop (v2sf);
	(v2sf) =	vpush v0, $0x4;
	_ =	sdelay $0x1  }
0x463: {  	s2 =	spop (v2sf);
	(v2sf) =	vpush v0, $0x5;
	_ =	sdelay $0x1  }
0x464: {  	s24 =	spop (v2sf);
	(v2sf) =	vpush v0, $0x6;
	_ =	sdelay $0x2  }
0x465: {  	s2 =	sand.u32 $0x1FFFFFF0, s2;
	s28 =	spop (v2sf);
	(v2sf) =	vpush v0, $0x7  }
0x466: {  	s4 =	sadd.s32 $0x200, s23;
	s2 =	sadd.s32 s1, s2  }
0x467: {  	[tilespmem:s4], [sflag:$0x1] =	stream.linear.gather [hbm4b:s2+s3], $0x80, $0x38;
	[tilespmem:$0x10200] =	vst v63  }
0x468: {  	s2 =	sand.u32 $0x1FFFFFF0, s24  }
0x469: {  	s25 =	sadd.s32 $0x280, s23;
	s0 =	sand.u32 $0x1FFFFFF0, s18;
	s2 =	sadd.s32 s1, s2  }
0x46a: {  	[tilespmem:s25], [sflag:$0x1] =	stream.linear.gather [hbm4b:s2+s3], $0x80, $0x38;
	[tilespmem:$0x10200] =	vst v63  }
0x46b: {  	s26 =	sadd.s32 $0x300, s23;
	s0 =	sadd.s32 s1, s0  }
0x46c: {  	[tilespmem:s26], [sflag:$0x1] =	stream.linear.gather [hbm4b:s0+s3], $0x80, $0x38;
	[tilespmem:$0x10200] =	vst v63  }
0x46d: {  	s30 =	spop (v2sf);
	(v2sf) =	vpush v0, $0x8  }
0x46e: {  	s0 =	sand.u32 $0x1FFFFFF0, s28  }
0x46f: {  	s29 =	sadd.s32 $0x380, s23;
	s0 =	sadd.s32 s1, s0;
	s2 =	spop (v2sf);
	(v2sf) =	vpush v0, $0x9  }
0x470: {  	[tilespmem:s29], [sflag:$0x1] =	stream.linear.gather [hbm4b:s0+s3], $0x80, $0x38;
	[tilespmem:$0x10200] =	vst v63  }
0x471: {  	s0 =	sand.u32 $0x1FFFFFF0, s30;
	s5 =	spop (v2sf);
	(v2sf) =	vpush v0, $0xA  }
0x472: {  	s31 =	sadd.s32 $0x400, s23;
	s0 =	sadd.s32 s1, s0  }
0x473: {  	[tilespmem:s31], [sflag:$0x1] =	stream.linear.gather [hbm4b:s0+s3], $0x80, $0x38;
	[tilespmem:$0x10200] =	vst v63  }
0x474: {  	s7 =	spop (v2sf);
	(v2sf) =	vpush v0, $0xB  }
0x475: {  	s0 =	sand.u32 $0x1FFFFFF0, s2  }
0x476: {  	s4 =	sadd.s32 $0x480, s23;
	s0 =	sadd.s32 s1, s0  }
0x477: {  	[tilespmem:s4], [sflag:$0x1] =	stream.linear.gather [hbm4b:s0+s3], $0x80, $0x38;
	[tilespmem:$0x10200] =	vst v63  }
0x478: {  	s0 =	sand.u32 $0x1FFFFFF0, s5  }
0x479: {  	s6 =	sadd.s32 $0x500, s23;
	s0 =	sadd.s32 s1, s0  }
0x47a: {  	[tilespmem:s6], [sflag:$0x1] =	stream.linear.gather [hbm4b:s0+s3], $0x80, $0x38;
	[tilespmem:$0x10200] =	vst v63  }
0x47b: {  	s0 =	sand.u32 $0x1FFFFFF0, s7  }
0x47c: {  	s8 =	sadd.s32 $0x580, s23;
	s0 =	sadd.s32 s1, s0;
	s9 =	spop (v2sf);
	(v2sf) =	vpush v0, $0xC  }
0x47d: {  	[tilespmem:s8], [sflag:$0x1] =	stream.linear.gather [hbm4b:s0+s3], $0x80, $0x38;
	[tilespmem:$0x10200] =	vst v63  }
0x47e: {  	s11 =	spop (v2sf);
	(v2sf) =	vpush v0, $0xD  }
0x47f: {  	s0 =	sand.u32 $0x1FFFFFF0, s9  }
0x480: {  	s10 =	sadd.s32 $0x600, s23;
	s0 =	sadd.s32 s1, s0;
	s13 =	spop (v2sf)  }
0x481: {  	(v2sf) =	vpush v0, $0xE;
	[tilespmem:s10], [sflag:$0x1] =	stream.linear.gather [hbm4b:s0+s3], $0x80, $0x38;
	[tilespmem:$0x10200] =	vst v63  }
0x482: {  	s0 =	sand.u32 $0x1FFFFFF0, s11  }
0x483: {  	s12 =	sadd.s32 $0x680, s23;
	s15 =	spop (v2sf);
	s0 =	sadd.s32 s1, s0  }
0x484: {  	(v2sf) =	vpush v0, $0xF;
	[tilespmem:s12], [sflag:$0x1] =	stream.linear.gather [hbm4b:s0+s3], $0x80, $0x38;
	[tilespmem:$0x10200] =	vst v63  }
0x485: {  	s0 =	sand.u32 $0x1FFFFFF0, s13  }
0x486: {  	s14 =	sadd.s32 $0x700, s23;
	s0 =	sadd.s32 s1, s0  }
0x487: {  	[tilespmem:s14], [sflag:$0x1] =	stream.linear.gather [hbm4b:s0+s3], $0x80, $0x38;
	[tilespmem:$0x10200] =	vst v63  }
0x488: {  	s0 =	sand.u32 $0x1FFFFFF0, s15  }
0x489: {  	s16 =	sadd.s32 $0x780, s23;
	s0 =	sadd.s32 s1, s0  }
0x48a: {  	[tilespmem:s16], [sflag:$0x1] =	stream.linear.gather [hbm4b:s0+s3], $0x80, $0x38;
	[tilespmem:$0x10200] =	vst v63  }
0x48b: {  	s17 =	spop (v2sf)  }
0x48c: {  	s0 =	sand.u32 $0x1FFFFFF0, s17  }
0x48d: {  	s18 =	sadd.s32 $0x800, s23;
	s24 =	spop (v2sf);
	s0 =	sadd.s32 s1, s0  }
0x48e: {  	[tilespmem:s18], [sflag:$0x1] =	stream.linear.gather [hbm4b:s0+s3], $0x80, $0x38;
	[tilespmem:$0x10200] =	vst v63  }
0x48f: {  	s0 =	sand.u32 $0x1FFFFFF0, s24  }
0x490: {  	s25 =	sadd.s32 $0x880, s23;
	s26 =	spop (v2sf);
	s0 =	sadd.s32 s1, s0  }
0x491: {  	[tilespmem:s25], [sflag:$0x1] =	stream.linear.gather [hbm4b:s0+s3], $0x80, $0x38;
	[tilespmem:$0x10200] =	vst v63  }
0x492: {  	s0 =	sand.u32 $0x1FFFFFF0, s26  }
0x493: {  	s28 =	sadd.s32 $0x900, s23;
	s29 =	spop (v2sf);
	s0 =	sadd.s32 s1, s0  }
0x494: {  	[tilespmem:s28], [sflag:$0x1] =	stream.linear.gather [hbm4b:s0+s3], $0x80, $0x38;
	[tilespmem:$0x10200] =	vst v63  }
0x495: {  	s0 =	sand.u32 $0x1FFFFFF0, s29  }
0x496: {  	p1 =	por p1, p1;
	s30 =	sadd.s32 $0x980, s23;
	s0 =	sadd.s32 s1, s0  }
0x497: {  	[tilespmem:s30], [sflag:$0x1] =	stream.linear.gather [hbm4b:s0+s3], $0x80, $0x38;
	[tilespmem:$0x10200] =	vst v63  }
0x498: {  	s0 =	simm.s32 @!p1 $0x1  }
0x499: {  	_ =	swait.ge @!p1 [sflag:s0], $0x800  }
0x49a: {  	[sflag:s0] =	ssyncset.done @!p1 $0x0  }
0x49b: {  	[sflag:s0] =	ssyncadd.s32 @!p1 $0xFFFFF800  }
0x49c: {  	_ =	swait.ge [sflag:s20], $0x800  }
0x49d: {  	[sflag:s20] =	ssyncset.done $0x0  }
0x49e: {  	[sflag:s20] =	ssyncadd.s32 $0xFFFFF800  }
0x49f: {  	_ =	swait.ge [sflag:s20], $0x800  }
0x4a0: {  	[sflag:s20] =	ssyncset.done $0x0  }
0x4a1: {  	[sflag:s20] =	ssyncadd.s32 $0xFFFFF800  }
0x4a2: {  	_ =	swait.ge [sflag:s20], $0x800  }
0x4a3: {  	[sflag:s20] =	ssyncset.done $0x0  }
0x4a4: {  	[sflag:s20] =	ssyncadd.s32 $0xFFFFF800  }
0x4a5: {  	_ =	swait.ge [sflag:s20], $0x800  }
0x4a6: {  	[sflag:s20] =	ssyncset.done $0x0  }
.Ltmp8:
0x4a7: {  	s31 =	rddreg [dreg:$0xe];
	[sflag:s20] =	ssyncadd.s32 $0xFFFFF800;
	(pc) =	sbr.rel @p0 .LBB2_17-.Ltmp8, $4  }
0x4a8: {  	[hbm4b:s31+s3] =	stream.linear.scatter [tilespmem:s21], [sflag:$0x2], $0x10000, $0x38;
	[tilespmem:$0x10200] =	vst v63  }
0x4a9: {  	_ =	swait.ge [sflag:s19], $0x10000  }
0x4aa: {  	[sflag:s19] =	ssyncset.done $0x0  }
0x4ab: {  	[sflag:s19] =	ssyncadd.s32 $0xFFFF0000  }
0x4ac: {  	s0 =	simm.s32 $0x0;
	s2 =	rddreg [dreg:$0xf]  }
0x4ad: {  	[tilespmem:s0], [sflag:$0x2] =	stream.linear.gather [hbm4b:s2+s0], $0x200, $0x38;
	[tilespmem:$0x10200] =	vst v63  }
0x4ae: {  	_ =	swait.ge [sflag:s19], $0x200  }
0x4af: {  	[sflag:s19] =	ssyncset.done $0x0  }
0x4b0: {  	[sflag:s19] =	ssyncadd.s32 $0xFFFFFE00  }
0x4b1: {  	v0 =	vld [tilespmem:s0+$0x0];
	_ =	sdelay $0x4  }
0x4b2: {  	v0 =	vshll.u32 v0, $0x4  }
0x4b3: {  	(v2sf) =	vpush v0, $0x2  }
0x4b4: {  	(v2sf) =	vpush v0, $0x0  }
0x4b5: {  	(v2sf) =	vpush v0, $0x1;
	_ =	sdelay $0x2  }
0x4b6: {  	(v2sf) =	vpush v0, $0x3;
	_ =	sdelay $0x1  }
0x4b7: {  	(v2sf) =	vpush v0, $0x4;
	_ =	sdelay $0x1  }
0x4b8: {  	(v2sf) =	vpush v0, $0x5;
	_ =	sdelay $0x1  }
0x4b9: {  	p1 =	por $0x1, $0x1;
	s24 =	simm.s32 $0x4000;
	(v2sf) =	vpush v0, $0x6  }
0x4ba: {  	s4 =	simm.s32 $0x280;
	s25 =	simm.s32 $0x980;
	s7 =	simm.s32 $0x480  }
0x4bb: {  	s8 =	simm.s32 $0x300;
	s11 =	simm.s32 $0x380;
	s13 =	simm.s32 $0x400  }
0x4bc: {  	s15 =	simm.s32 $0x600;
	p3 =	por $0x1, $0x1;
	s18 =	simm.s32 $0x500  }
0x4bd: {  	s26 =	simm.s32 $0x700;
	p1 =	por p1, p1;
	s31 =	spop (v2sf);
	(v2sf) =	vpush v0, $0x7  }
0x4be: {  	s28 =	simm.s32 $0x2;
	p2 =	por p1, p1;
	s6 =	spop (v2sf)  }
0x4bf: {  	p1 =	por p3, p3;
	(v2sf) =	vpush v0, $0x8;
	s2 =	sand.u32 $0x1FFFFFF0, s6;
	s5 =	spop (v2sf)  }
0x4c0: {  	s6 =	simm.s32 $0x200;
	(v2sf) =	vpush v0, $0x9;
	s2 =	sadd.s32 s1, s2;
	s5 =	sand.u32 $0x1FFFFFF0, s5  }
0x4c1: {  	[tilespmem:s6], [sflag:$0x1] =	stream.linear.gather [hbm4b:s2+s3], $0x80, $0x38;
	[tilespmem:$0x10200] =	vst v63  }
0x4c2: {  	s0 =	sand.u32 $0x1FFFFFF0, s31;
	s9 =	spop (v2sf);
	(v2sf) =	vpush v0, $0xA;
	s5 =	sadd.s32 s1, s5  }
0x4c3: {  	[tilespmem:s4], [sflag:$0x1] =	stream.linear.gather [hbm4b:s5+s3], $0x80, $0x38;
	[tilespmem:$0x10200] =	vst v63  }
0x4c4: {  	s0 =	sadd.s32 s1, s0;
	s10 =	spop (v2sf);
	(v2sf) =	vpush v0, $0xB;
	s5 =	sand.u32 $0x1FFFFFF0, s9  }
0x4c5: {  	[tilespmem:s8], [sflag:$0x1] =	stream.linear.gather [hbm4b:s0+s3], $0x80, $0x38;
	[tilespmem:$0x10200] =	vst v63  }
0x4c6: {  	s12 =	sand.u32 $0x1FFFFFF0, s10;
	s14 =	spop (v2sf);
	(v2sf) =	vpush v0, $0xC;
	s5 =	sadd.s32 s1, s5  }
0x4c7: {  	[tilespmem:s11], [sflag:$0x1] =	stream.linear.gather [hbm4b:s5+s3], $0x80, $0x38;
	[tilespmem:$0x10200] =	vst v63  }
0x4c8: {  	s4 =	sadd.s32 s1, s12;
	s16 =	sand.u32 $0x1FFFFFF0, s14;
	s17 =	spop (v2sf);
	(v2sf) =	vpush v0, $0xD  }
0x4c9: {  	[tilespmem:s13], [sflag:$0x1] =	stream.linear.gather [hbm4b:s4+s3], $0x80, $0x38;
	[tilespmem:$0x10200] =	vst v63  }
0x4ca: {  	s31 =	simm.s32 $0x580;
	s5 =	sand.u32 $0x1FFFFFF0, s17;
	s4 =	sadd.s32 s1, s16  }
0x4cb: {  	[tilespmem:s7], [sflag:$0x1] =	stream.linear.gather [hbm4b:s4+s3], $0x80, $0x38;
	[tilespmem:$0x10200] =	vst v63  }
0x4cc: {  	(v2sf) =	vpush v0, $0xE;
	s5 =	sadd.s32 s1, s5;
	s13 =	simm.s32 $0x780;
	s23 =	spop (v2sf)  }
0x4cd: {  	[tilespmem:s18], [sflag:$0x1] =	stream.linear.gather [hbm4b:s5+s3], $0x80, $0x38;
	[tilespmem:$0x10200] =	vst v63  }
0x4ce: {  	s7 =	simm.s32 $0x680;
	(v2sf) =	vpush v0, $0xF;
	s4 =	sand.u32 $0x1FFFFFF0, s23;
	s29 =	spop (v2sf)  }
0x4cf: {  	s5 =	sand.u32 $0x1FFFFFF0, s29;
	s4 =	sadd.s32 s1, s4;
	s8 =	spop (v2sf)  }
0x4d0: {  	[tilespmem:s31], [sflag:$0x1] =	stream.linear.gather [hbm4b:s4+s3], $0x80, $0x38;
	[tilespmem:$0x10200] =	vst v63  }
0x4d1: {  	s5 =	sadd.s32 s1, s5;
	s9 =	sand.u32 $0x1FFFFFF0, s8;
	s10 =	spop (v2sf)  }
0x4d2: {  	[tilespmem:s15], [sflag:$0x1] =	stream.linear.gather [hbm4b:s5+s3], $0x80, $0x38;
	[tilespmem:$0x10200] =	vst v63  }
0x4d3: {  	s0 =	sadd.s32 s1, s9;
	s12 =	spop (v2sf);
	s5 =	sand.u32 $0x1FFFFFF0, s10  }
0x4d4: {  	[tilespmem:s7], [sflag:$0x1] =	stream.linear.gather [hbm4b:s0+s3], $0x80, $0x38;
	[tilespmem:$0x10200] =	vst v63  }
0x4d5: {  	s4 =	sand.u32 $0x1FFFFFF0, s12;
	s14 =	spop (v2sf);
	s5 =	sadd.s32 s1, s5  }
0x4d6: {  	[tilespmem:s26], [sflag:$0x1] =	stream.linear.gather [hbm4b:s5+s3], $0x80, $0x38;
	[tilespmem:$0x10200] =	vst v63  }
0x4d7: {  	s15 =	spop (v2sf);
	s4 =	sadd.s32 s1, s4;
	s5 =	sand.u32 $0x1FFFFFF0, s14  }
0x4d8: {  	[tilespmem:s13], [sflag:$0x1] =	stream.linear.gather [hbm4b:s4+s3], $0x80, $0x38;
	[tilespmem:$0x10200] =	vst v63  }
0x4d9: {  	s11 =	simm.s32 $0x800;
	s16 =	sand.u32 $0x1FFFFFF0, s15;
	s5 =	sadd.s32 s1, s5  }
0x4da: {  	[tilespmem:s11], [sflag:$0x1] =	stream.linear.gather [hbm4b:s5+s3], $0x80, $0x38;
	[tilespmem:$0x10200] =	vst v63  }
0x4db: {  	s23 =	simm.s32 $0x880;
	s17 =	spop (v2sf);
	s2 =	sadd.s32 s1, s16  }
0x4dc: {  	[tilespmem:s23], [sflag:$0x1] =	stream.linear.gather [hbm4b:s2+s3], $0x80, $0x38;
	[tilespmem:$0x10200] =	vst v63  }
0x4dd: {  	s30 =	simm.s32 @!p2 $0x1;
	s18 =	sand.u32 $0x1FFFFFF0, s17;
	s29 =	spop (v2sf)  }
0x4de: {  	s26 =	simm.s32 $0x900;
	s0 =	sadd.s32 s1, s18;
	s31 =	sand.u32 $0x1FFFFFF0, s29  }
0x4df: {  	[tilespmem:s26], [sflag:$0x1] =	stream.linear.gather [hbm4b:s0+s3], $0x80, $0x38;
	[tilespmem:$0x10200] =	vst v63  }
0x4e0: {  	s23 =	simm.s32 $0x800;
	s26 =	simm.s32 $0x10;
	s0 =	sadd.s32 s1, s31  }
.LBB2_15:
0x4e1: {  	s8 =	sadd.s32 $0x280, s23  }
0x4e2: {  	s4 =	sadd.s32 $0x980, s23;
	s29 =	smov.u32 s24;
	s24 =	sadd.s32 $0x2000, s24  }
0x4e3: {  	[tilespmem:s25], [sflag:$0x1] =	stream.linear.gather [hbm4b:s0+s3], $0x80, $0x38;
	[tilespmem:$0x10200] =	vst v63  }
0x4e4: {  	s16 =	sadd.s32 $0x480, s23;
	s31 =	sadd.s32 $0x600, s23;
	_ =	swait.ge @!p2 [sflag:s30], $0x800  }
0x4e5: {  	s11 =	sadd.s32 $0x200, s23;
	s6 =	sadd.s32 $0x400, s23;
	[sflag:s30] =	ssyncset.done @!p2 $0x0  }
0x4e6: {  	p4 =	slt.u32 s28, $0x4;
	s17 =	sadd.s32 $0x500, s23;
	[sflag:s30] =	ssyncadd.s32 @!p2 $0xFFFFF800  }
0x4e7: {  	s9 =	sadd.s32 $0x300, s23;
	p3 =	sne.s32 s24, $0x40000;
	s0 =	sadd.s32 $0x700, s23;
	v0 =	vld [tilespmem:s26+$0x0]  }
0x4e8: {  	s2 =	sadd.s32 $0x680, s23;
	s25 =	smov.u32 s4;
	p2 =	por p1, p1  }
0x4e9: {  	p1 =	por p4, p4;
	_ =	sdelay $0x1  }
0x4ea: {  	s10 =	sadd.s32 $0x380, s23  }
0x4eb: {  	v0 =	vshll.u32 v0, $0x4  }
0x4ec: {  	(v2sf) =	vpush v0, $0x2  }
0x4ed: {  	(v2sf) =	vpush v0, $0x0  }
0x4ee: {  	(v2sf) =	vpush v0, $0x1  }
0x4ef: {  	(v2sf) =	vpush v0, $0x3;
	_ =	sdelay $0x1  }
0x4f0: {  	(v2sf) =	vpush v0, $0x4;
	_ =	sdelay $0x1  }
0x4f1: {  	(v2sf) =	vpush v0, $0x5;
	_ =	sdelay $0x1  }
0x4f2: {  	(v2sf) =	vpush v0, $0x6;
	_ =	sdelay $0x1  }
0x4f3: {  	(v2sf) =	vpush v0, $0x7;
	_ =	sdelay $0x1  }
0x4f4: {  	s4 =	sadd.s32 $0x800, s23;
	(v2sf) =	vpush v0, $0x8  }
0x4f5: {  	s7 =	sadd.s32 $0x780, s23;
	s26 =	sadd.s32 $0x10, s26  }
0x4f6: {  	s28 =	sadd.s32 $0x1, s28;
	s30 =	simm.s32 @!p2 $0x1;
	s5 =	spop (v2sf);
	(v2sf) =	vpush v0, $0x9  }
0x4f7: {  	s12 =	sand.u32 $0x1FFFFFF0, s5;
	s5 =	sadd.s32 $0x900, s23;
	s13 =	spop (v2sf)  }
0x4f8: {  	s14 =	sadd.s32 $0x580, s23;
	s13 =	sand.u32 $0x1FFFFFF0, s13;
	s15 =	spop (v2sf);
	(v2sf) =	vpush v0, $0xA  }
0x4f9: {  	s13 =	sadd.s32 s1, s13;
	s15 =	sand.u32 $0x1FFFFFF0, s15;
	s18 =	spop (v2sf)  }
0x4fa: {  	[tilespmem:s11], [sflag:$0x1] =	stream.linear.gather [hbm4b:s13+s3], $0x80, $0x38;
	(v2sf) =	vpush v0, $0xB;
	[tilespmem:$0x10200] =	vst v63  }
0x4fb: {  	s11 =	sadd.s32 s1, s15;
	s13 =	sand.u32 $0x1FFFFFF0, s18;
	s15 =	spop (v2sf)  }
0x4fc: {  	[tilespmem:s8], [sflag:$0x1] =	stream.linear.gather [hbm4b:s11+s3], $0x80, $0x38;
	(v2sf) =	vpush v0, $0xC;
	[tilespmem:$0x10200] =	vst v63  }
0x4fd: {  	s8 =	sadd.s32 s1, s12;
	s11 =	sand.u32 $0x1FFFFFF0, s15;
	s12 =	spop (v2sf)  }
0x4fe: {  	[tilespmem:s9], [sflag:$0x1] =	stream.linear.gather [hbm4b:s8+s3], $0x80, $0x38;
	(v2sf) =	vpush v0, $0xD;
	[tilespmem:$0x10200] =	vst v63  }
0x4ff: {  	s8 =	sadd.s32 s1, s13;
	s9 =	sand.u32 $0x1FFFFFF0, s12;
	s12 =	spop (v2sf)  }
0x500: {  	[tilespmem:s10], [sflag:$0x1] =	stream.linear.gather [hbm4b:s8+s3], $0x80, $0x38;
	(v2sf) =	vpush v0, $0xE;
	[tilespmem:$0x10200] =	vst v63  }
0x501: {  	s8 =	sadd.s32 s1, s11;
	s10 =	sand.u32 $0x1FFFFFF0, s12;
	s11 =	spop (v2sf)  }
0x502: {  	[tilespmem:s6], [sflag:$0x1] =	stream.linear.gather [hbm4b:s8+s3], $0x80, $0x38;
	(v2sf) =	vpush v0, $0xF;
	[tilespmem:$0x10200] =	vst v63  }
0x503: {  	s6 =	sadd.s32 s1, s9;
	s8 =	sand.u32 $0x1FFFFFF0, s11;
	s9 =	spop (v2sf)  }
0x504: {  	[tilespmem:s16], [sflag:$0x1] =	stream.linear.gather [hbm4b:s6+s3], $0x80, $0x38;
	[tilespmem:$0x10200] =	vst v63  }
0x505: {  	s6 =	sadd.s32 s1, s10;
	s9 =	sand.u32 $0x1FFFFFF0, s9;
	s10 =	spop (v2sf)  }
0x506: {  	[tilespmem:s17], [sflag:$0x1] =	stream.linear.gather [hbm4b:s6+s3], $0x80, $0x38;
	[tilespmem:$0x10200] =	vst v63  }
0x507: {  	s6 =	sadd.s32 s1, s8;
	s8 =	sand.u32 $0x1FFFFFF0, s10;
	s10 =	spop (v2sf)  }
0x508: {  	[tilespmem:s14], [sflag:$0x1] =	stream.linear.gather [hbm4b:s6+s3], $0x80, $0x38;
	[tilespmem:$0x10200] =	vst v63  }
0x509: {  	s6 =	sadd.s32 s1, s9;
	s9 =	sand.u32 $0x1FFFFFF0, s10;
	s10 =	spop (v2sf)  }
0x50a: {  	[tilespmem:s31], [sflag:$0x1] =	stream.linear.gather [hbm4b:s6+s3], $0x80, $0x38;
	[tilespmem:$0x10200] =	vst v63  }
0x50b: {  	s6 =	sadd.s32 s1, s8;
	s8 =	sand.u32 $0x1FFFFFF0, s10;
	s10 =	spop (v2sf)  }
0x50c: {  	[tilespmem:s2], [sflag:$0x1] =	stream.linear.gather [hbm4b:s6+s3], $0x80, $0x38;
	[tilespmem:$0x10200] =	vst v63  }
0x50d: {  	s2 =	sadd.s32 s1, s9;
	s6 =	sand.u32 $0x1FFFFFF0, s10;
	s9 =	spop (v2sf)  }
0x50e: {  	[tilespmem:s0], [sflag:$0x1] =	stream.linear.gather [hbm4b:s2+s3], $0x80, $0x38;
	[tilespmem:$0x10200] =	vst v63  }
0x50f: {  	s0 =	sadd.s32 s1, s8;
	s2 =	sand.u32 $0x1FFFFFF0, s9;
	s8 =	spop (v2sf)  }
0x510: {  	[tilespmem:s7], [sflag:$0x1] =	stream.linear.gather [hbm4b:s0+s3], $0x80, $0x38;
	[tilespmem:$0x10200] =	vst v63  }
0x511: {  	s0 =	sadd.s32 s1, s6;
	s6 =	sand.u32 $0x1FFFFFF0, s8;
	s7 =	spop (v2sf)  }
0x512: {  	[tilespmem:s4], [sflag:$0x1] =	stream.linear.gather [hbm4b:s0+s3], $0x80, $0x38;
	[tilespmem:$0x10200] =	vst v63  }
.Ltmp9:
0x513: {  	_ = 	snop;
	(pc) =	sbr.rel @p3 .LBB2_15-.Ltmp9, $4  }
0x514: {  	s2 =	sadd.s32 s1, s2;
	s0 =	sadd.s32 $0x880, s23;
	s4 =	sand.u32 $0x1FFFFFF0, s7  }
0x515: {  	[tilespmem:s0], [sflag:$0x1] =	stream.linear.gather [hbm4b:s2+s3], $0x80, $0x38;
	[tilespmem:$0x10200] =	vst v63  }
0x516: {  	s23 =	sshra.s32 s29, $0x2;
	s2 =	sadd.s32 s1, s6;
	s0 =	sadd.s32 s1, s4  }
0x517: {  	[tilespmem:s5], [sflag:$0x1] =	stream.linear.gather [hbm4b:s2+s3], $0x80, $0x38;
	[tilespmem:$0x10200] =	vst v63  }
.Ltmp10:
0x518: {  	_ = 	snop;
	(pc) =	sbr.rel .LBB2_16-.Ltmp10, $1  }
0x519: {  	_ =	sdelay $0x3  }
.LBB2_18:
0x51a: {  	_ =	sfence.sel $0x180000  }
0x51b: {  	[bflag:$0x0] =	sbarrier.arrive $0xFFFF  }
0x51c: {  	_ =	strace $0x90000047  }
0x51d: {  	s0 =	stileid.u32;
	[bflag:$0x2] =	sbarrier.arrive $0xFFFF  }
0x51e: {  	p0 =	sne.s32 s0, $0x0;
	s0 =	rddreg [dreg:$0x2]  }
0x51f: {  	s0 =	sadd.s32 @!p0 $0x100000, s0  }
0x520: {  	[sflag:s0] =	ssyncadd.tile.s32 @!p0 $0x1;
	_ =	shalt  }
.Lfunc_end2:
_tile_overlayer_lowered:
.L_overlay_start_2:
0x521: {  	(tag) =	ssettag $0x2  }
0x522: {  	s0 =	rddreg [dreg:$0x0];
	s2 =	stileid.u32  }
0x523: {  	s1 =	rddreg [dreg:$0x1];
	p0 =	sne.s32 s2, $0x0  }
0x524: {  	s3 =	rddreg [dreg:$0x2];
	[bflag:$0x3] =	sbarrier.arrive $0xFFFF;
	s2 =	simm.s32 @!p0 $0x1C02  }
0x525: {  	[timem:s3], [sflag:s2] =	dma.local @!p0 [hbm:s0], s1  }
0x526: {  	s0 =	simm.s32 @!p0 $0x2  }
0x527: {  	_ =	swait.ge @!p0 [sflag:s0], s1  }
0x528: {  	s1 =	ssub.s32 @!p0 $0x0, s1;
	[sflag:s0] =	ssyncset.done @!p0 $0x0  }
0x529: {  	[sflag:s0] =	ssyncadd.s32 @!p0 s1  }
0x52a: {  	[bflag:$0x3] =	sbarrier.arrive $0xFFFF  }
0x52b: {  	_ =	shalt  }

</sc_bundles>
